<compile_context>
chip_gen: v7x
topology: tpu7x:2x2x1
jax: 0.10.2.dev20260603
libtpu: 0.0.44.dev20260713+nightly
codegen_flags: <defaults>
</compile_context>

<pallas_src>
import functools

import jax
import jax.numpy as jnp
from jax import lax
from jax.experimental import pallas as pl
from jax.experimental.pallas import tpu as pltpu
from jax.experimental.pallas import tpu_sc as plsc

N = 10000
D = 128
K = 16
NPAD = 10240
KNN_R = 200
ATT_R = 400
ROW_R = 2000
NWORK = 32
GCHUNK = 200



def _knn_body(cpad_ref, ct_ref, idx_ref, sq_ref):
    i = pl.program_id(0)

    @pl.when(i == 0)
    def _():
        ct = ct_ref[...]
        sq_ref[...] = jnp.sum(ct * ct, axis=0, keepdims=True)

    crow = cpad_ref[...]
    dot = lax.dot_general(crow * jnp.float32(-2.0), ct_ref[...],
                          dimension_numbers=(((1,), (0,)), ((), ())),
                          preferred_element_type=jnp.float32)
    d2 = sq_ref[...] + dot
    inf = jnp.float32(jnp.inf)

    C = 256
    T = 4
    G = NPAD // C
    cls = lax.broadcasted_iota(jnp.int32, (KNN_R, C), 1)
    mv = [jnp.full((KNN_R, C), inf, jnp.float32) for _ in range(T)]
    mi = [jnp.zeros((KNN_R, C), jnp.int32) for _ in range(T)]
    for g in range(G):
        x = lax.slice(d2, (0, g * C), (KNN_R, (g + 1) * C))
        xi = cls + jnp.int32(g * C)
        if (g + 1) * C > N:
            x = jnp.where(xi >= N, inf, x)
        for t in range(T):
            c = x < mv[t]
            nm = jnp.where(c, x, mv[t])
            ni = jnp.where(c, xi, mi[t])
            x = jnp.where(c, mv[t], x)
            xi = jnp.where(c, mi[t], xi)
            mv[t] = nm
            mi[t] = ni
    cand = jnp.concatenate(mv, axis=1)
    cidx = jnp.concatenate(mi, axis=1)

    picks = []
    big = jnp.int32(2**30)
    for _ in range(K):
        m = jnp.min(cand, axis=1, keepdims=True)
        sel = jnp.where(cand == m, cidx, big)
        amin = jnp.min(sel, axis=1, keepdims=True)
        picks.append(amin)
        cand = jnp.where(sel == amin, inf, cand)
    idx_ref[...] = jnp.concatenate(picks, axis=1)


def _knn(coords):
    cpad = jnp.zeros((NPAD, 128), jnp.float32).at[:N, :3].set(coords)
    ct = cpad.T
    grid = N // KNN_R
    return pl.pallas_call(
        _knn_body,
        grid=(grid,),
        in_specs=[
            pl.BlockSpec((KNN_R, 128), lambda i: (i, 0)),
            pl.BlockSpec((128, NPAD), lambda i: (0, 0)),
        ],
        out_specs=pl.BlockSpec((KNN_R, K), lambda i: (i, 0)),
        out_shape=jax.ShapeDtypeStruct((N, K), jnp.int32),
        scratch_shapes=[pltpu.VMEM((1, NPAD), jnp.float32)],
    )(cpad, ct)



def _qkv_body(x_ref, qw_ref, qb_ref, kw_ref, kb_ref, vw_ref, vb_ref,
              q_ref, kv_ref):
    x = x_ref[...]
    dn = (((1,), (1,)), ((), ()))
    q = lax.dot_general(x, qw_ref[...], dn,
                        preferred_element_type=jnp.float32) + qb_ref[...]
    k = lax.dot_general(x, kw_ref[...], dn,
                        preferred_element_type=jnp.float32) + kb_ref[...]
    v = lax.dot_general(x, vw_ref[...], dn,
                        preferred_element_type=jnp.float32) + vb_ref[...]
    q_ref[...] = q
    kv_ref[...] = jnp.concatenate([k, v], axis=1)


def _qkv(x, qw, qb, kw, kb, vw, vb):
    grid = N // ROW_R
    row = pl.BlockSpec((ROW_R, 128), lambda i: (i, 0))
    wsp = pl.BlockSpec((128, 128), lambda i: (0, 0))
    bsp = pl.BlockSpec((1, 128), lambda i: (0, 0))
    return pl.pallas_call(
        _qkv_body,
        grid=(grid,),
        in_specs=[row, wsp, bsp, wsp, bsp, wsp, bsp],
        out_specs=[row, pl.BlockSpec((ROW_R, 256), lambda i: (i, 0))],
        out_shape=[jax.ShapeDtypeStruct((N, 128), jnp.float32),
                   jax.ShapeDtypeStruct((N, 256), jnp.float32)],
    )(x, qw, qb.reshape(1, 128), kw, kb.reshape(1, 128),
      vw, vb.reshape(1, 128))



def _gather_body(idx_hbm, table_hbm, out_hbm, idx_v, rows0, rows1, sem0, sem1):
    wid = lax.axis_index("s") * 2 + lax.axis_index("c")
    per_w = (N * K) // NWORK
    nchunk = per_w // GCHUNK
    base = wid * per_w
    pltpu.sync_copy(idx_hbm.at[pl.ds(base, per_w)], idx_v)

    def start(c, buf, sem):
        pltpu.async_copy(table_hbm.at[idx_v.at[pl.ds(c * GCHUNK, GCHUNK)]],
                         buf, sem)

    def fin(c, buf, sem):
        pltpu.make_async_copy(table_hbm.at[pl.ds(0, GCHUNK)], buf, sem).wait()
        pltpu.sync_copy(buf, out_hbm.at[pl.ds(base + c * GCHUNK, GCHUNK)])

    start(0, rows0, sem0)
    fin(0, rows0, sem0)
    start(1, rows0, sem0)
    start(2, rows1, sem1)

    def pair(i, carry):
        c0 = 2 * i + 1
        fin(c0, rows0, sem0)

        @pl.when(c0 + 2 < nchunk)
        def _():
            start(c0 + 2, rows0, sem0)

        fin(c0 + 1, rows1, sem1)

        @pl.when(c0 + 3 < nchunk)
        def _():
            start(c0 + 3, rows1, sem1)

        return carry

    lax.fori_loop(0, (nchunk - 1) // 2, pair, 0)


def _sc_gather(idx_flat, table):
    per_w = (N * K) // NWORK
    mesh = plsc.VectorSubcoreMesh(core_axis_name="c", subcore_axis_name="s")
    fn = pl.kernel(
        _gather_body,
        mesh=mesh,
        out_type=jax.ShapeDtypeStruct((N * K, 256), jnp.float32),
        scratch_types=[
            pltpu.VMEM((per_w,), jnp.int32),
            pltpu.VMEM((GCHUNK, 256), jnp.float32),
            pltpu.VMEM((GCHUNK, 256), jnp.float32),
            pltpu.SemaphoreType.DMA,
            pltpu.SemaphoreType.DMA,
        ],
    )
    return fn(idx_flat, table)



def _attn_body(nbr_ref, q_ref, x_ref, cw_ref, cb_ref, h_ref, st_ref):
    i = pl.program_id(0)
    nbr = nbr_ref[...]
    nk = nbr[:, :, :128]
    nv = nbr[:, :, 128:]
    q = q_ref[...]
    logits = jnp.sum(nk * q[:, None, :], axis=2)
    logits = logits * jnp.float32(1.0 / jnp.sqrt(128.0))
    m = jnp.max(logits, axis=1, keepdims=True)
    e = jnp.exp(logits - m)
    attn = e / jnp.sum(e, axis=1, keepdims=True)
    att = jnp.sum(attn[:, :, None] * nv, axis=1)
    h = lax.dot_general(x_ref[...] - att, cw_ref[...],
                        (((1,), (1,)), ((), ())),
                        preferred_element_type=jnp.float32) + cb_ref[...]
    h_ref[...] = h
    s1 = jnp.sum(h, axis=0, keepdims=True)
    s2 = jnp.sum(h * h, axis=0, keepdims=True)
    pad = jnp.zeros((6, 128), jnp.float32)
    upd = jnp.concatenate([s1, s2, pad], axis=0)

    @pl.when(i == 0)
    def _():
        st_ref[...] = jnp.zeros_like(st_ref)

    st_ref[...] += upd


def _attn(nbr, q, x, cw, cb):
    grid = N // ATT_R
    row = pl.BlockSpec((ATT_R, 128), lambda i: (i, 0))
    return pl.pallas_call(
        _attn_body,
        grid=(grid,),
        in_specs=[
            pl.BlockSpec((ATT_R, K, 256), lambda i: (i, 0, 0)),
            row, row,
            pl.BlockSpec((128, 128), lambda i: (0, 0)),
            pl.BlockSpec((1, 128), lambda i: (0, 0)),
        ],
        out_specs=[row, pl.BlockSpec((8, 128), lambda i: (0, 0))],
        out_shape=[jax.ShapeDtypeStruct((N, 128), jnp.float32),
                   jax.ShapeDtypeStruct((8, 128), jnp.float32)],
    )(nbr, q, x, cw, cb.reshape(1, 128))



def _bn_core(h, x, st_ref, g_ref, b_ref):
    inv_n = jnp.float32(1.0 / N)
    mu = st_ref[0:1, :] * inv_n
    var = st_ref[1:2, :] * inv_n - mu * mu
    hn = (h - mu) * lax.rsqrt(var + 1e-5) * g_ref[...] + b_ref[...]
    return x + jnp.maximum(hn, 0.0)


def _bn_qkv_body(h_ref, x_ref, st_ref, g_ref, b_ref,
                 qw_ref, qb_ref, kw_ref, kb_ref, vw_ref, vb_ref,
                 out_ref, q_ref, kv_ref):
    out = _bn_core(h_ref[...], x_ref[...], st_ref, g_ref, b_ref)
    out_ref[...] = out
    dn = (((1,), (1,)), ((), ()))
    q = lax.dot_general(out, qw_ref[...], dn,
                        preferred_element_type=jnp.float32) + qb_ref[...]
    k = lax.dot_general(out, kw_ref[...], dn,
                        preferred_element_type=jnp.float32) + kb_ref[...]
    v = lax.dot_general(out, vw_ref[...], dn,
                        preferred_element_type=jnp.float32) + vb_ref[...]
    q_ref[...] = q
    kv_ref[...] = jnp.concatenate([k, v], axis=1)


def _bn_qkv(h, x, st, g, b, qw, qb, kw, kb, vw, vb):
    grid = N // ROW_R
    row = pl.BlockSpec((ROW_R, 128), lambda i: (i, 0))
    wsp = pl.BlockSpec((128, 128), lambda i: (0, 0))
    bsp = pl.BlockSpec((1, 128), lambda i: (0, 0))
    ssp = pl.BlockSpec((8, 128), lambda i: (0, 0))
    return pl.pallas_call(
        _bn_qkv_body,
        grid=(grid,),
        in_specs=[row, row, ssp, bsp, bsp, wsp, bsp, wsp, bsp, wsp, bsp],
        out_specs=[row, row, pl.BlockSpec((ROW_R, 256), lambda i: (i, 0))],
        out_shape=[jax.ShapeDtypeStruct((N, 128), jnp.float32),
                   jax.ShapeDtypeStruct((N, 128), jnp.float32),
                   jax.ShapeDtypeStruct((N, 256), jnp.float32)],
    )(h, x, st, g.reshape(1, 128), b.reshape(1, 128),
      qw, qb.reshape(1, 128), kw, kb.reshape(1, 128), vw, vb.reshape(1, 128))


def _bn_final_body(h_ref, x_ref, st_ref, g_ref, b_ref, out_ref):
    out_ref[...] = _bn_core(h_ref[...], x_ref[...], st_ref, g_ref, b_ref)


def _bn_final(h, x, st, g, b):
    grid = N // ROW_R
    row = pl.BlockSpec((ROW_R, 128), lambda i: (i, 0))
    bsp = pl.BlockSpec((1, 128), lambda i: (0, 0))
    ssp = pl.BlockSpec((8, 128), lambda i: (0, 0))
    return pl.pallas_call(
        _bn_final_body,
        grid=(grid,),
        in_specs=[row, row, ssp, bsp, bsp],
        out_specs=row,
        out_shape=jax.ShapeDtypeStruct((N, 128), jnp.float32),
    )(h, x, st, g.reshape(1, 128), b.reshape(1, 128))



def kernel(coords, feats,
           q_w1, q_b1, k_w1, k_b1, v_w1, v_b1, conv_w1, conv_b1, bn_g1, bn_b1,
           q_w2, q_b2, k_w2, k_b2, v_w2, v_b2, conv_w2, conv_b2, bn_g2, bn_b2):
    idx = _knn(coords)
    idx_flat = idx.reshape(N * K)

    q1, kv1 = _qkv(feats, q_w1, q_b1, k_w1, k_b1, v_w1, v_b1)
    nbr1 = _sc_gather(idx_flat, kv1).reshape(N, K, 256)
    h1, st1 = _attn(nbr1, q1, feats, conv_w1, conv_b1)
    out1, q2, kv2 = _bn_qkv(h1, feats, st1, bn_g1, bn_b1,
                            q_w2, q_b2, k_w2, k_b2, v_w2, v_b2)

    nbr2 = _sc_gather(idx_flat, kv2).reshape(N, K, 256)
    h2, st2 = _attn(nbr2, q2, out1, conv_w2, conv_b2)
    return _bn_final(h2, out1, st2, bn_g2, bn_b2)

# --- scband reference (transcript-rebuilt; emitter-appended) ---
"""Pipeline reference for scband-pct-70643622085271 (READ-ONLY COPY).

The authoritative reference and input builder live on the scoring server;
editing this copy changes nothing except your own understanding.
"""

import jax, jax.numpy as jnp
import numpy as np

N = 10000
D = 128
K = 16


def _knn_idx(coords, k):
    # pytorch3d.ops.knn_points(x, x, K=k): brute-force squared-L2 kNN, self included
    sq = jnp.sum(coords * coords, axis=1)
    d2 = sq[:, None] + sq[None, :] - 2.0 * (coords @ coords.T)
    _, idx = jax.lax.top_k(-d2, k)
    return idx


def _sa_layer(feats, nbr_feat, qw, qb, kw, kb, vw, vb, cw, cb, g, b):
    # SA_Layer.forward: per-point attention over its k neighbors
    d = feats.shape[1]
    Q = feats @ qw.T + qb                      # [N, d]
    Kf = nbr_feat @ kw.T + kb                  # [N, k, d]
    attn = jnp.einsum('nkd,nd->nk', Kf, Q)     # == einsum('ndk,nd->nk') on K.permute(0,2,1)
    attn = jax.nn.softmax(attn / jnp.sqrt(jnp.float32(d)), axis=-1)
    V = nbr_feat @ vw.T + vb                   # [N, k, d]
    att_feat = jnp.einsum('nk,nkd->nd', attn, V)
    # Minkowski 1x1 conv == linear on features; BN (training-mode batch stats); ReLU
    h = (feats - att_feat) @ cw.T + cb
    mu = jnp.mean(h, axis=0)
    var = jnp.var(h, axis=0)
    h = (h - mu) / jnp.sqrt(var + 1e-5) * g + b
    h = jax.nn.relu(h)
    return feats + h


def setup_inputs(seed: int = 0) -> dict:
    key = jax.random.key(seed)
    ks = jax.random.split(key, 16)
    inp = {}
    inp['coords'] = jax.random.normal(ks[0], (N, 3), dtype=jnp.float32)
    inp['feats'] = jax.random.normal(ks[1], (N, D), dtype=jnp.float32)
    scale = 1.0 / np.sqrt(D)
    i = 2
    for layer in ('1', '2'):
        for p in ('q', 'k', 'v', 'conv'):
            inp[p + '_w' + layer] = jax.random.normal(ks[i], (D, D), dtype=jnp.float32) * scale
            i += 1
            inp[p + '_b' + layer] = jnp.zeros((D,), dtype=jnp.float32)
        inp['bn_g' + layer] = jnp.ones((D,), dtype=jnp.float32)
        inp['bn_b' + layer] = jnp.zeros((D,), dtype=jnp.float32)
    return inp


def reference(coords, feats,
              q_w1, q_b1, k_w1, k_b1, v_w1, v_b1, conv_w1, conv_b1, bn_g1, bn_b1,
              q_w2, q_b2, k_w2, k_b2, v_w2, v_b2, conv_w2, conv_b2, bn_g2, bn_b2):
    # Pct.forward: knn -> gather -> transformer, then again (coords unchanged by SA layer)
    c = jax.lax.stop_gradient(coords)  # idx are int outputs; no grad flows through them anyway
    idx1 = _knn_idx(c, K)
    nbr1 = jnp.take(feats, idx1, axis=0)       # index_points on features, [N, K, D]
    out = _sa_layer(feats, nbr1, q_w1, q_b1, k_w1, k_b1, v_w1, v_b1,
                    conv_w1, conv_b1, bn_g1, bn_b1)
    idx2 = _knn_idx(c, K)                      # recomputed exactly as in the original
    nbr2 = jnp.take(out, idx2, axis=0)
    out = _sa_layer(out, nbr2, q_w2, q_b2, k_w2, k_b2, v_w2, v_b2,
                    conv_w2, conv_b2, bn_g2, bn_b2)
    return out

if __name__ == "__main__":
    import jax
    _d = setup_inputs()
    print(jax.jit(kernel)(*tuple(_d.values())))

</pallas_src>

<mosaic_0001>
#map = affine_map<(d0, d1) -> (0)>
#map1 = affine_map<(d0, d1) -> (0, 0)>
module attributes {stable_mosaic.version = 14 : i64} {
  func.func @_gather_body(%arg0: i32, %arg1: i32, %arg2: memref<160000xi32, #tpu.memory_space<hbm>>, %arg3: memref<10000x256xf32, #tpu.memory_space<hbm>>, %arg4: memref<160000x256xf32, #tpu.memory_space<hbm>>, %arg5: memref<5000xi32, #tpu.memory_space<vmem>>, %arg6: memref<200x256xf32, #tpu.memory_space<vmem>>, %arg7: memref<200x256xf32, #tpu.memory_space<vmem>>, %arg8: memref<!tpu.dma_semaphore, #tpu.memory_space<semaphore_mem>>, %arg9: memref<!tpu.dma_semaphore, #tpu.memory_space<semaphore_mem>>) attributes {dimension_semantics = [#tpu.dimension_semantics<core_parallel>, #tpu.dimension_semantics<subcore_parallel>], iteration_bounds = array<i64: 2, 16>, scalar_prefetch = 0 : i64, scratch_operands = 5 : i64, tpu.core_type = #tpu.core_type<sc_vector_subcore>, window_params = [{transform_indices = #map}, {transform_indices = #map1}, {transform_indices = #map1}]} {
    %mul3A = arith.constant 2 : i32
    %mul3A_0 = arith.muli %arg1, %mul3A : i32
    %add3A = arith.addi %mul3A_0, %arg0 : i32
    %mul3A_1 = arith.constant 5000 : i32
    %mul3A_2 = arith.muli %add3A, %mul3A_1 : i32
    "tpu.region"() ({
      %run_scoped3A = tpu.sem_alloc : memref<!tpu.dma_semaphore, #tpu.memory_space<semaphore_mem>>
      %dma_start3A_29 = tpu.memref_slice %arg2[%mul3A_2] : memref<160000xi32, #tpu.memory_space<hbm>> -> memref<5000xi32, #tpu.memory_space<hbm>>
      %dma_start3A_30 = tpu.memref_slice %arg2[%mul3A_2] : memref<160000xi32, #tpu.memory_space<hbm>> -> memref<5000xi32, #tpu.memory_space<hbm>>
      tpu.enqueue_dma source(%dma_start3A_30 : memref<5000xi32, #tpu.memory_space<hbm>>) target(%arg5 : memref<5000xi32, #tpu.memory_space<vmem>>) target_semaphore(%run_scoped3A : memref<!tpu.dma_semaphore, #tpu.memory_space<semaphore_mem>>)
      %dma_wait3A_31 = tpu.memref_slice %arg2[%mul3A_2] : memref<160000xi32, #tpu.memory_space<hbm>> -> memref<5000xi32, #tpu.memory_space<hbm>>
      %dma_wait3A_32 = tpu.memref_slice %arg2[%mul3A_2] : memref<160000xi32, #tpu.memory_space<hbm>> -> memref<5000xi32, #tpu.memory_space<hbm>>
      tpu.wait_dma2 semaphore(%run_scoped3A : memref<!tpu.dma_semaphore, #tpu.memory_space<semaphore_mem>>) src(%dma_wait3A_32 : memref<5000xi32, #tpu.memory_space<hbm>>) dst(%arg5 : memref<5000xi32, #tpu.memory_space<vmem>>)
      tpu.yield
    }) : () -> ()
    %dma_start3A = arith.constant 0 : i32
    %dma_start3A_3 = tpu.memref_slice %arg5[%dma_start3A] : memref<5000xi32, #tpu.memory_space<vmem>> -> memref<200xi32, #tpu.memory_space<vmem>>
    %dma_start3A_4 = arith.constant 0 : i32
    %dma_start3A_5 = arith.constant 0 : i32
    %dma_start3A_6 = tpu.memref_slice %arg3[%dma_start3A_4, %dma_start3A_5] : memref<10000x256xf32, #tpu.memory_space<hbm>> -> memref<10000x256xf32, #tpu.memory_space<hbm>>
    tpu.enqueue_indirect_dma source(%dma_start3A_6 : memref<10000x256xf32, #tpu.memory_space<hbm>>) target(%arg6 : memref<200x256xf32, #tpu.memory_space<vmem>>) offsets(%dma_start3A_3 : memref<200xi32, #tpu.memory_space<vmem>>) semaphore(%arg8 : memref<!tpu.dma_semaphore, #tpu.memory_space<semaphore_mem>>)
    %dma_wait3A = arith.constant 0 : i32
    %dma_wait3A_7 = arith.constant 0 : i32
    %dma_wait3A_8 = tpu.memref_slice %arg3[%dma_wait3A, %dma_wait3A_7] : memref<10000x256xf32, #tpu.memory_space<hbm>> -> memref<200x256xf32, #tpu.memory_space<hbm>>
    %dma_wait3A_9 = arith.constant 0 : i32
    %dma_wait3A_10 = arith.constant 0 : i32
    %dma_wait3A_11 = tpu.memref_slice %arg3[%dma_wait3A_9, %dma_wait3A_10] : memref<10000x256xf32, #tpu.memory_space<hbm>> -> memref<200x256xf32, #tpu.memory_space<hbm>>
    tpu.wait_dma2 semaphore(%arg8 : memref<!tpu.dma_semaphore, #tpu.memory_space<semaphore_mem>>) src(%dma_wait3A_11 : memref<200x256xf32, #tpu.memory_space<hbm>>) dst(%arg6 : memref<200x256xf32, #tpu.memory_space<vmem>>)
    %add3A_12 = arith.constant 0 : i32
    %add3A_13 = arith.addi %mul3A_2, %add3A_12 : i32
    "tpu.region"() ({
      %run_scoped3A = tpu.sem_alloc : memref<!tpu.dma_semaphore, #tpu.memory_space<semaphore_mem>>
      %dma_start3A_29 = arith.constant 0 : i32
      %dma_start3A_30 = tpu.memref_slice %arg4[%add3A_13, %dma_start3A_29] : memref<160000x256xf32, #tpu.memory_space<hbm>> -> memref<200x256xf32, #tpu.memory_space<hbm>>
      %dma_start3A_31 = arith.constant 0 : i32
      %dma_start3A_32 = tpu.memref_slice %arg4[%add3A_13, %dma_start3A_31] : memref<160000x256xf32, #tpu.memory_space<hbm>> -> memref<200x256xf32, #tpu.memory_space<hbm>>
      tpu.enqueue_dma source(%arg6 : memref<200x256xf32, #tpu.memory_space<vmem>>) target(%dma_start3A_32 : memref<200x256xf32, #tpu.memory_space<hbm>>) target_semaphore(%run_scoped3A : memref<!tpu.dma_semaphore, #tpu.memory_space<semaphore_mem>>)
      %dma_wait3A_33 = arith.constant 0 : i32
      %dma_wait3A_34 = tpu.memref_slice %arg4[%add3A_13, %dma_wait3A_33] : memref<160000x256xf32, #tpu.memory_space<hbm>> -> memref<200x256xf32, #tpu.memory_space<hbm>>
      %dma_wait3A_35 = arith.constant 0 : i32
      %dma_wait3A_36 = tpu.memref_slice %arg4[%add3A_13, %dma_wait3A_35] : memref<160000x256xf32, #tpu.memory_space<hbm>> -> memref<200x256xf32, #tpu.memory_space<hbm>>
      tpu.wait_dma2 semaphore(%run_scoped3A : memref<!tpu.dma_semaphore, #tpu.memory_space<semaphore_mem>>) src(%arg6 : memref<200x256xf32, #tpu.memory_space<vmem>>) dst(%dma_wait3A_36 : memref<200x256xf32, #tpu.memory_space<hbm>>)
      tpu.yield
    }) : () -> ()
    %dma_start3A_14 = arith.constant 200 : i32
    %dma_start3A_15 = tpu.memref_slice %arg5[%dma_start3A_14] : memref<5000xi32, #tpu.memory_space<vmem>> -> memref<200xi32, #tpu.memory_space<vmem>>
    %dma_start3A_16 = arith.constant 0 : i32
    %dma_start3A_17 = arith.constant 0 : i32
    %dma_start3A_18 = tpu.memref_slice %arg3[%dma_start3A_16, %dma_start3A_17] : memref<10000x256xf32, #tpu.memory_space<hbm>> -> memref<10000x256xf32, #tpu.memory_space<hbm>>
    tpu.enqueue_indirect_dma source(%dma_start3A_18 : memref<10000x256xf32, #tpu.memory_space<hbm>>) target(%arg6 : memref<200x256xf32, #tpu.memory_space<vmem>>) offsets(%dma_start3A_15 : memref<200xi32, #tpu.memory_space<vmem>>) semaphore(%arg8 : memref<!tpu.dma_semaphore, #tpu.memory_space<semaphore_mem>>)
    %dma_start3A_19 = arith.constant 400 : i32
    %dma_start3A_20 = tpu.memref_slice %arg5[%dma_start3A_19] : memref<5000xi32, #tpu.memory_space<vmem>> -> memref<200xi32, #tpu.memory_space<vmem>>
    %dma_start3A_21 = arith.constant 0 : i32
    %dma_start3A_22 = arith.constant 0 : i32
    %dma_start3A_23 = tpu.memref_slice %arg3[%dma_start3A_21, %dma_start3A_22] : memref<10000x256xf32, #tpu.memory_space<hbm>> -> memref<10000x256xf32, #tpu.memory_space<hbm>>
    tpu.enqueue_indirect_dma source(%dma_start3A_23 : memref<10000x256xf32, #tpu.memory_space<hbm>>) target(%arg7 : memref<200x256xf32, #tpu.memory_space<vmem>>) offsets(%dma_start3A_20 : memref<200xi32, #tpu.memory_space<vmem>>) semaphore(%arg9 : memref<!tpu.dma_semaphore, #tpu.memory_space<semaphore_mem>>)
    %scan3A = arith.constant 0 : i32
    %scan3A_24 = arith.constant 0 : i32
    %scan3A_25 = arith.constant 12 : i32
    %scan3A_26 = arith.addi %scan3A_24, %scan3A_25 : i32
    %scan3A_27 = arith.constant 1 : i32
    scf.for %scan3A_29 = %scan3A_24 to %scan3A_26 step %scan3A_27  : i32 {
      %mul3A_30 = arith.constant 2 : i32
      %mul3A_31 = arith.muli %mul3A_30, %scan3A_29 : i32
      %add3A_32 = arith.constant 1 : i32
      %add3A_33 = arith.addi %mul3A_31, %add3A_32 : i32
      %dma_wait3A_34 = arith.constant 0 : i32
      %dma_wait3A_35 = arith.constant 0 : i32
      %dma_wait3A_36 = tpu.memref_slice %arg3[%dma_wait3A_34, %dma_wait3A_35] : memref<10000x256xf32, #tpu.memory_space<hbm>> -> memref<200x256xf32, #tpu.memory_space<hbm>>
      %dma_wait3A_37 = arith.constant 0 : i32
      %dma_wait3A_38 = arith.constant 0 : i32
      %dma_wait3A_39 = tpu.memref_slice %arg3[%dma_wait3A_37, %dma_wait3A_38] : memref<10000x256xf32, #tpu.memory_space<hbm>> -> memref<200x256xf32, #tpu.memory_space<hbm>>
      tpu.wait_dma2 semaphore(%arg8 : memref<!tpu.dma_semaphore, #tpu.memory_space<semaphore_mem>>) src(%dma_wait3A_39 : memref<200x256xf32, #tpu.memory_space<hbm>>) dst(%arg6 : memref<200x256xf32, #tpu.memory_space<vmem>>)
      %mul3A_40 = arith.constant 200 : i32
      %mul3A_41 = arith.muli %add3A_33, %mul3A_40 : i32
      %add3A_42 = arith.addi %mul3A_2, %mul3A_41 : i32
      "tpu.region"() ({
        %run_scoped3A = tpu.sem_alloc : memref<!tpu.dma_semaphore, #tpu.memory_space<semaphore_mem>>
        %dma_start3A_65 = arith.constant 0 : i32
        %dma_start3A_66 = tpu.memref_slice %arg4[%add3A_42, %dma_start3A_65] : memref<160000x256xf32, #tpu.memory_space<hbm>> -> memref<200x256xf32, #tpu.memory_space<hbm>>
        %dma_start3A_67 = arith.constant 0 : i32
        %dma_start3A_68 = tpu.memref_slice %arg4[%add3A_42, %dma_start3A_67] : memref<160000x256xf32, #tpu.memory_space<hbm>> -> memref<200x256xf32, #tpu.memory_space<hbm>>
        tpu.enqueue_dma source(%arg6 : memref<200x256xf32, #tpu.memory_space<vmem>>) target(%dma_start3A_68 : memref<200x256xf32, #tpu.memory_space<hbm>>) target_semaphore(%run_scoped3A : memref<!tpu.dma_semaphore, #tpu.memory_space<semaphore_mem>>)
        %dma_wait3A_69 = arith.constant 0 : i32
        %dma_wait3A_70 = tpu.memref_slice %arg4[%add3A_42, %dma_wait3A_69] : memref<160000x256xf32, #tpu.memory_space<hbm>> -> memref<200x256xf32, #tpu.memory_space<hbm>>
        %dma_wait3A_71 = arith.constant 0 : i32
        %dma_wait3A_72 = tpu.memref_slice %arg4[%add3A_42, %dma_wait3A_71] : memref<160000x256xf32, #tpu.memory_space<hbm>> -> memref<200x256xf32, #tpu.memory_space<hbm>>
        tpu.wait_dma2 semaphore(%run_scoped3A : memref<!tpu.dma_semaphore, #tpu.memory_space<semaphore_mem>>) src(%arg6 : memref<200x256xf32, #tpu.memory_space<vmem>>) dst(%dma_wait3A_72 : memref<200x256xf32, #tpu.memory_space<hbm>>)
        tpu.yield
      }) : () -> ()
      %add3A_43 = arith.constant 2 : i32
      %add3A_44 = arith.addi %add3A_33, %add3A_43 : i32
      %lt3A = arith.constant 25 : i32
      %lt3A_45 = arith.cmpi slt, %add3A_44, %lt3A : i32
      %convert_element_type3A = arith.extui %lt3A_45 : i1 to i32
      %cond3A = arith.constant 0 : i32
      %cond3A_46 = arith.cmpi ne, %convert_element_type3A, %cond3A : i32
      scf.if %cond3A_46 {
        %add3A_65 = arith.constant 2 : i32
        %add3A_66 = arith.addi %add3A_33, %add3A_65 : i32
        %mul3A_67 = arith.constant 200 : i32
        %mul3A_68 = arith.muli %add3A_66, %mul3A_67 : i32
        %dma_start3A_69 = tpu.memref_slice %arg5[%mul3A_68] : memref<5000xi32, #tpu.memory_space<vmem>> -> memref<200xi32, #tpu.memory_space<vmem>>
        %dma_start3A_70 = arith.constant 0 : i32
        %dma_start3A_71 = arith.constant 0 : i32
        %dma_start3A_72 = tpu.memref_slice %arg3[%dma_start3A_70, %dma_start3A_71] : memref<10000x256xf32, #tpu.memory_space<hbm>> -> memref<10000x256xf32, #tpu.memory_space<hbm>>
        tpu.enqueue_indirect_dma source(%dma_start3A_72 : memref<10000x256xf32, #tpu.memory_space<hbm>>) target(%arg6 : memref<200x256xf32, #tpu.memory_space<vmem>>) offsets(%dma_start3A_69 : memref<200xi32, #tpu.memory_space<vmem>>) semaphore(%arg8 : memref<!tpu.dma_semaphore, #tpu.memory_space<semaphore_mem>>)
      } else {
      }
      %add3A_47 = arith.constant 1 : i32
      %add3A_48 = arith.addi %add3A_33, %add3A_47 : i32
      %dma_wait3A_49 = arith.constant 0 : i32
      %dma_wait3A_50 = arith.constant 0 : i32
      %dma_wait3A_51 = tpu.memref_slice %arg3[%dma_wait3A_49, %dma_wait3A_50] : memref<10000x256xf32, #tpu.memory_space<hbm>> -> memref<200x256xf32, #tpu.memory_space<hbm>>
      %dma_wait3A_52 = arith.constant 0 : i32
      %dma_wait3A_53 = arith.constant 0 : i32
      %dma_wait3A_54 = tpu.memref_slice %arg3[%dma_wait3A_52, %dma_wait3A_53] : memref<10000x256xf32, #tpu.memory_space<hbm>> -> memref<200x256xf32, #tpu.memory_space<hbm>>
      tpu.wait_dma2 semaphore(%arg9 : memref<!tpu.dma_semaphore, #tpu.memory_space<semaphore_mem>>) src(%dma_wait3A_54 : memref<200x256xf32, #tpu.memory_space<hbm>>) dst(%arg7 : memref<200x256xf32, #tpu.memory_space<vmem>>)
      %mul3A_55 = arith.constant 200 : i32
      %mul3A_56 = arith.muli %add3A_48, %mul3A_55 : i32
      %add3A_57 = arith.addi %mul3A_2, %mul3A_56 : i32
      "tpu.region"() ({
        %run_scoped3A = tpu.sem_alloc : memref<!tpu.dma_semaphore, #tpu.memory_space<semaphore_mem>>
        %dma_start3A_65 = arith.constant 0 : i32
        %dma_start3A_66 = tpu.memref_slice %arg4[%add3A_57, %dma_start3A_65] : memref<160000x256xf32, #tpu.memory_space<hbm>> -> memref<200x256xf32, #tpu.memory_space<hbm>>
        %dma_start3A_67 = arith.constant 0 : i32
        %dma_start3A_68 = tpu.memref_slice %arg4[%add3A_57, %dma_start3A_67] : memref<160000x256xf32, #tpu.memory_space<hbm>> -> memref<200x256xf32, #tpu.memory_space<hbm>>
        tpu.enqueue_dma source(%arg7 : memref<200x256xf32, #tpu.memory_space<vmem>>) target(%dma_start3A_68 : memref<200x256xf32, #tpu.memory_space<hbm>>) target_semaphore(%run_scoped3A : memref<!tpu.dma_semaphore, #tpu.memory_space<semaphore_mem>>)
        %dma_wait3A_69 = arith.constant 0 : i32
        %dma_wait3A_70 = tpu.memref_slice %arg4[%add3A_57, %dma_wait3A_69] : memref<160000x256xf32, #tpu.memory_space<hbm>> -> memref<200x256xf32, #tpu.memory_space<hbm>>
        %dma_wait3A_71 = arith.constant 0 : i32
        %dma_wait3A_72 = tpu.memref_slice %arg4[%add3A_57, %dma_wait3A_71] : memref<160000x256xf32, #tpu.memory_space<hbm>> -> memref<200x256xf32, #tpu.memory_space<hbm>>
        tpu.wait_dma2 semaphore(%run_scoped3A : memref<!tpu.dma_semaphore, #tpu.memory_space<semaphore_mem>>) src(%arg7 : memref<200x256xf32, #tpu.memory_space<vmem>>) dst(%dma_wait3A_72 : memref<200x256xf32, #tpu.memory_space<hbm>>)
        tpu.yield
      }) : () -> ()
      %add3A_58 = arith.constant 3 : i32
      %add3A_59 = arith.addi %add3A_33, %add3A_58 : i32
      %lt3A_60 = arith.constant 25 : i32
      %lt3A_61 = arith.cmpi slt, %add3A_59, %lt3A_60 : i32
      %convert_element_type3A_62 = arith.extui %lt3A_61 : i1 to i32
      %cond3A_63 = arith.constant 0 : i32
      %cond3A_64 = arith.cmpi ne, %convert_element_type3A_62, %cond3A_63 : i32
      scf.if %cond3A_64 {
        %add3A_65 = arith.constant 3 : i32
        %add3A_66 = arith.addi %add3A_33, %add3A_65 : i32
        %mul3A_67 = arith.constant 200 : i32
        %mul3A_68 = arith.muli %add3A_66, %mul3A_67 : i32
        %dma_start3A_69 = tpu.memref_slice %arg5[%mul3A_68] : memref<5000xi32, #tpu.memory_space<vmem>> -> memref<200xi32, #tpu.memory_space<vmem>>
        %dma_start3A_70 = arith.constant 0 : i32
        %dma_start3A_71 = arith.constant 0 : i32
        %dma_start3A_72 = tpu.memref_slice %arg3[%dma_start3A_70, %dma_start3A_71] : memref<10000x256xf32, #tpu.memory_space<hbm>> -> memref<10000x256xf32, #tpu.memory_space<hbm>>
        tpu.enqueue_indirect_dma source(%dma_start3A_72 : memref<10000x256xf32, #tpu.memory_space<hbm>>) target(%arg7 : memref<200x256xf32, #tpu.memory_space<vmem>>) offsets(%dma_start3A_69 : memref<200xi32, #tpu.memory_space<vmem>>) semaphore(%arg9 : memref<!tpu.dma_semaphore, #tpu.memory_space<semaphore_mem>>)
      } else {
      }
    }
    %scan3A_28 = arith.constant 12 : i32
    return
  }
}

#map = affine_map<(d0, d1) -> (0)>
#map1 = affine_map<(d0, d1) -> (0, 0)>
module attributes {stable_mosaic.version = 14 : i64} {
  func.func @_gather_body(%arg0: i32, %arg1: i32, %arg2: memref<160000xi32, #tpu.memory_space<hbm>>, %arg3: memref<10000x256xf32, #tpu.memory_space<hbm>>, %arg4: memref<160000x256xf32, #tpu.memory_space<hbm>>, %arg5: memref<5000xi32, #tpu.memory_space<vmem>>, %arg6: memref<200x256xf32, #tpu.memory_space<vmem>>, %arg7: memref<200x256xf32, #tpu.memory_space<vmem>>, %arg8: memref<!tpu.dma_semaphore, #tpu.memory_space<semaphore_mem>>, %arg9: memref<!tpu.dma_semaphore, #tpu.memory_space<semaphore_mem>>) attributes {dimension_semantics = [#tpu.dimension_semantics<core_parallel>, #tpu.dimension_semantics<subcore_parallel>], iteration_bounds = array<i64: 2, 16>, scalar_prefetch = 0 : i64, scratch_operands = 5 : i64, tpu.core_type = #tpu.core_type<sc_vector_subcore>, window_params = [{transform_indices = #map}, {transform_indices = #map1}, {transform_indices = #map1}]} {
    %mul3A = arith.constant 2 : i32
    %mul3A_0 = arith.muli %arg1, %mul3A : i32
    %add3A = arith.addi %mul3A_0, %arg0 : i32
    %mul3A_1 = arith.constant 5000 : i32
    %mul3A_2 = arith.muli %add3A, %mul3A_1 : i32
    "tpu.region"() ({
      %run_scoped3A = tpu.sem_alloc : memref<!tpu.dma_semaphore, #tpu.memory_space<semaphore_mem>>
      %dma_start3A_29 = tpu.memref_slice %arg2[%mul3A_2] : memref<160000xi32, #tpu.memory_space<hbm>> -> memref<5000xi32, #tpu.memory_space<hbm>>
      %dma_start3A_30 = tpu.memref_slice %arg2[%mul3A_2] : memref<160000xi32, #tpu.memory_space<hbm>> -> memref<5000xi32, #tpu.memory_space<hbm>>
      tpu.enqueue_dma source(%dma_start3A_30 : memref<5000xi32, #tpu.memory_space<hbm>>) target(%arg5 : memref<5000xi32, #tpu.memory_space<vmem>>) target_semaphore(%run_scoped3A : memref<!tpu.dma_semaphore, #tpu.memory_space<semaphore_mem>>)
      %dma_wait3A_31 = tpu.memref_slice %arg2[%mul3A_2] : memref<160000xi32, #tpu.memory_space<hbm>> -> memref<5000xi32, #tpu.memory_space<hbm>>
      %dma_wait3A_32 = tpu.memref_slice %arg2[%mul3A_2] : memref<160000xi32, #tpu.memory_space<hbm>> -> memref<5000xi32, #tpu.memory_space<hbm>>
      tpu.wait_dma2 semaphore(%run_scoped3A : memref<!tpu.dma_semaphore, #tpu.memory_space<semaphore_mem>>) src(%dma_wait3A_32 : memref<5000xi32, #tpu.memory_space<hbm>>) dst(%arg5 : memref<5000xi32, #tpu.memory_space<vmem>>)
      tpu.yield
    }) : () -> ()
    %dma_start3A = arith.constant 0 : i32
    %dma_start3A_3 = tpu.memref_slice %arg5[%dma_start3A] : memref<5000xi32, #tpu.memory_space<vmem>> -> memref<200xi32, #tpu.memory_space<vmem>>
    %dma_start3A_4 = arith.constant 0 : i32
    %dma_start3A_5 = arith.constant 0 : i32
    %dma_start3A_6 = tpu.memref_slice %arg3[%dma_start3A_4, %dma_start3A_5] : memref<10000x256xf32, #tpu.memory_space<hbm>> -> memref<10000x256xf32, #tpu.memory_space<hbm>>
    tpu.enqueue_indirect_dma source(%dma_start3A_6 : memref<10000x256xf32, #tpu.memory_space<hbm>>) target(%arg6 : memref<200x256xf32, #tpu.memory_space<vmem>>) offsets(%dma_start3A_3 : memref<200xi32, #tpu.memory_space<vmem>>) semaphore(%arg8 : memref<!tpu.dma_semaphore, #tpu.memory_space<semaphore_mem>>)
    %dma_wait3A = arith.constant 0 : i32
    %dma_wait3A_7 = arith.constant 0 : i32
    %dma_wait3A_8 = tpu.memref_slice %arg3[%dma_wait3A, %dma_wait3A_7] : memref<10000x256xf32, #tpu.memory_space<hbm>> -> memref<200x256xf32, #tpu.memory_space<hbm>>
    %dma_wait3A_9 = arith.constant 0 : i32
    %dma_wait3A_10 = arith.constant 0 : i32
    %dma_wait3A_11 = tpu.memref_slice %arg3[%dma_wait3A_9, %dma_wait3A_10] : memref<10000x256xf32, #tpu.memory_space<hbm>> -> memref<200x256xf32, #tpu.memory_space<hbm>>
    tpu.wait_dma2 semaphore(%arg8 : memref<!tpu.dma_semaphore, #tpu.memory_space<semaphore_mem>>) src(%dma_wait3A_11 : memref<200x256xf32, #tpu.memory_space<hbm>>) dst(%arg6 : memref<200x256xf32, #tpu.memory_space<vmem>>)
    %add3A_12 = arith.constant 0 : i32
    %add3A_13 = arith.addi %mul3A_2, %add3A_12 : i32
    "tpu.region"() ({
      %run_scoped3A = tpu.sem_alloc : memref<!tpu.dma_semaphore, #tpu.memory_space<semaphore_mem>>
      %dma_start3A_29 = arith.constant 0 : i32
      %dma_start3A_30 = tpu.memref_slice %arg4[%add3A_13, %dma_start3A_29] : memref<160000x256xf32, #tpu.memory_space<hbm>> -> memref<200x256xf32, #tpu.memory_space<hbm>>
      %dma_start3A_31 = arith.constant 0 : i32
      %dma_start3A_32 = tpu.memref_slice %arg4[%add3A_13, %dma_start3A_31] : memref<160000x256xf32, #tpu.memory_space<hbm>> -> memref<200x256xf32, #tpu.memory_space<hbm>>
      tpu.enqueue_dma source(%arg6 : memref<200x256xf32, #tpu.memory_space<vmem>>) target(%dma_start3A_32 : memref<200x256xf32, #tpu.memory_space<hbm>>) target_semaphore(%run_scoped3A : memref<!tpu.dma_semaphore, #tpu.memory_space<semaphore_mem>>)
      %dma_wait3A_33 = arith.constant 0 : i32
      %dma_wait3A_34 = tpu.memref_slice %arg4[%add3A_13, %dma_wait3A_33] : memref<160000x256xf32, #tpu.memory_space<hbm>> -> memref<200x256xf32, #tpu.memory_space<hbm>>
      %dma_wait3A_35 = arith.constant 0 : i32
      %dma_wait3A_36 = tpu.memref_slice %arg4[%add3A_13, %dma_wait3A_35] : memref<160000x256xf32, #tpu.memory_space<hbm>> -> memref<200x256xf32, #tpu.memory_space<hbm>>
      tpu.wait_dma2 semaphore(%run_scoped3A : memref<!tpu.dma_semaphore, #tpu.memory_space<semaphore_mem>>) src(%arg6 : memref<200x256xf32, #tpu.memory_space<vmem>>) dst(%dma_wait3A_36 : memref<200x256xf32, #tpu.memory_space<hbm>>)
      tpu.yield
    }) : () -> ()
    %dma_start3A_14 = arith.constant 200 : i32
    %dma_start3A_15 = tpu.memref_slice %arg5[%dma_start3A_14] : memref<5000xi32, #tpu.memory_space<vmem>> -> memref<200xi32, #tpu.memory_space<vmem>>
    %dma_start3A_16 = arith.constant 0 : i32
    %dma_start3A_17 = arith.constant 0 : i32
    %dma_start3A_18 = tpu.memref_slice %arg3[%dma_start3A_16, %dma_start3A_17] : memref<10000x256xf32, #tpu.memory_space<hbm>> -> memref<10000x256xf32, #tpu.memory_space<hbm>>
    tpu.enqueue_indirect_dma source(%dma_start3A_18 : memref<10000x256xf32, #tpu.memory_space<hbm>>) target(%arg6 : memref<200x256xf32, #tpu.memory_space<vmem>>) offsets(%dma_start3A_15 : memref<200xi32, #tpu.memory_space<vmem>>) semaphore(%arg8 : memref<!tpu.dma_semaphore, #tpu.memory_space<semaphore_mem>>)
    %dma_start3A_19 = arith.constant 400 : i32
    %dma_start3A_20 = tpu.memref_slice %arg5[%dma_start3A_19] : memref<5000xi32, #tpu.memory_space<vmem>> -> memref<200xi32, #tpu.memory_space<vmem>>
    %dma_start3A_21 = arith.constant 0 : i32
    %dma_start3A_22 = arith.constant 0 : i32
    %dma_start3A_23 = tpu.memref_slice %arg3[%dma_start3A_21, %dma_start3A_22] : memref<10000x256xf32, #tpu.memory_space<hbm>> -> memref<10000x256xf32, #tpu.memory_space<hbm>>
    tpu.enqueue_indirect_dma source(%dma_start3A_23 : memref<10000x256xf32, #tpu.memory_space<hbm>>) target(%arg7 : memref<200x256xf32, #tpu.memory_space<vmem>>) offsets(%dma_start3A_20 : memref<200xi32, #tpu.memory_space<vmem>>) semaphore(%arg9 : memref<!tpu.dma_semaphore, #tpu.memory_space<semaphore_mem>>)
    %scan3A = arith.constant 0 : i32
    %scan3A_24 = arith.constant 0 : i32
    %scan3A_25 = arith.constant 12 : i32
    %scan3A_26 = arith.addi %scan3A_24, %scan3A_25 : i32
    %scan3A_27 = arith.constant 1 : i32
    scf.for %scan3A_29 = %scan3A_24 to %scan3A_26 step %scan3A_27  : i32 {
      %mul3A_30 = arith.constant 2 : i32
      %mul3A_31 = arith.muli %mul3A_30, %scan3A_29 : i32
      %add3A_32 = arith.constant 1 : i32
      %add3A_33 = arith.addi %mul3A_31, %add3A_32 : i32
      %dma_wait3A_34 = arith.constant 0 : i32
      %dma_wait3A_35 = arith.constant 0 : i32
      %dma_wait3A_36 = tpu.memref_slice %arg3[%dma_wait3A_34, %dma_wait3A_35] : memref<10000x256xf32, #tpu.memory_space<hbm>> -> memref<200x256xf32, #tpu.memory_space<hbm>>
      %dma_wait3A_37 = arith.constant 0 : i32
      %dma_wait3A_38 = arith.constant 0 : i32
      %dma_wait3A_39 = tpu.memref_slice %arg3[%dma_wait3A_37, %dma_wait3A_38] : memref<10000x256xf32, #tpu.memory_space<hbm>> -> memref<200x256xf32, #tpu.memory_space<hbm>>
      tpu.wait_dma2 semaphore(%arg8 : memref<!tpu.dma_semaphore, #tpu.memory_space<semaphore_mem>>) src(%dma_wait3A_39 : memref<200x256xf32, #tpu.memory_space<hbm>>) dst(%arg6 : memref<200x256xf32, #tpu.memory_space<vmem>>)
      %mul3A_40 = arith.constant 200 : i32
      %mul3A_41 = arith.muli %add3A_33, %mul3A_40 : i32
      %add3A_42 = arith.addi %mul3A_2, %mul3A_41 : i32
      "tpu.region"() ({
        %run_scoped3A = tpu.sem_alloc : memref<!tpu.dma_semaphore, #tpu.memory_space<semaphore_mem>>
        %dma_start3A_65 = arith.constant 0 : i32
        %dma_start3A_66 = tpu.memref_slice %arg4[%add3A_42, %dma_start3A_65] : memref<160000x256xf32, #tpu.memory_space<hbm>> -> memref<200x256xf32, #tpu.memory_space<hbm>>
        %dma_start3A_67 = arith.constant 0 : i32
        %dma_start3A_68 = tpu.memref_slice %arg4[%add3A_42, %dma_start3A_67] : memref<160000x256xf32, #tpu.memory_space<hbm>> -> memref<200x256xf32, #tpu.memory_space<hbm>>
        tpu.enqueue_dma source(%arg6 : memref<200x256xf32, #tpu.memory_space<vmem>>) target(%dma_start3A_68 : memref<200x256xf32, #tpu.memory_space<hbm>>) target_semaphore(%run_scoped3A : memref<!tpu.dma_semaphore, #tpu.memory_space<semaphore_mem>>)
        %dma_wait3A_69 = arith.constant 0 : i32
        %dma_wait3A_70 = tpu.memref_slice %arg4[%add3A_42, %dma_wait3A_69] : memref<160000x256xf32, #tpu.memory_space<hbm>> -> memref<200x256xf32, #tpu.memory_space<hbm>>
        %dma_wait3A_71 = arith.constant 0 : i32
        %dma_wait3A_72 = tpu.memref_slice %arg4[%add3A_42, %dma_wait3A_71] : memref<160000x256xf32, #tpu.memory_space<hbm>> -> memref<200x256xf32, #tpu.memory_space<hbm>>
        tpu.wait_dma2 semaphore(%run_scoped3A : memref<!tpu.dma_semaphore, #tpu.memory_space<semaphore_mem>>) src(%arg6 : memref<200x256xf32, #tpu.memory_space<vmem>>) dst(%dma_wait3A_72 : memref<200x256xf32, #tpu.memory_space<hbm>>)
        tpu.yield
      }) : () -> ()
      %add3A_43 = arith.constant 2 : i32
      %add3A_44 = arith.addi %add3A_33, %add3A_43 : i32
      %lt3A = arith.constant 25 : i32
      %lt3A_45 = arith.cmpi slt, %add3A_44, %lt3A : i32
      %convert_element_type3A = arith.extui %lt3A_45 : i1 to i32
      %cond3A = arith.constant 0 : i32
      %cond3A_46 = arith.cmpi ne, %convert_element_type3A, %cond3A : i32
      scf.if %cond3A_46 {
        %add3A_65 = arith.constant 2 : i32
        %add3A_66 = arith.addi %add3A_33, %add3A_65 : i32
        %mul3A_67 = arith.constant 200 : i32
        %mul3A_68 = arith.muli %add3A_66, %mul3A_67 : i32
        %dma_start3A_69 = tpu.memref_slice %arg5[%mul3A_68] : memref<5000xi32, #tpu.memory_space<vmem>> -> memref<200xi32, #tpu.memory_space<vmem>>
        %dma_start3A_70 = arith.constant 0 : i32
        %dma_start3A_71 = arith.constant 0 : i32
        %dma_start3A_72 = tpu.memref_slice %arg3[%dma_start3A_70, %dma_start3A_71] : memref<10000x256xf32, #tpu.memory_space<hbm>> -> memref<10000x256xf32, #tpu.memory_space<hbm>>
        tpu.enqueue_indirect_dma source(%dma_start3A_72 : memref<10000x256xf32, #tpu.memory_space<hbm>>) target(%arg6 : memref<200x256xf32, #tpu.memory_space<vmem>>) offsets(%dma_start3A_69 : memref<200xi32, #tpu.memory_space<vmem>>) semaphore(%arg8 : memref<!tpu.dma_semaphore, #tpu.memory_space<semaphore_mem>>)
      } else {
      }
      %add3A_47 = arith.constant 1 : i32
      %add3A_48 = arith.addi %add3A_33, %add3A_47 : i32
      %dma_wait3A_49 = arith.constant 0 : i32
      %dma_wait3A_50 = arith.constant 0 : i32
      %dma_wait3A_51 = tpu.memref_slice %arg3[%dma_wait3A_49, %dma_wait3A_50] : memref<10000x256xf32, #tpu.memory_space<hbm>> -> memref<200x256xf32, #tpu.memory_space<hbm>>
      %dma_wait3A_52 = arith.constant 0 : i32
      %dma_wait3A_53 = arith.constant 0 : i32
      %dma_wait3A_54 = tpu.memref_slice %arg3[%dma_wait3A_52, %dma_wait3A_53] : memref<10000x256xf32, #tpu.memory_space<hbm>> -> memref<200x256xf32, #tpu.memory_space<hbm>>
      tpu.wait_dma2 semaphore(%arg9 : memref<!tpu.dma_semaphore, #tpu.memory_space<semaphore_mem>>) src(%dma_wait3A_54 : memref<200x256xf32, #tpu.memory_space<hbm>>) dst(%arg7 : memref<200x256xf32, #tpu.memory_space<vmem>>)
      %mul3A_55 = arith.constant 200 : i32
      %mul3A_56 = arith.muli %add3A_48, %mul3A_55 : i32
      %add3A_57 = arith.addi %mul3A_2, %mul3A_56 : i32
      "tpu.region"() ({
        %run_scoped3A = tpu.sem_alloc : memref<!tpu.dma_semaphore, #tpu.memory_space<semaphore_mem>>
        %dma_start3A_65 = arith.constant 0 : i32
        %dma_start3A_66 = tpu.memref_slice %arg4[%add3A_57, %dma_start3A_65] : memref<160000x256xf32, #tpu.memory_space<hbm>> -> memref<200x256xf32, #tpu.memory_space<hbm>>
        %dma_start3A_67 = arith.constant 0 : i32
        %dma_start3A_68 = tpu.memref_slice %arg4[%add3A_57, %dma_start3A_67] : memref<160000x256xf32, #tpu.memory_space<hbm>> -> memref<200x256xf32, #tpu.memory_space<hbm>>
        tpu.enqueue_dma source(%arg7 : memref<200x256xf32, #tpu.memory_space<vmem>>) target(%dma_start3A_68 : memref<200x256xf32, #tpu.memory_space<hbm>>) target_semaphore(%run_scoped3A : memref<!tpu.dma_semaphore, #tpu.memory_space<semaphore_mem>>)
        %dma_wait3A_69 = arith.constant 0 : i32
        %dma_wait3A_70 = tpu.memref_slice %arg4[%add3A_57, %dma_wait3A_69] : memref<160000x256xf32, #tpu.memory_space<hbm>> -> memref<200x256xf32, #tpu.memory_space<hbm>>
        %dma_wait3A_71 = arith.constant 0 : i32
        %dma_wait3A_72 = tpu.memref_slice %arg4[%add3A_57, %dma_wait3A_71] : memref<160000x256xf32, #tpu.memory_space<hbm>> -> memref<200x256xf32, #tpu.memory_space<hbm>>
        tpu.wait_dma2 semaphore(%run_scoped3A : memref<!tpu.dma_semaphore, #tpu.memory_space<semaphore_mem>>) src(%arg7 : memref<200x256xf32, #tpu.memory_space<vmem>>) dst(%dma_wait3A_72 : memref<200x256xf32, #tpu.memory_space<hbm>>)
        tpu.yield
      }) : () -> ()
      %add3A_58 = arith.constant 3 : i32
      %add3A_59 = arith.addi %add3A_33, %add3A_58 : i32
      %lt3A_60 = arith.constant 25 : i32
      %lt3A_61 = arith.cmpi slt, %add3A_59, %lt3A_60 : i32
      %convert_element_type3A_62 = arith.extui %lt3A_61 : i1 to i32
      %cond3A_63 = arith.constant 0 : i32
      %cond3A_64 = arith.cmpi ne, %convert_element_type3A_62, %cond3A_63 : i32
      scf.if %cond3A_64 {
        %add3A_65 = arith.constant 3 : i32
        %add3A_66 = arith.addi %add3A_33, %add3A_65 : i32
        %mul3A_67 = arith.constant 200 : i32
        %mul3A_68 = arith.muli %add3A_66, %mul3A_67 : i32
        %dma_start3A_69 = tpu.memref_slice %arg5[%mul3A_68] : memref<5000xi32, #tpu.memory_space<vmem>> -> memref<200xi32, #tpu.memory_space<vmem>>
        %dma_start3A_70 = arith.constant 0 : i32
        %dma_start3A_71 = arith.constant 0 : i32
        %dma_start3A_72 = tpu.memref_slice %arg3[%dma_start3A_70, %dma_start3A_71] : memref<10000x256xf32, #tpu.memory_space<hbm>> -> memref<10000x256xf32, #tpu.memory_space<hbm>>
        tpu.enqueue_indirect_dma source(%dma_start3A_72 : memref<10000x256xf32, #tpu.memory_space<hbm>>) target(%arg7 : memref<200x256xf32, #tpu.memory_space<vmem>>) offsets(%dma_start3A_69 : memref<200xi32, #tpu.memory_space<vmem>>) semaphore(%arg9 : memref<!tpu.dma_semaphore, #tpu.memory_space<semaphore_mem>>)
      } else {
      }
    }
    %scan3A_28 = arith.constant 12 : i32
    return
  }
}

module attributes {stable_mosaic.version = 14 : i64} {
  func.func @_knn_body(%arg0: i32, %arg1: memref<200x128xf32, #tpu.memory_space<vmem>>, %arg2: memref<128x10240xf32, #tpu.memory_space<vmem>>, %arg3: memref<200x16xi32, #tpu.memory_space<vmem>>, %arg4: memref<1x10240xf32, #tpu.memory_space<vmem>>) attributes {dimension_semantics = [#tpu.dimension_semantics<arbitrary>], iteration_bounds = array<i64: 50>, scalar_prefetch = 0 : i64, scratch_operands = 1 : i64, tpu.core_type = #tpu.core_type<tc>, window_params = [{transform_indices = @transform_0, window_bounds = array<i64: 200, 128>}, {pipeline_mode = #tpu.pipeline_mode<synchronous>, transform_indices = @transform_1, window_bounds = array<i64: 128, 10240>}, {transform_indices = @transform_2, window_bounds = array<i64: 200, 16>}]} {
    %eq3A = arith.constant 0 : i32
    %eq3A_0 = arith.cmpi eq, %arg0, %eq3A : i32
    %convert_element_type3A = arith.extui %eq3A_0 : i1 to i32
    %cond3A = arith.constant 0 : i32
    %cond3A_1 = arith.cmpi ne, %convert_element_type3A, %cond3A : i32
    scf.if %cond3A_1 {
      %get3A_1164 = arith.constant 0 : index
      %get3A_1165 = arith.constant 0 : index
      %get3A_1166 = vector.load %arg2[%get3A_1164, %get3A_1165] : memref<128x10240xf32, #tpu.memory_space<vmem>>, vector<128x10240xf32>
      %mul3A_1167 = arith.mulf %get3A_1166, %get3A_1166 : vector<128x10240xf32>
      %reduce_sum3A = arith.constant dense<0.000000e+00> : vector<10240xf32>
      %reduce_sum3A_1168 = vector.multi_reduction <add>, %mul3A_1167, %reduce_sum3A [0] : vector<128x10240xf32> to vector<10240xf32>
      %broadcast_in_dim3A_1169 = vector.shape_cast %reduce_sum3A_1168 : vector<10240xf32> to vector<1x10240xf32>
      %swap3A_1170 = arith.constant 0 : index
      %swap3A_1171 = arith.constant 0 : index
      %swap3A_1172 = vector.load %arg4[%swap3A_1170, %swap3A_1171] : memref<1x10240xf32, #tpu.memory_space<vmem>>, vector<1x10240xf32>
      tpu.vector_store %arg4[%swap3A_1170, %swap3A_1171], %broadcast_in_dim3A_1169 {strides = array<i32>} : memref<1x10240xf32, #tpu.memory_space<vmem>>, vector<1x10240xf32>,
    } else {
    }
    %get3A = arith.constant 0 : index
    %get3A_2 = arith.constant 0 : index
    %get3A_3 = vector.load %arg1[%get3A, %get3A_2] : memref<200x128xf32, #tpu.memory_space<vmem>>, vector<200x128xf32>
    %mul3A = arith.constant -2.000000e+00 : f32
    %mul3A_4 = vector.broadcast %mul3A : f32 to vector<200x128xf32>
    %mul3A_5 = arith.mulf %get3A_3, %mul3A_4 : vector<200x128xf32>
    %get3A_6 = arith.constant 0 : index
    %get3A_7 = arith.constant 0 : index
    %get3A_8 = vector.load %arg2[%get3A_6, %get3A_7] : memref<128x10240xf32, #tpu.memory_space<vmem>>, vector<128x10240xf32>
    %dot_general3A = arith.constant dense<0.000000e+00> : vector<200x10240xf32>
    %dot_general3A_9 = tpu.matmul %mul3A_5, %get3A_8, %dot_general3A {dimension_numbers = #tpu.dot_dimension_numbers<[1], [0], [0], [1], [0, 0, 1, 1], [], []>, transpose_lhs_hint = false} : vector<200x128xf32>, vector<128x10240xf32>, vector<200x10240xf32> -> vector<200x10240xf32>
    %get3A_10 = arith.constant 0 : index
    %get3A_11 = arith.constant 0 : index
    %get3A_12 = vector.load %arg4[%get3A_10, %get3A_11] : memref<1x10240xf32, #tpu.memory_space<vmem>>, vector<1x10240xf32>
    %add3A = vector.broadcast %get3A_12 : vector<1x10240xf32> to vector<200x10240xf32>
    %add3A_13 = arith.addf %add3A, %dot_general3A_9 : vector<200x10240xf32>
    %iota3A = tpu.iota {dimensions = array<i32: 1>} : vector<200x256xi32>
    %broadcast_in_dim3A = arith.constant 0x7F800000 : f32
    %broadcast_in_dim3A_14 = vector.broadcast %broadcast_in_dim3A : f32 to vector<200x256xf32>
    %broadcast_in_dim3A_15 = arith.constant 0x7F800000 : f32
    %broadcast_in_dim3A_16 = vector.broadcast %broadcast_in_dim3A_15 : f32 to vector<200x256xf32>
    %broadcast_in_dim3A_17 = arith.constant 0x7F800000 : f32
    %broadcast_in_dim3A_18 = vector.broadcast %broadcast_in_dim3A_17 : f32 to vector<200x256xf32>
    %broadcast_in_dim3A_19 = arith.constant 0x7F800000 : f32
    %broadcast_in_dim3A_20 = vector.broadcast %broadcast_in_dim3A_19 : f32 to vector<200x256xf32>
    %broadcast_in_dim3A_21 = arith.constant 0 : i32
    %broadcast_in_dim3A_22 = vector.broadcast %broadcast_in_dim3A_21 : i32 to vector<200x256xi32>
    %broadcast_in_dim3A_23 = arith.constant 0 : i32
    %broadcast_in_dim3A_24 = vector.broadcast %broadcast_in_dim3A_23 : i32 to vector<200x256xi32>
    %broadcast_in_dim3A_25 = arith.constant 0 : i32
    %broadcast_in_dim3A_26 = vector.broadcast %broadcast_in_dim3A_25 : i32 to vector<200x256xi32>
    %broadcast_in_dim3A_27 = arith.constant 0 : i32
    %broadcast_in_dim3A_28 = vector.broadcast %broadcast_in_dim3A_27 : i32 to vector<200x256xi32>
    %slice3A = vector.extract_strided_slice %add3A_13 {offsets = [0, 0], sizes = [200, 256], strides = [1, 1]} : vector<200x10240xf32> to vector<200x256xf32>
    %add3A_29 = arith.constant 0 : i32
    %add3A_30 = vector.broadcast %add3A_29 : i32 to vector<200x256xi32>
    %add3A_31 = arith.addi %iota3A, %add3A_30 : vector<200x256xi32>
    %lt3A = arith.cmpf olt, %slice3A, %broadcast_in_dim3A_14 : vector<200x256xf32>
    %select_n3A = arith.select %lt3A, %slice3A, %broadcast_in_dim3A_14 : vector<200x256xi1>, vector<200x256xf32>
    %select_n3A_32 = arith.select %lt3A, %add3A_31, %broadcast_in_dim3A_22 : vector<200x256xi1>, vector<200x256xi32>
    %select_n3A_33 = arith.select %lt3A, %broadcast_in_dim3A_14, %slice3A : vector<200x256xi1>, vector<200x256xf32>
    %select_n3A_34 = arith.select %lt3A, %broadcast_in_dim3A_22, %add3A_31 : vector<200x256xi1>, vector<200x256xi32>
    %lt3A_35 = arith.cmpf olt, %select_n3A_33, %broadcast_in_dim3A_16 : vector<200x256xf32>
    %select_n3A_36 = arith.select %lt3A_35, %select_n3A_33, %broadcast_in_dim3A_16 : vector<200x256xi1>, vector<200x256xf32>
    %select_n3A_37 = arith.select %lt3A_35, %select_n3A_34, %broadcast_in_dim3A_24 : vector<200x256xi1>, vector<200x256xi32>
    %select_n3A_38 = arith.select %lt3A_35, %broadcast_in_dim3A_16, %select_n3A_33 : vector<200x256xi1>, vector<200x256xf32>
    %select_n3A_39 = arith.select %lt3A_35, %broadcast_in_dim3A_24, %select_n3A_34 : vector<200x256xi1>, vector<200x256xi32>
    %lt3A_40 = arith.cmpf olt, %select_n3A_38, %broadcast_in_dim3A_18 : vector<200x256xf32>
    %select_n3A_41 = arith.select %lt3A_40, %select_n3A_38, %broadcast_in_dim3A_18 : vector<200x256xi1>, vector<200x256xf32>
    %select_n3A_42 = arith.select %lt3A_40, %select_n3A_39, %broadcast_in_dim3A_26 : vector<200x256xi1>, vector<200x256xi32>
    %select_n3A_43 = arith.select %lt3A_40, %broadcast_in_dim3A_18, %select_n3A_38 : vector<200x256xi1>, vector<200x256xf32>
    %select_n3A_44 = arith.select %lt3A_40, %broadcast_in_dim3A_26, %select_n3A_39 : vector<200x256xi1>, vector<200x256xi32>
    %lt3A_45 = arith.cmpf olt, %select_n3A_43, %broadcast_in_dim3A_20 : vector<200x256xf32>
    %select_n3A_46 = arith.select %lt3A_45, %select_n3A_43, %broadcast_in_dim3A_20 : vector<200x256xi1>, vector<200x256xf32>
    %select_n3A_47 = arith.select %lt3A_45, %select_n3A_44, %broadcast_in_dim3A_28 : vector<200x256xi1>, vector<200x256xi32>
    %slice3A_48 = vector.extract_strided_slice %add3A_13 {offsets = [0, 256], sizes = [200, 256], strides = [1, 1]} : vector<200x10240xf32> to vector<200x256xf32>
    %add3A_49 = arith.constant 256 : i32
    %add3A_50 = vector.broadcast %add3A_49 : i32 to vector<200x256xi32>
    %add3A_51 = arith.addi %iota3A, %add3A_50 : vector<200x256xi32>
    %lt3A_52 = arith.cmpf olt, %slice3A_48, %select_n3A : vector<200x256xf32>
    %select_n3A_53 = arith.select %lt3A_52, %slice3A_48, %select_n3A : vector<200x256xi1>, vector<200x256xf32>
    %select_n3A_54 = arith.select %lt3A_52, %add3A_51, %select_n3A_32 : vector<200x256xi1>, vector<200x256xi32>
    %select_n3A_55 = arith.select %lt3A_52, %select_n3A, %slice3A_48 : vector<200x256xi1>, vector<200x256xf32>
    %select_n3A_56 = arith.select %lt3A_52, %select_n3A_32, %add3A_51 : vector<200x256xi1>, vector<200x256xi32>
    %lt3A_57 = arith.cmpf olt, %select_n3A_55, %select_n3A_36 : vector<200x256xf32>
    %select_n3A_58 = arith.select %lt3A_57, %select_n3A_55, %select_n3A_36 : vector<200x256xi1>, vector<200x256xf32>
    %select_n3A_59 = arith.select %lt3A_57, %select_n3A_56, %select_n3A_37 : vector<200x256xi1>, vector<200x256xi32>
    %select_n3A_60 = arith.select %lt3A_57, %select_n3A_36, %select_n3A_55 : vector<200x256xi1>, vector<200x256xf32>
    %select_n3A_61 = arith.select %lt3A_57, %select_n3A_37, %select_n3A_56 : vector<200x256xi1>, vector<200x256xi32>
    %lt3A_62 = arith.cmpf olt, %select_n3A_60, %select_n3A_41 : vector<200x256xf32>
    %select_n3A_63 = arith.select %lt3A_62, %select_n3A_60, %select_n3A_41 : vector<200x256xi1>, vector<200x256xf32>
    %select_n3A_64 = arith.select %lt3A_62, %select_n3A_61, %select_n3A_42 : vector<200x256xi1>, vector<200x256xi32>
    %select_n3A_65 = arith.select %lt3A_62, %select_n3A_41, %select_n3A_60 : vector<200x256xi1>, vector<200x256xf32>
    %select_n3A_66 = arith.select %lt3A_62, %select_n3A_42, %select_n3A_61 : vector<200x256xi1>, vector<200x256xi32>
    %lt3A_67 = arith.cmpf olt, %select_n3A_65, %select_n3A_46 : vector<200x256xf32>
    %select_n3A_68 = arith.select %lt3A_67, %select_n3A_65, %select_n3A_46 : vector<200x256xi1>, vector<200x256xf32>
    %select_n3A_69 = arith.select %lt3A_67, %select_n3A_66, %select_n3A_47 : vector<200x256xi1>, vector<200x256xi32>
    %slice3A_70 = vector.extract_strided_slice %add3A_13 {offsets = [0, 512], sizes = [200, 256], strides = [1, 1]} : vector<200x10240xf32> to vector<200x256xf32>
    %add3A_71 = arith.constant 512 : i32
    %add3A_72 = vector.broadcast %add3A_71 : i32 to vector<200x256xi32>
    %add3A_73 = arith.addi %iota3A, %add3A_72 : vector<200x256xi32>
    %lt3A_74 = arith.cmpf olt, %slice3A_70, %select_n3A_53 : vector<200x256xf32>
    %select_n3A_75 = arith.select %lt3A_74, %slice3A_70, %select_n3A_53 : vector<200x256xi1>, vector<200x256xf32>
    %select_n3A_76 = arith.select %lt3A_74, %add3A_73, %select_n3A_54 : vector<200x256xi1>, vector<200x256xi32>
    %select_n3A_77 = arith.select %lt3A_74, %select_n3A_53, %slice3A_70 : vector<200x256xi1>, vector<200x256xf32>
    %select_n3A_78 = arith.select %lt3A_74, %select_n3A_54, %add3A_73 : vector<200x256xi1>, vector<200x256xi32>
    %lt3A_79 = arith.cmpf olt, %select_n3A_77, %select_n3A_58 : vector<200x256xf32>
    %select_n3A_80 = arith.select %lt3A_79, %select_n3A_77, %select_n3A_58 : vector<200x256xi1>, vector<200x256xf32>
    %select_n3A_81 = arith.select %lt3A_79, %select_n3A_78, %select_n3A_59 : vector<200x256xi1>, vector<200x256xi32>
    %select_n3A_82 = arith.select %lt3A_79, %select_n3A_58, %select_n3A_77 : vector<200x256xi1>, vector<200x256xf32>
    %select_n3A_83 = arith.select %lt3A_79, %select_n3A_59, %select_n3A_78 : vector<200x256xi1>, vector<200x256xi32>
    %lt3A_84 = arith.cmpf olt, %select_n3A_82, %select_n3A_63 : vector<200x256xf32>
    %select_n3A_85 = arith.select %lt3A_84, %select_n3A_82, %select_n3A_63 : vector<200x256xi1>, vector<200x256xf32>
    %select_n3A_86 = arith.select %lt3A_84, %select_n3A_83, %select_n3A_64 : vector<200x256xi1>, vector<200x256xi32>
    %select_n3A_87 = arith.select %lt3A_84, %select_n3A_63, %select_n3A_82 : vector<200x256xi1>, vector<200x256xf32>
    %select_n3A_88 = arith.select %lt3A_84, %select_n3A_64, %select_n3A_83 : vector<200x256xi1>, vector<200x256xi32>
    %lt3A_89 = arith.cmpf olt, %select_n3A_87, %select_n3A_68 : vector<200x256xf32>
    %select_n3A_90 = arith.select %lt3A_89, %select_n3A_87, %select_n3A_68 : vector<200x256xi1>, vector<200x256xf32>
    %select_n3A_91 = arith.select %lt3A_89, %select_n3A_88, %select_n3A_69 : vector<200x256xi1>, vector<200x256xi32>
    %slice3A_92 = vector.extract_strided_slice %add3A_13 {offsets = [0, 768], sizes = [200, 256], strides = [1, 1]} : vector<200x10240xf32> to vector<200x256xf32>
    %add3A_93 = arith.constant 768 : i32
    %add3A_94 = vector.broadcast %add3A_93 : i32 to vector<200x256xi32>
    %add3A_95 = arith.addi %iota3A, %add3A_94 : vector<200x256xi32>
    %lt3A_96 = arith.cmpf olt, %slice3A_92, %select_n3A_75 : vector<200x256xf32>
    %select_n3A_97 = arith.select %lt3A_96, %slice3A_92, %select_n3A_75 : vector<200x256xi1>, vector<200x256xf32>
    %select_n3A_98 = arith.select %lt3A_96, %add3A_95, %select_n3A_76 : vector<200x256xi1>, vector<200x256xi32>
    %select_n3A_99 = arith.select %lt3A_96, %select_n3A_75, %slice3A_92 : vector<200x256xi1>, vector<200x256xf32>
    %select_n3A_100 = arith.select %lt3A_96, %select_n3A_76, %add3A_95 : vector<200x256xi1>, vector<200x256xi32>
    %lt3A_101 = arith.cmpf olt, %select_n3A_99, %select_n3A_80 : vector<200x256xf32>
    %select_n3A_102 = arith.select %lt3A_101, %select_n3A_99, %select_n3A_80 : vector<200x256xi1>, vector<200x256xf32>
    %select_n3A_103 = arith.select %lt3A_101, %select_n3A_100, %select_n3A_81 : vector<200x256xi1>, vector<200x256xi32>
    %select_n3A_104 = arith.select %lt3A_101, %select_n3A_80, %select_n3A_99 : vector<200x256xi1>, vector<200x256xf32>
    %select_n3A_105 = arith.select %lt3A_101, %select_n3A_81, %select_n3A_100 : vector<200x256xi1>, vector<200x256xi32>
    %lt3A_106 = arith.cmpf olt, %select_n3A_104, %select_n3A_85 : vector<200x256xf32>
    %select_n3A_107 = arith.select %lt3A_106, %select_n3A_104, %select_n3A_85 : vector<200x256xi1>, vector<200x256xf32>
    %select_n3A_108 = arith.select %lt3A_106, %select_n3A_105, %select_n3A_86 : vector<200x256xi1>, vector<200x256xi32>
    %select_n3A_109 = arith.select %lt3A_106, %select_n3A_85, %select_n3A_104 : vector<200x256xi1>, vector<200x256xf32>
    %select_n3A_110 = arith.select %lt3A_106, %select_n3A_86, %select_n3A_105 : vector<200x256xi1>, vector<200x256xi32>
    %lt3A_111 = arith.cmpf olt, %select_n3A_109, %select_n3A_90 : vector<200x256xf32>
    %select_n3A_112 = arith.select %lt3A_111, %select_n3A_109, %select_n3A_90 : vector<200x256xi1>, vector<200x256xf32>
    %select_n3A_113 = arith.select %lt3A_111, %select_n3A_110, %select_n3A_91 : vector<200x256xi1>, vector<200x256xi32>
    %slice3A_114 = vector.extract_strided_slice %add3A_13 {offsets = [0, 1024], sizes = [200, 256], strides = [1, 1]} : vector<200x10240xf32> to vector<200x256xf32>
    %add3A_115 = arith.constant 1024 : i32
    %add3A_116 = vector.broadcast %add3A_115 : i32 to vector<200x256xi32>
    %add3A_117 = arith.addi %iota3A, %add3A_116 : vector<200x256xi32>
    %lt3A_118 = arith.cmpf olt, %slice3A_114, %select_n3A_97 : vector<200x256xf32>
    %select_n3A_119 = arith.select %lt3A_118, %slice3A_114, %select_n3A_97 : vector<200x256xi1>, vector<200x256xf32>
    %select_n3A_120 = arith.select %lt3A_118, %add3A_117, %select_n3A_98 : vector<200x256xi1>, vector<200x256xi32>
    %select_n3A_121 = arith.select %lt3A_118, %select_n3A_97, %slice3A_114 : vector<200x256xi1>, vector<200x256xf32>
    %select_n3A_122 = arith.select %lt3A_118, %select_n3A_98, %add3A_117 : vector<200x256xi1>, vector<200x256xi32>
    %lt3A_123 = arith.cmpf olt, %select_n3A_121, %select_n3A_102 : vector<200x256xf32>
    %select_n3A_124 = arith.select %lt3A_123, %select_n3A_121, %select_n3A_102 : vector<200x256xi1>, vector<200x256xf32>
    %select_n3A_125 = arith.select %lt3A_123, %select_n3A_122, %select_n3A_103 : vector<200x256xi1>, vector<200x256xi32>
    %select_n3A_126 = arith.select %lt3A_123, %select_n3A_102, %select_n3A_121 : vector<200x256xi1>, vector<200x256xf32>
    %select_n3A_127 = arith.select %lt3A_123, %select_n3A_103, %select_n3A_122 : vector<200x256xi1>, vector<200x256xi32>
    %lt3A_128 = arith.cmpf olt, %select_n3A_126, %select_n3A_107 : vector<200x256xf32>
    %select_n3A_129 = arith.select %lt3A_128, %select_n3A_126, %select_n3A_107 : vector<200x256xi1>, vector<200x256xf32>
    %select_n3A_130 = arith.select %lt3A_128, %select_n3A_127, %select_n3A_108 : vector<200x256xi1>, vector<200x256xi32>
    %select_n3A_131 = arith.select %lt3A_128, %select_n3A_107, %select_n3A_126 : vector<200x256xi1>, vector<200x256xf32>
    %select_n3A_132 = arith.select %lt3A_128, %select_n3A_108, %select_n3A_127 : vector<200x256xi1>, vector<200x256xi32>
    %lt3A_133 = arith.cmpf olt, %select_n3A_131, %select_n3A_112 : vector<200x256xf32>
    %select_n3A_134 = arith.select %lt3A_133, %select_n3A_131, %select_n3A_112 : vector<200x256xi1>, vector<200x256xf32>
    %select_n3A_135 = arith.select %lt3A_133, %select_n3A_132, %select_n3A_113 : vector<200x256xi1>, vector<200x256xi32>
    %slice3A_136 = vector.extract_strided_slice %add3A_13 {offsets = [0, 1280], sizes = [200, 256], strides = [1, 1]} : vector<200x10240xf32> to vector<200x256xf32>
    %add3A_137 = arith.constant 1280 : i32
    %add3A_138 = vector.broadcast %add3A_137 : i32 to vector<200x256xi32>
    %add3A_139 = arith.addi %iota3A, %add3A_138 : vector<200x256xi32>
    %lt3A_140 = arith.cmpf olt, %slice3A_136, %select_n3A_119 : vector<200x256xf32>
    %select_n3A_141 = arith.select %lt3A_140, %slice3A_136, %select_n3A_119 : vector<200x256xi1>, vector<200x256xf32>
    %select_n3A_142 = arith.select %lt3A_140, %add3A_139, %select_n3A_120 : vector<200x256xi1>, vector<200x256xi32>
    %select_n3A_143 = arith.select %lt3A_140, %select_n3A_119, %slice3A_136 : vector<200x256xi1>, vector<200x256xf32>
    %select_n3A_144 = arith.select %lt3A_140, %select_n3A_120, %add3A_139 : vector<200x256xi1>, vector<200x256xi32>
    %lt3A_145 = arith.cmpf olt, %select_n3A_143, %select_n3A_124 : vector<200x256xf32>
    %select_n3A_146 = arith.select %lt3A_145, %select_n3A_143, %select_n3A_124 : vector<200x256xi1>, vector<200x256xf32>
    %select_n3A_147 = arith.select %lt3A_145, %select_n3A_144, %select_n3A_125 : vector<200x256xi1>, vector<200x256xi32>
    %select_n3A_148 = arith.select %lt3A_145, %select_n3A_124, %select_n3A_143 : vector<200x256xi1>, vector<200x256xf32>
    %select_n3A_149 = arith.select %lt3A_145, %select_n3A_125, %select_n3A_144 : vector<200x256xi1>, vector<200x256xi32>
    %lt3A_150 = arith.cmpf olt, %select_n3A_148, %select_n3A_129 : vector<200x256xf32>
    %select_n3A_151 = arith.select %lt3A_150, %select_n3A_148, %select_n3A_129 : vector<200x256xi1>, vector<200x256xf32>
    %select_n3A_152 = arith.select %lt3A_150, %select_n3A_149, %select_n3A_130 : vector<200x256xi1>, vector<200x256xi32>
    %select_n3A_153 = arith.select %lt3A_150, %select_n3A_129, %select_n3A_148 : vector<200x256xi1>, vector<200x256xf32>
    %select_n3A_154 = arith.select %lt3A_150, %select_n3A_130, %select_n3A_149 : vector<200x256xi1>, vector<200x256xi32>
    %lt3A_155 = arith.cmpf olt, %select_n3A_153, %select_n3A_134 : vector<200x256xf32>
    %select_n3A_156 = arith.select %lt3A_155, %select_n3A_153, %select_n3A_134 : vector<200x256xi1>, vector<200x256xf32>
    %select_n3A_157 = arith.select %lt3A_155, %select_n3A_154, %select_n3A_135 : vector<200x256xi1>, vector<200x256xi32>
    %slice3A_158 = vector.extract_strided_slice %add3A_13 {offsets = [0, 1536], sizes = [200, 256], strides = [1, 1]} : vector<200x10240xf32> to vector<200x256xf32>
    %add3A_159 = arith.constant 1536 : i32
    %add3A_160 = vector.broadcast %add3A_159 : i32 to vector<200x256xi32>
    %add3A_161 = arith.addi %iota3A, %add3A_160 : vector<200x256xi32>
    %lt3A_162 = arith.cmpf olt, %slice3A_158, %select_n3A_141 : vector<200x256xf32>
    %select_n3A_163 = arith.select %lt3A_162, %slice3A_158, %select_n3A_141 : vector<200x256xi1>, vector<200x256xf32>
    %select_n3A_164 = arith.select %lt3A_162, %add3A_161, %select_n3A_142 : vector<200x256xi1>, vector<200x256xi32>
    %select_n3A_165 = arith.select %lt3A_162, %select_n3A_141, %slice3A_158 : vector<200x256xi1>, vector<200x256xf32>
    %select_n3A_166 = arith.select %lt3A_162, %select_n3A_142, %add3A_161 : vector<200x256xi1>, vector<200x256xi32>
    %lt3A_167 = arith.cmpf olt, %select_n3A_165, %select_n3A_146 : vector<200x256xf32>
    %select_n3A_168 = arith.select %lt3A_167, %select_n3A_165, %select_n3A_146 : vector<200x256xi1>, vector<200x256xf32>
    %select_n3A_169 = arith.select %lt3A_167, %select_n3A_166, %select_n3A_147 : vector<200x256xi1>, vector<200x256xi32>
    %select_n3A_170 = arith.select %lt3A_167, %select_n3A_146, %select_n3A_165 : vector<200x256xi1>, vector<200x256xf32>
    %select_n3A_171 = arith.select %lt3A_167, %select_n3A_147, %select_n3A_166 : vector<200x256xi1>, vector<200x256xi32>
    %lt3A_172 = arith.cmpf olt, %select_n3A_170, %select_n3A_151 : vector<200x256xf32>
    %select_n3A_173 = arith.select %lt3A_172, %select_n3A_170, %select_n3A_151 : vector<200x256xi1>, vector<200x256xf32>
    %select_n3A_174 = arith.select %lt3A_172, %select_n3A_171, %select_n3A_152 : vector<200x256xi1>, vector<200x256xi32>
    %select_n3A_175 = arith.select %lt3A_172, %select_n3A_151, %select_n3A_170 : vector<200x256xi1>, vector<200x256xf32>
    %select_n3A_176 = arith.select %lt3A_172, %select_n3A_152, %select_n3A_171 : vector<200x256xi1>, vector<200x256xi32>
    %lt3A_177 = arith.cmpf olt, %select_n3A_175, %select_n3A_156 : vector<200x256xf32>
    %select_n3A_178 = arith.select %lt3A_177, %select_n3A_175, %select_n3A_156 : vector<200x256xi1>, vector<200x256xf32>
    %select_n3A_179 = arith.select %lt3A_177, %select_n3A_176, %select_n3A_157 : vector<200x256xi1>, vector<200x256xi32>
    %slice3A_180 = vector.extract_strided_slice %add3A_13 {offsets = [0, 1792], sizes = [200, 256], strides = [1, 1]} : vector<200x10240xf32> to vector<200x256xf32>
    %add3A_181 = arith.constant 1792 : i32
    %add3A_182 = vector.broadcast %add3A_181 : i32 to vector<200x256xi32>
    %add3A_183 = arith.addi %iota3A, %add3A_182 : vector<200x256xi32>
    %lt3A_184 = arith.cmpf olt, %slice3A_180, %select_n3A_163 : vector<200x256xf32>
    %select_n3A_185 = arith.select %lt3A_184, %slice3A_180, %select_n3A_163 : vector<200x256xi1>, vector<200x256xf32>
    %select_n3A_186 = arith.select %lt3A_184, %add3A_183, %select_n3A_164 : vector<200x256xi1>, vector<200x256xi32>
    %select_n3A_187 = arith.select %lt3A_184, %select_n3A_163, %slice3A_180 : vector<200x256xi1>, vector<200x256xf32>
    %select_n3A_188 = arith.select %lt3A_184, %select_n3A_164, %add3A_183 : vector<200x256xi1>, vector<200x256xi32>
    %lt3A_189 = arith.cmpf olt, %select_n3A_187, %select_n3A_168 : vector<200x256xf32>
    %select_n3A_190 = arith.select %lt3A_189, %select_n3A_187, %select_n3A_168 : vector<200x256xi1>, vector<200x256xf32>
    %select_n3A_191 = arith.select %lt3A_189, %select_n3A_188, %select_n3A_169 : vector<200x256xi1>, vector<200x256xi32>
    %select_n3A_192 = arith.select %lt3A_189, %select_n3A_168, %select_n3A_187 : vector<200x256xi1>, vector<200x256xf32>
    %select_n3A_193 = arith.select %lt3A_189, %select_n3A_169, %select_n3A_188 : vector<200x256xi1>, vector<200x256xi32>
    %lt3A_194 = arith.cmpf olt, %select_n3A_192, %select_n3A_173 : vector<200x256xf32>
    %select_n3A_195 = arith.select %lt3A_194, %select_n3A_192, %select_n3A_173 : vector<200x256xi1>, vector<200x256xf32>
    %select_n3A_196 = arith.select %lt3A_194, %select_n3A_193, %select_n3A_174 : vector<200x256xi1>, vector<200x256xi32>
    %select_n3A_197 = arith.select %lt3A_194, %select_n3A_173, %select_n3A_192 : vector<200x256xi1>, vector<200x256xf32>
    %select_n3A_198 = arith.select %lt3A_194, %select_n3A_174, %select_n3A_193 : vector<200x256xi1>, vector<200x256xi32>
    %lt3A_199 = arith.cmpf olt, %select_n3A_197, %select_n3A_178 : vector<200x256xf32>
    %select_n3A_200 = arith.select %lt3A_199, %select_n3A_197, %select_n3A_178 : vector<200x256xi1>, vector<200x256xf32>
    %select_n3A_201 = arith.select %lt3A_199, %select_n3A_198, %select_n3A_179 : vector<200x256xi1>, vector<200x256xi32>
    %slice3A_202 = vector.extract_strided_slice %add3A_13 {offsets = [0, 2048], sizes = [200, 256], strides = [1, 1]} : vector<200x10240xf32> to vector<200x256xf32>
    %add3A_203 = arith.constant 2048 : i32
    %add3A_204 = vector.broadcast %add3A_203 : i32 to vector<200x256xi32>
    %add3A_205 = arith.addi %iota3A, %add3A_204 : vector<200x256xi32>
    %lt3A_206 = arith.cmpf olt, %slice3A_202, %select_n3A_185 : vector<200x256xf32>
    %select_n3A_207 = arith.select %lt3A_206, %slice3A_202, %select_n3A_185 : vector<200x256xi1>, vector<200x256xf32>
    %select_n3A_208 = arith.select %lt3A_206, %add3A_205, %select_n3A_186 : vector<200x256xi1>, vector<200x256xi32>
    %select_n3A_209 = arith.select %lt3A_206, %select_n3A_185, %slice3A_202 : vector<200x256xi1>, vector<200x256xf32>
    %select_n3A_210 = arith.select %lt3A_206, %select_n3A_186, %add3A_205 : vector<200x256xi1>, vector<200x256xi32>
    %lt3A_211 = arith.cmpf olt, %select_n3A_209, %select_n3A_190 : vector<200x256xf32>
    %select_n3A_212 = arith.select %lt3A_211, %select_n3A_209, %select_n3A_190 : vector<200x256xi1>, vector<200x256xf32>
    %select_n3A_213 = arith.select %lt3A_211, %select_n3A_210, %select_n3A_191 : vector<200x256xi1>, vector<200x256xi32>
    %select_n3A_214 = arith.select %lt3A_211, %select_n3A_190, %select_n3A_209 : vector<200x256xi1>, vector<200x256xf32>
    %select_n3A_215 = arith.select %lt3A_211, %select_n3A_191, %select_n3A_210 : vector<200x256xi1>, vector<200x256xi32>
    %lt3A_216 = arith.cmpf olt, %select_n3A_214, %select_n3A_195 : vector<200x256xf32>
    %select_n3A_217 = arith.select %lt3A_216, %select_n3A_214, %select_n3A_195 : vector<200x256xi1>, vector<200x256xf32>
    %select_n3A_218 = arith.select %lt3A_216, %select_n3A_215, %select_n3A_196 : vector<200x256xi1>, vector<200x256xi32>
    %select_n3A_219 = arith.select %lt3A_216, %select_n3A_195, %select_n3A_214 : vector<200x256xi1>, vector<200x256xf32>
    %select_n3A_220 = arith.select %lt3A_216, %select_n3A_196, %select_n3A_215 : vector<200x256xi1>, vector<200x256xi32>
    %lt3A_221 = arith.cmpf olt, %select_n3A_219, %select_n3A_200 : vector<200x256xf32>
    %select_n3A_222 = arith.select %lt3A_221, %select_n3A_219, %select_n3A_200 : vector<200x256xi1>, vector<200x256xf32>
    %select_n3A_223 = arith.select %lt3A_221, %select_n3A_220, %select_n3A_201 : vector<200x256xi1>, vector<200x256xi32>
    %slice3A_224 = vector.extract_strided_slice %add3A_13 {offsets = [0, 2304], sizes = [200, 256], strides = [1, 1]} : vector<200x10240xf32> to vector<200x256xf32>
    %add3A_225 = arith.constant 2304 : i32
    %add3A_226 = vector.broadcast %add3A_225 : i32 to vector<200x256xi32>
    %add3A_227 = arith.addi %iota3A, %add3A_226 : vector<200x256xi32>
    %lt3A_228 = arith.cmpf olt, %slice3A_224, %select_n3A_207 : vector<200x256xf32>
    %select_n3A_229 = arith.select %lt3A_228, %slice3A_224, %select_n3A_207 : vector<200x256xi1>, vector<200x256xf32>
    %select_n3A_230 = arith.select %lt3A_228, %add3A_227, %select_n3A_208 : vector<200x256xi1>, vector<200x256xi32>
    %select_n3A_231 = arith.select %lt3A_228, %select_n3A_207, %slice3A_224 : vector<200x256xi1>, vector<200x256xf32>
    %select_n3A_232 = arith.select %lt3A_228, %select_n3A_208, %add3A_227 : vector<200x256xi1>, vector<200x256xi32>
    %lt3A_233 = arith.cmpf olt, %select_n3A_231, %select_n3A_212 : vector<200x256xf32>
    %select_n3A_234 = arith.select %lt3A_233, %select_n3A_231, %select_n3A_212 : vector<200x256xi1>, vector<200x256xf32>
    %select_n3A_235 = arith.select %lt3A_233, %select_n3A_232, %select_n3A_213 : vector<200x256xi1>, vector<200x256xi32>
    %select_n3A_236 = arith.select %lt3A_233, %select_n3A_212, %select_n3A_231 : vector<200x256xi1>, vector<200x256xf32>
    %select_n3A_237 = arith.select %lt3A_233, %select_n3A_213, %select_n3A_232 : vector<200x256xi1>, vector<200x256xi32>
    %lt3A_238 = arith.cmpf olt, %select_n3A_236, %select_n3A_217 : vector<200x256xf32>
    %select_n3A_239 = arith.select %lt3A_238, %select_n3A_236, %select_n3A_217 : vector<200x256xi1>, vector<200x256xf32>
    %select_n3A_240 = arith.select %lt3A_238, %select_n3A_237, %select_n3A_218 : vector<200x256xi1>, vector<200x256xi32>
    %select_n3A_241 = arith.select %lt3A_238, %select_n3A_217, %select_n3A_236 : vector<200x256xi1>, vector<200x256xf32>
    %select_n3A_242 = arith.select %lt3A_238, %select_n3A_218, %select_n3A_237 : vector<200x256xi1>, vector<200x256xi32>
    %lt3A_243 = arith.cmpf olt, %select_n3A_241, %select_n3A_222 : vector<200x256xf32>
    %select_n3A_244 = arith.select %lt3A_243, %select_n3A_241, %select_n3A_222 : vector<200x256xi1>, vector<200x256xf32>
    %select_n3A_245 = arith.select %lt3A_243, %select_n3A_242, %select_n3A_223 : vector<200x256xi1>, vector<200x256xi32>
    %slice3A_246 = vector.extract_strided_slice %add3A_13 {offsets = [0, 2560], sizes = [200, 256], strides = [1, 1]} : vector<200x10240xf32> to vector<200x256xf32>
    %add3A_247 = arith.constant 2560 : i32
    %add3A_248 = vector.broadcast %add3A_247 : i32 to vector<200x256xi32>
    %add3A_249 = arith.addi %iota3A, %add3A_248 : vector<200x256xi32>
    %lt3A_250 = arith.cmpf olt, %slice3A_246, %select_n3A_229 : vector<200x256xf32>
    %select_n3A_251 = arith.select %lt3A_250, %slice3A_246, %select_n3A_229 : vector<200x256xi1>, vector<200x256xf32>
    %select_n3A_252 = arith.select %lt3A_250, %add3A_249, %select_n3A_230 : vector<200x256xi1>, vector<200x256xi32>
    %select_n3A_253 = arith.select %lt3A_250, %select_n3A_229, %slice3A_246 : vector<200x256xi1>, vector<200x256xf32>
    %select_n3A_254 = arith.select %lt3A_250, %select_n3A_230, %add3A_249 : vector<200x256xi1>, vector<200x256xi32>
    %lt3A_255 = arith.cmpf olt, %select_n3A_253, %select_n3A_234 : vector<200x256xf32>
    %select_n3A_256 = arith.select %lt3A_255, %select_n3A_253, %select_n3A_234 : vector<200x256xi1>, vector<200x256xf32>
    %select_n3A_257 = arith.select %lt3A_255, %select_n3A_254, %select_n3A_235 : vector<200x256xi1>, vector<200x256xi32>
    %select_n3A_258 = arith.select %lt3A_255, %select_n3A_234, %select_n3A_253 : vector<200x256xi1>, vector<200x256xf32>
    %select_n3A_259 = arith.select %lt3A_255, %select_n3A_235, %select_n3A_254 : vector<200x256xi1>, vector<200x256xi32>
    %lt3A_260 = arith.cmpf olt, %select_n3A_258, %select_n3A_239 : vector<200x256xf32>
    %select_n3A_261 = arith.select %lt3A_260, %select_n3A_258, %select_n3A_239 : vector<200x256xi1>, vector<200x256xf32>
    %select_n3A_262 = arith.select %lt3A_260, %select_n3A_259, %select_n3A_240 : vector<200x256xi1>, vector<200x256xi32>
    %select_n3A_263 = arith.select %lt3A_260, %select_n3A_239, %select_n3A_258 : vector<200x256xi1>, vector<200x256xf32>
    %select_n3A_264 = arith.select %lt3A_260, %select_n3A_240, %select_n3A_259 : vector<200x256xi1>, vector<200x256xi32>
    %lt3A_265 = arith.cmpf olt, %select_n3A_263, %select_n3A_244 : vector<200x256xf32>
    %select_n3A_266 = arith.select %lt3A_265, %select_n3A_263, %select_n3A_244 : vector<200x256xi1>, vector<200x256xf32>
    %select_n3A_267 = arith.select %lt3A_265, %select_n3A_264, %select_n3A_245 : vector<200x256xi1>, vector<200x256xi32>
    %slice3A_268 = vector.extract_strided_slice %add3A_13 {offsets = [0, 2816], sizes = [200, 256], strides = [1, 1]} : vector<200x10240xf32> to vector<200x256xf32>
    %add3A_269 = arith.constant 2816 : i32
    %add3A_270 = vector.broadcast %add3A_269 : i32 to vector<200x256xi32>
    %add3A_271 = arith.addi %iota3A, %add3A_270 : vector<200x256xi32>
    %lt3A_272 = arith.cmpf olt, %slice3A_268, %select_n3A_251 : vector<200x256xf32>
    %select_n3A_273 = arith.select %lt3A_272, %slice3A_268, %select_n3A_251 : vector<200x256xi1>, vector<200x256xf32>
    %select_n3A_274 = arith.select %lt3A_272, %add3A_271, %select_n3A_252 : vector<200x256xi1>, vector<200x256xi32>
    %select_n3A_275 = arith.select %lt3A_272, %select_n3A_251, %slice3A_268 : vector<200x256xi1>, vector<200x256xf32>
    %select_n3A_276 = arith.select %lt3A_272, %select_n3A_252, %add3A_271 : vector<200x256xi1>, vector<200x256xi32>
    %lt3A_277 = arith.cmpf olt, %select_n3A_275, %select_n3A_256 : vector<200x256xf32>
    %select_n3A_278 = arith.select %lt3A_277, %select_n3A_275, %select_n3A_256 : vector<200x256xi1>, vector<200x256xf32>
    %select_n3A_279 = arith.select %lt3A_277, %select_n3A_276, %select_n3A_257 : vector<200x256xi1>, vector<200x256xi32>
    %select_n3A_280 = arith.select %lt3A_277, %select_n3A_256, %select_n3A_275 : vector<200x256xi1>, vector<200x256xf32>
    %select_n3A_281 = arith.select %lt3A_277, %select_n3A_257, %select_n3A_276 : vector<200x256xi1>, vector<200x256xi32>
    %lt3A_282 = arith.cmpf olt, %select_n3A_280, %select_n3A_261 : vector<200x256xf32>
    %select_n3A_283 = arith.select %lt3A_282, %select_n3A_280, %select_n3A_261 : vector<200x256xi1>, vector<200x256xf32>
    %select_n3A_284 = arith.select %lt3A_282, %select_n3A_281, %select_n3A_262 : vector<200x256xi1>, vector<200x256xi32>
    %select_n3A_285 = arith.select %lt3A_282, %select_n3A_261, %select_n3A_280 : vector<200x256xi1>, vector<200x256xf32>
    %select_n3A_286 = arith.select %lt3A_282, %select_n3A_262, %select_n3A_281 : vector<200x256xi1>, vector<200x256xi32>
    %lt3A_287 = arith.cmpf olt, %select_n3A_285, %select_n3A_266 : vector<200x256xf32>
    %select_n3A_288 = arith.select %lt3A_287, %select_n3A_285, %select_n3A_266 : vector<200x256xi1>, vector<200x256xf32>
    %select_n3A_289 = arith.select %lt3A_287, %select_n3A_286, %select_n3A_267 : vector<200x256xi1>, vector<200x256xi32>
    %slice3A_290 = vector.extract_strided_slice %add3A_13 {offsets = [0, 3072], sizes = [200, 256], strides = [1, 1]} : vector<200x10240xf32> to vector<200x256xf32>
    %add3A_291 = arith.constant 3072 : i32
    %add3A_292 = vector.broadcast %add3A_291 : i32 to vector<200x256xi32>
    %add3A_293 = arith.addi %iota3A, %add3A_292 : vector<200x256xi32>
    %lt3A_294 = arith.cmpf olt, %slice3A_290, %select_n3A_273 : vector<200x256xf32>
    %select_n3A_295 = arith.select %lt3A_294, %slice3A_290, %select_n3A_273 : vector<200x256xi1>, vector<200x256xf32>
    %select_n3A_296 = arith.select %lt3A_294, %add3A_293, %select_n3A_274 : vector<200x256xi1>, vector<200x256xi32>
    %select_n3A_297 = arith.select %lt3A_294, %select_n3A_273, %slice3A_290 : vector<200x256xi1>, vector<200x256xf32>
    %select_n3A_298 = arith.select %lt3A_294, %select_n3A_274, %add3A_293 : vector<200x256xi1>, vector<200x256xi32>
    %lt3A_299 = arith.cmpf olt, %select_n3A_297, %select_n3A_278 : vector<200x256xf32>
    %select_n3A_300 = arith.select %lt3A_299, %select_n3A_297, %select_n3A_278 : vector<200x256xi1>, vector<200x256xf32>
    %select_n3A_301 = arith.select %lt3A_299, %select_n3A_298, %select_n3A_279 : vector<200x256xi1>, vector<200x256xi32>
    %select_n3A_302 = arith.select %lt3A_299, %select_n3A_278, %select_n3A_297 : vector<200x256xi1>, vector<200x256xf32>
    %select_n3A_303 = arith.select %lt3A_299, %select_n3A_279, %select_n3A_298 : vector<200x256xi1>, vector<200x256xi32>
    %lt3A_304 = arith.cmpf olt, %select_n3A_302, %select_n3A_283 : vector<200x256xf32>
    %select_n3A_305 = arith.select %lt3A_304, %select_n3A_302, %select_n3A_283 : vector<200x256xi1>, vector<200x256xf32>
    %select_n3A_306 = arith.select %lt3A_304, %select_n3A_303, %select_n3A_284 : vector<200x256xi1>, vector<200x256xi32>
    %select_n3A_307 = arith.select %lt3A_304, %select_n3A_283, %select_n3A_302 : vector<200x256xi1>, vector<200x256xf32>
    %select_n3A_308 = arith.select %lt3A_304, %select_n3A_284, %select_n3A_303 : vector<200x256xi1>, vector<200x256xi32>
    %lt3A_309 = arith.cmpf olt, %select_n3A_307, %select_n3A_288 : vector<200x256xf32>
    %select_n3A_310 = arith.select %lt3A_309, %select_n3A_307, %select_n3A_288 : vector<200x256xi1>, vector<200x256xf32>
    %select_n3A_311 = arith.select %lt3A_309, %select_n3A_308, %select_n3A_289 : vector<200x256xi1>, vector<200x256xi32>
    %slice3A_312 = vector.extract_strided_slice %add3A_13 {offsets = [0, 3328], sizes = [200, 256], strides = [1, 1]} : vector<200x10240xf32> to vector<200x256xf32>
    %add3A_313 = arith.constant 3328 : i32
    %add3A_314 = vector.broadcast %add3A_313 : i32 to vector<200x256xi32>
    %add3A_315 = arith.addi %iota3A, %add3A_314 : vector<200x256xi32>
    %lt3A_316 = arith.cmpf olt, %slice3A_312, %select_n3A_295 : vector<200x256xf32>
    %select_n3A_317 = arith.select %lt3A_316, %slice3A_312, %select_n3A_295 : vector<200x256xi1>, vector<200x256xf32>
    %select_n3A_318 = arith.select %lt3A_316, %add3A_315, %select_n3A_296 : vector<200x256xi1>, vector<200x256xi32>
    %select_n3A_319 = arith.select %lt3A_316, %select_n3A_295, %slice3A_312 : vector<200x256xi1>, vector<200x256xf32>
    %select_n3A_320 = arith.select %lt3A_316, %select_n3A_296, %add3A_315 : vector<200x256xi1>, vector<200x256xi32>
    %lt3A_321 = arith.cmpf olt, %select_n3A_319, %select_n3A_300 : vector<200x256xf32>
    %select_n3A_322 = arith.select %lt3A_321, %select_n3A_319, %select_n3A_300 : vector<200x256xi1>, vector<200x256xf32>
    %select_n3A_323 = arith.select %lt3A_321, %select_n3A_320, %select_n3A_301 : vector<200x256xi1>, vector<200x256xi32>
    %select_n3A_324 = arith.select %lt3A_321, %select_n3A_300, %select_n3A_319 : vector<200x256xi1>, vector<200x256xf32>
    %select_n3A_325 = arith.select %lt3A_321, %select_n3A_301, %select_n3A_320 : vector<200x256xi1>, vector<200x256xi32>
    %lt3A_326 = arith.cmpf olt, %select_n3A_324, %select_n3A_305 : vector<200x256xf32>
    %select_n3A_327 = arith.select %lt3A_326, %select_n3A_324, %select_n3A_305 : vector<200x256xi1>, vector<200x256xf32>
    %select_n3A_328 = arith.select %lt3A_326, %select_n3A_325, %select_n3A_306 : vector<200x256xi1>, vector<200x256xi32>
    %select_n3A_329 = arith.select %lt3A_326, %select_n3A_305, %select_n3A_324 : vector<200x256xi1>, vector<200x256xf32>
    %select_n3A_330 = arith.select %lt3A_326, %select_n3A_306, %select_n3A_325 : vector<200x256xi1>, vector<200x256xi32>
    %lt3A_331 = arith.cmpf olt, %select_n3A_329, %select_n3A_310 : vector<200x256xf32>
    %select_n3A_332 = arith.select %lt3A_331, %select_n3A_329, %select_n3A_310 : vector<200x256xi1>, vector<200x256xf32>
    %select_n3A_333 = arith.select %lt3A_331, %select_n3A_330, %select_n3A_311 : vector<200x256xi1>, vector<200x256xi32>
    %slice3A_334 = vector.extract_strided_slice %add3A_13 {offsets = [0, 3584], sizes = [200, 256], strides = [1, 1]} : vector<200x10240xf32> to vector<200x256xf32>
    %add3A_335 = arith.constant 3584 : i32
    %add3A_336 = vector.broadcast %add3A_335 : i32 to vector<200x256xi32>
    %add3A_337 = arith.addi %iota3A, %add3A_336 : vector<200x256xi32>
    %lt3A_338 = arith.cmpf olt, %slice3A_334, %select_n3A_317 : vector<200x256xf32>
    %select_n3A_339 = arith.select %lt3A_338, %slice3A_334, %select_n3A_317 : vector<200x256xi1>, vector<200x256xf32>
    %select_n3A_340 = arith.select %lt3A_338, %add3A_337, %select_n3A_318 : vector<200x256xi1>, vector<200x256xi32>
    %select_n3A_341 = arith.select %lt3A_338, %select_n3A_317, %slice3A_334 : vector<200x256xi1>, vector<200x256xf32>
    %select_n3A_342 = arith.select %lt3A_338, %select_n3A_318, %add3A_337 : vector<200x256xi1>, vector<200x256xi32>
    %lt3A_343 = arith.cmpf olt, %select_n3A_341, %select_n3A_322 : vector<200x256xf32>
    %select_n3A_344 = arith.select %lt3A_343, %select_n3A_341, %select_n3A_322 : vector<200x256xi1>, vector<200x256xf32>
    %select_n3A_345 = arith.select %lt3A_343, %select_n3A_342, %select_n3A_323 : vector<200x256xi1>, vector<200x256xi32>
    %select_n3A_346 = arith.select %lt3A_343, %select_n3A_322, %select_n3A_341 : vector<200x256xi1>, vector<200x256xf32>
    %select_n3A_347 = arith.select %lt3A_343, %select_n3A_323, %select_n3A_342 : vector<200x256xi1>, vector<200x256xi32>
    %lt3A_348 = arith.cmpf olt, %select_n3A_346, %select_n3A_327 : vector<200x256xf32>
    %select_n3A_349 = arith.select %lt3A_348, %select_n3A_346, %select_n3A_327 : vector<200x256xi1>, vector<200x256xf32>
    %select_n3A_350 = arith.select %lt3A_348, %select_n3A_347, %select_n3A_328 : vector<200x256xi1>, vector<200x256xi32>
    %select_n3A_351 = arith.select %lt3A_348, %select_n3A_327, %select_n3A_346 : vector<200x256xi1>, vector<200x256xf32>
    %select_n3A_352 = arith.select %lt3A_348, %select_n3A_328, %select_n3A_347 : vector<200x256xi1>, vector<200x256xi32>
    %lt3A_353 = arith.cmpf olt, %select_n3A_351, %select_n3A_332 : vector<200x256xf32>
    %select_n3A_354 = arith.select %lt3A_353, %select_n3A_351, %select_n3A_332 : vector<200x256xi1>, vector<200x256xf32>
    %select_n3A_355 = arith.select %lt3A_353, %select_n3A_352, %select_n3A_333 : vector<200x256xi1>, vector<200x256xi32>
    %slice3A_356 = vector.extract_strided_slice %add3A_13 {offsets = [0, 3840], sizes = [200, 256], strides = [1, 1]} : vector<200x10240xf32> to vector<200x256xf32>
    %add3A_357 = arith.constant 3840 : i32
    %add3A_358 = vector.broadcast %add3A_357 : i32 to vector<200x256xi32>
    %add3A_359 = arith.addi %iota3A, %add3A_358 : vector<200x256xi32>
    %lt3A_360 = arith.cmpf olt, %slice3A_356, %select_n3A_339 : vector<200x256xf32>
    %select_n3A_361 = arith.select %lt3A_360, %slice3A_356, %select_n3A_339 : vector<200x256xi1>, vector<200x256xf32>
    %select_n3A_362 = arith.select %lt3A_360, %add3A_359, %select_n3A_340 : vector<200x256xi1>, vector<200x256xi32>
    %select_n3A_363 = arith.select %lt3A_360, %select_n3A_339, %slice3A_356 : vector<200x256xi1>, vector<200x256xf32>
    %select_n3A_364 = arith.select %lt3A_360, %select_n3A_340, %add3A_359 : vector<200x256xi1>, vector<200x256xi32>
    %lt3A_365 = arith.cmpf olt, %select_n3A_363, %select_n3A_344 : vector<200x256xf32>
    %select_n3A_366 = arith.select %lt3A_365, %select_n3A_363, %select_n3A_344 : vector<200x256xi1>, vector<200x256xf32>
    %select_n3A_367 = arith.select %lt3A_365, %select_n3A_364, %select_n3A_345 : vector<200x256xi1>, vector<200x256xi32>
    %select_n3A_368 = arith.select %lt3A_365, %select_n3A_344, %select_n3A_363 : vector<200x256xi1>, vector<200x256xf32>
    %select_n3A_369 = arith.select %lt3A_365, %select_n3A_345, %select_n3A_364 : vector<200x256xi1>, vector<200x256xi32>
    %lt3A_370 = arith.cmpf olt, %select_n3A_368, %select_n3A_349 : vector<200x256xf32>
    %select_n3A_371 = arith.select %lt3A_370, %select_n3A_368, %select_n3A_349 : vector<200x256xi1>, vector<200x256xf32>
    %select_n3A_372 = arith.select %lt3A_370, %select_n3A_369, %select_n3A_350 : vector<200x256xi1>, vector<200x256xi32>
    %select_n3A_373 = arith.select %lt3A_370, %select_n3A_349, %select_n3A_368 : vector<200x256xi1>, vector<200x256xf32>
    %select_n3A_374 = arith.select %lt3A_370, %select_n3A_350, %select_n3A_369 : vector<200x256xi1>, vector<200x256xi32>
    %lt3A_375 = arith.cmpf olt, %select_n3A_373, %select_n3A_354 : vector<200x256xf32>
    %select_n3A_376 = arith.select %lt3A_375, %select_n3A_373, %select_n3A_354 : vector<200x256xi1>, vector<200x256xf32>
    %select_n3A_377 = arith.select %lt3A_375, %select_n3A_374, %select_n3A_355 : vector<200x256xi1>, vector<200x256xi32>
    %slice3A_378 = vector.extract_strided_slice %add3A_13 {offsets = [0, 4096], sizes = [200, 256], strides = [1, 1]} : vector<200x10240xf32> to vector<200x256xf32>
    %add3A_379 = arith.constant 4096 : i32
    %add3A_380 = vector.broadcast %add3A_379 : i32 to vector<200x256xi32>
    %add3A_381 = arith.addi %iota3A, %add3A_380 : vector<200x256xi32>
    %lt3A_382 = arith.cmpf olt, %slice3A_378, %select_n3A_361 : vector<200x256xf32>
    %select_n3A_383 = arith.select %lt3A_382, %slice3A_378, %select_n3A_361 : vector<200x256xi1>, vector<200x256xf32>
    %select_n3A_384 = arith.select %lt3A_382, %add3A_381, %select_n3A_362 : vector<200x256xi1>, vector<200x256xi32>
    %select_n3A_385 = arith.select %lt3A_382, %select_n3A_361, %slice3A_378 : vector<200x256xi1>, vector<200x256xf32>
    %select_n3A_386 = arith.select %lt3A_382, %select_n3A_362, %add3A_381 : vector<200x256xi1>, vector<200x256xi32>
    %lt3A_387 = arith.cmpf olt, %select_n3A_385, %select_n3A_366 : vector<200x256xf32>
    %select_n3A_388 = arith.select %lt3A_387, %select_n3A_385, %select_n3A_366 : vector<200x256xi1>, vector<200x256xf32>
    %select_n3A_389 = arith.select %lt3A_387, %select_n3A_386, %select_n3A_367 : vector<200x256xi1>, vector<200x256xi32>
    %select_n3A_390 = arith.select %lt3A_387, %select_n3A_366, %select_n3A_385 : vector<200x256xi1>, vector<200x256xf32>
    %select_n3A_391 = arith.select %lt3A_387, %select_n3A_367, %select_n3A_386 : vector<200x256xi1>, vector<200x256xi32>
    %lt3A_392 = arith.cmpf olt, %select_n3A_390, %select_n3A_371 : vector<200x256xf32>
    %select_n3A_393 = arith.select %lt3A_392, %select_n3A_390, %select_n3A_371 : vector<200x256xi1>, vector<200x256xf32>
    %select_n3A_394 = arith.select %lt3A_392, %select_n3A_391, %select_n3A_372 : vector<200x256xi1>, vector<200x256xi32>
    %select_n3A_395 = arith.select %lt3A_392, %select_n3A_371, %select_n3A_390 : vector<200x256xi1>, vector<200x256xf32>
    %select_n3A_396 = arith.select %lt3A_392, %select_n3A_372, %select_n3A_391 : vector<200x256xi1>, vector<200x256xi32>
    %lt3A_397 = arith.cmpf olt, %select_n3A_395, %select_n3A_376 : vector<200x256xf32>
    %select_n3A_398 = arith.select %lt3A_397, %select_n3A_395, %select_n3A_376 : vector<200x256xi1>, vector<200x256xf32>
    %select_n3A_399 = arith.select %lt3A_397, %select_n3A_396, %select_n3A_377 : vector<200x256xi1>, vector<200x256xi32>
    %slice3A_400 = vector.extract_strided_slice %add3A_13 {offsets = [0, 4352], sizes = [200, 256], strides = [1, 1]} : vector<200x10240xf32> to vector<200x256xf32>
    %add3A_401 = arith.constant 4352 : i32
    %add3A_402 = vector.broadcast %add3A_401 : i32 to vector<200x256xi32>
    %add3A_403 = arith.addi %iota3A, %add3A_402 : vector<200x256xi32>
    %lt3A_404 = arith.cmpf olt, %slice3A_400, %select_n3A_383 : vector<200x256xf32>
    %select_n3A_405 = arith.select %lt3A_404, %slice3A_400, %select_n3A_383 : vector<200x256xi1>, vector<200x256xf32>
    %select_n3A_406 = arith.select %lt3A_404, %add3A_403, %select_n3A_384 : vector<200x256xi1>, vector<200x256xi32>
    %select_n3A_407 = arith.select %lt3A_404, %select_n3A_383, %slice3A_400 : vector<200x256xi1>, vector<200x256xf32>
    %select_n3A_408 = arith.select %lt3A_404, %select_n3A_384, %add3A_403 : vector<200x256xi1>, vector<200x256xi32>
    %lt3A_409 = arith.cmpf olt, %select_n3A_407, %select_n3A_388 : vector<200x256xf32>
    %select_n3A_410 = arith.select %lt3A_409, %select_n3A_407, %select_n3A_388 : vector<200x256xi1>, vector<200x256xf32>
    %select_n3A_411 = arith.select %lt3A_409, %select_n3A_408, %select_n3A_389 : vector<200x256xi1>, vector<200x256xi32>
    %select_n3A_412 = arith.select %lt3A_409, %select_n3A_388, %select_n3A_407 : vector<200x256xi1>, vector<200x256xf32>
    %select_n3A_413 = arith.select %lt3A_409, %select_n3A_389, %select_n3A_408 : vector<200x256xi1>, vector<200x256xi32>
    %lt3A_414 = arith.cmpf olt, %select_n3A_412, %select_n3A_393 : vector<200x256xf32>
    %select_n3A_415 = arith.select %lt3A_414, %select_n3A_412, %select_n3A_393 : vector<200x256xi1>, vector<200x256xf32>
    %select_n3A_416 = arith.select %lt3A_414, %select_n3A_413, %select_n3A_394 : vector<200x256xi1>, vector<200x256xi32>
    %select_n3A_417 = arith.select %lt3A_414, %select_n3A_393, %select_n3A_412 : vector<200x256xi1>, vector<200x256xf32>
    %select_n3A_418 = arith.select %lt3A_414, %select_n3A_394, %select_n3A_413 : vector<200x256xi1>, vector<200x256xi32>
    %lt3A_419 = arith.cmpf olt, %select_n3A_417, %select_n3A_398 : vector<200x256xf32>
    %select_n3A_420 = arith.select %lt3A_419, %select_n3A_417, %select_n3A_398 : vector<200x256xi1>, vector<200x256xf32>
    %select_n3A_421 = arith.select %lt3A_419, %select_n3A_418, %select_n3A_399 : vector<200x256xi1>, vector<200x256xi32>
    %slice3A_422 = vector.extract_strided_slice %add3A_13 {offsets = [0, 4608], sizes = [200, 256], strides = [1, 1]} : vector<200x10240xf32> to vector<200x256xf32>
    %add3A_423 = arith.constant 4608 : i32
    %add3A_424 = vector.broadcast %add3A_423 : i32 to vector<200x256xi32>
    %add3A_425 = arith.addi %iota3A, %add3A_424 : vector<200x256xi32>
    %lt3A_426 = arith.cmpf olt, %slice3A_422, %select_n3A_405 : vector<200x256xf32>
    %select_n3A_427 = arith.select %lt3A_426, %slice3A_422, %select_n3A_405 : vector<200x256xi1>, vector<200x256xf32>
    %select_n3A_428 = arith.select %lt3A_426, %add3A_425, %select_n3A_406 : vector<200x256xi1>, vector<200x256xi32>
    %select_n3A_429 = arith.select %lt3A_426, %select_n3A_405, %slice3A_422 : vector<200x256xi1>, vector<200x256xf32>
    %select_n3A_430 = arith.select %lt3A_426, %select_n3A_406, %add3A_425 : vector<200x256xi1>, vector<200x256xi32>
    %lt3A_431 = arith.cmpf olt, %select_n3A_429, %select_n3A_410 : vector<200x256xf32>
    %select_n3A_432 = arith.select %lt3A_431, %select_n3A_429, %select_n3A_410 : vector<200x256xi1>, vector<200x256xf32>
    %select_n3A_433 = arith.select %lt3A_431, %select_n3A_430, %select_n3A_411 : vector<200x256xi1>, vector<200x256xi32>
    %select_n3A_434 = arith.select %lt3A_431, %select_n3A_410, %select_n3A_429 : vector<200x256xi1>, vector<200x256xf32>
    %select_n3A_435 = arith.select %lt3A_431, %select_n3A_411, %select_n3A_430 : vector<200x256xi1>, vector<200x256xi32>
    %lt3A_436 = arith.cmpf olt, %select_n3A_434, %select_n3A_415 : vector<200x256xf32>
    %select_n3A_437 = arith.select %lt3A_436, %select_n3A_434, %select_n3A_415 : vector<200x256xi1>, vector<200x256xf32>
    %select_n3A_438 = arith.select %lt3A_436, %select_n3A_435, %select_n3A_416 : vector<200x256xi1>, vector<200x256xi32>
    %select_n3A_439 = arith.select %lt3A_436, %select_n3A_415, %select_n3A_434 : vector<200x256xi1>, vector<200x256xf32>
    %select_n3A_440 = arith.select %lt3A_436, %select_n3A_416, %select_n3A_435 : vector<200x256xi1>, vector<200x256xi32>
    %lt3A_441 = arith.cmpf olt, %select_n3A_439, %select_n3A_420 : vector<200x256xf32>
    %select_n3A_442 = arith.select %lt3A_441, %select_n3A_439, %select_n3A_420 : vector<200x256xi1>, vector<200x256xf32>
    %select_n3A_443 = arith.select %lt3A_441, %select_n3A_440, %select_n3A_421 : vector<200x256xi1>, vector<200x256xi32>
    %slice3A_444 = vector.extract_strided_slice %add3A_13 {offsets = [0, 4864], sizes = [200, 256], strides = [1, 1]} : vector<200x10240xf32> to vector<200x256xf32>
    %add3A_445 = arith.constant 4864 : i32
    %add3A_446 = vector.broadcast %add3A_445 : i32 to vector<200x256xi32>
    %add3A_447 = arith.addi %iota3A, %add3A_446 : vector<200x256xi32>
    %lt3A_448 = arith.cmpf olt, %slice3A_444, %select_n3A_427 : vector<200x256xf32>
    %select_n3A_449 = arith.select %lt3A_448, %slice3A_444, %select_n3A_427 : vector<200x256xi1>, vector<200x256xf32>
    %select_n3A_450 = arith.select %lt3A_448, %add3A_447, %select_n3A_428 : vector<200x256xi1>, vector<200x256xi32>
    %select_n3A_451 = arith.select %lt3A_448, %select_n3A_427, %slice3A_444 : vector<200x256xi1>, vector<200x256xf32>
    %select_n3A_452 = arith.select %lt3A_448, %select_n3A_428, %add3A_447 : vector<200x256xi1>, vector<200x256xi32>
    %lt3A_453 = arith.cmpf olt, %select_n3A_451, %select_n3A_432 : vector<200x256xf32>
    %select_n3A_454 = arith.select %lt3A_453, %select_n3A_451, %select_n3A_432 : vector<200x256xi1>, vector<200x256xf32>
    %select_n3A_455 = arith.select %lt3A_453, %select_n3A_452, %select_n3A_433 : vector<200x256xi1>, vector<200x256xi32>
    %select_n3A_456 = arith.select %lt3A_453, %select_n3A_432, %select_n3A_451 : vector<200x256xi1>, vector<200x256xf32>
    %select_n3A_457 = arith.select %lt3A_453, %select_n3A_433, %select_n3A_452 : vector<200x256xi1>, vector<200x256xi32>
    %lt3A_458 = arith.cmpf olt, %select_n3A_456, %select_n3A_437 : vector<200x256xf32>
    %select_n3A_459 = arith.select %lt3A_458, %select_n3A_456, %select_n3A_437 : vector<200x256xi1>, vector<200x256xf32>
    %select_n3A_460 = arith.select %lt3A_458, %select_n3A_457, %select_n3A_438 : vector<200x256xi1>, vector<200x256xi32>
    %select_n3A_461 = arith.select %lt3A_458, %select_n3A_437, %select_n3A_456 : vector<200x256xi1>, vector<200x256xf32>
    %select_n3A_462 = arith.select %lt3A_458, %select_n3A_438, %select_n3A_457 : vector<200x256xi1>, vector<200x256xi32>
    %lt3A_463 = arith.cmpf olt, %select_n3A_461, %select_n3A_442 : vector<200x256xf32>
    %select_n3A_464 = arith.select %lt3A_463, %select_n3A_461, %select_n3A_442 : vector<200x256xi1>, vector<200x256xf32>
    %select_n3A_465 = arith.select %lt3A_463, %select_n3A_462, %select_n3A_443 : vector<200x256xi1>, vector<200x256xi32>
    %slice3A_466 = vector.extract_strided_slice %add3A_13 {offsets = [0, 5120], sizes = [200, 256], strides = [1, 1]} : vector<200x10240xf32> to vector<200x256xf32>
    %add3A_467 = arith.constant 5120 : i32
    %add3A_468 = vector.broadcast %add3A_467 : i32 to vector<200x256xi32>
    %add3A_469 = arith.addi %iota3A, %add3A_468 : vector<200x256xi32>
    %lt3A_470 = arith.cmpf olt, %slice3A_466, %select_n3A_449 : vector<200x256xf32>
    %select_n3A_471 = arith.select %lt3A_470, %slice3A_466, %select_n3A_449 : vector<200x256xi1>, vector<200x256xf32>
    %select_n3A_472 = arith.select %lt3A_470, %add3A_469, %select_n3A_450 : vector<200x256xi1>, vector<200x256xi32>
    %select_n3A_473 = arith.select %lt3A_470, %select_n3A_449, %slice3A_466 : vector<200x256xi1>, vector<200x256xf32>
    %select_n3A_474 = arith.select %lt3A_470, %select_n3A_450, %add3A_469 : vector<200x256xi1>, vector<200x256xi32>
    %lt3A_475 = arith.cmpf olt, %select_n3A_473, %select_n3A_454 : vector<200x256xf32>
    %select_n3A_476 = arith.select %lt3A_475, %select_n3A_473, %select_n3A_454 : vector<200x256xi1>, vector<200x256xf32>
    %select_n3A_477 = arith.select %lt3A_475, %select_n3A_474, %select_n3A_455 : vector<200x256xi1>, vector<200x256xi32>
    %select_n3A_478 = arith.select %lt3A_475, %select_n3A_454, %select_n3A_473 : vector<200x256xi1>, vector<200x256xf32>
    %select_n3A_479 = arith.select %lt3A_475, %select_n3A_455, %select_n3A_474 : vector<200x256xi1>, vector<200x256xi32>
    %lt3A_480 = arith.cmpf olt, %select_n3A_478, %select_n3A_459 : vector<200x256xf32>
    %select_n3A_481 = arith.select %lt3A_480, %select_n3A_478, %select_n3A_459 : vector<200x256xi1>, vector<200x256xf32>
    %select_n3A_482 = arith.select %lt3A_480, %select_n3A_479, %select_n3A_460 : vector<200x256xi1>, vector<200x256xi32>
    %select_n3A_483 = arith.select %lt3A_480, %select_n3A_459, %select_n3A_478 : vector<200x256xi1>, vector<200x256xf32>
    %select_n3A_484 = arith.select %lt3A_480, %select_n3A_460, %select_n3A_479 : vector<200x256xi1>, vector<200x256xi32>
    %lt3A_485 = arith.cmpf olt, %select_n3A_483, %select_n3A_464 : vector<200x256xf32>
    %select_n3A_486 = arith.select %lt3A_485, %select_n3A_483, %select_n3A_464 : vector<200x256xi1>, vector<200x256xf32>
    %select_n3A_487 = arith.select %lt3A_485, %select_n3A_484, %select_n3A_465 : vector<200x256xi1>, vector<200x256xi32>
    %slice3A_488 = vector.extract_strided_slice %add3A_13 {offsets = [0, 5376], sizes = [200, 256], strides = [1, 1]} : vector<200x10240xf32> to vector<200x256xf32>
    %add3A_489 = arith.constant 5376 : i32
    %add3A_490 = vector.broadcast %add3A_489 : i32 to vector<200x256xi32>
    %add3A_491 = arith.addi %iota3A, %add3A_490 : vector<200x256xi32>
    %lt3A_492 = arith.cmpf olt, %slice3A_488, %select_n3A_471 : vector<200x256xf32>
    %select_n3A_493 = arith.select %lt3A_492, %slice3A_488, %select_n3A_471 : vector<200x256xi1>, vector<200x256xf32>
    %select_n3A_494 = arith.select %lt3A_492, %add3A_491, %select_n3A_472 : vector<200x256xi1>, vector<200x256xi32>
    %select_n3A_495 = arith.select %lt3A_492, %select_n3A_471, %slice3A_488 : vector<200x256xi1>, vector<200x256xf32>
    %select_n3A_496 = arith.select %lt3A_492, %select_n3A_472, %add3A_491 : vector<200x256xi1>, vector<200x256xi32>
    %lt3A_497 = arith.cmpf olt, %select_n3A_495, %select_n3A_476 : vector<200x256xf32>
    %select_n3A_498 = arith.select %lt3A_497, %select_n3A_495, %select_n3A_476 : vector<200x256xi1>, vector<200x256xf32>
    %select_n3A_499 = arith.select %lt3A_497, %select_n3A_496, %select_n3A_477 : vector<200x256xi1>, vector<200x256xi32>
    %select_n3A_500 = arith.select %lt3A_497, %select_n3A_476, %select_n3A_495 : vector<200x256xi1>, vector<200x256xf32>
    %select_n3A_501 = arith.select %lt3A_497, %select_n3A_477, %select_n3A_496 : vector<200x256xi1>, vector<200x256xi32>
    %lt3A_502 = arith.cmpf olt, %select_n3A_500, %select_n3A_481 : vector<200x256xf32>
    %select_n3A_503 = arith.select %lt3A_502, %select_n3A_500, %select_n3A_481 : vector<200x256xi1>, vector<200x256xf32>
    %select_n3A_504 = arith.select %lt3A_502, %select_n3A_501, %select_n3A_482 : vector<200x256xi1>, vector<200x256xi32>
    %select_n3A_505 = arith.select %lt3A_502, %select_n3A_481, %select_n3A_500 : vector<200x256xi1>, vector<200x256xf32>
    %select_n3A_506 = arith.select %lt3A_502, %select_n3A_482, %select_n3A_501 : vector<200x256xi1>, vector<200x256xi32>
    %lt3A_507 = arith.cmpf olt, %select_n3A_505, %select_n3A_486 : vector<200x256xf32>
    %select_n3A_508 = arith.select %lt3A_507, %select_n3A_505, %select_n3A_486 : vector<200x256xi1>, vector<200x256xf32>
    %select_n3A_509 = arith.select %lt3A_507, %select_n3A_506, %select_n3A_487 : vector<200x256xi1>, vector<200x256xi32>
    %slice3A_510 = vector.extract_strided_slice %add3A_13 {offsets = [0, 5632], sizes = [200, 256], strides = [1, 1]} : vector<200x10240xf32> to vector<200x256xf32>
    %add3A_511 = arith.constant 5632 : i32
    %add3A_512 = vector.broadcast %add3A_511 : i32 to vector<200x256xi32>
    %add3A_513 = arith.addi %iota3A, %add3A_512 : vector<200x256xi32>
    %lt3A_514 = arith.cmpf olt, %slice3A_510, %select_n3A_493 : vector<200x256xf32>
    %select_n3A_515 = arith.select %lt3A_514, %slice3A_510, %select_n3A_493 : vector<200x256xi1>, vector<200x256xf32>
    %select_n3A_516 = arith.select %lt3A_514, %add3A_513, %select_n3A_494 : vector<200x256xi1>, vector<200x256xi32>
    %select_n3A_517 = arith.select %lt3A_514, %select_n3A_493, %slice3A_510 : vector<200x256xi1>, vector<200x256xf32>
    %select_n3A_518 = arith.select %lt3A_514, %select_n3A_494, %add3A_513 : vector<200x256xi1>, vector<200x256xi32>
    %lt3A_519 = arith.cmpf olt, %select_n3A_517, %select_n3A_498 : vector<200x256xf32>
    %select_n3A_520 = arith.select %lt3A_519, %select_n3A_517, %select_n3A_498 : vector<200x256xi1>, vector<200x256xf32>
    %select_n3A_521 = arith.select %lt3A_519, %select_n3A_518, %select_n3A_499 : vector<200x256xi1>, vector<200x256xi32>
    %select_n3A_522 = arith.select %lt3A_519, %select_n3A_498, %select_n3A_517 : vector<200x256xi1>, vector<200x256xf32>
    %select_n3A_523 = arith.select %lt3A_519, %select_n3A_499, %select_n3A_518 : vector<200x256xi1>, vector<200x256xi32>
    %lt3A_524 = arith.cmpf olt, %select_n3A_522, %select_n3A_503 : vector<200x256xf32>
    %select_n3A_525 = arith.select %lt3A_524, %select_n3A_522, %select_n3A_503 : vector<200x256xi1>, vector<200x256xf32>
    %select_n3A_526 = arith.select %lt3A_524, %select_n3A_523, %select_n3A_504 : vector<200x256xi1>, vector<200x256xi32>
    %select_n3A_527 = arith.select %lt3A_524, %select_n3A_503, %select_n3A_522 : vector<200x256xi1>, vector<200x256xf32>
    %select_n3A_528 = arith.select %lt3A_524, %select_n3A_504, %select_n3A_523 : vector<200x256xi1>, vector<200x256xi32>
    %lt3A_529 = arith.cmpf olt, %select_n3A_527, %select_n3A_508 : vector<200x256xf32>
    %select_n3A_530 = arith.select %lt3A_529, %select_n3A_527, %select_n3A_508 : vector<200x256xi1>, vector<200x256xf32>
    %select_n3A_531 = arith.select %lt3A_529, %select_n3A_528, %select_n3A_509 : vector<200x256xi1>, vector<200x256xi32>
    %slice3A_532 = vector.extract_strided_slice %add3A_13 {offsets = [0, 5888], sizes = [200, 256], strides = [1, 1]} : vector<200x10240xf32> to vector<200x256xf32>
    %add3A_533 = arith.constant 5888 : i32
    %add3A_534 = vector.broadcast %add3A_533 : i32 to vector<200x256xi32>
    %add3A_535 = arith.addi %iota3A, %add3A_534 : vector<200x256xi32>
    %lt3A_536 = arith.cmpf olt, %slice3A_532, %select_n3A_515 : vector<200x256xf32>
    %select_n3A_537 = arith.select %lt3A_536, %slice3A_532, %select_n3A_515 : vector<200x256xi1>, vector<200x256xf32>
    %select_n3A_538 = arith.select %lt3A_536, %add3A_535, %select_n3A_516 : vector<200x256xi1>, vector<200x256xi32>
    %select_n3A_539 = arith.select %lt3A_536, %select_n3A_515, %slice3A_532 : vector<200x256xi1>, vector<200x256xf32>
    %select_n3A_540 = arith.select %lt3A_536, %select_n3A_516, %add3A_535 : vector<200x256xi1>, vector<200x256xi32>
    %lt3A_541 = arith.cmpf olt, %select_n3A_539, %select_n3A_520 : vector<200x256xf32>
    %select_n3A_542 = arith.select %lt3A_541, %select_n3A_539, %select_n3A_520 : vector<200x256xi1>, vector<200x256xf32>
    %select_n3A_543 = arith.select %lt3A_541, %select_n3A_540, %select_n3A_521 : vector<200x256xi1>, vector<200x256xi32>
    %select_n3A_544 = arith.select %lt3A_541, %select_n3A_520, %select_n3A_539 : vector<200x256xi1>, vector<200x256xf32>
    %select_n3A_545 = arith.select %lt3A_541, %select_n3A_521, %select_n3A_540 : vector<200x256xi1>, vector<200x256xi32>
    %lt3A_546 = arith.cmpf olt, %select_n3A_544, %select_n3A_525 : vector<200x256xf32>
    %select_n3A_547 = arith.select %lt3A_546, %select_n3A_544, %select_n3A_525 : vector<200x256xi1>, vector<200x256xf32>
    %select_n3A_548 = arith.select %lt3A_546, %select_n3A_545, %select_n3A_526 : vector<200x256xi1>, vector<200x256xi32>
    %select_n3A_549 = arith.select %lt3A_546, %select_n3A_525, %select_n3A_544 : vector<200x256xi1>, vector<200x256xf32>
    %select_n3A_550 = arith.select %lt3A_546, %select_n3A_526, %select_n3A_545 : vector<200x256xi1>, vector<200x256xi32>
    %lt3A_551 = arith.cmpf olt, %select_n3A_549, %select_n3A_530 : vector<200x256xf32>
    %select_n3A_552 = arith.select %lt3A_551, %select_n3A_549, %select_n3A_530 : vector<200x256xi1>, vector<200x256xf32>
    %select_n3A_553 = arith.select %lt3A_551, %select_n3A_550, %select_n3A_531 : vector<200x256xi1>, vector<200x256xi32>
    %slice3A_554 = vector.extract_strided_slice %add3A_13 {offsets = [0, 6144], sizes = [200, 256], strides = [1, 1]} : vector<200x10240xf32> to vector<200x256xf32>
    %add3A_555 = arith.constant 6144 : i32
    %add3A_556 = vector.broadcast %add3A_555 : i32 to vector<200x256xi32>
    %add3A_557 = arith.addi %iota3A, %add3A_556 : vector<200x256xi32>
    %lt3A_558 = arith.cmpf olt, %slice3A_554, %select_n3A_537 : vector<200x256xf32>
    %select_n3A_559 = arith.select %lt3A_558, %slice3A_554, %select_n3A_537 : vector<200x256xi1>, vector<200x256xf32>
    %select_n3A_560 = arith.select %lt3A_558, %add3A_557, %select_n3A_538 : vector<200x256xi1>, vector<200x256xi32>
    %select_n3A_561 = arith.select %lt3A_558, %select_n3A_537, %slice3A_554 : vector<200x256xi1>, vector<200x256xf32>
    %select_n3A_562 = arith.select %lt3A_558, %select_n3A_538, %add3A_557 : vector<200x256xi1>, vector<200x256xi32>
    %lt3A_563 = arith.cmpf olt, %select_n3A_561, %select_n3A_542 : vector<200x256xf32>
    %select_n3A_564 = arith.select %lt3A_563, %select_n3A_561, %select_n3A_542 : vector<200x256xi1>, vector<200x256xf32>
    %select_n3A_565 = arith.select %lt3A_563, %select_n3A_562, %select_n3A_543 : vector<200x256xi1>, vector<200x256xi32>
    %select_n3A_566 = arith.select %lt3A_563, %select_n3A_542, %select_n3A_561 : vector<200x256xi1>, vector<200x256xf32>
    %select_n3A_567 = arith.select %lt3A_563, %select_n3A_543, %select_n3A_562 : vector<200x256xi1>, vector<200x256xi32>
    %lt3A_568 = arith.cmpf olt, %select_n3A_566, %select_n3A_547 : vector<200x256xf32>
    %select_n3A_569 = arith.select %lt3A_568, %select_n3A_566, %select_n3A_547 : vector<200x256xi1>, vector<200x256xf32>
    %select_n3A_570 = arith.select %lt3A_568, %select_n3A_567, %select_n3A_548 : vector<200x256xi1>, vector<200x256xi32>
    %select_n3A_571 = arith.select %lt3A_568, %select_n3A_547, %select_n3A_566 : vector<200x256xi1>, vector<200x256xf32>
    %select_n3A_572 = arith.select %lt3A_568, %select_n3A_548, %select_n3A_567 : vector<200x256xi1>, vector<200x256xi32>
    %lt3A_573 = arith.cmpf olt, %select_n3A_571, %select_n3A_552 : vector<200x256xf32>
    %select_n3A_574 = arith.select %lt3A_573, %select_n3A_571, %select_n3A_552 : vector<200x256xi1>, vector<200x256xf32>
    %select_n3A_575 = arith.select %lt3A_573, %select_n3A_572, %select_n3A_553 : vector<200x256xi1>, vector<200x256xi32>
    %slice3A_576 = vector.extract_strided_slice %add3A_13 {offsets = [0, 6400], sizes = [200, 256], strides = [1, 1]} : vector<200x10240xf32> to vector<200x256xf32>
    %add3A_577 = arith.constant 6400 : i32
    %add3A_578 = vector.broadcast %add3A_577 : i32 to vector<200x256xi32>
    %add3A_579 = arith.addi %iota3A, %add3A_578 : vector<200x256xi32>
    %lt3A_580 = arith.cmpf olt, %slice3A_576, %select_n3A_559 : vector<200x256xf32>
    %select_n3A_581 = arith.select %lt3A_580, %slice3A_576, %select_n3A_559 : vector<200x256xi1>, vector<200x256xf32>
    %select_n3A_582 = arith.select %lt3A_580, %add3A_579, %select_n3A_560 : vector<200x256xi1>, vector<200x256xi32>
    %select_n3A_583 = arith.select %lt3A_580, %select_n3A_559, %slice3A_576 : vector<200x256xi1>, vector<200x256xf32>
    %select_n3A_584 = arith.select %lt3A_580, %select_n3A_560, %add3A_579 : vector<200x256xi1>, vector<200x256xi32>
    %lt3A_585 = arith.cmpf olt, %select_n3A_583, %select_n3A_564 : vector<200x256xf32>
    %select_n3A_586 = arith.select %lt3A_585, %select_n3A_583, %select_n3A_564 : vector<200x256xi1>, vector<200x256xf32>
    %select_n3A_587 = arith.select %lt3A_585, %select_n3A_584, %select_n3A_565 : vector<200x256xi1>, vector<200x256xi32>
    %select_n3A_588 = arith.select %lt3A_585, %select_n3A_564, %select_n3A_583 : vector<200x256xi1>, vector<200x256xf32>
    %select_n3A_589 = arith.select %lt3A_585, %select_n3A_565, %select_n3A_584 : vector<200x256xi1>, vector<200x256xi32>
    %lt3A_590 = arith.cmpf olt, %select_n3A_588, %select_n3A_569 : vector<200x256xf32>
    %select_n3A_591 = arith.select %lt3A_590, %select_n3A_588, %select_n3A_569 : vector<200x256xi1>, vector<200x256xf32>
    %select_n3A_592 = arith.select %lt3A_590, %select_n3A_589, %select_n3A_570 : vector<200x256xi1>, vector<200x256xi32>
    %select_n3A_593 = arith.select %lt3A_590, %select_n3A_569, %select_n3A_588 : vector<200x256xi1>, vector<200x256xf32>
    %select_n3A_594 = arith.select %lt3A_590, %select_n3A_570, %select_n3A_589 : vector<200x256xi1>, vector<200x256xi32>
    %lt3A_595 = arith.cmpf olt, %select_n3A_593, %select_n3A_574 : vector<200x256xf32>
    %select_n3A_596 = arith.select %lt3A_595, %select_n3A_593, %select_n3A_574 : vector<200x256xi1>, vector<200x256xf32>
    %select_n3A_597 = arith.select %lt3A_595, %select_n3A_594, %select_n3A_575 : vector<200x256xi1>, vector<200x256xi32>
    %slice3A_598 = vector.extract_strided_slice %add3A_13 {offsets = [0, 6656], sizes = [200, 256], strides = [1, 1]} : vector<200x10240xf32> to vector<200x256xf32>
    %add3A_599 = arith.constant 6656 : i32
    %add3A_600 = vector.broadcast %add3A_599 : i32 to vector<200x256xi32>
    %add3A_601 = arith.addi %iota3A, %add3A_600 : vector<200x256xi32>
    %lt3A_602 = arith.cmpf olt, %slice3A_598, %select_n3A_581 : vector<200x256xf32>
    %select_n3A_603 = arith.select %lt3A_602, %slice3A_598, %select_n3A_581 : vector<200x256xi1>, vector<200x256xf32>
    %select_n3A_604 = arith.select %lt3A_602, %add3A_601, %select_n3A_582 : vector<200x256xi1>, vector<200x256xi32>
    %select_n3A_605 = arith.select %lt3A_602, %select_n3A_581, %slice3A_598 : vector<200x256xi1>, vector<200x256xf32>
    %select_n3A_606 = arith.select %lt3A_602, %select_n3A_582, %add3A_601 : vector<200x256xi1>, vector<200x256xi32>
    %lt3A_607 = arith.cmpf olt, %select_n3A_605, %select_n3A_586 : vector<200x256xf32>
    %select_n3A_608 = arith.select %lt3A_607, %select_n3A_605, %select_n3A_586 : vector<200x256xi1>, vector<200x256xf32>
    %select_n3A_609 = arith.select %lt3A_607, %select_n3A_606, %select_n3A_587 : vector<200x256xi1>, vector<200x256xi32>
    %select_n3A_610 = arith.select %lt3A_607, %select_n3A_586, %select_n3A_605 : vector<200x256xi1>, vector<200x256xf32>
    %select_n3A_611 = arith.select %lt3A_607, %select_n3A_587, %select_n3A_606 : vector<200x256xi1>, vector<200x256xi32>
    %lt3A_612 = arith.cmpf olt, %select_n3A_610, %select_n3A_591 : vector<200x256xf32>
    %select_n3A_613 = arith.select %lt3A_612, %select_n3A_610, %select_n3A_591 : vector<200x256xi1>, vector<200x256xf32>
    %select_n3A_614 = arith.select %lt3A_612, %select_n3A_611, %select_n3A_592 : vector<200x256xi1>, vector<200x256xi32>
    %select_n3A_615 = arith.select %lt3A_612, %select_n3A_591, %select_n3A_610 : vector<200x256xi1>, vector<200x256xf32>
    %select_n3A_616 = arith.select %lt3A_612, %select_n3A_592, %select_n3A_611 : vector<200x256xi1>, vector<200x256xi32>
    %lt3A_617 = arith.cmpf olt, %select_n3A_615, %select_n3A_596 : vector<200x256xf32>
    %select_n3A_618 = arith.select %lt3A_617, %select_n3A_615, %select_n3A_596 : vector<200x256xi1>, vector<200x256xf32>
    %select_n3A_619 = arith.select %lt3A_617, %select_n3A_616, %select_n3A_597 : vector<200x256xi1>, vector<200x256xi32>
    %slice3A_620 = vector.extract_strided_slice %add3A_13 {offsets = [0, 6912], sizes = [200, 256], strides = [1, 1]} : vector<200x10240xf32> to vector<200x256xf32>
    %add3A_621 = arith.constant 6912 : i32
    %add3A_622 = vector.broadcast %add3A_621 : i32 to vector<200x256xi32>
    %add3A_623 = arith.addi %iota3A, %add3A_622 : vector<200x256xi32>
    %lt3A_624 = arith.cmpf olt, %slice3A_620, %select_n3A_603 : vector<200x256xf32>
    %select_n3A_625 = arith.select %lt3A_624, %slice3A_620, %select_n3A_603 : vector<200x256xi1>, vector<200x256xf32>
    %select_n3A_626 = arith.select %lt3A_624, %add3A_623, %select_n3A_604 : vector<200x256xi1>, vector<200x256xi32>
    %select_n3A_627 = arith.select %lt3A_624, %select_n3A_603, %slice3A_620 : vector<200x256xi1>, vector<200x256xf32>
    %select_n3A_628 = arith.select %lt3A_624, %select_n3A_604, %add3A_623 : vector<200x256xi1>, vector<200x256xi32>
    %lt3A_629 = arith.cmpf olt, %select_n3A_627, %select_n3A_608 : vector<200x256xf32>
    %select_n3A_630 = arith.select %lt3A_629, %select_n3A_627, %select_n3A_608 : vector<200x256xi1>, vector<200x256xf32>
    %select_n3A_631 = arith.select %lt3A_629, %select_n3A_628, %select_n3A_609 : vector<200x256xi1>, vector<200x256xi32>
    %select_n3A_632 = arith.select %lt3A_629, %select_n3A_608, %select_n3A_627 : vector<200x256xi1>, vector<200x256xf32>
    %select_n3A_633 = arith.select %lt3A_629, %select_n3A_609, %select_n3A_628 : vector<200x256xi1>, vector<200x256xi32>
    %lt3A_634 = arith.cmpf olt, %select_n3A_632, %select_n3A_613 : vector<200x256xf32>
    %select_n3A_635 = arith.select %lt3A_634, %select_n3A_632, %select_n3A_613 : vector<200x256xi1>, vector<200x256xf32>
    %select_n3A_636 = arith.select %lt3A_634, %select_n3A_633, %select_n3A_614 : vector<200x256xi1>, vector<200x256xi32>
    %select_n3A_637 = arith.select %lt3A_634, %select_n3A_613, %select_n3A_632 : vector<200x256xi1>, vector<200x256xf32>
    %select_n3A_638 = arith.select %lt3A_634, %select_n3A_614, %select_n3A_633 : vector<200x256xi1>, vector<200x256xi32>
    %lt3A_639 = arith.cmpf olt, %select_n3A_637, %select_n3A_618 : vector<200x256xf32>
    %select_n3A_640 = arith.select %lt3A_639, %select_n3A_637, %select_n3A_618 : vector<200x256xi1>, vector<200x256xf32>
    %select_n3A_641 = arith.select %lt3A_639, %select_n3A_638, %select_n3A_619 : vector<200x256xi1>, vector<200x256xi32>
    %slice3A_642 = vector.extract_strided_slice %add3A_13 {offsets = [0, 7168], sizes = [200, 256], strides = [1, 1]} : vector<200x10240xf32> to vector<200x256xf32>
    %add3A_643 = arith.constant 7168 : i32
    %add3A_644 = vector.broadcast %add3A_643 : i32 to vector<200x256xi32>
    %add3A_645 = arith.addi %iota3A, %add3A_644 : vector<200x256xi32>
    %lt3A_646 = arith.cmpf olt, %slice3A_642, %select_n3A_625 : vector<200x256xf32>
    %select_n3A_647 = arith.select %lt3A_646, %slice3A_642, %select_n3A_625 : vector<200x256xi1>, vector<200x256xf32>
    %select_n3A_648 = arith.select %lt3A_646, %add3A_645, %select_n3A_626 : vector<200x256xi1>, vector<200x256xi32>
    %select_n3A_649 = arith.select %lt3A_646, %select_n3A_625, %slice3A_642 : vector<200x256xi1>, vector<200x256xf32>
    %select_n3A_650 = arith.select %lt3A_646, %select_n3A_626, %add3A_645 : vector<200x256xi1>, vector<200x256xi32>
    %lt3A_651 = arith.cmpf olt, %select_n3A_649, %select_n3A_630 : vector<200x256xf32>
    %select_n3A_652 = arith.select %lt3A_651, %select_n3A_649, %select_n3A_630 : vector<200x256xi1>, vector<200x256xf32>
    %select_n3A_653 = arith.select %lt3A_651, %select_n3A_650, %select_n3A_631 : vector<200x256xi1>, vector<200x256xi32>
    %select_n3A_654 = arith.select %lt3A_651, %select_n3A_630, %select_n3A_649 : vector<200x256xi1>, vector<200x256xf32>
    %select_n3A_655 = arith.select %lt3A_651, %select_n3A_631, %select_n3A_650 : vector<200x256xi1>, vector<200x256xi32>
    %lt3A_656 = arith.cmpf olt, %select_n3A_654, %select_n3A_635 : vector<200x256xf32>
    %select_n3A_657 = arith.select %lt3A_656, %select_n3A_654, %select_n3A_635 : vector<200x256xi1>, vector<200x256xf32>
    %select_n3A_658 = arith.select %lt3A_656, %select_n3A_655, %select_n3A_636 : vector<200x256xi1>, vector<200x256xi32>
    %select_n3A_659 = arith.select %lt3A_656, %select_n3A_635, %select_n3A_654 : vector<200x256xi1>, vector<200x256xf32>
    %select_n3A_660 = arith.select %lt3A_656, %select_n3A_636, %select_n3A_655 : vector<200x256xi1>, vector<200x256xi32>
    %lt3A_661 = arith.cmpf olt, %select_n3A_659, %select_n3A_640 : vector<200x256xf32>
    %select_n3A_662 = arith.select %lt3A_661, %select_n3A_659, %select_n3A_640 : vector<200x256xi1>, vector<200x256xf32>
    %select_n3A_663 = arith.select %lt3A_661, %select_n3A_660, %select_n3A_641 : vector<200x256xi1>, vector<200x256xi32>
    %slice3A_664 = vector.extract_strided_slice %add3A_13 {offsets = [0, 7424], sizes = [200, 256], strides = [1, 1]} : vector<200x10240xf32> to vector<200x256xf32>
    %add3A_665 = arith.constant 7424 : i32
    %add3A_666 = vector.broadcast %add3A_665 : i32 to vector<200x256xi32>
    %add3A_667 = arith.addi %iota3A, %add3A_666 : vector<200x256xi32>
    %lt3A_668 = arith.cmpf olt, %slice3A_664, %select_n3A_647 : vector<200x256xf32>
    %select_n3A_669 = arith.select %lt3A_668, %slice3A_664, %select_n3A_647 : vector<200x256xi1>, vector<200x256xf32>
    %select_n3A_670 = arith.select %lt3A_668, %add3A_667, %select_n3A_648 : vector<200x256xi1>, vector<200x256xi32>
    %select_n3A_671 = arith.select %lt3A_668, %select_n3A_647, %slice3A_664 : vector<200x256xi1>, vector<200x256xf32>
    %select_n3A_672 = arith.select %lt3A_668, %select_n3A_648, %add3A_667 : vector<200x256xi1>, vector<200x256xi32>
    %lt3A_673 = arith.cmpf olt, %select_n3A_671, %select_n3A_652 : vector<200x256xf32>
    %select_n3A_674 = arith.select %lt3A_673, %select_n3A_671, %select_n3A_652 : vector<200x256xi1>, vector<200x256xf32>
    %select_n3A_675 = arith.select %lt3A_673, %select_n3A_672, %select_n3A_653 : vector<200x256xi1>, vector<200x256xi32>
    %select_n3A_676 = arith.select %lt3A_673, %select_n3A_652, %select_n3A_671 : vector<200x256xi1>, vector<200x256xf32>
    %select_n3A_677 = arith.select %lt3A_673, %select_n3A_653, %select_n3A_672 : vector<200x256xi1>, vector<200x256xi32>
    %lt3A_678 = arith.cmpf olt, %select_n3A_676, %select_n3A_657 : vector<200x256xf32>
    %select_n3A_679 = arith.select %lt3A_678, %select_n3A_676, %select_n3A_657 : vector<200x256xi1>, vector<200x256xf32>
    %select_n3A_680 = arith.select %lt3A_678, %select_n3A_677, %select_n3A_658 : vector<200x256xi1>, vector<200x256xi32>
    %select_n3A_681 = arith.select %lt3A_678, %select_n3A_657, %select_n3A_676 : vector<200x256xi1>, vector<200x256xf32>
    %select_n3A_682 = arith.select %lt3A_678, %select_n3A_658, %select_n3A_677 : vector<200x256xi1>, vector<200x256xi32>
    %lt3A_683 = arith.cmpf olt, %select_n3A_681, %select_n3A_662 : vector<200x256xf32>
    %select_n3A_684 = arith.select %lt3A_683, %select_n3A_681, %select_n3A_662 : vector<200x256xi1>, vector<200x256xf32>
    %select_n3A_685 = arith.select %lt3A_683, %select_n3A_682, %select_n3A_663 : vector<200x256xi1>, vector<200x256xi32>
    %slice3A_686 = vector.extract_strided_slice %add3A_13 {offsets = [0, 7680], sizes = [200, 256], strides = [1, 1]} : vector<200x10240xf32> to vector<200x256xf32>
    %add3A_687 = arith.constant 7680 : i32
    %add3A_688 = vector.broadcast %add3A_687 : i32 to vector<200x256xi32>
    %add3A_689 = arith.addi %iota3A, %add3A_688 : vector<200x256xi32>
    %lt3A_690 = arith.cmpf olt, %slice3A_686, %select_n3A_669 : vector<200x256xf32>
    %select_n3A_691 = arith.select %lt3A_690, %slice3A_686, %select_n3A_669 : vector<200x256xi1>, vector<200x256xf32>
    %select_n3A_692 = arith.select %lt3A_690, %add3A_689, %select_n3A_670 : vector<200x256xi1>, vector<200x256xi32>
    %select_n3A_693 = arith.select %lt3A_690, %select_n3A_669, %slice3A_686 : vector<200x256xi1>, vector<200x256xf32>
    %select_n3A_694 = arith.select %lt3A_690, %select_n3A_670, %add3A_689 : vector<200x256xi1>, vector<200x256xi32>
    %lt3A_695 = arith.cmpf olt, %select_n3A_693, %select_n3A_674 : vector<200x256xf32>
    %select_n3A_696 = arith.select %lt3A_695, %select_n3A_693, %select_n3A_674 : vector<200x256xi1>, vector<200x256xf32>
    %select_n3A_697 = arith.select %lt3A_695, %select_n3A_694, %select_n3A_675 : vector<200x256xi1>, vector<200x256xi32>
    %select_n3A_698 = arith.select %lt3A_695, %select_n3A_674, %select_n3A_693 : vector<200x256xi1>, vector<200x256xf32>
    %select_n3A_699 = arith.select %lt3A_695, %select_n3A_675, %select_n3A_694 : vector<200x256xi1>, vector<200x256xi32>
    %lt3A_700 = arith.cmpf olt, %select_n3A_698, %select_n3A_679 : vector<200x256xf32>
    %select_n3A_701 = arith.select %lt3A_700, %select_n3A_698, %select_n3A_679 : vector<200x256xi1>, vector<200x256xf32>
    %select_n3A_702 = arith.select %lt3A_700, %select_n3A_699, %select_n3A_680 : vector<200x256xi1>, vector<200x256xi32>
    %select_n3A_703 = arith.select %lt3A_700, %select_n3A_679, %select_n3A_698 : vector<200x256xi1>, vector<200x256xf32>
    %select_n3A_704 = arith.select %lt3A_700, %select_n3A_680, %select_n3A_699 : vector<200x256xi1>, vector<200x256xi32>
    %lt3A_705 = arith.cmpf olt, %select_n3A_703, %select_n3A_684 : vector<200x256xf32>
    %select_n3A_706 = arith.select %lt3A_705, %select_n3A_703, %select_n3A_684 : vector<200x256xi1>, vector<200x256xf32>
    %select_n3A_707 = arith.select %lt3A_705, %select_n3A_704, %select_n3A_685 : vector<200x256xi1>, vector<200x256xi32>
    %slice3A_708 = vector.extract_strided_slice %add3A_13 {offsets = [0, 7936], sizes = [200, 256], strides = [1, 1]} : vector<200x10240xf32> to vector<200x256xf32>
    %add3A_709 = arith.constant 7936 : i32
    %add3A_710 = vector.broadcast %add3A_709 : i32 to vector<200x256xi32>
    %add3A_711 = arith.addi %iota3A, %add3A_710 : vector<200x256xi32>
    %lt3A_712 = arith.cmpf olt, %slice3A_708, %select_n3A_691 : vector<200x256xf32>
    %select_n3A_713 = arith.select %lt3A_712, %slice3A_708, %select_n3A_691 : vector<200x256xi1>, vector<200x256xf32>
    %select_n3A_714 = arith.select %lt3A_712, %add3A_711, %select_n3A_692 : vector<200x256xi1>, vector<200x256xi32>
    %select_n3A_715 = arith.select %lt3A_712, %select_n3A_691, %slice3A_708 : vector<200x256xi1>, vector<200x256xf32>
    %select_n3A_716 = arith.select %lt3A_712, %select_n3A_692, %add3A_711 : vector<200x256xi1>, vector<200x256xi32>
    %lt3A_717 = arith.cmpf olt, %select_n3A_715, %select_n3A_696 : vector<200x256xf32>
    %select_n3A_718 = arith.select %lt3A_717, %select_n3A_715, %select_n3A_696 : vector<200x256xi1>, vector<200x256xf32>
    %select_n3A_719 = arith.select %lt3A_717, %select_n3A_716, %select_n3A_697 : vector<200x256xi1>, vector<200x256xi32>
    %select_n3A_720 = arith.select %lt3A_717, %select_n3A_696, %select_n3A_715 : vector<200x256xi1>, vector<200x256xf32>
    %select_n3A_721 = arith.select %lt3A_717, %select_n3A_697, %select_n3A_716 : vector<200x256xi1>, vector<200x256xi32>
    %lt3A_722 = arith.cmpf olt, %select_n3A_720, %select_n3A_701 : vector<200x256xf32>
    %select_n3A_723 = arith.select %lt3A_722, %select_n3A_720, %select_n3A_701 : vector<200x256xi1>, vector<200x256xf32>
    %select_n3A_724 = arith.select %lt3A_722, %select_n3A_721, %select_n3A_702 : vector<200x256xi1>, vector<200x256xi32>
    %select_n3A_725 = arith.select %lt3A_722, %select_n3A_701, %select_n3A_720 : vector<200x256xi1>, vector<200x256xf32>
    %select_n3A_726 = arith.select %lt3A_722, %select_n3A_702, %select_n3A_721 : vector<200x256xi1>, vector<200x256xi32>
    %lt3A_727 = arith.cmpf olt, %select_n3A_725, %select_n3A_706 : vector<200x256xf32>
    %select_n3A_728 = arith.select %lt3A_727, %select_n3A_725, %select_n3A_706 : vector<200x256xi1>, vector<200x256xf32>
    %select_n3A_729 = arith.select %lt3A_727, %select_n3A_726, %select_n3A_707 : vector<200x256xi1>, vector<200x256xi32>
    %slice3A_730 = vector.extract_strided_slice %add3A_13 {offsets = [0, 8192], sizes = [200, 256], strides = [1, 1]} : vector<200x10240xf32> to vector<200x256xf32>
    %add3A_731 = arith.constant 8192 : i32
    %add3A_732 = vector.broadcast %add3A_731 : i32 to vector<200x256xi32>
    %add3A_733 = arith.addi %iota3A, %add3A_732 : vector<200x256xi32>
    %lt3A_734 = arith.cmpf olt, %slice3A_730, %select_n3A_713 : vector<200x256xf32>
    %select_n3A_735 = arith.select %lt3A_734, %slice3A_730, %select_n3A_713 : vector<200x256xi1>, vector<200x256xf32>
    %select_n3A_736 = arith.select %lt3A_734, %add3A_733, %select_n3A_714 : vector<200x256xi1>, vector<200x256xi32>
    %select_n3A_737 = arith.select %lt3A_734, %select_n3A_713, %slice3A_730 : vector<200x256xi1>, vector<200x256xf32>
    %select_n3A_738 = arith.select %lt3A_734, %select_n3A_714, %add3A_733 : vector<200x256xi1>, vector<200x256xi32>
    %lt3A_739 = arith.cmpf olt, %select_n3A_737, %select_n3A_718 : vector<200x256xf32>
    %select_n3A_740 = arith.select %lt3A_739, %select_n3A_737, %select_n3A_718 : vector<200x256xi1>, vector<200x256xf32>
    %select_n3A_741 = arith.select %lt3A_739, %select_n3A_738, %select_n3A_719 : vector<200x256xi1>, vector<200x256xi32>
    %select_n3A_742 = arith.select %lt3A_739, %select_n3A_718, %select_n3A_737 : vector<200x256xi1>, vector<200x256xf32>
    %select_n3A_743 = arith.select %lt3A_739, %select_n3A_719, %select_n3A_738 : vector<200x256xi1>, vector<200x256xi32>
    %lt3A_744 = arith.cmpf olt, %select_n3A_742, %select_n3A_723 : vector<200x256xf32>
    %select_n3A_745 = arith.select %lt3A_744, %select_n3A_742, %select_n3A_723 : vector<200x256xi1>, vector<200x256xf32>
    %select_n3A_746 = arith.select %lt3A_744, %select_n3A_743, %select_n3A_724 : vector<200x256xi1>, vector<200x256xi32>
    %select_n3A_747 = arith.select %lt3A_744, %select_n3A_723, %select_n3A_742 : vector<200x256xi1>, vector<200x256xf32>
    %select_n3A_748 = arith.select %lt3A_744, %select_n3A_724, %select_n3A_743 : vector<200x256xi1>, vector<200x256xi32>
    %lt3A_749 = arith.cmpf olt, %select_n3A_747, %select_n3A_728 : vector<200x256xf32>
    %select_n3A_750 = arith.select %lt3A_749, %select_n3A_747, %select_n3A_728 : vector<200x256xi1>, vector<200x256xf32>
    %select_n3A_751 = arith.select %lt3A_749, %select_n3A_748, %select_n3A_729 : vector<200x256xi1>, vector<200x256xi32>
    %slice3A_752 = vector.extract_strided_slice %add3A_13 {offsets = [0, 8448], sizes = [200, 256], strides = [1, 1]} : vector<200x10240xf32> to vector<200x256xf32>
    %add3A_753 = arith.constant 8448 : i32
    %add3A_754 = vector.broadcast %add3A_753 : i32 to vector<200x256xi32>
    %add3A_755 = arith.addi %iota3A, %add3A_754 : vector<200x256xi32>
    %lt3A_756 = arith.cmpf olt, %slice3A_752, %select_n3A_735 : vector<200x256xf32>
    %select_n3A_757 = arith.select %lt3A_756, %slice3A_752, %select_n3A_735 : vector<200x256xi1>, vector<200x256xf32>
    %select_n3A_758 = arith.select %lt3A_756, %add3A_755, %select_n3A_736 : vector<200x256xi1>, vector<200x256xi32>
    %select_n3A_759 = arith.select %lt3A_756, %select_n3A_735, %slice3A_752 : vector<200x256xi1>, vector<200x256xf32>
    %select_n3A_760 = arith.select %lt3A_756, %select_n3A_736, %add3A_755 : vector<200x256xi1>, vector<200x256xi32>
    %lt3A_761 = arith.cmpf olt, %select_n3A_759, %select_n3A_740 : vector<200x256xf32>
    %select_n3A_762 = arith.select %lt3A_761, %select_n3A_759, %select_n3A_740 : vector<200x256xi1>, vector<200x256xf32>
    %select_n3A_763 = arith.select %lt3A_761, %select_n3A_760, %select_n3A_741 : vector<200x256xi1>, vector<200x256xi32>
    %select_n3A_764 = arith.select %lt3A_761, %select_n3A_740, %select_n3A_759 : vector<200x256xi1>, vector<200x256xf32>
    %select_n3A_765 = arith.select %lt3A_761, %select_n3A_741, %select_n3A_760 : vector<200x256xi1>, vector<200x256xi32>
    %lt3A_766 = arith.cmpf olt, %select_n3A_764, %select_n3A_745 : vector<200x256xf32>
    %select_n3A_767 = arith.select %lt3A_766, %select_n3A_764, %select_n3A_745 : vector<200x256xi1>, vector<200x256xf32>
    %select_n3A_768 = arith.select %lt3A_766, %select_n3A_765, %select_n3A_746 : vector<200x256xi1>, vector<200x256xi32>
    %select_n3A_769 = arith.select %lt3A_766, %select_n3A_745, %select_n3A_764 : vector<200x256xi1>, vector<200x256xf32>
    %select_n3A_770 = arith.select %lt3A_766, %select_n3A_746, %select_n3A_765 : vector<200x256xi1>, vector<200x256xi32>
    %lt3A_771 = arith.cmpf olt, %select_n3A_769, %select_n3A_750 : vector<200x256xf32>
    %select_n3A_772 = arith.select %lt3A_771, %select_n3A_769, %select_n3A_750 : vector<200x256xi1>, vector<200x256xf32>
    %select_n3A_773 = arith.select %lt3A_771, %select_n3A_770, %select_n3A_751 : vector<200x256xi1>, vector<200x256xi32>
    %slice3A_774 = vector.extract_strided_slice %add3A_13 {offsets = [0, 8704], sizes = [200, 256], strides = [1, 1]} : vector<200x10240xf32> to vector<200x256xf32>
    %add3A_775 = arith.constant 8704 : i32
    %add3A_776 = vector.broadcast %add3A_775 : i32 to vector<200x256xi32>
    %add3A_777 = arith.addi %iota3A, %add3A_776 : vector<200x256xi32>
    %lt3A_778 = arith.cmpf olt, %slice3A_774, %select_n3A_757 : vector<200x256xf32>
    %select_n3A_779 = arith.select %lt3A_778, %slice3A_774, %select_n3A_757 : vector<200x256xi1>, vector<200x256xf32>
    %select_n3A_780 = arith.select %lt3A_778, %add3A_777, %select_n3A_758 : vector<200x256xi1>, vector<200x256xi32>
    %select_n3A_781 = arith.select %lt3A_778, %select_n3A_757, %slice3A_774 : vector<200x256xi1>, vector<200x256xf32>
    %select_n3A_782 = arith.select %lt3A_778, %select_n3A_758, %add3A_777 : vector<200x256xi1>, vector<200x256xi32>
    %lt3A_783 = arith.cmpf olt, %select_n3A_781, %select_n3A_762 : vector<200x256xf32>
    %select_n3A_784 = arith.select %lt3A_783, %select_n3A_781, %select_n3A_762 : vector<200x256xi1>, vector<200x256xf32>
    %select_n3A_785 = arith.select %lt3A_783, %select_n3A_782, %select_n3A_763 : vector<200x256xi1>, vector<200x256xi32>
    %select_n3A_786 = arith.select %lt3A_783, %select_n3A_762, %select_n3A_781 : vector<200x256xi1>, vector<200x256xf32>
    %select_n3A_787 = arith.select %lt3A_783, %select_n3A_763, %select_n3A_782 : vector<200x256xi1>, vector<200x256xi32>
    %lt3A_788 = arith.cmpf olt, %select_n3A_786, %select_n3A_767 : vector<200x256xf32>
    %select_n3A_789 = arith.select %lt3A_788, %select_n3A_786, %select_n3A_767 : vector<200x256xi1>, vector<200x256xf32>
    %select_n3A_790 = arith.select %lt3A_788, %select_n3A_787, %select_n3A_768 : vector<200x256xi1>, vector<200x256xi32>
    %select_n3A_791 = arith.select %lt3A_788, %select_n3A_767, %select_n3A_786 : vector<200x256xi1>, vector<200x256xf32>
    %select_n3A_792 = arith.select %lt3A_788, %select_n3A_768, %select_n3A_787 : vector<200x256xi1>, vector<200x256xi32>
    %lt3A_793 = arith.cmpf olt, %select_n3A_791, %select_n3A_772 : vector<200x256xf32>
    %select_n3A_794 = arith.select %lt3A_793, %select_n3A_791, %select_n3A_772 : vector<200x256xi1>, vector<200x256xf32>
    %select_n3A_795 = arith.select %lt3A_793, %select_n3A_792, %select_n3A_773 : vector<200x256xi1>, vector<200x256xi32>
    %slice3A_796 = vector.extract_strided_slice %add3A_13 {offsets = [0, 8960], sizes = [200, 256], strides = [1, 1]} : vector<200x10240xf32> to vector<200x256xf32>
    %add3A_797 = arith.constant 8960 : i32
    %add3A_798 = vector.broadcast %add3A_797 : i32 to vector<200x256xi32>
    %add3A_799 = arith.addi %iota3A, %add3A_798 : vector<200x256xi32>
    %lt3A_800 = arith.cmpf olt, %slice3A_796, %select_n3A_779 : vector<200x256xf32>
    %select_n3A_801 = arith.select %lt3A_800, %slice3A_796, %select_n3A_779 : vector<200x256xi1>, vector<200x256xf32>
    %select_n3A_802 = arith.select %lt3A_800, %add3A_799, %select_n3A_780 : vector<200x256xi1>, vector<200x256xi32>
    %select_n3A_803 = arith.select %lt3A_800, %select_n3A_779, %slice3A_796 : vector<200x256xi1>, vector<200x256xf32>
    %select_n3A_804 = arith.select %lt3A_800, %select_n3A_780, %add3A_799 : vector<200x256xi1>, vector<200x256xi32>
    %lt3A_805 = arith.cmpf olt, %select_n3A_803, %select_n3A_784 : vector<200x256xf32>
    %select_n3A_806 = arith.select %lt3A_805, %select_n3A_803, %select_n3A_784 : vector<200x256xi1>, vector<200x256xf32>
    %select_n3A_807 = arith.select %lt3A_805, %select_n3A_804, %select_n3A_785 : vector<200x256xi1>, vector<200x256xi32>
    %select_n3A_808 = arith.select %lt3A_805, %select_n3A_784, %select_n3A_803 : vector<200x256xi1>, vector<200x256xf32>
    %select_n3A_809 = arith.select %lt3A_805, %select_n3A_785, %select_n3A_804 : vector<200x256xi1>, vector<200x256xi32>
    %lt3A_810 = arith.cmpf olt, %select_n3A_808, %select_n3A_789 : vector<200x256xf32>
    %select_n3A_811 = arith.select %lt3A_810, %select_n3A_808, %select_n3A_789 : vector<200x256xi1>, vector<200x256xf32>
    %select_n3A_812 = arith.select %lt3A_810, %select_n3A_809, %select_n3A_790 : vector<200x256xi1>, vector<200x256xi32>
    %select_n3A_813 = arith.select %lt3A_810, %select_n3A_789, %select_n3A_808 : vector<200x256xi1>, vector<200x256xf32>
    %select_n3A_814 = arith.select %lt3A_810, %select_n3A_790, %select_n3A_809 : vector<200x256xi1>, vector<200x256xi32>
    %lt3A_815 = arith.cmpf olt, %select_n3A_813, %select_n3A_794 : vector<200x256xf32>
    %select_n3A_816 = arith.select %lt3A_815, %select_n3A_813, %select_n3A_794 : vector<200x256xi1>, vector<200x256xf32>
    %select_n3A_817 = arith.select %lt3A_815, %select_n3A_814, %select_n3A_795 : vector<200x256xi1>, vector<200x256xi32>
    %slice3A_818 = vector.extract_strided_slice %add3A_13 {offsets = [0, 9216], sizes = [200, 256], strides = [1, 1]} : vector<200x10240xf32> to vector<200x256xf32>
    %add3A_819 = arith.constant 9216 : i32
    %add3A_820 = vector.broadcast %add3A_819 : i32 to vector<200x256xi32>
    %add3A_821 = arith.addi %iota3A, %add3A_820 : vector<200x256xi32>
    %lt3A_822 = arith.cmpf olt, %slice3A_818, %select_n3A_801 : vector<200x256xf32>
    %select_n3A_823 = arith.select %lt3A_822, %slice3A_818, %select_n3A_801 : vector<200x256xi1>, vector<200x256xf32>
    %select_n3A_824 = arith.select %lt3A_822, %add3A_821, %select_n3A_802 : vector<200x256xi1>, vector<200x256xi32>
    %select_n3A_825 = arith.select %lt3A_822, %select_n3A_801, %slice3A_818 : vector<200x256xi1>, vector<200x256xf32>
    %select_n3A_826 = arith.select %lt3A_822, %select_n3A_802, %add3A_821 : vector<200x256xi1>, vector<200x256xi32>
    %lt3A_827 = arith.cmpf olt, %select_n3A_825, %select_n3A_806 : vector<200x256xf32>
    %select_n3A_828 = arith.select %lt3A_827, %select_n3A_825, %select_n3A_806 : vector<200x256xi1>, vector<200x256xf32>
    %select_n3A_829 = arith.select %lt3A_827, %select_n3A_826, %select_n3A_807 : vector<200x256xi1>, vector<200x256xi32>
    %select_n3A_830 = arith.select %lt3A_827, %select_n3A_806, %select_n3A_825 : vector<200x256xi1>, vector<200x256xf32>
    %select_n3A_831 = arith.select %lt3A_827, %select_n3A_807, %select_n3A_826 : vector<200x256xi1>, vector<200x256xi32>
    %lt3A_832 = arith.cmpf olt, %select_n3A_830, %select_n3A_811 : vector<200x256xf32>
    %select_n3A_833 = arith.select %lt3A_832, %select_n3A_830, %select_n3A_811 : vector<200x256xi1>, vector<200x256xf32>
    %select_n3A_834 = arith.select %lt3A_832, %select_n3A_831, %select_n3A_812 : vector<200x256xi1>, vector<200x256xi32>
    %select_n3A_835 = arith.select %lt3A_832, %select_n3A_811, %select_n3A_830 : vector<200x256xi1>, vector<200x256xf32>
    %select_n3A_836 = arith.select %lt3A_832, %select_n3A_812, %select_n3A_831 : vector<200x256xi1>, vector<200x256xi32>
    %lt3A_837 = arith.cmpf olt, %select_n3A_835, %select_n3A_816 : vector<200x256xf32>
    %select_n3A_838 = arith.select %lt3A_837, %select_n3A_835, %select_n3A_816 : vector<200x256xi1>, vector<200x256xf32>
    %select_n3A_839 = arith.select %lt3A_837, %select_n3A_836, %select_n3A_817 : vector<200x256xi1>, vector<200x256xi32>
    %slice3A_840 = vector.extract_strided_slice %add3A_13 {offsets = [0, 9472], sizes = [200, 256], strides = [1, 1]} : vector<200x10240xf32> to vector<200x256xf32>
    %add3A_841 = arith.constant 9472 : i32
    %add3A_842 = vector.broadcast %add3A_841 : i32 to vector<200x256xi32>
    %add3A_843 = arith.addi %iota3A, %add3A_842 : vector<200x256xi32>
    %lt3A_844 = arith.cmpf olt, %slice3A_840, %select_n3A_823 : vector<200x256xf32>
    %select_n3A_845 = arith.select %lt3A_844, %slice3A_840, %select_n3A_823 : vector<200x256xi1>, vector<200x256xf32>
    %select_n3A_846 = arith.select %lt3A_844, %add3A_843, %select_n3A_824 : vector<200x256xi1>, vector<200x256xi32>
    %select_n3A_847 = arith.select %lt3A_844, %select_n3A_823, %slice3A_840 : vector<200x256xi1>, vector<200x256xf32>
    %select_n3A_848 = arith.select %lt3A_844, %select_n3A_824, %add3A_843 : vector<200x256xi1>, vector<200x256xi32>
    %lt3A_849 = arith.cmpf olt, %select_n3A_847, %select_n3A_828 : vector<200x256xf32>
    %select_n3A_850 = arith.select %lt3A_849, %select_n3A_847, %select_n3A_828 : vector<200x256xi1>, vector<200x256xf32>
    %select_n3A_851 = arith.select %lt3A_849, %select_n3A_848, %select_n3A_829 : vector<200x256xi1>, vector<200x256xi32>
    %select_n3A_852 = arith.select %lt3A_849, %select_n3A_828, %select_n3A_847 : vector<200x256xi1>, vector<200x256xf32>
    %select_n3A_853 = arith.select %lt3A_849, %select_n3A_829, %select_n3A_848 : vector<200x256xi1>, vector<200x256xi32>
    %lt3A_854 = arith.cmpf olt, %select_n3A_852, %select_n3A_833 : vector<200x256xf32>
    %select_n3A_855 = arith.select %lt3A_854, %select_n3A_852, %select_n3A_833 : vector<200x256xi1>, vector<200x256xf32>
    %select_n3A_856 = arith.select %lt3A_854, %select_n3A_853, %select_n3A_834 : vector<200x256xi1>, vector<200x256xi32>
    %select_n3A_857 = arith.select %lt3A_854, %select_n3A_833, %select_n3A_852 : vector<200x256xi1>, vector<200x256xf32>
    %select_n3A_858 = arith.select %lt3A_854, %select_n3A_834, %select_n3A_853 : vector<200x256xi1>, vector<200x256xi32>
    %lt3A_859 = arith.cmpf olt, %select_n3A_857, %select_n3A_838 : vector<200x256xf32>
    %select_n3A_860 = arith.select %lt3A_859, %select_n3A_857, %select_n3A_838 : vector<200x256xi1>, vector<200x256xf32>
    %select_n3A_861 = arith.select %lt3A_859, %select_n3A_858, %select_n3A_839 : vector<200x256xi1>, vector<200x256xi32>
    %slice3A_862 = vector.extract_strided_slice %add3A_13 {offsets = [0, 9728], sizes = [200, 256], strides = [1, 1]} : vector<200x10240xf32> to vector<200x256xf32>
    %add3A_863 = arith.constant 9728 : i32
    %add3A_864 = vector.broadcast %add3A_863 : i32 to vector<200x256xi32>
    %add3A_865 = arith.addi %iota3A, %add3A_864 : vector<200x256xi32>
    %lt3A_866 = arith.cmpf olt, %slice3A_862, %select_n3A_845 : vector<200x256xf32>
    %select_n3A_867 = arith.select %lt3A_866, %slice3A_862, %select_n3A_845 : vector<200x256xi1>, vector<200x256xf32>
    %select_n3A_868 = arith.select %lt3A_866, %add3A_865, %select_n3A_846 : vector<200x256xi1>, vector<200x256xi32>
    %select_n3A_869 = arith.select %lt3A_866, %select_n3A_845, %slice3A_862 : vector<200x256xi1>, vector<200x256xf32>
    %select_n3A_870 = arith.select %lt3A_866, %select_n3A_846, %add3A_865 : vector<200x256xi1>, vector<200x256xi32>
    %lt3A_871 = arith.cmpf olt, %select_n3A_869, %select_n3A_850 : vector<200x256xf32>
    %select_n3A_872 = arith.select %lt3A_871, %select_n3A_869, %select_n3A_850 : vector<200x256xi1>, vector<200x256xf32>
    %select_n3A_873 = arith.select %lt3A_871, %select_n3A_870, %select_n3A_851 : vector<200x256xi1>, vector<200x256xi32>
    %select_n3A_874 = arith.select %lt3A_871, %select_n3A_850, %select_n3A_869 : vector<200x256xi1>, vector<200x256xf32>
    %select_n3A_875 = arith.select %lt3A_871, %select_n3A_851, %select_n3A_870 : vector<200x256xi1>, vector<200x256xi32>
    %lt3A_876 = arith.cmpf olt, %select_n3A_874, %select_n3A_855 : vector<200x256xf32>
    %select_n3A_877 = arith.select %lt3A_876, %select_n3A_874, %select_n3A_855 : vector<200x256xi1>, vector<200x256xf32>
    %select_n3A_878 = arith.select %lt3A_876, %select_n3A_875, %select_n3A_856 : vector<200x256xi1>, vector<200x256xi32>
    %select_n3A_879 = arith.select %lt3A_876, %select_n3A_855, %select_n3A_874 : vector<200x256xi1>, vector<200x256xf32>
    %select_n3A_880 = arith.select %lt3A_876, %select_n3A_856, %select_n3A_875 : vector<200x256xi1>, vector<200x256xi32>
    %lt3A_881 = arith.cmpf olt, %select_n3A_879, %select_n3A_860 : vector<200x256xf32>
    %select_n3A_882 = arith.select %lt3A_881, %select_n3A_879, %select_n3A_860 : vector<200x256xi1>, vector<200x256xf32>
    %select_n3A_883 = arith.select %lt3A_881, %select_n3A_880, %select_n3A_861 : vector<200x256xi1>, vector<200x256xi32>
    %slice3A_884 = vector.extract_strided_slice %add3A_13 {offsets = [0, 9984], sizes = [200, 256], strides = [1, 1]} : vector<200x10240xf32> to vector<200x256xf32>
    %add3A_885 = arith.constant 9984 : i32
    %add3A_886 = vector.broadcast %add3A_885 : i32 to vector<200x256xi32>
    %add3A_887 = arith.addi %iota3A, %add3A_886 : vector<200x256xi32>
    %ge3A = arith.constant 10000 : i32
    %ge3A_888 = vector.broadcast %ge3A : i32 to vector<200x256xi32>
    %ge3A_889 = arith.cmpi sge, %add3A_887, %ge3A_888 : vector<200x256xi32>
    %jit3A = arith.constant 0x7F800000 : f32
    %broadcast_in_dim3A_890 = vector.broadcast %jit3A : f32 to vector<200x256xf32>
    %select_n3A_891 = arith.select %ge3A_889, %broadcast_in_dim3A_890, %slice3A_884 : vector<200x256xi1>, vector<200x256xf32>
    %lt3A_892 = arith.cmpf olt, %select_n3A_891, %select_n3A_867 : vector<200x256xf32>
    %select_n3A_893 = arith.select %lt3A_892, %select_n3A_891, %select_n3A_867 : vector<200x256xi1>, vector<200x256xf32>
    %select_n3A_894 = arith.select %lt3A_892, %add3A_887, %select_n3A_868 : vector<200x256xi1>, vector<200x256xi32>
    %select_n3A_895 = arith.select %lt3A_892, %select_n3A_867, %select_n3A_891 : vector<200x256xi1>, vector<200x256xf32>
    %select_n3A_896 = arith.select %lt3A_892, %select_n3A_868, %add3A_887 : vector<200x256xi1>, vector<200x256xi32>
    %lt3A_897 = arith.cmpf olt, %select_n3A_895, %select_n3A_872 : vector<200x256xf32>
    %select_n3A_898 = arith.select %lt3A_897, %select_n3A_895, %select_n3A_872 : vector<200x256xi1>, vector<200x256xf32>
    %select_n3A_899 = arith.select %lt3A_897, %select_n3A_896, %select_n3A_873 : vector<200x256xi1>, vector<200x256xi32>
    %select_n3A_900 = arith.select %lt3A_897, %select_n3A_872, %select_n3A_895 : vector<200x256xi1>, vector<200x256xf32>
    %select_n3A_901 = arith.select %lt3A_897, %select_n3A_873, %select_n3A_896 : vector<200x256xi1>, vector<200x256xi32>
    %lt3A_902 = arith.cmpf olt, %select_n3A_900, %select_n3A_877 : vector<200x256xf32>
    %select_n3A_903 = arith.select %lt3A_902, %select_n3A_900, %select_n3A_877 : vector<200x256xi1>, vector<200x256xf32>
    %select_n3A_904 = arith.select %lt3A_902, %select_n3A_901, %select_n3A_878 : vector<200x256xi1>, vector<200x256xi32>
    %select_n3A_905 = arith.select %lt3A_902, %select_n3A_877, %select_n3A_900 : vector<200x256xi1>, vector<200x256xf32>
    %select_n3A_906 = arith.select %lt3A_902, %select_n3A_878, %select_n3A_901 : vector<200x256xi1>, vector<200x256xi32>
    %lt3A_907 = arith.cmpf olt, %select_n3A_905, %select_n3A_882 : vector<200x256xf32>
    %select_n3A_908 = arith.select %lt3A_907, %select_n3A_905, %select_n3A_882 : vector<200x256xi1>, vector<200x256xf32>
    %select_n3A_909 = arith.select %lt3A_907, %select_n3A_906, %select_n3A_883 : vector<200x256xi1>, vector<200x256xi32>
    %concatenate3A = tpu.concatenate %select_n3A_893, %select_n3A_898, %select_n3A_903, %select_n3A_908 in 1 : vector<200x256xf32>, vector<200x256xf32>, vector<200x256xf32>, vector<200x256xf32> -> vector<200x1024xf32>
    %concatenate3A_910 = tpu.concatenate %select_n3A_894, %select_n3A_899, %select_n3A_904, %select_n3A_909 in 1 : vector<200x256xi32>, vector<200x256xi32>, vector<200x256xi32>, vector<200x256xi32> -> vector<200x1024xi32>
    %reduce_min3A = arith.constant dense<0x7F800000> : vector<200xf32>
    %reduce_min3A_911 = vector.multi_reduction <minimumf>, %concatenate3A, %reduce_min3A [1] : vector<200x1024xf32> to vector<200xf32>
    %broadcast_in_dim3A_912 = vector.shape_cast %reduce_min3A_911 : vector<200xf32> to vector<200x1xf32>
    %eq3A_913 = vector.broadcast %broadcast_in_dim3A_912 : vector<200x1xf32> to vector<200x1024xf32>
    %eq3A_914 = arith.cmpf oeq, %concatenate3A, %eq3A_913 : vector<200x1024xf32>
    %jit3A_915 = arith.constant 1073741824 : i32
    %broadcast_in_dim3A_916 = vector.broadcast %jit3A_915 : i32 to vector<200x1024xi32>
    %select_n3A_917 = arith.select %eq3A_914, %concatenate3A_910, %broadcast_in_dim3A_916 : vector<200x1024xi1>, vector<200x1024xi32>
    %reduce_min3A_918 = arith.constant dense<2147483647> : vector<200xi32>
    %reduce_min3A_919 = vector.multi_reduction <minsi>, %select_n3A_917, %reduce_min3A_918 [1] : vector<200x1024xi32> to vector<200xi32>
    %broadcast_in_dim3A_920 = vector.shape_cast %reduce_min3A_919 : vector<200xi32> to vector<200x1xi32>
    %eq3A_921 = vector.broadcast %broadcast_in_dim3A_920 : vector<200x1xi32> to vector<200x1024xi32>
    %eq3A_922 = arith.cmpi eq, %select_n3A_917, %eq3A_921 : vector<200x1024xi32>
    %jit3A_923 = arith.constant 0x7F800000 : f32
    %broadcast_in_dim3A_924 = vector.broadcast %jit3A_923 : f32 to vector<200x1024xf32>
    %select_n3A_925 = arith.select %eq3A_922, %broadcast_in_dim3A_924, %concatenate3A : vector<200x1024xi1>, vector<200x1024xf32>
    %reduce_min3A_926 = arith.constant dense<0x7F800000> : vector<200xf32>
    %reduce_min3A_927 = vector.multi_reduction <minimumf>, %select_n3A_925, %reduce_min3A_926 [1] : vector<200x1024xf32> to vector<200xf32>
    %broadcast_in_dim3A_928 = vector.shape_cast %reduce_min3A_927 : vector<200xf32> to vector<200x1xf32>
    %eq3A_929 = vector.broadcast %broadcast_in_dim3A_928 : vector<200x1xf32> to vector<200x1024xf32>
    %eq3A_930 = arith.cmpf oeq, %select_n3A_925, %eq3A_929 : vector<200x1024xf32>
    %jit3A_931 = arith.constant 1073741824 : i32
    %broadcast_in_dim3A_932 = vector.broadcast %jit3A_931 : i32 to vector<200x1024xi32>
    %select_n3A_933 = arith.select %eq3A_930, %concatenate3A_910, %broadcast_in_dim3A_932 : vector<200x1024xi1>, vector<200x1024xi32>
    %reduce_min3A_934 = arith.constant dense<2147483647> : vector<200xi32>
    %reduce_min3A_935 = vector.multi_reduction <minsi>, %select_n3A_933, %reduce_min3A_934 [1] : vector<200x1024xi32> to vector<200xi32>
    %broadcast_in_dim3A_936 = vector.shape_cast %reduce_min3A_935 : vector<200xi32> to vector<200x1xi32>
    %eq3A_937 = vector.broadcast %broadcast_in_dim3A_936 : vector<200x1xi32> to vector<200x1024xi32>
    %eq3A_938 = arith.cmpi eq, %select_n3A_933, %eq3A_937 : vector<200x1024xi32>
    %jit3A_939 = arith.constant 0x7F800000 : f32
    %broadcast_in_dim3A_940 = vector.broadcast %jit3A_939 : f32 to vector<200x1024xf32>
    %select_n3A_941 = arith.select %eq3A_938, %broadcast_in_dim3A_940, %select_n3A_925 : vector<200x1024xi1>, vector<200x1024xf32>
    %reduce_min3A_942 = arith.constant dense<0x7F800000> : vector<200xf32>
    %reduce_min3A_943 = vector.multi_reduction <minimumf>, %select_n3A_941, %reduce_min3A_942 [1] : vector<200x1024xf32> to vector<200xf32>
    %broadcast_in_dim3A_944 = vector.shape_cast %reduce_min3A_943 : vector<200xf32> to vector<200x1xf32>
    %eq3A_945 = vector.broadcast %broadcast_in_dim3A_944 : vector<200x1xf32> to vector<200x1024xf32>
    %eq3A_946 = arith.cmpf oeq, %select_n3A_941, %eq3A_945 : vector<200x1024xf32>
    %jit3A_947 = arith.constant 1073741824 : i32
    %broadcast_in_dim3A_948 = vector.broadcast %jit3A_947 : i32 to vector<200x1024xi32>
    %select_n3A_949 = arith.select %eq3A_946, %concatenate3A_910, %broadcast_in_dim3A_948 : vector<200x1024xi1>, vector<200x1024xi32>
    %reduce_min3A_950 = arith.constant dense<2147483647> : vector<200xi32>
    %reduce_min3A_951 = vector.multi_reduction <minsi>, %select_n3A_949, %reduce_min3A_950 [1] : vector<200x1024xi32> to vector<200xi32>
    %broadcast_in_dim3A_952 = vector.shape_cast %reduce_min3A_951 : vector<200xi32> to vector<200x1xi32>
    %eq3A_953 = vector.broadcast %broadcast_in_dim3A_952 : vector<200x1xi32> to vector<200x1024xi32>
    %eq3A_954 = arith.cmpi eq, %select_n3A_949, %eq3A_953 : vector<200x1024xi32>
    %jit3A_955 = arith.constant 0x7F800000 : f32
    %broadcast_in_dim3A_956 = vector.broadcast %jit3A_955 : f32 to vector<200x1024xf32>
    %select_n3A_957 = arith.select %eq3A_954, %broadcast_in_dim3A_956, %select_n3A_941 : vector<200x1024xi1>, vector<200x1024xf32>
    %reduce_min3A_958 = arith.constant dense<0x7F800000> : vector<200xf32>
    %reduce_min3A_959 = vector.multi_reduction <minimumf>, %select_n3A_957, %reduce_min3A_958 [1] : vector<200x1024xf32> to vector<200xf32>
    %broadcast_in_dim3A_960 = vector.shape_cast %reduce_min3A_959 : vector<200xf32> to vector<200x1xf32>
    %eq3A_961 = vector.broadcast %broadcast_in_dim3A_960 : vector<200x1xf32> to vector<200x1024xf32>
    %eq3A_962 = arith.cmpf oeq, %select_n3A_957, %eq3A_961 : vector<200x1024xf32>
    %jit3A_963 = arith.constant 1073741824 : i32
    %broadcast_in_dim3A_964 = vector.broadcast %jit3A_963 : i32 to vector<200x1024xi32>
    %select_n3A_965 = arith.select %eq3A_962, %concatenate3A_910, %broadcast_in_dim3A_964 : vector<200x1024xi1>, vector<200x1024xi32>
    %reduce_min3A_966 = arith.constant dense<2147483647> : vector<200xi32>
    %reduce_min3A_967 = vector.multi_reduction <minsi>, %select_n3A_965, %reduce_min3A_966 [1] : vector<200x1024xi32> to vector<200xi32>
    %broadcast_in_dim3A_968 = vector.shape_cast %reduce_min3A_967 : vector<200xi32> to vector<200x1xi32>
    %eq3A_969 = vector.broadcast %broadcast_in_dim3A_968 : vector<200x1xi32> to vector<200x1024xi32>
    %eq3A_970 = arith.cmpi eq, %select_n3A_965, %eq3A_969 : vector<200x1024xi32>
    %jit3A_971 = arith.constant 0x7F800000 : f32
    %broadcast_in_dim3A_972 = vector.broadcast %jit3A_971 : f32 to vector<200x1024xf32>
    %select_n3A_973 = arith.select %eq3A_970, %broadcast_in_dim3A_972, %select_n3A_957 : vector<200x1024xi1>, vector<200x1024xf32>
    %reduce_min3A_974 = arith.constant dense<0x7F800000> : vector<200xf32>
    %reduce_min3A_975 = vector.multi_reduction <minimumf>, %select_n3A_973, %reduce_min3A_974 [1] : vector<200x1024xf32> to vector<200xf32>
    %broadcast_in_dim3A_976 = vector.shape_cast %reduce_min3A_975 : vector<200xf32> to vector<200x1xf32>
    %eq3A_977 = vector.broadcast %broadcast_in_dim3A_976 : vector<200x1xf32> to vector<200x1024xf32>
    %eq3A_978 = arith.cmpf oeq, %select_n3A_973, %eq3A_977 : vector<200x1024xf32>
    %jit3A_979 = arith.constant 1073741824 : i32
    %broadcast_in_dim3A_980 = vector.broadcast %jit3A_979 : i32 to vector<200x1024xi32>
    %select_n3A_981 = arith.select %eq3A_978, %concatenate3A_910, %broadcast_in_dim3A_980 : vector<200x1024xi1>, vector<200x1024xi32>
    %reduce_min3A_982 = arith.constant dense<2147483647> : vector<200xi32>
    %reduce_min3A_983 = vector.multi_reduction <minsi>, %select_n3A_981, %reduce_min3A_982 [1] : vector<200x1024xi32> to vector<200xi32>
    %broadcast_in_dim3A_984 = vector.shape_cast %reduce_min3A_983 : vector<200xi32> to vector<200x1xi32>
    %eq3A_985 = vector.broadcast %broadcast_in_dim3A_984 : vector<200x1xi32> to vector<200x1024xi32>
    %eq3A_986 = arith.cmpi eq, %select_n3A_981, %eq3A_985 : vector<200x1024xi32>
    %jit3A_987 = arith.constant 0x7F800000 : f32
    %broadcast_in_dim3A_988 = vector.broadcast %jit3A_987 : f32 to vector<200x1024xf32>
    %select_n3A_989 = arith.select %eq3A_986, %broadcast_in_dim3A_988, %select_n3A_973 : vector<200x1024xi1>, vector<200x1024xf32>
    %reduce_min3A_990 = arith.constant dense<0x7F800000> : vector<200xf32>
    %reduce_min3A_991 = vector.multi_reduction <minimumf>, %select_n3A_989, %reduce_min3A_990 [1] : vector<200x1024xf32> to vector<200xf32>
    %broadcast_in_dim3A_992 = vector.shape_cast %reduce_min3A_991 : vector<200xf32> to vector<200x1xf32>
    %eq3A_993 = vector.broadcast %broadcast_in_dim3A_992 : vector<200x1xf32> to vector<200x1024xf32>
    %eq3A_994 = arith.cmpf oeq, %select_n3A_989, %eq3A_993 : vector<200x1024xf32>
    %jit3A_995 = arith.constant 1073741824 : i32
    %broadcast_in_dim3A_996 = vector.broadcast %jit3A_995 : i32 to vector<200x1024xi32>
    %select_n3A_997 = arith.select %eq3A_994, %concatenate3A_910, %broadcast_in_dim3A_996 : vector<200x1024xi1>, vector<200x1024xi32>
    %reduce_min3A_998 = arith.constant dense<2147483647> : vector<200xi32>
    %reduce_min3A_999 = vector.multi_reduction <minsi>, %select_n3A_997, %reduce_min3A_998 [1] : vector<200x1024xi32> to vector<200xi32>
    %broadcast_in_dim3A_1000 = vector.shape_cast %reduce_min3A_999 : vector<200xi32> to vector<200x1xi32>
    %eq3A_1001 = vector.broadcast %broadcast_in_dim3A_1000 : vector<200x1xi32> to vector<200x1024xi32>
    %eq3A_1002 = arith.cmpi eq, %select_n3A_997, %eq3A_1001 : vector<200x1024xi32>
    %jit3A_1003 = arith.constant 0x7F800000 : f32
    %broadcast_in_dim3A_1004 = vector.broadcast %jit3A_1003 : f32 to vector<200x1024xf32>
    %select_n3A_1005 = arith.select %eq3A_1002, %broadcast_in_dim3A_1004, %select_n3A_989 : vector<200x1024xi1>, vector<200x1024xf32>
    %reduce_min3A_1006 = arith.constant dense<0x7F800000> : vector<200xf32>
    %reduce_min3A_1007 = vector.multi_reduction <minimumf>, %select_n3A_1005, %reduce_min3A_1006 [1] : vector<200x1024xf32> to vector<200xf32>
    %broadcast_in_dim3A_1008 = vector.shape_cast %reduce_min3A_1007 : vector<200xf32> to vector<200x1xf32>
    %eq3A_1009 = vector.broadcast %broadcast_in_dim3A_1008 : vector<200x1xf32> to vector<200x1024xf32>
    %eq3A_1010 = arith.cmpf oeq, %select_n3A_1005, %eq3A_1009 : vector<200x1024xf32>
    %jit3A_1011 = arith.constant 1073741824 : i32
    %broadcast_in_dim3A_1012 = vector.broadcast %jit3A_1011 : i32 to vector<200x1024xi32>
    %select_n3A_1013 = arith.select %eq3A_1010, %concatenate3A_910, %broadcast_in_dim3A_1012 : vector<200x1024xi1>, vector<200x1024xi32>
    %reduce_min3A_1014 = arith.constant dense<2147483647> : vector<200xi32>
    %reduce_min3A_1015 = vector.multi_reduction <minsi>, %select_n3A_1013, %reduce_min3A_1014 [1] : vector<200x1024xi32> to vector<200xi32>
    %broadcast_in_dim3A_1016 = vector.shape_cast %reduce_min3A_1015 : vector<200xi32> to vector<200x1xi32>
    %eq3A_1017 = vector.broadcast %broadcast_in_dim3A_1016 : vector<200x1xi32> to vector<200x1024xi32>
    %eq3A_1018 = arith.cmpi eq, %select_n3A_1013, %eq3A_1017 : vector<200x1024xi32>
    %jit3A_1019 = arith.constant 0x7F800000 : f32
    %broadcast_in_dim3A_1020 = vector.broadcast %jit3A_1019 : f32 to vector<200x1024xf32>
    %select_n3A_1021 = arith.select %eq3A_1018, %broadcast_in_dim3A_1020, %select_n3A_1005 : vector<200x1024xi1>, vector<200x1024xf32>
    %reduce_min3A_1022 = arith.constant dense<0x7F800000> : vector<200xf32>
    %reduce_min3A_1023 = vector.multi_reduction <minimumf>, %select_n3A_1021, %reduce_min3A_1022 [1] : vector<200x1024xf32> to vector<200xf32>
    %broadcast_in_dim3A_1024 = vector.shape_cast %reduce_min3A_1023 : vector<200xf32> to vector<200x1xf32>
    %eq3A_1025 = vector.broadcast %broadcast_in_dim3A_1024 : vector<200x1xf32> to vector<200x1024xf32>
    %eq3A_1026 = arith.cmpf oeq, %select_n3A_1021, %eq3A_1025 : vector<200x1024xf32>
    %jit3A_1027 = arith.constant 1073741824 : i32
    %broadcast_in_dim3A_1028 = vector.broadcast %jit3A_1027 : i32 to vector<200x1024xi32>
    %select_n3A_1029 = arith.select %eq3A_1026, %concatenate3A_910, %broadcast_in_dim3A_1028 : vector<200x1024xi1>, vector<200x1024xi32>
    %reduce_min3A_1030 = arith.constant dense<2147483647> : vector<200xi32>
    %reduce_min3A_1031 = vector.multi_reduction <minsi>, %select_n3A_1029, %reduce_min3A_1030 [1] : vector<200x1024xi32> to vector<200xi32>
    %broadcast_in_dim3A_1032 = vector.shape_cast %reduce_min3A_1031 : vector<200xi32> to vector<200x1xi32>
    %eq3A_1033 = vector.broadcast %broadcast_in_dim3A_1032 : vector<200x1xi32> to vector<200x1024xi32>
    %eq3A_1034 = arith.cmpi eq, %select_n3A_1029, %eq3A_1033 : vector<200x1024xi32>
    %jit3A_1035 = arith.constant 0x7F800000 : f32
    %broadcast_in_dim3A_1036 = vector.broadcast %jit3A_1035 : f32 to vector<200x1024xf32>
    %select_n3A_1037 = arith.select %eq3A_1034, %broadcast_in_dim3A_1036, %select_n3A_1021 : vector<200x1024xi1>, vector<200x1024xf32>
    %reduce_min3A_1038 = arith.constant dense<0x7F800000> : vector<200xf32>
    %reduce_min3A_1039 = vector.multi_reduction <minimumf>, %select_n3A_1037, %reduce_min3A_1038 [1] : vector<200x1024xf32> to vector<200xf32>
    %broadcast_in_dim3A_1040 = vector.shape_cast %reduce_min3A_1039 : vector<200xf32> to vector<200x1xf32>
    %eq3A_1041 = vector.broadcast %broadcast_in_dim3A_1040 : vector<200x1xf32> to vector<200x1024xf32>
    %eq3A_1042 = arith.cmpf oeq, %select_n3A_1037, %eq3A_1041 : vector<200x1024xf32>
    %jit3A_1043 = arith.constant 1073741824 : i32
    %broadcast_in_dim3A_1044 = vector.broadcast %jit3A_1043 : i32 to vector<200x1024xi32>
    %select_n3A_1045 = arith.select %eq3A_1042, %concatenate3A_910, %broadcast_in_dim3A_1044 : vector<200x1024xi1>, vector<200x1024xi32>
    %reduce_min3A_1046 = arith.constant dense<2147483647> : vector<200xi32>
    %reduce_min3A_1047 = vector.multi_reduction <minsi>, %select_n3A_1045, %reduce_min3A_1046 [1] : vector<200x1024xi32> to vector<200xi32>
    %broadcast_in_dim3A_1048 = vector.shape_cast %reduce_min3A_1047 : vector<200xi32> to vector<200x1xi32>
    %eq3A_1049 = vector.broadcast %broadcast_in_dim3A_1048 : vector<200x1xi32> to vector<200x1024xi32>
    %eq3A_1050 = arith.cmpi eq, %select_n3A_1045, %eq3A_1049 : vector<200x1024xi32>
    %jit3A_1051 = arith.constant 0x7F800000 : f32
    %broadcast_in_dim3A_1052 = vector.broadcast %jit3A_1051 : f32 to vector<200x1024xf32>
    %select_n3A_1053 = arith.select %eq3A_1050, %broadcast_in_dim3A_1052, %select_n3A_1037 : vector<200x1024xi1>, vector<200x1024xf32>
    %reduce_min3A_1054 = arith.constant dense<0x7F800000> : vector<200xf32>
    %reduce_min3A_1055 = vector.multi_reduction <minimumf>, %select_n3A_1053, %reduce_min3A_1054 [1] : vector<200x1024xf32> to vector<200xf32>
    %broadcast_in_dim3A_1056 = vector.shape_cast %reduce_min3A_1055 : vector<200xf32> to vector<200x1xf32>
    %eq3A_1057 = vector.broadcast %broadcast_in_dim3A_1056 : vector<200x1xf32> to vector<200x1024xf32>
    %eq3A_1058 = arith.cmpf oeq, %select_n3A_1053, %eq3A_1057 : vector<200x1024xf32>
    %jit3A_1059 = arith.constant 1073741824 : i32
    %broadcast_in_dim3A_1060 = vector.broadcast %jit3A_1059 : i32 to vector<200x1024xi32>
    %select_n3A_1061 = arith.select %eq3A_1058, %concatenate3A_910, %broadcast_in_dim3A_1060 : vector<200x1024xi1>, vector<200x1024xi32>
    %reduce_min3A_1062 = arith.constant dense<2147483647> : vector<200xi32>
    %reduce_min3A_1063 = vector.multi_reduction <minsi>, %select_n3A_1061, %reduce_min3A_1062 [1] : vector<200x1024xi32> to vector<200xi32>
    %broadcast_in_dim3A_1064 = vector.shape_cast %reduce_min3A_1063 : vector<200xi32> to vector<200x1xi32>
    %eq3A_1065 = vector.broadcast %broadcast_in_dim3A_1064 : vector<200x1xi32> to vector<200x1024xi32>
    %eq3A_1066 = arith.cmpi eq, %select_n3A_1061, %eq3A_1065 : vector<200x1024xi32>
    %jit3A_1067 = arith.constant 0x7F800000 : f32
    %broadcast_in_dim3A_1068 = vector.broadcast %jit3A_1067 : f32 to vector<200x1024xf32>
    %select_n3A_1069 = arith.select %eq3A_1066, %broadcast_in_dim3A_1068, %select_n3A_1053 : vector<200x1024xi1>, vector<200x1024xf32>
    %reduce_min3A_1070 = arith.constant dense<0x7F800000> : vector<200xf32>
    %reduce_min3A_1071 = vector.multi_reduction <minimumf>, %select_n3A_1069, %reduce_min3A_1070 [1] : vector<200x1024xf32> to vector<200xf32>
    %broadcast_in_dim3A_1072 = vector.shape_cast %reduce_min3A_1071 : vector<200xf32> to vector<200x1xf32>
    %eq3A_1073 = vector.broadcast %broadcast_in_dim3A_1072 : vector<200x1xf32> to vector<200x1024xf32>
    %eq3A_1074 = arith.cmpf oeq, %select_n3A_1069, %eq3A_1073 : vector<200x1024xf32>
    %jit3A_1075 = arith.constant 1073741824 : i32
    %broadcast_in_dim3A_1076 = vector.broadcast %jit3A_1075 : i32 to vector<200x1024xi32>
    %select_n3A_1077 = arith.select %eq3A_1074, %concatenate3A_910, %broadcast_in_dim3A_1076 : vector<200x1024xi1>, vector<200x1024xi32>
    %reduce_min3A_1078 = arith.constant dense<2147483647> : vector<200xi32>
    %reduce_min3A_1079 = vector.multi_reduction <minsi>, %select_n3A_1077, %reduce_min3A_1078 [1] : vector<200x1024xi32> to vector<200xi32>
    %broadcast_in_dim3A_1080 = vector.shape_cast %reduce_min3A_1079 : vector<200xi32> to vector<200x1xi32>
    %eq3A_1081 = vector.broadcast %broadcast_in_dim3A_1080 : vector<200x1xi32> to vector<200x1024xi32>
    %eq3A_1082 = arith.cmpi eq, %select_n3A_1077, %eq3A_1081 : vector<200x1024xi32>
    %jit3A_1083 = arith.constant 0x7F800000 : f32
    %broadcast_in_dim3A_1084 = vector.broadcast %jit3A_1083 : f32 to vector<200x1024xf32>
    %select_n3A_1085 = arith.select %eq3A_1082, %broadcast_in_dim3A_1084, %select_n3A_1069 : vector<200x1024xi1>, vector<200x1024xf32>
    %reduce_min3A_1086 = arith.constant dense<0x7F800000> : vector<200xf32>
    %reduce_min3A_1087 = vector.multi_reduction <minimumf>, %select_n3A_1085, %reduce_min3A_1086 [1] : vector<200x1024xf32> to vector<200xf32>
    %broadcast_in_dim3A_1088 = vector.shape_cast %reduce_min3A_1087 : vector<200xf32> to vector<200x1xf32>
    %eq3A_1089 = vector.broadcast %broadcast_in_dim3A_1088 : vector<200x1xf32> to vector<200x1024xf32>
    %eq3A_1090 = arith.cmpf oeq, %select_n3A_1085, %eq3A_1089 : vector<200x1024xf32>
    %jit3A_1091 = arith.constant 1073741824 : i32
    %broadcast_in_dim3A_1092 = vector.broadcast %jit3A_1091 : i32 to vector<200x1024xi32>
    %select_n3A_1093 = arith.select %eq3A_1090, %concatenate3A_910, %broadcast_in_dim3A_1092 : vector<200x1024xi1>, vector<200x1024xi32>
    %reduce_min3A_1094 = arith.constant dense<2147483647> : vector<200xi32>
    %reduce_min3A_1095 = vector.multi_reduction <minsi>, %select_n3A_1093, %reduce_min3A_1094 [1] : vector<200x1024xi32> to vector<200xi32>
    %broadcast_in_dim3A_1096 = vector.shape_cast %reduce_min3A_1095 : vector<200xi32> to vector<200x1xi32>
    %eq3A_1097 = vector.broadcast %broadcast_in_dim3A_1096 : vector<200x1xi32> to vector<200x1024xi32>
    %eq3A_1098 = arith.cmpi eq, %select_n3A_1093, %eq3A_1097 : vector<200x1024xi32>
    %jit3A_1099 = arith.constant 0x7F800000 : f32
    %broadcast_in_dim3A_1100 = vector.broadcast %jit3A_1099 : f32 to vector<200x1024xf32>
    %select_n3A_1101 = arith.select %eq3A_1098, %broadcast_in_dim3A_1100, %select_n3A_1085 : vector<200x1024xi1>, vector<200x1024xf32>
    %reduce_min3A_1102 = arith.constant dense<0x7F800000> : vector<200xf32>
    %reduce_min3A_1103 = vector.multi_reduction <minimumf>, %select_n3A_1101, %reduce_min3A_1102 [1] : vector<200x1024xf32> to vector<200xf32>
    %broadcast_in_dim3A_1104 = vector.shape_cast %reduce_min3A_1103 : vector<200xf32> to vector<200x1xf32>
    %eq3A_1105 = vector.broadcast %broadcast_in_dim3A_1104 : vector<200x1xf32> to vector<200x1024xf32>
    %eq3A_1106 = arith.cmpf oeq, %select_n3A_1101, %eq3A_1105 : vector<200x1024xf32>
    %jit3A_1107 = arith.constant 1073741824 : i32
    %broadcast_in_dim3A_1108 = vector.broadcast %jit3A_1107 : i32 to vector<200x1024xi32>
    %select_n3A_1109 = arith.select %eq3A_1106, %concatenate3A_910, %broadcast_in_dim3A_1108 : vector<200x1024xi1>, vector<200x1024xi32>
    %reduce_min3A_1110 = arith.constant dense<2147483647> : vector<200xi32>
    %reduce_min3A_1111 = vector.multi_reduction <minsi>, %select_n3A_1109, %reduce_min3A_1110 [1] : vector<200x1024xi32> to vector<200xi32>
    %broadcast_in_dim3A_1112 = vector.shape_cast %reduce_min3A_1111 : vector<200xi32> to vector<200x1xi32>
    %eq3A_1113 = vector.broadcast %broadcast_in_dim3A_1112 : vector<200x1xi32> to vector<200x1024xi32>
    %eq3A_1114 = arith.cmpi eq, %select_n3A_1109, %eq3A_1113 : vector<200x1024xi32>
    %jit3A_1115 = arith.constant 0x7F800000 : f32
    %broadcast_in_dim3A_1116 = vector.broadcast %jit3A_1115 : f32 to vector<200x1024xf32>
    %select_n3A_1117 = arith.select %eq3A_1114, %broadcast_in_dim3A_1116, %select_n3A_1101 : vector<200x1024xi1>, vector<200x1024xf32>
    %reduce_min3A_1118 = arith.constant dense<0x7F800000> : vector<200xf32>
    %reduce_min3A_1119 = vector.multi_reduction <minimumf>, %select_n3A_1117, %reduce_min3A_1118 [1] : vector<200x1024xf32> to vector<200xf32>
    %broadcast_in_dim3A_1120 = vector.shape_cast %reduce_min3A_1119 : vector<200xf32> to vector<200x1xf32>
    %eq3A_1121 = vector.broadcast %broadcast_in_dim3A_1120 : vector<200x1xf32> to vector<200x1024xf32>
    %eq3A_1122 = arith.cmpf oeq, %select_n3A_1117, %eq3A_1121 : vector<200x1024xf32>
    %jit3A_1123 = arith.constant 1073741824 : i32
    %broadcast_in_dim3A_1124 = vector.broadcast %jit3A_1123 : i32 to vector<200x1024xi32>
    %select_n3A_1125 = arith.select %eq3A_1122, %concatenate3A_910, %broadcast_in_dim3A_1124 : vector<200x1024xi1>, vector<200x1024xi32>
    %reduce_min3A_1126 = arith.constant dense<2147483647> : vector<200xi32>
    %reduce_min3A_1127 = vector.multi_reduction <minsi>, %select_n3A_1125, %reduce_min3A_1126 [1] : vector<200x1024xi32> to vector<200xi32>
    %broadcast_in_dim3A_1128 = vector.shape_cast %reduce_min3A_1127 : vector<200xi32> to vector<200x1xi32>
    %eq3A_1129 = vector.broadcast %broadcast_in_dim3A_1128 : vector<200x1xi32> to vector<200x1024xi32>
    %eq3A_1130 = arith.cmpi eq, %select_n3A_1125, %eq3A_1129 : vector<200x1024xi32>
    %jit3A_1131 = arith.constant 0x7F800000 : f32
    %broadcast_in_dim3A_1132 = vector.broadcast %jit3A_1131 : f32 to vector<200x1024xf32>
    %select_n3A_1133 = arith.select %eq3A_1130, %broadcast_in_dim3A_1132, %select_n3A_1117 : vector<200x1024xi1>, vector<200x1024xf32>
    %reduce_min3A_1134 = arith.constant dense<0x7F800000> : vector<200xf32>
    %reduce_min3A_1135 = vector.multi_reduction <minimumf>, %select_n3A_1133, %reduce_min3A_1134 [1] : vector<200x1024xf32> to vector<200xf32>
    %broadcast_in_dim3A_1136 = vector.shape_cast %reduce_min3A_1135 : vector<200xf32> to vector<200x1xf32>
    %eq3A_1137 = vector.broadcast %broadcast_in_dim3A_1136 : vector<200x1xf32> to vector<200x1024xf32>
    %eq3A_1138 = arith.cmpf oeq, %select_n3A_1133, %eq3A_1137 : vector<200x1024xf32>
    %jit3A_1139 = arith.constant 1073741824 : i32
    %broadcast_in_dim3A_1140 = vector.broadcast %jit3A_1139 : i32 to vector<200x1024xi32>
    %select_n3A_1141 = arith.select %eq3A_1138, %concatenate3A_910, %broadcast_in_dim3A_1140 : vector<200x1024xi1>, vector<200x1024xi32>
    %reduce_min3A_1142 = arith.constant dense<2147483647> : vector<200xi32>
    %reduce_min3A_1143 = vector.multi_reduction <minsi>, %select_n3A_1141, %reduce_min3A_1142 [1] : vector<200x1024xi32> to vector<200xi32>
    %broadcast_in_dim3A_1144 = vector.shape_cast %reduce_min3A_1143 : vector<200xi32> to vector<200x1xi32>
    %eq3A_1145 = vector.broadcast %broadcast_in_dim3A_1144 : vector<200x1xi32> to vector<200x1024xi32>
    %eq3A_1146 = arith.cmpi eq, %select_n3A_1141, %eq3A_1145 : vector<200x1024xi32>
    %jit3A_1147 = arith.constant 0x7F800000 : f32
    %broadcast_in_dim3A_1148 = vector.broadcast %jit3A_1147 : f32 to vector<200x1024xf32>
    %select_n3A_1149 = arith.select %eq3A_1146, %broadcast_in_dim3A_1148, %select_n3A_1133 : vector<200x1024xi1>, vector<200x1024xf32>
    %reduce_min3A_1150 = arith.constant dense<0x7F800000> : vector<200xf32>
    %reduce_min3A_1151 = vector.multi_reduction <minimumf>, %select_n3A_1149, %reduce_min3A_1150 [1] : vector<200x1024xf32> to vector<200xf32>
    %broadcast_in_dim3A_1152 = vector.shape_cast %reduce_min3A_1151 : vector<200xf32> to vector<200x1xf32>
    %eq3A_1153 = vector.broadcast %broadcast_in_dim3A_1152 : vector<200x1xf32> to vector<200x1024xf32>
    %eq3A_1154 = arith.cmpf oeq, %select_n3A_1149, %eq3A_1153 : vector<200x1024xf32>
    %jit3A_1155 = arith.constant 1073741824 : i32
    %broadcast_in_dim3A_1156 = vector.broadcast %jit3A_1155 : i32 to vector<200x1024xi32>
    %select_n3A_1157 = arith.select %eq3A_1154, %concatenate3A_910, %broadcast_in_dim3A_1156 : vector<200x1024xi1>, vector<200x1024xi32>
    %reduce_min3A_1158 = arith.constant dense<2147483647> : vector<200xi32>
    %reduce_min3A_1159 = vector.multi_reduction <minsi>, %select_n3A_1157, %reduce_min3A_1158 [1] : vector<200x1024xi32> to vector<200xi32>
    %broadcast_in_dim3A_1160 = vector.shape_cast %reduce_min3A_1159 : vector<200xi32> to vector<200x1xi32>
    %concatenate3A_1161 = tpu.concatenate %broadcast_in_dim3A_920, %broadcast_in_dim3A_936, %broadcast_in_dim3A_952, %broadcast_in_dim3A_968, %broadcast_in_dim3A_984, %broadcast_in_dim3A_1000, %broadcast_in_dim3A_1016, %broadcast_in_dim3A_1032, %broadcast_in_dim3A_1048, %broadcast_in_dim3A_1064, %broadcast_in_dim3A_1080, %broadcast_in_dim3A_1096, %broadcast_in_dim3A_1112, %broadcast_in_dim3A_1128, %broadcast_in_dim3A_1144, %broadcast_in_dim3A_1160 in 1 : vector<200x1xi32>, vector<200x1xi32>, vector<200x1xi32>, vector<200x1xi32>, vector<200x1xi32>, vector<200x1xi32>, vector<200x1xi32>, vector<200x1xi32>, vector<200x1xi32>, vector<200x1xi32>, vector<200x1xi32>, vector<200x1xi32>, vector<200x1xi32>, vector<200x1xi32>, vector<200x1xi32>, vector<200x1xi32> -> vector<200x16xi32>
    %swap3A = arith.constant 0 : index
    %swap3A_1162 = arith.constant 0 : index
    %swap3A_1163 = vector.load %arg3[%swap3A, %swap3A_1162] : memref<200x16xi32, #tpu.memory_space<vmem>>, vector<200x16xi32>
    tpu.vector_store %arg3[%swap3A, %swap3A_1162], %concatenate3A_1161 {strides = array<i32>} : memref<200x16xi32, #tpu.memory_space<vmem>>, vector<200x16xi32>,
    return
  }
  func.func @transform_0(%arg0: i32) -> (i32, i32) {
    %c0_i32 = arith.constant 0 : i32
    %c0_i32_0 = arith.constant 0 : i32
    return %arg0, %c0_i32 : i32, i32
  }
  func.func @transform_1(%arg0: i32) -> (i32, i32) {
    %c0_i32 = arith.constant 0 : i32
    %c0_i32_0 = arith.constant 0 : i32
    %c0_i32_1 = arith.constant 0 : i32
    return %c0_i32, %c0_i32_0 : i32, i32
  }
  func.func @transform_2(%arg0: i32) -> (i32, i32) {
    %c0_i32 = arith.constant 0 : i32
    %c0_i32_0 = arith.constant 0 : i32
    return %arg0, %c0_i32 : i32, i32
  }
}

module attributes {stable_mosaic.version = 14 : i64} {
  func.func @_qkv_body(%arg0: i32, %arg1: memref<2000x128xf32, #tpu.memory_space<vmem>>, %arg2: memref<128x128xf32, #tpu.memory_space<vmem>>, %arg3: memref<1x128xf32, #tpu.memory_space<vmem>>, %arg4: memref<128x128xf32, #tpu.memory_space<vmem>>, %arg5: memref<1x128xf32, #tpu.memory_space<vmem>>, %arg6: memref<128x128xf32, #tpu.memory_space<vmem>>, %arg7: memref<1x128xf32, #tpu.memory_space<vmem>>, %arg8: memref<2000x128xf32, #tpu.memory_space<vmem>>, %arg9: memref<2000x256xf32, #tpu.memory_space<vmem>>) attributes {dimension_semantics = [#tpu.dimension_semantics<arbitrary>], iteration_bounds = array<i64: 5>, scalar_prefetch = 0 : i64, scratch_operands = 0 : i64, tpu.core_type = #tpu.core_type<tc>, window_params = [{transform_indices = @transform_0, window_bounds = array<i64: 2000, 128>}, {pipeline_mode = #tpu.pipeline_mode<synchronous>, transform_indices = @transform_1, window_bounds = array<i64: 128, 128>}, {pipeline_mode = #tpu.pipeline_mode<synchronous>, transform_indices = @transform_2, window_bounds = array<i64: 1, 128>}, {pipeline_mode = #tpu.pipeline_mode<synchronous>, transform_indices = @transform_3, window_bounds = array<i64: 128, 128>}, {pipeline_mode = #tpu.pipeline_mode<synchronous>, transform_indices = @transform_4, window_bounds = array<i64: 1, 128>}, {pipeline_mode = #tpu.pipeline_mode<synchronous>, transform_indices = @transform_5, window_bounds = array<i64: 128, 128>}, {pipeline_mode = #tpu.pipeline_mode<synchronous>, transform_indices = @transform_6, window_bounds = array<i64: 1, 128>}, {transform_indices = @transform_7, window_bounds = array<i64: 2000, 128>}, {transform_indices = @transform_8, window_bounds = array<i64: 2000, 256>}]} {
    %get3A = arith.constant 0 : index
    %get3A_0 = arith.constant 0 : index
    %get3A_1 = vector.load %arg1[%get3A, %get3A_0] : memref<2000x128xf32, #tpu.memory_space<vmem>>, vector<2000x128xf32>
    %get3A_2 = arith.constant 0 : index
    %get3A_3 = arith.constant 0 : index
    %get3A_4 = vector.load %arg2[%get3A_2, %get3A_3] : memref<128x128xf32, #tpu.memory_space<vmem>>, vector<128x128xf32>
    %dot_general3A = arith.constant dense<0.000000e+00> : vector<2000x128xf32>
    %dot_general3A_5 = tpu.matmul %get3A_1, %get3A_4, %dot_general3A {dimension_numbers = #tpu.dot_dimension_numbers<[1], [1], [0], [0], [0, 0, 1, 0], [], []>, transpose_lhs_hint = false} : vector<2000x128xf32>, vector<128x128xf32>, vector<2000x128xf32> -> vector<2000x128xf32>
    %get3A_6 = arith.constant 0 : index
    %get3A_7 = arith.constant 0 : index
    %get3A_8 = vector.load %arg3[%get3A_6, %get3A_7] : memref<1x128xf32, #tpu.memory_space<vmem>>, vector<1x128xf32>
    %add3A = vector.broadcast %get3A_8 : vector<1x128xf32> to vector<2000x128xf32>
    %add3A_9 = arith.addf %dot_general3A_5, %add3A : vector<2000x128xf32>
    %get3A_10 = arith.constant 0 : index
    %get3A_11 = arith.constant 0 : index
    %get3A_12 = vector.load %arg4[%get3A_10, %get3A_11] : memref<128x128xf32, #tpu.memory_space<vmem>>, vector<128x128xf32>
    %dot_general3A_13 = arith.constant dense<0.000000e+00> : vector<2000x128xf32>
    %dot_general3A_14 = tpu.matmul %get3A_1, %get3A_12, %dot_general3A_13 {dimension_numbers = #tpu.dot_dimension_numbers<[1], [1], [0], [0], [0, 0, 1, 0], [], []>, transpose_lhs_hint = false} : vector<2000x128xf32>, vector<128x128xf32>, vector<2000x128xf32> -> vector<2000x128xf32>
    %get3A_15 = arith.constant 0 : index
    %get3A_16 = arith.constant 0 : index
    %get3A_17 = vector.load %arg5[%get3A_15, %get3A_16] : memref<1x128xf32, #tpu.memory_space<vmem>>, vector<1x128xf32>
    %add3A_18 = vector.broadcast %get3A_17 : vector<1x128xf32> to vector<2000x128xf32>
    %add3A_19 = arith.addf %dot_general3A_14, %add3A_18 : vector<2000x128xf32>
    %get3A_20 = arith.constant 0 : index
    %get3A_21 = arith.constant 0 : index
    %get3A_22 = vector.load %arg6[%get3A_20, %get3A_21] : memref<128x128xf32, #tpu.memory_space<vmem>>, vector<128x128xf32>
    %dot_general3A_23 = arith.constant dense<0.000000e+00> : vector<2000x128xf32>
    %dot_general3A_24 = tpu.matmul %get3A_1, %get3A_22, %dot_general3A_23 {dimension_numbers = #tpu.dot_dimension_numbers<[1], [1], [0], [0], [0, 0, 1, 0], [], []>, transpose_lhs_hint = false} : vector<2000x128xf32>, vector<128x128xf32>, vector<2000x128xf32> -> vector<2000x128xf32>
    %get3A_25 = arith.constant 0 : index
    %get3A_26 = arith.constant 0 : index
    %get3A_27 = vector.load %arg7[%get3A_25, %get3A_26] : memref<1x128xf32, #tpu.memory_space<vmem>>, vector<1x128xf32>
    %add3A_28 = vector.broadcast %get3A_27 : vector<1x128xf32> to vector<2000x128xf32>
    %add3A_29 = arith.addf %dot_general3A_24, %add3A_28 : vector<2000x128xf32>
    %swap3A = arith.constant 0 : index
    %swap3A_30 = arith.constant 0 : index
    %swap3A_31 = vector.load %arg8[%swap3A, %swap3A_30] : memref<2000x128xf32, #tpu.memory_space<vmem>>, vector<2000x128xf32>
    tpu.vector_store %arg8[%swap3A, %swap3A_30], %add3A_9 {strides = array<i32>} : memref<2000x128xf32, #tpu.memory_space<vmem>>, vector<2000x128xf32>,
    %concatenate3A = tpu.concatenate %add3A_19, %add3A_29 in 1 : vector<2000x128xf32>, vector<2000x128xf32> -> vector<2000x256xf32>
    %swap3A_32 = arith.constant 0 : index
    %swap3A_33 = arith.constant 0 : index
    %swap3A_34 = vector.load %arg9[%swap3A_32, %swap3A_33] : memref<2000x256xf32, #tpu.memory_space<vmem>>, vector<2000x256xf32>
    tpu.vector_store %arg9[%swap3A_32, %swap3A_33], %concatenate3A {strides = array<i32>} : memref<2000x256xf32, #tpu.memory_space<vmem>>, vector<2000x256xf32>,
    return
  }
  func.func @transform_0(%arg0: i32) -> (i32, i32) {
    %c0_i32 = arith.constant 0 : i32
    %c0_i32_0 = arith.constant 0 : i32
    return %arg0, %c0_i32 : i32, i32
  }
  func.func @transform_1(%arg0: i32) -> (i32, i32) {
    %c0_i32 = arith.constant 0 : i32
    %c0_i32_0 = arith.constant 0 : i32
    %c0_i32_1 = arith.constant 0 : i32
    return %c0_i32, %c0_i32_0 : i32, i32
  }
  func.func @transform_2(%arg0: i32) -> (i32, i32) {
    %c0_i32 = arith.constant 0 : i32
    %c0_i32_0 = arith.constant 0 : i32
    %c0_i32_1 = arith.constant 0 : i32
    return %c0_i32, %c0_i32_0 : i32, i32
  }
  func.func @transform_3(%arg0: i32) -> (i32, i32) {
    %c0_i32 = arith.constant 0 : i32
    %c0_i32_0 = arith.constant 0 : i32
    %c0_i32_1 = arith.constant 0 : i32
    return %c0_i32, %c0_i32_0 : i32, i32
  }
  func.func @transform_4(%arg0: i32) -> (i32, i32) {
    %c0_i32 = arith.constant 0 : i32
    %c0_i32_0 = arith.constant 0 : i32
    %c0_i32_1 = arith.constant 0 : i32
    return %c0_i32, %c0_i32_0 : i32, i32
  }
  func.func @transform_5(%arg0: i32) -> (i32, i32) {
    %c0_i32 = arith.constant 0 : i32
    %c0_i32_0 = arith.constant 0 : i32
    %c0_i32_1 = arith.constant 0 : i32
    return %c0_i32, %c0_i32_0 : i32, i32
  }
  func.func @transform_6(%arg0: i32) -> (i32, i32) {
    %c0_i32 = arith.constant 0 : i32
    %c0_i32_0 = arith.constant 0 : i32
    %c0_i32_1 = arith.constant 0 : i32
    return %c0_i32, %c0_i32_0 : i32, i32
  }
  func.func @transform_7(%arg0: i32) -> (i32, i32) {
    %c0_i32 = arith.constant 0 : i32
    %c0_i32_0 = arith.constant 0 : i32
    return %arg0, %c0_i32 : i32, i32
  }
  func.func @transform_8(%arg0: i32) -> (i32, i32) {
    %c0_i32 = arith.constant 0 : i32
    %c0_i32_0 = arith.constant 0 : i32
    return %arg0, %c0_i32 : i32, i32
  }
}

module attributes {stable_mosaic.version = 14 : i64} {
  func.func @_attn_body(%arg0: i32, %arg1: memref<400x16x256xf32, #tpu.memory_space<vmem>>, %arg2: memref<400x128xf32, #tpu.memory_space<vmem>>, %arg3: memref<400x128xf32, #tpu.memory_space<vmem>>, %arg4: memref<128x128xf32, #tpu.memory_space<vmem>>, %arg5: memref<1x128xf32, #tpu.memory_space<vmem>>, %arg6: memref<400x128xf32, #tpu.memory_space<vmem>>, %arg7: memref<8x128xf32, #tpu.memory_space<vmem>>) attributes {dimension_semantics = [#tpu.dimension_semantics<arbitrary>], iteration_bounds = array<i64: 25>, scalar_prefetch = 0 : i64, scratch_operands = 0 : i64, tpu.core_type = #tpu.core_type<tc>, window_params = [{transform_indices = @transform_0, window_bounds = array<i64: 400, 16, 256>}, {transform_indices = @transform_1, window_bounds = array<i64: 400, 128>}, {transform_indices = @transform_2, window_bounds = array<i64: 400, 128>}, {pipeline_mode = #tpu.pipeline_mode<synchronous>, transform_indices = @transform_3, window_bounds = array<i64: 128, 128>}, {pipeline_mode = #tpu.pipeline_mode<synchronous>, transform_indices = @transform_4, window_bounds = array<i64: 1, 128>}, {transform_indices = @transform_5, window_bounds = array<i64: 400, 128>}, {pipeline_mode = #tpu.pipeline_mode<synchronous>, transform_indices = @transform_6, window_bounds = array<i64: 8, 128>}]} {
    %get3A = arith.constant 0 : index
    %get3A_0 = arith.constant 0 : index
    %get3A_1 = arith.constant 0 : index
    %get3A_2 = vector.load %arg1[%get3A, %get3A_0, %get3A_1] : memref<400x16x256xf32, #tpu.memory_space<vmem>>, vector<400x16x256xf32>
    %slice3A = vector.extract_strided_slice %get3A_2 {offsets = [0, 0, 0], sizes = [400, 16, 128], strides = [1, 1, 1]} : vector<400x16x256xf32> to vector<400x16x128xf32>
    %slice3A_3 = vector.extract_strided_slice %get3A_2 {offsets = [0, 0, 128], sizes = [400, 16, 128], strides = [1, 1, 1]} : vector<400x16x256xf32> to vector<400x16x128xf32>
    %get3A_4 = arith.constant 0 : index
    %get3A_5 = arith.constant 0 : index
    %get3A_6 = vector.load %arg2[%get3A_4, %get3A_5] : memref<400x128xf32, #tpu.memory_space<vmem>>, vector<400x128xf32>
    %broadcast_in_dim3A = vector.shape_cast %get3A_6 : vector<400x128xf32> to vector<400x1x128xf32>
    %mul3A = vector.broadcast %broadcast_in_dim3A : vector<400x1x128xf32> to vector<400x16x128xf32>
    %mul3A_7 = arith.mulf %slice3A, %mul3A : vector<400x16x128xf32>
    %reduce_sum3A = arith.constant dense<0.000000e+00> : vector<400x16xf32>
    %reduce_sum3A_8 = vector.multi_reduction <add>, %mul3A_7, %reduce_sum3A [2] : vector<400x16x128xf32> to vector<400x16xf32>
    %sqrt3A = arith.constant 1.280000e+02 : f32
    %sqrt3A_9 = math.sqrt %sqrt3A : f32
    %div3A = arith.constant 1.000000e+00 : f32
    %div3A_10 = arith.divf %div3A, %sqrt3A_9 : f32
    %mul3A_11 = vector.broadcast %div3A_10 : f32 to vector<400x16xf32>
    %mul3A_12 = arith.mulf %reduce_sum3A_8, %mul3A_11 : vector<400x16xf32>
    %reduce_max3A = arith.constant dense<0xFF800000> : vector<400xf32>
    %reduce_max3A_13 = vector.multi_reduction <maximumf>, %mul3A_12, %reduce_max3A [1] : vector<400x16xf32> to vector<400xf32>
    %broadcast_in_dim3A_14 = vector.shape_cast %reduce_max3A_13 : vector<400xf32> to vector<400x1xf32>
    %sub3A = vector.broadcast %broadcast_in_dim3A_14 : vector<400x1xf32> to vector<400x16xf32>
    %sub3A_15 = arith.subf %mul3A_12, %sub3A : vector<400x16xf32>
    %exp3A = math.exp %sub3A_15 : vector<400x16xf32>
    %reduce_sum3A_16 = arith.constant dense<0.000000e+00> : vector<400xf32>
    %reduce_sum3A_17 = vector.multi_reduction <add>, %exp3A, %reduce_sum3A_16 [1] : vector<400x16xf32> to vector<400xf32>
    %broadcast_in_dim3A_18 = vector.shape_cast %reduce_sum3A_17 : vector<400xf32> to vector<400x1xf32>
    %div3A_19 = vector.broadcast %broadcast_in_dim3A_18 : vector<400x1xf32> to vector<400x16xf32>
    %div3A_20 = arith.divf %exp3A, %div3A_19 : vector<400x16xf32>
    %broadcast_in_dim3A_21 = vector.shape_cast %div3A_20 : vector<400x16xf32> to vector<400x16x1xf32>
    %mul3A_22 = vector.broadcast %broadcast_in_dim3A_21 : vector<400x16x1xf32> to vector<400x16x128xf32>
    %mul3A_23 = arith.mulf %mul3A_22, %slice3A_3 : vector<400x16x128xf32>
    %reduce_sum3A_24 = arith.constant dense<0.000000e+00> : vector<400x128xf32>
    %reduce_sum3A_25 = vector.multi_reduction <add>, %mul3A_23, %reduce_sum3A_24 [1] : vector<400x16x128xf32> to vector<400x128xf32>
    %get3A_26 = arith.constant 0 : index
    %get3A_27 = arith.constant 0 : index
    %get3A_28 = vector.load %arg3[%get3A_26, %get3A_27] : memref<400x128xf32, #tpu.memory_space<vmem>>, vector<400x128xf32>
    %sub3A_29 = arith.subf %get3A_28, %reduce_sum3A_25 : vector<400x128xf32>
    %get3A_30 = arith.constant 0 : index
    %get3A_31 = arith.constant 0 : index
    %get3A_32 = vector.load %arg4[%get3A_30, %get3A_31] : memref<128x128xf32, #tpu.memory_space<vmem>>, vector<128x128xf32>
    %dot_general3A = arith.constant dense<0.000000e+00> : vector<400x128xf32>
    %dot_general3A_33 = tpu.matmul %sub3A_29, %get3A_32, %dot_general3A {dimension_numbers = #tpu.dot_dimension_numbers<[1], [1], [0], [0], [0, 0, 1, 0], [], []>, transpose_lhs_hint = false} : vector<400x128xf32>, vector<128x128xf32>, vector<400x128xf32> -> vector<400x128xf32>
    %get3A_34 = arith.constant 0 : index
    %get3A_35 = arith.constant 0 : index
    %get3A_36 = vector.load %arg5[%get3A_34, %get3A_35] : memref<1x128xf32, #tpu.memory_space<vmem>>, vector<1x128xf32>
    %add3A = vector.broadcast %get3A_36 : vector<1x128xf32> to vector<400x128xf32>
    %add3A_37 = arith.addf %dot_general3A_33, %add3A : vector<400x128xf32>
    %swap3A = arith.constant 0 : index
    %swap3A_38 = arith.constant 0 : index
    %swap3A_39 = vector.load %arg6[%swap3A, %swap3A_38] : memref<400x128xf32, #tpu.memory_space<vmem>>, vector<400x128xf32>
    tpu.vector_store %arg6[%swap3A, %swap3A_38], %add3A_37 {strides = array<i32>} : memref<400x128xf32, #tpu.memory_space<vmem>>, vector<400x128xf32>,
    %reduce_sum3A_40 = arith.constant dense<0.000000e+00> : vector<128xf32>
    %reduce_sum3A_41 = vector.multi_reduction <add>, %add3A_37, %reduce_sum3A_40 [0] : vector<400x128xf32> to vector<128xf32>
    %broadcast_in_dim3A_42 = vector.shape_cast %reduce_sum3A_41 : vector<128xf32> to vector<1x128xf32>
    %mul3A_43 = arith.mulf %add3A_37, %add3A_37 : vector<400x128xf32>
    %reduce_sum3A_44 = arith.constant dense<0.000000e+00> : vector<128xf32>
    %reduce_sum3A_45 = vector.multi_reduction <add>, %mul3A_43, %reduce_sum3A_44 [0] : vector<400x128xf32> to vector<128xf32>
    %broadcast_in_dim3A_46 = vector.shape_cast %reduce_sum3A_45 : vector<128xf32> to vector<1x128xf32>
    %broadcast_in_dim3A_47 = arith.constant 0.000000e+00 : f32
    %broadcast_in_dim3A_48 = vector.broadcast %broadcast_in_dim3A_47 : f32 to vector<6x128xf32>
    %concatenate3A = tpu.concatenate %broadcast_in_dim3A_42, %broadcast_in_dim3A_46, %broadcast_in_dim3A_48 in 0 : vector<1x128xf32>, vector<1x128xf32>, vector<6x128xf32> -> vector<8x128xf32>
    %eq3A = arith.constant 0 : i32
    %eq3A_49 = arith.cmpi eq, %arg0, %eq3A : i32
    %convert_element_type3A = arith.extui %eq3A_49 : i1 to i32
    %cond3A = arith.constant 0 : i32
    %cond3A_50 = arith.cmpi ne, %convert_element_type3A, %cond3A : i32
    scf.if %cond3A_50 {
      %broadcast_in_dim3A_58 = arith.constant 0.000000e+00 : f32
      %broadcast_in_dim3A_59 = vector.broadcast %broadcast_in_dim3A_58 : f32 to vector<8x128xf32>
      %swap3A_60 = arith.constant 0 : index
      %swap3A_61 = arith.constant 0 : index
      %swap3A_62 = vector.load %arg7[%swap3A_60, %swap3A_61] : memref<8x128xf32, #tpu.memory_space<vmem>>, vector<8x128xf32>
      tpu.vector_store %arg7[%swap3A_60, %swap3A_61], %broadcast_in_dim3A_59 {strides = array<i32>} : memref<8x128xf32, #tpu.memory_space<vmem>>, vector<8x128xf32>,
    } else {
    }
    %get3A_51 = arith.constant 0 : index
    %get3A_52 = arith.constant 0 : index
    %get3A_53 = vector.load %arg7[%get3A_51, %get3A_52] : memref<8x128xf32, #tpu.memory_space<vmem>>, vector<8x128xf32>
    %add3A_54 = arith.addf %get3A_53, %concatenate3A : vector<8x128xf32>
    %swap3A_55 = arith.constant 0 : index
    %swap3A_56 = arith.constant 0 : index
    %swap3A_57 = vector.load %arg7[%swap3A_55, %swap3A_56] : memref<8x128xf32, #tpu.memory_space<vmem>>, vector<8x128xf32>
    tpu.vector_store %arg7[%swap3A_55, %swap3A_56], %add3A_54 {strides = array<i32>} : memref<8x128xf32, #tpu.memory_space<vmem>>, vector<8x128xf32>,
    return
  }
  func.func @transform_0(%arg0: i32) -> (i32, i32, i32) {
    %c0_i32 = arith.constant 0 : i32
    %c0_i32_0 = arith.constant 0 : i32
    %c0_i32_1 = arith.constant 0 : i32
    return %arg0, %c0_i32, %c0_i32_0 : i32, i32, i32
  }
  func.func @transform_1(%arg0: i32) -> (i32, i32) {
    %c0_i32 = arith.constant 0 : i32
    %c0_i32_0 = arith.constant 0 : i32
    return %arg0, %c0_i32 : i32, i32
  }
  func.func @transform_2(%arg0: i32) -> (i32, i32) {
    %c0_i32 = arith.constant 0 : i32
    %c0_i32_0 = arith.constant 0 : i32
    return %arg0, %c0_i32 : i32, i32
  }
  func.func @transform_3(%arg0: i32) -> (i32, i32) {
    %c0_i32 = arith.constant 0 : i32
    %c0_i32_0 = arith.constant 0 : i32
    %c0_i32_1 = arith.constant 0 : i32
    return %c0_i32, %c0_i32_0 : i32, i32
  }
  func.func @transform_4(%arg0: i32) -> (i32, i32) {
    %c0_i32 = arith.constant 0 : i32
    %c0_i32_0 = arith.constant 0 : i32
    %c0_i32_1 = arith.constant 0 : i32
    return %c0_i32, %c0_i32_0 : i32, i32
  }
  func.func @transform_5(%arg0: i32) -> (i32, i32) {
    %c0_i32 = arith.constant 0 : i32
    %c0_i32_0 = arith.constant 0 : i32
    return %arg0, %c0_i32 : i32, i32
  }
  func.func @transform_6(%arg0: i32) -> (i32, i32) {
    %c0_i32 = arith.constant 0 : i32
    %c0_i32_0 = arith.constant 0 : i32
    %c0_i32_1 = arith.constant 0 : i32
    return %c0_i32, %c0_i32_0 : i32, i32
  }
}

module attributes {stable_mosaic.version = 14 : i64} {
  func.func @_bn_qkv_body(%arg0: i32, %arg1: memref<2000x128xf32, #tpu.memory_space<vmem>>, %arg2: memref<2000x128xf32, #tpu.memory_space<vmem>>, %arg3: memref<8x128xf32, #tpu.memory_space<vmem>>, %arg4: memref<1x128xf32, #tpu.memory_space<vmem>>, %arg5: memref<1x128xf32, #tpu.memory_space<vmem>>, %arg6: memref<128x128xf32, #tpu.memory_space<vmem>>, %arg7: memref<1x128xf32, #tpu.memory_space<vmem>>, %arg8: memref<128x128xf32, #tpu.memory_space<vmem>>, %arg9: memref<1x128xf32, #tpu.memory_space<vmem>>, %arg10: memref<128x128xf32, #tpu.memory_space<vmem>>, %arg11: memref<1x128xf32, #tpu.memory_space<vmem>>, %arg12: memref<2000x128xf32, #tpu.memory_space<vmem>>, %arg13: memref<2000x128xf32, #tpu.memory_space<vmem>>, %arg14: memref<2000x256xf32, #tpu.memory_space<vmem>>) attributes {dimension_semantics = [#tpu.dimension_semantics<arbitrary>], iteration_bounds = array<i64: 5>, scalar_prefetch = 0 : i64, scratch_operands = 0 : i64, tpu.core_type = #tpu.core_type<tc>, window_params = [{transform_indices = @transform_0, window_bounds = array<i64: 2000, 128>}, {transform_indices = @transform_1, window_bounds = array<i64: 2000, 128>}, {pipeline_mode = #tpu.pipeline_mode<synchronous>, transform_indices = @transform_2, window_bounds = array<i64: 8, 128>}, {pipeline_mode = #tpu.pipeline_mode<synchronous>, transform_indices = @transform_3, window_bounds = array<i64: 1, 128>}, {pipeline_mode = #tpu.pipeline_mode<synchronous>, transform_indices = @transform_4, window_bounds = array<i64: 1, 128>}, {pipeline_mode = #tpu.pipeline_mode<synchronous>, transform_indices = @transform_5, window_bounds = array<i64: 128, 128>}, {pipeline_mode = #tpu.pipeline_mode<synchronous>, transform_indices = @transform_6, window_bounds = array<i64: 1, 128>}, {pipeline_mode = #tpu.pipeline_mode<synchronous>, transform_indices = @transform_7, window_bounds = array<i64: 128, 128>}, {pipeline_mode = #tpu.pipeline_mode<synchronous>, transform_indices = @transform_8, window_bounds = array<i64: 1, 128>}, {pipeline_mode = #tpu.pipeline_mode<synchronous>, transform_indices = @transform_9, window_bounds = array<i64: 128, 128>}, {pipeline_mode = #tpu.pipeline_mode<synchronous>, transform_indices = @transform_10, window_bounds = array<i64: 1, 128>}, {transform_indices = @transform_11, window_bounds = array<i64: 2000, 128>}, {transform_indices = @transform_12, window_bounds = array<i64: 2000, 128>}, {transform_indices = @transform_13, window_bounds = array<i64: 2000, 256>}]} {
    %get3A = arith.constant 0 : index
    %get3A_0 = arith.constant 0 : index
    %get3A_1 = vector.load %arg1[%get3A, %get3A_0] : memref<2000x128xf32, #tpu.memory_space<vmem>>, vector<2000x128xf32>
    %get3A_2 = arith.constant 0 : index
    %get3A_3 = arith.constant 0 : index
    %get3A_4 = vector.load %arg2[%get3A_2, %get3A_3] : memref<2000x128xf32, #tpu.memory_space<vmem>>, vector<2000x128xf32>
    %get3A_5 = arith.constant 0 : index
    %get3A_6 = arith.constant 0 : index
    %get3A_7 = vector.load %arg3[%get3A_5, %get3A_6] : memref<8x128xf32, #tpu.memory_space<vmem>>, vector<1x128xf32>
    %mul3A = arith.constant 9.99999974E-5 : f32
    %mul3A_8 = vector.broadcast %mul3A : f32 to vector<1x128xf32>
    %mul3A_9 = arith.mulf %get3A_7, %mul3A_8 : vector<1x128xf32>
    %get3A_10 = arith.constant 1 : index
    %get3A_11 = arith.constant 0 : index
    %get3A_12 = vector.load %arg3[%get3A_10, %get3A_11] : memref<8x128xf32, #tpu.memory_space<vmem>>, vector<1x128xf32>
    %mul3A_13 = arith.constant 9.99999974E-5 : f32
    %mul3A_14 = vector.broadcast %mul3A_13 : f32 to vector<1x128xf32>
    %mul3A_15 = arith.mulf %get3A_12, %mul3A_14 : vector<1x128xf32>
    %mul3A_16 = arith.mulf %mul3A_9, %mul3A_9 : vector<1x128xf32>
    %sub3A = arith.subf %mul3A_15, %mul3A_16 : vector<1x128xf32>
    %sub3A_17 = vector.broadcast %mul3A_9 : vector<1x128xf32> to vector<2000x128xf32>
    %sub3A_18 = arith.subf %get3A_1, %sub3A_17 : vector<2000x128xf32>
    %add3A = arith.constant 9.99999974E-6 : f32
    %add3A_19 = vector.broadcast %add3A : f32 to vector<1x128xf32>
    %add3A_20 = arith.addf %sub3A, %add3A_19 : vector<1x128xf32>
    %rsqrt3A = math.rsqrt %add3A_20 : vector<1x128xf32>
    %mul3A_21 = vector.broadcast %rsqrt3A : vector<1x128xf32> to vector<2000x128xf32>
    %mul3A_22 = arith.mulf %sub3A_18, %mul3A_21 : vector<2000x128xf32>
    %get3A_23 = arith.constant 0 : index
    %get3A_24 = arith.constant 0 : index
    %get3A_25 = vector.load %arg4[%get3A_23, %get3A_24] : memref<1x128xf32, #tpu.memory_space<vmem>>, vector<1x128xf32>
    %mul3A_26 = vector.broadcast %get3A_25 : vector<1x128xf32> to vector<2000x128xf32>
    %mul3A_27 = arith.mulf %mul3A_22, %mul3A_26 : vector<2000x128xf32>
    %get3A_28 = arith.constant 0 : index
    %get3A_29 = arith.constant 0 : index
    %get3A_30 = vector.load %arg5[%get3A_28, %get3A_29] : memref<1x128xf32, #tpu.memory_space<vmem>>, vector<1x128xf32>
    %add3A_31 = vector.broadcast %get3A_30 : vector<1x128xf32> to vector<2000x128xf32>
    %add3A_32 = arith.addf %mul3A_27, %add3A_31 : vector<2000x128xf32>
    %max3A = arith.constant 0.000000e+00 : f32
    %max3A_33 = vector.broadcast %max3A : f32 to vector<2000x128xf32>
    %max3A_34 = arith.maximumf %add3A_32, %max3A_33 : vector<2000x128xf32>
    %add3A_35 = arith.addf %get3A_4, %max3A_34 : vector<2000x128xf32>
    %swap3A = arith.constant 0 : index
    %swap3A_36 = arith.constant 0 : index
    %swap3A_37 = vector.load %arg12[%swap3A, %swap3A_36] : memref<2000x128xf32, #tpu.memory_space<vmem>>, vector<2000x128xf32>
    tpu.vector_store %arg12[%swap3A, %swap3A_36], %add3A_35 {strides = array<i32>} : memref<2000x128xf32, #tpu.memory_space<vmem>>, vector<2000x128xf32>,
    %get3A_38 = arith.constant 0 : index
    %get3A_39 = arith.constant 0 : index
    %get3A_40 = vector.load %arg6[%get3A_38, %get3A_39] : memref<128x128xf32, #tpu.memory_space<vmem>>, vector<128x128xf32>
    %dot_general3A = arith.constant dense<0.000000e+00> : vector<2000x128xf32>
    %dot_general3A_41 = tpu.matmul %add3A_35, %get3A_40, %dot_general3A {dimension_numbers = #tpu.dot_dimension_numbers<[1], [1], [0], [0], [0, 0, 1, 0], [], []>, transpose_lhs_hint = false} : vector<2000x128xf32>, vector<128x128xf32>, vector<2000x128xf32> -> vector<2000x128xf32>
    %get3A_42 = arith.constant 0 : index
    %get3A_43 = arith.constant 0 : index
    %get3A_44 = vector.load %arg7[%get3A_42, %get3A_43] : memref<1x128xf32, #tpu.memory_space<vmem>>, vector<1x128xf32>
    %add3A_45 = vector.broadcast %get3A_44 : vector<1x128xf32> to vector<2000x128xf32>
    %add3A_46 = arith.addf %dot_general3A_41, %add3A_45 : vector<2000x128xf32>
    %get3A_47 = arith.constant 0 : index
    %get3A_48 = arith.constant 0 : index
    %get3A_49 = vector.load %arg8[%get3A_47, %get3A_48] : memref<128x128xf32, #tpu.memory_space<vmem>>, vector<128x128xf32>
    %dot_general3A_50 = arith.constant dense<0.000000e+00> : vector<2000x128xf32>
    %dot_general3A_51 = tpu.matmul %add3A_35, %get3A_49, %dot_general3A_50 {dimension_numbers = #tpu.dot_dimension_numbers<[1], [1], [0], [0], [0, 0, 1, 0], [], []>, transpose_lhs_hint = false} : vector<2000x128xf32>, vector<128x128xf32>, vector<2000x128xf32> -> vector<2000x128xf32>
    %get3A_52 = arith.constant 0 : index
    %get3A_53 = arith.constant 0 : index
    %get3A_54 = vector.load %arg9[%get3A_52, %get3A_53] : memref<1x128xf32, #tpu.memory_space<vmem>>, vector<1x128xf32>
    %add3A_55 = vector.broadcast %get3A_54 : vector<1x128xf32> to vector<2000x128xf32>
    %add3A_56 = arith.addf %dot_general3A_51, %add3A_55 : vector<2000x128xf32>
    %get3A_57 = arith.constant 0 : index
    %get3A_58 = arith.constant 0 : index
    %get3A_59 = vector.load %arg10[%get3A_57, %get3A_58] : memref<128x128xf32, #tpu.memory_space<vmem>>, vector<128x128xf32>
    %dot_general3A_60 = arith.constant dense<0.000000e+00> : vector<2000x128xf32>
    %dot_general3A_61 = tpu.matmul %add3A_35, %get3A_59, %dot_general3A_60 {dimension_numbers = #tpu.dot_dimension_numbers<[1], [1], [0], [0], [0, 0, 1, 0], [], []>, transpose_lhs_hint = false} : vector<2000x128xf32>, vector<128x128xf32>, vector<2000x128xf32> -> vector<2000x128xf32>
    %get3A_62 = arith.constant 0 : index
    %get3A_63 = arith.constant 0 : index
    %get3A_64 = vector.load %arg11[%get3A_62, %get3A_63] : memref<1x128xf32, #tpu.memory_space<vmem>>, vector<1x128xf32>
    %add3A_65 = vector.broadcast %get3A_64 : vector<1x128xf32> to vector<2000x128xf32>
    %add3A_66 = arith.addf %dot_general3A_61, %add3A_65 : vector<2000x128xf32>
    %swap3A_67 = arith.constant 0 : index
    %swap3A_68 = arith.constant 0 : index
    %swap3A_69 = vector.load %arg13[%swap3A_67, %swap3A_68] : memref<2000x128xf32, #tpu.memory_space<vmem>>, vector<2000x128xf32>
    tpu.vector_store %arg13[%swap3A_67, %swap3A_68], %add3A_46 {strides = array<i32>} : memref<2000x128xf32, #tpu.memory_space<vmem>>, vector<2000x128xf32>,
    %concatenate3A = tpu.concatenate %add3A_56, %add3A_66 in 1 : vector<2000x128xf32>, vector<2000x128xf32> -> vector<2000x256xf32>
    %swap3A_70 = arith.constant 0 : index
    %swap3A_71 = arith.constant 0 : index
    %swap3A_72 = vector.load %arg14[%swap3A_70, %swap3A_71] : memref<2000x256xf32, #tpu.memory_space<vmem>>, vector<2000x256xf32>
    tpu.vector_store %arg14[%swap3A_70, %swap3A_71], %concatenate3A {strides = array<i32>} : memref<2000x256xf32, #tpu.memory_space<vmem>>, vector<2000x256xf32>,
    return
  }
  func.func @transform_0(%arg0: i32) -> (i32, i32) {
    %c0_i32 = arith.constant 0 : i32
    %c0_i32_0 = arith.constant 0 : i32
    return %arg0, %c0_i32 : i32, i32
  }
  func.func @transform_1(%arg0: i32) -> (i32, i32) {
    %c0_i32 = arith.constant 0 : i32
    %c0_i32_0 = arith.constant 0 : i32
    return %arg0, %c0_i32 : i32, i32
  }
  func.func @transform_2(%arg0: i32) -> (i32, i32) {
    %c0_i32 = arith.constant 0 : i32
    %c0_i32_0 = arith.constant 0 : i32
    %c0_i32_1 = arith.constant 0 : i32
    return %c0_i32, %c0_i32_0 : i32, i32
  }
  func.func @transform_3(%arg0: i32) -> (i32, i32) {
    %c0_i32 = arith.constant 0 : i32
    %c0_i32_0 = arith.constant 0 : i32
    %c0_i32_1 = arith.constant 0 : i32
    return %c0_i32, %c0_i32_0 : i32, i32
  }
  func.func @transform_4(%arg0: i32) -> (i32, i32) {
    %c0_i32 = arith.constant 0 : i32
    %c0_i32_0 = arith.constant 0 : i32
    %c0_i32_1 = arith.constant 0 : i32
    return %c0_i32, %c0_i32_0 : i32, i32
  }
  func.func @transform_5(%arg0: i32) -> (i32, i32) {
    %c0_i32 = arith.constant 0 : i32
    %c0_i32_0 = arith.constant 0 : i32
    %c0_i32_1 = arith.constant 0 : i32
    return %c0_i32, %c0_i32_0 : i32, i32
  }
  func.func @transform_6(%arg0: i32) -> (i32, i32) {
    %c0_i32 = arith.constant 0 : i32
    %c0_i32_0 = arith.constant 0 : i32
    %c0_i32_1 = arith.constant 0 : i32
    return %c0_i32, %c0_i32_0 : i32, i32
  }
  func.func @transform_7(%arg0: i32) -> (i32, i32) {
    %c0_i32 = arith.constant 0 : i32
    %c0_i32_0 = arith.constant 0 : i32
    %c0_i32_1 = arith.constant 0 : i32
    return %c0_i32, %c0_i32_0 : i32, i32
  }
  func.func @transform_8(%arg0: i32) -> (i32, i32) {
    %c0_i32 = arith.constant 0 : i32
    %c0_i32_0 = arith.constant 0 : i32
    %c0_i32_1 = arith.constant 0 : i32
    return %c0_i32, %c0_i32_0 : i32, i32
  }
  func.func @transform_9(%arg0: i32) -> (i32, i32) {
    %c0_i32 = arith.constant 0 : i32
    %c0_i32_0 = arith.constant 0 : i32
    %c0_i32_1 = arith.constant 0 : i32
    return %c0_i32, %c0_i32_0 : i32, i32
  }
  func.func @transform_10(%arg0: i32) -> (i32, i32) {
    %c0_i32 = arith.constant 0 : i32
    %c0_i32_0 = arith.constant 0 : i32
    %c0_i32_1 = arith.constant 0 : i32
    return %c0_i32, %c0_i32_0 : i32, i32
  }
  func.func @transform_11(%arg0: i32) -> (i32, i32) {
    %c0_i32 = arith.constant 0 : i32
    %c0_i32_0 = arith.constant 0 : i32
    return %arg0, %c0_i32 : i32, i32
  }
  func.func @transform_12(%arg0: i32) -> (i32, i32) {
    %c0_i32 = arith.constant 0 : i32
    %c0_i32_0 = arith.constant 0 : i32
    return %arg0, %c0_i32 : i32, i32
  }
  func.func @transform_13(%arg0: i32) -> (i32, i32) {
    %c0_i32 = arith.constant 0 : i32
    %c0_i32_0 = arith.constant 0 : i32
    return %arg0, %c0_i32 : i32, i32
  }
}

module attributes {stable_mosaic.version = 14 : i64} {
  func.func @_bn_final_body(%arg0: i32, %arg1: memref<2000x128xf32, #tpu.memory_space<vmem>>, %arg2: memref<2000x128xf32, #tpu.memory_space<vmem>>, %arg3: memref<8x128xf32, #tpu.memory_space<vmem>>, %arg4: memref<1x128xf32, #tpu.memory_space<vmem>>, %arg5: memref<1x128xf32, #tpu.memory_space<vmem>>, %arg6: memref<2000x128xf32, #tpu.memory_space<vmem>>) attributes {dimension_semantics = [#tpu.dimension_semantics<arbitrary>], iteration_bounds = array<i64: 5>, scalar_prefetch = 0 : i64, scratch_operands = 0 : i64, tpu.core_type = #tpu.core_type<tc>, window_params = [{transform_indices = @transform_0, window_bounds = array<i64: 2000, 128>}, {transform_indices = @transform_1, window_bounds = array<i64: 2000, 128>}, {pipeline_mode = #tpu.pipeline_mode<synchronous>, transform_indices = @transform_2, window_bounds = array<i64: 8, 128>}, {pipeline_mode = #tpu.pipeline_mode<synchronous>, transform_indices = @transform_3, window_bounds = array<i64: 1, 128>}, {pipeline_mode = #tpu.pipeline_mode<synchronous>, transform_indices = @transform_4, window_bounds = array<i64: 1, 128>}, {transform_indices = @transform_5, window_bounds = array<i64: 2000, 128>}]} {
    %get3A = arith.constant 0 : index
    %get3A_0 = arith.constant 0 : index
    %get3A_1 = vector.load %arg1[%get3A, %get3A_0] : memref<2000x128xf32, #tpu.memory_space<vmem>>, vector<2000x128xf32>
    %get3A_2 = arith.constant 0 : index
    %get3A_3 = arith.constant 0 : index
    %get3A_4 = vector.load %arg2[%get3A_2, %get3A_3] : memref<2000x128xf32, #tpu.memory_space<vmem>>, vector<2000x128xf32>
    %get3A_5 = arith.constant 0 : index
    %get3A_6 = arith.constant 0 : index
    %get3A_7 = vector.load %arg3[%get3A_5, %get3A_6] : memref<8x128xf32, #tpu.memory_space<vmem>>, vector<1x128xf32>
    %mul3A = arith.constant 9.99999974E-5 : f32
    %mul3A_8 = vector.broadcast %mul3A : f32 to vector<1x128xf32>
    %mul3A_9 = arith.mulf %get3A_7, %mul3A_8 : vector<1x128xf32>
    %get3A_10 = arith.constant 1 : index
    %get3A_11 = arith.constant 0 : index
    %get3A_12 = vector.load %arg3[%get3A_10, %get3A_11] : memref<8x128xf32, #tpu.memory_space<vmem>>, vector<1x128xf32>
    %mul3A_13 = arith.constant 9.99999974E-5 : f32
    %mul3A_14 = vector.broadcast %mul3A_13 : f32 to vector<1x128xf32>
    %mul3A_15 = arith.mulf %get3A_12, %mul3A_14 : vector<1x128xf32>
    %mul3A_16 = arith.mulf %mul3A_9, %mul3A_9 : vector<1x128xf32>
    %sub3A = arith.subf %mul3A_15, %mul3A_16 : vector<1x128xf32>
    %sub3A_17 = vector.broadcast %mul3A_9 : vector<1x128xf32> to vector<2000x128xf32>
    %sub3A_18 = arith.subf %get3A_1, %sub3A_17 : vector<2000x128xf32>
    %add3A = arith.constant 9.99999974E-6 : f32
    %add3A_19 = vector.broadcast %add3A : f32 to vector<1x128xf32>
    %add3A_20 = arith.addf %sub3A, %add3A_19 : vector<1x128xf32>
    %rsqrt3A = math.rsqrt %add3A_20 : vector<1x128xf32>
    %mul3A_21 = vector.broadcast %rsqrt3A : vector<1x128xf32> to vector<2000x128xf32>
    %mul3A_22 = arith.mulf %sub3A_18, %mul3A_21 : vector<2000x128xf32>
    %get3A_23 = arith.constant 0 : index
    %get3A_24 = arith.constant 0 : index
    %get3A_25 = vector.load %arg4[%get3A_23, %get3A_24] : memref<1x128xf32, #tpu.memory_space<vmem>>, vector<1x128xf32>
    %mul3A_26 = vector.broadcast %get3A_25 : vector<1x128xf32> to vector<2000x128xf32>
    %mul3A_27 = arith.mulf %mul3A_22, %mul3A_26 : vector<2000x128xf32>
    %get3A_28 = arith.constant 0 : index
    %get3A_29 = arith.constant 0 : index
    %get3A_30 = vector.load %arg5[%get3A_28, %get3A_29] : memref<1x128xf32, #tpu.memory_space<vmem>>, vector<1x128xf32>
    %add3A_31 = vector.broadcast %get3A_30 : vector<1x128xf32> to vector<2000x128xf32>
    %add3A_32 = arith.addf %mul3A_27, %add3A_31 : vector<2000x128xf32>
    %max3A = arith.constant 0.000000e+00 : f32
    %max3A_33 = vector.broadcast %max3A : f32 to vector<2000x128xf32>
    %max3A_34 = arith.maximumf %add3A_32, %max3A_33 : vector<2000x128xf32>
    %add3A_35 = arith.addf %get3A_4, %max3A_34 : vector<2000x128xf32>
    %swap3A = arith.constant 0 : index
    %swap3A_36 = arith.constant 0 : index
    %swap3A_37 = vector.load %arg6[%swap3A, %swap3A_36] : memref<2000x128xf32, #tpu.memory_space<vmem>>, vector<2000x128xf32>
    tpu.vector_store %arg6[%swap3A, %swap3A_36], %add3A_35 {strides = array<i32>} : memref<2000x128xf32, #tpu.memory_space<vmem>>, vector<2000x128xf32>,
    return
  }
  func.func @transform_0(%arg0: i32) -> (i32, i32) {
    %c0_i32 = arith.constant 0 : i32
    %c0_i32_0 = arith.constant 0 : i32
    return %arg0, %c0_i32 : i32, i32
  }
  func.func @transform_1(%arg0: i32) -> (i32, i32) {
    %c0_i32 = arith.constant 0 : i32
    %c0_i32_0 = arith.constant 0 : i32
    return %arg0, %c0_i32 : i32, i32
  }
  func.func @transform_2(%arg0: i32) -> (i32, i32) {
    %c0_i32 = arith.constant 0 : i32
    %c0_i32_0 = arith.constant 0 : i32
    %c0_i32_1 = arith.constant 0 : i32
    return %c0_i32, %c0_i32_0 : i32, i32
  }
  func.func @transform_3(%arg0: i32) -> (i32, i32) {
    %c0_i32 = arith.constant 0 : i32
    %c0_i32_0 = arith.constant 0 : i32
    %c0_i32_1 = arith.constant 0 : i32
    return %c0_i32, %c0_i32_0 : i32, i32
  }
  func.func @transform_4(%arg0: i32) -> (i32, i32) {
    %c0_i32 = arith.constant 0 : i32
    %c0_i32_0 = arith.constant 0 : i32
    %c0_i32_1 = arith.constant 0 : i32
    return %c0_i32, %c0_i32_0 : i32, i32
  }
  func.func @transform_5(%arg0: i32) -> (i32, i32) {
    %c0_i32 = arith.constant 0 : i32
    %c0_i32_0 = arith.constant 0 : i32
    return %arg0, %c0_i32 : i32, i32
  }
}

</mosaic_0001>

<sc_bundles>
// kernel: kernel.10.cloned.1.call-start
scs
__scs_entry_jumppad:
0x0: {  	(pc) =	sbr.rel $0x88, $3  }
0x1: {  	(tag) =	ssettag $0x0;
	lr =	simm.s32 $0x1  }
0x2: {  	[smem:$0x3F8B] =	sst lr;
	_ =	strace $0xD0000000  }
0x3: {  	_ = 	snop  }
0x4: {  	_ = 	snop  }
0x5: {  	_ = 	snop  }
0x6: {  	_ = 	snop  }
0x7: {  	_ = 	snop  }
__scs_overlays_trampoline_lowered:
0x8: {  	[smem:$0x3F9A] =	sst s0  }
0x9: {  	[smem:$0x3F9B] =	sst s1  }
0xa: {  	[smem:$0x3F9C] =	sst s2  }
0xb: {  	[smem:$0x3F9D] =	sst s3  }
0xc: {  	[smem:$0x3F9E] =	sst s4  }
0xd: {  	[smem:$0x3F9F] =	sst s5  }
0xe: {  	[smem:$0x3FA0] =	sst s6  }
0xf: {  	[smem:$0x3FA1] =	sst s7  }
0x10: {  	[smem:$0x3FA2] =	sst s8  }
0x11: {  	[smem:$0x3FA3] =	sst s9;
	s0 =	simm.s32 @!p0 $0x0  }
0x12: {  	s1 =	sld [smem:$0x3F89];
	s0 =	simm.s32 @p0 $0x1  }
0x13: {  	[smem:$0x3FA4] =	sst s0;
	s0 =	simm.s32 @!p1 $0x0  }
0x14: {  	s2 =	sld [smem:$0x3F88];
	s0 =	simm.s32 @p1 $0x1  }
0x15: {  	[smem:$0x3FA5] =	sst s0;
	s0 =	simm.s32 @!p2 $0x0  }
0x16: {  	s3 =	sld [smem:$0x3FDB];
	s0 =	simm.s32 @p2 $0x1  }
0x17: {  	s4 =	simm.s32 $0x1BF5;
	[smem:$0x3FA7] =	sst s0  }
0x18: {  	s0 =	sld [smem:$0x3F8A];
	_ =	swait.ge [sflag:s4], $0x0  }
0x19: {  	s7 =	sld [smem:$0x3F8B]  }
0x1a: {  	s8 =	sadd.s32 $0xFFFFE003, lr  }
0x1b: {  	s9 =	sadd.s32 $0xFFFFFEF7, lr;
	s5 =	simm.s32 $0xFFFFFFFF;
	p2 =	slt.u32 s8, $0xFFFFF086  }
0x1c: {  	p1 =	slt.u32 s9, $0xF7A;
	s5 =	simm.s32 @!p2 $0x0  }
0x1d: {  	s5 =	simm.s32 @p1 $0x1;
	p0 =	seq.s32 s7, s2  }
0x1e: {  	s7 =	smul.u32 @!p0 $0xF7A, s2;
	p2 =	seq.s32 @!p0 s5, $0x0  }
0x1f: {  	s9 =	smul.u32 $0xF7A, s1;
	s8 =	simm.s32 @!p0 $0x1BF5;
	p2 =	por !p2, p0  }
0x20: {  	[sflag:s8] =	ssyncset.s32 @!p0 $0xFFFFF086;
	s6 =	sadd.s32 @!p0 s3, s7;
	s7 =	simm.s32 @!p0 $0x108  }
0x21: {  	s3 =	sadd.s32 s3, s9;
	s6 =	sadd.s32 @!p0 $0x88, s6;
	s7 =	simm.s32 @p2 $0x1082  }
0x22: {  	[simem:s7], [sflag:s8] =	dma.local @!p0 [hbm:s6], $0xF7A  }
0x23: {  	s9 =	sor.u32 $0xD0000000, s2;
	s6 =	simm.s32 $0x108;
	_ =	swait.ge @!p0 [sflag:s8], $0x0  }
0x24: {  	s3 =	sadd.s32 $0x88, s3;
	s6 =	simm.s32 @!p1 $0x1082;
	[sflag:s4] =	ssyncset.s32 $0xFFFFF086  }
0x25: {  	[simem:s6], [sflag:s4] =	dma.local [hbm:s3], $0xF7A  }
0x26: {  	[smem:$0x3F8B] =	sst s1;
	(tag) =	ssettag s2;
	_ =	strace s9  }
0x27: {  	s1 =	sld [smem:$0x3F9B]  }
0x28: {  	s2 =	sld [smem:$0x3F9C]  }
0x29: {  	s4 =	sld [smem:$0x3F9E]  }
0x2a: {  	p0 =	seq.s32 s5, $0x0;
	s5 =	sld [smem:$0x3F9F]  }
0x2b: {  	s6 =	sld [smem:$0x3FA0]  }
0x2c: {  	s7 =	sld [smem:$0x3FA1]  }
0x2d: {  	s3 =	simm.s32 $0x108;
	s8 =	sld [smem:$0x3FA2]  }
0x2e: {  	s3 =	simm.s32 @!p0 $0x1082;
	s9 =	sld [smem:$0x3FA3]  }
0x2f: {  	lr =	sadd.s32 s0, s3;
	s0 =	sld [smem:$0x3F9A]  }
0x30: {  	s3 =	sld [smem:$0x3F9D]  }
0x31: {  	[smem:$0x3FA6] =	sst s10  }
0x32: {  	s10 =	sld [smem:$0x3FA4];
	_ =	sdelay $0x3  }
0x33: {  	p0 =	seq.s32 s10, $0x1;
	s10 =	sld [smem:$0x3FA6];
	_ =	sdelay $0x3  }
0x34: {  	[smem:$0x3FA6] =	sst s10  }
0x35: {  	s10 =	sld [smem:$0x3FA5];
	_ =	sdelay $0x3  }
0x36: {  	p1 =	seq.s32 s10, $0x1;
	s10 =	sld [smem:$0x3FA6];
	_ =	sdelay $0x3  }
0x37: {  	[smem:$0x3FA6] =	sst s10  }
0x38: {  	s10 =	sld [smem:$0x3FA7]  }
0x39: {  	_ = 	snop;
	(pc) =	sbr.ind lr, $3  }
0x3a: {  	_ = 	snop  }
0x3b: {  	_ = 	snop  }
0x3c: {  	p2 =	seq.s32 s10, $0x1;
	s10 =	sld [smem:$0x3FA6]  }
0x3d: {  	_ =	shalt  }
0x3e: {  	_ =	shalt  }
0x3f: {  	_ =	shalt  }
0x40: {  	_ =	shalt  }
0x41: {  	_ =	shalt  }
0x42: {  	_ =	shalt  }
0x43: {  	_ =	shalt  }
0x44: {  	_ =	shalt  }
0x45: {  	_ =	shalt  }
0x46: {  	_ =	shalt  }
0x47: {  	_ =	shalt  }
0x48: {  	_ =	shalt  }
0x49: {  	_ =	shalt  }
0x4a: {  	_ =	shalt  }
0x4b: {  	_ =	shalt  }
0x4c: {  	_ =	shalt  }
0x4d: {  	_ =	shalt  }
0x4e: {  	_ =	shalt  }
0x4f: {  	_ =	shalt  }
0x50: {  	_ =	shalt  }
0x51: {  	_ =	shalt  }
0x52: {  	_ =	shalt  }
0x53: {  	_ =	shalt  }
0x54: {  	_ =	shalt  }
0x55: {  	_ =	shalt  }
0x56: {  	_ =	shalt  }
0x57: {  	_ =	shalt  }
0x58: {  	_ =	shalt  }
0x59: {  	_ =	shalt  }
0x5a: {  	_ =	shalt  }
0x5b: {  	_ =	shalt  }
0x5c: {  	_ =	shalt  }
0x5d: {  	_ =	shalt  }
0x5e: {  	_ =	shalt  }
0x5f: {  	_ =	shalt  }
0x60: {  	_ =	shalt  }
0x61: {  	_ =	shalt  }
0x62: {  	_ =	shalt  }
0x63: {  	_ =	shalt  }
0x64: {  	_ =	shalt  }
0x65: {  	_ =	shalt  }
0x66: {  	_ =	shalt  }
0x67: {  	_ =	shalt  }
0x68: {  	_ =	shalt  }
0x69: {  	_ =	shalt  }
0x6a: {  	_ =	shalt  }
0x6b: {  	_ =	shalt  }
0x6c: {  	_ =	shalt  }
0x6d: {  	_ =	shalt  }
0x6e: {  	_ =	shalt  }
0x6f: {  	_ =	shalt  }
0x70: {  	_ =	shalt  }
0x71: {  	_ =	shalt  }
0x72: {  	_ =	shalt  }
0x73: {  	_ =	shalt  }
0x74: {  	_ =	shalt  }
0x75: {  	_ =	shalt  }
0x76: {  	_ =	shalt  }
0x77: {  	_ =	shalt  }
0x78: {  	_ =	shalt  }
0x79: {  	_ =	shalt  }
0x7a: {  	_ =	shalt  }
0x7b: {  	_ =	shalt  }
0x7c: {  	_ =	shalt  }
0x7d: {  	_ =	shalt  }
0x7e: {  	_ =	shalt  }
0x7f: {  	_ =	shalt  }
0x80: {  	_ =	shalt  }
0x81: {  	_ =	shalt  }
0x82: {  	_ =	shalt  }
0x83: {  	_ =	shalt  }
0x84: {  	_ =	shalt  }
0x85: {  	_ =	shalt  }
0x86: {  	_ =	shalt  }
0x87: {  	_ =	shalt  }
.Lfunc_end0:
.L_simem_size_0:
called_computation_lowered:
.L_overlay_start_0:
0x88: {  	s2 =	sld [smem:$0x3FD9]  }
0x89: {  	s3 =	sld [smem:$0x3FFE];
	_ =	sdelay $0x1  }
0x8a: {  	s1 =	srdreg.scid  }
0x8b: {  	s0 =	sand.u32 $0x1, s1  }
0x8c: {  	s16 =	sshll.u32 s0, $0xA;
	s2 =	sadd.s32 s3, s2  }
0x8d: {  	s2 =	sadd.s32 s2, s16  }
0x8e: {  	[smem:$0x3FB2] =	sst s2  }
0x8f: {  	_ = 	snop  }
0x90: {  	(tm) =	ssettm $0x1  }
0x91: {  	s17 =	sld [smem:$0x3FFB];
	_ =	sdelay $0x3  }
0x92: {  	_ =	strace s17  }
0x93: {  	s2 =	sld [smem:$0x3FFC];
	_ =	sdelay $0x3  }
0x94: {  	_ =	strace s2  }
0x95: {  	s2 =	sld [smem:$0x3FFD];
	_ =	sdelay $0x3  }
0x96: {  	_ =	strace s2  }
0x97: {  	_ =	strace $0x8FFFFFFF  }
0x98: {  	s18 =	sld [smem:$0x3FDB];
	_ =	sdelay $0x1  }
0x99: {  	s19 =	simm.s32 $_scs_section_size  }
0x9a: {  	s4 =	simm.s32 $_size__tile_overlayer_lowered;
	s5 =	simm.s32 $_tile_overlayer_lowered  }
0x9b: {  	s22 =	simm.s32 $0x1BFF;
	s21 =	sshll.u32 s5, $0x1;
	s2 =	sadd.s32 s19, s18  }
0x9c: {  	s6 =	simm.s32 $0x0;
	s20 =	sshll.u32 s4, $0x1;
	s4 =	sadd.s32 s21, s2  }
0x9d: {  	[timem:s6], [sflag:s22] =	dma.local [hbm:s4], s20  }
0x9e: {  	_ =	swait.ge [sflag:s22], s20  }
0x9f: {  	s3 =	ssub.s32 $0x0, s20;
	[sflag:s22] =	ssyncset.done $0x0  }
0xa0: {  	[sflag:s22] =	ssyncadd.s32 s3;
	_ =	sdelay $0x1  }
0xa1: {  	s23 =	simm.s32 $0x1B8B  }
0xa2: {  	_ =	swait.ge [sflag:s23], $0x1  }
0xa3: {  	[sflag:s23] =	ssyncset.done $0x0  }
0xa4: {  	s25 =	simm.s32 $0x1B8E;
	s24 =	sld [smem:$0x3FFE];
	[sflag:s23] =	ssyncadd.s32 $0xFFFFFFFF  }
0xa5: {  	s26 =	simm.s32 $execute0_lowered;
	[smem:$0x3FD2] =	sst s25  }
0xa6: {  	s4 =	sshll.u32 s26, $0x1;
	_ =	strace $0x80000046;
	[dreg:$0x1] =	wrdreg $0xFFFFFFFF  }
0xa7: {  	s28 =	simm.s32 $_size_execute0_lowered;
	s2 =	sadd.s32 s2, s4;
	[dreg:$0x0] =	wrdreg $0x0  }
0xa8: {  	s4 =	sshll.u32 s28, $0x1;
	[dreg:$0x2] =	wrdreg s2  }
0xa9: {  	[dreg:$0x3] =	wrdreg s4  }
0xaa: {  	[dreg:$0x4] =	wrdreg $0xC0  }
0xab: {  	_ =	task [dreg:s6], $0x5FFFF  }
0xac: {  	[dreg:$0x1] =	wrdreg $0xFFFFFFFF  }
0xad: {  	[dreg:$0x0] =	wrdreg $0x60  }
0xae: {  	[dreg:$0x2] =	wrdreg s24  }
0xaf: {  	[dreg:$0x3] =	wrdreg $0x9  }
0xb0: {  	_ =	task.clear_ibuf [dreg:s6], $0x4FFFF;
	_ =	strace $0x90000046  }
0xb1: {  	s29 =	simm.s32 $0x9;
	_ =	strace $0x80000048  }
0xb2: {  	_ =	swait.ge [sflag:s29], $0x1  }
0xb3: {  	[sflag:s29] =	ssyncadd.s32 $0xFFFFFFFF  }
0xb4: {  	_ =	strace $0x90000048  }
0xb5: {  	_ =	sfence  }
0xb6: {  	s30 =	sld [smem:$0x0];
	_ =	sdelay $0x2  }
0xb7: {  	s31 =	sshll.u32 s1, $0xD;
	s1 =	sshrl.u32 s1, $0x2  }
0xb8: {  	s3 =	sand.u32 $0x4000, s31;
	s1 =	sadd.s32 s1, s30  }
0xb9: {  	s0 =	sor.u32 s3, s0;
	s1 =	sshll.u32 s1, $0x11  }
0xba: {  	s0 =	sor.u32 s1, s0  }
0xbb: {  	s0 =	sadd.s32 $0x8F2B, s0  }
0xbc: {  	[sflag:s0] =	ssyncadd.remote.s32 $0x1  }
0xbd: {  	_ =	sfence.sel $0xFFFF  }
0xbe: {  	[dreg:$0x0] =	wrdreg $0xFFFFFFFF;
	(pc) =	sbr.abs _section_cstart, $3  }
0xbf: {  	[dreg:$0x1] =	wrdreg $0xFFFFFFFF  }
0xc0: {  	_ =	task.clear_ibuf [dreg:s6], $0x2FFFF;
	_ =	strace $0x9FFFFFFF  }
0xc1: {  	(tm) =	ssettm $0x7FFFFFFF  }
tec
execute0_lowered:
.L_overlay_start_1:
0x0: {  	(tag) =	ssettag $0x1  }
0x1: {  	s0 =	srdreg.scid  }
0x2: {  	s7 =	stileid.u32;
	s4 =	rddreg [dreg:$0x0];
	s2 =	simm.s32 $0x0  }
0x3: {  	s9 =	simm.s32 $0x1400;
	s23 =	simm.s32 $0x14C00;
	s24 =	simm.s32 $0x15400  }
0x4: {  	s28 =	simm.s32 $0x16C00;
	s29 =	simm.s32 $0x17400;
	s30 =	simm.s32 $0x17C00  }
0x5: {  	s31 =	simm.s32 $0x18400;
	s10 =	simm.s32 $0x2;
	s12 =	simm.s32 $0x0  }
0x6: {  	s0 =	sand.u32 $0x1, s0;
	s1 =	sshll.u32 s7, $0x1;
	s7 =	smul.u32 $0x4E200, s7  }
0x7: {  	s1 =	sor.u32 s0, s1;
	s6 =	ssub.s32 $0x2, s0;
	s0 =	smul.u32 $0x27100, s0  }
0x8: {  	[smem:$0x7FF] =	sst s2;
	s3 =	smul.u32 $0x1388, s1;
	s8 =	sshrl.u32 s6, $0x1  }
0x9: {  	_ =	strace $0x80000047;
	s1 =	smul.u32 $0x27100, s1;
	s6 =	ssub.s32 s6, s8  }
0xa: {  	s8 =	simm.s32 $0x3;
	s3 =	sshrl.u32 s3, $0x3;
	s26 =	smax.u32 s6, $0x1  }
0xb: {  	s6 =	simm.s32 $0xDC00;
	s5 =	sadd.s32 s3, s4;
	s3 =	sadd.s32 $0xA200, s4  }
.Ltmp0:
0xc: {  	s4 =	sadd.s32 $0x58400, s4;
	[dreg:$0x4] =	wrdreg s26;
	(pc) =	sbr.rel .LBB2_1-.Ltmp0, $4  }
0xd: {  	s26 =	simm.s32 $0x16400;
	s5 =	sadd.s32 $0x5200, s5;
	s25 =	sadd.s32 s7, s4  }
0xe: {  	v2 =	vlaneseq.u32;
	s1 =	sadd.s32 s4, s1;
	s4 =	simm.s32 $0x19C00;
	[dreg:$0x2] =	wrdreg s5  }
0xf: {  	vm0 =	vmmov $0xffff;
	v1 =	vshrl.u32 v2, $0x3;
	[dreg:$0x3] =	wrdreg s1;
	s7 =	sadd.s32 s0, s25;
	s5 =	simm.s32 $0x1  }
0x10: {  	v0 =	vand.u32 $0x7, v2;
	v2 =	vor.u32 $0x8, v2;
	v1 =	vmul.u32 $0x8, v1;
	s25 =	simm.s32 $0x15C00;
	s1 =	simm.s32 $0x18C00;
	s0 =	simm.s32 $0x19400  }
.LBB2_6:
0x11: {  	s12 =	rddreg [dreg:$0x5]  }
0x12: {  	s11 =	rddreg [dreg:$0x4];
	s12 =	sadd.s32 $0x1, s12  }
0x13: {  	p0 =	sne.s32 s12, s11  }
.Ltmp1:
0x14: {  	_ = 	snop;
	(pc) =	sbr.rel @!p0 .LBB2_7-.Ltmp1, $1  }
0x15: {  	_ =	sdelay $0x3  }
.LBB2_1:
0x16: {  	[dreg:$0x5] =	wrdreg s12  }
0x17: {  	s11 =	rddreg [dreg:$0x2]  }
0x18: {  	[tilespmem:s2], [sflag:$0x3] =	stream.linear.gather [hbm4b:s11+s2], $0x1388, $0x38;
	[tilespmem:$0x1A400] =	vst v63  }
0x19: {  	_ =	swait.ge [sflag:s8], $0x1388  }
0x1a: {  	[sflag:s8] =	ssyncset.done $0x0  }
0x1b: {  	[sflag:s8] =	ssyncadd.s32 $0xFFFFEC78  }
0x1c: {  	v3 =	vld [tilespmem:$0x0];
	_ =	sdelay $0x4  }
0x1d: {  	v4 =	vshll.u32 v3, $0x1  }
0x1e: {  	v3 =	vand.u32 $0x7, v3;
	v4 =	vand.u32 $0xFFFFFFF0, v4  }
0x1f: {  	v3 =	vor.u32 v3, v4  }
0x20: {  	v4 =	vperm.xlane v3, v0;
	_ =	sdelay $0x1  }
0x21: {  	v3 =	vperm.xlane v3, v2;
	v4 =	vadd.s32 v1, v4;
	_ =	sdelay $0x1  }
0x22: {  	v3 =	vadd.s32 v1, v3;
	_ =	sdelay $0x2  }
0x23: {  	[tilespmem:s9], [sflag:$0x1] =	stream.indirect_vreg.gather [hbm4b:s3+s2], $0x80, v4, vm0, $0xb8;
	[tilespmem:$0x1A400] =	vst v63  }
0x24: {  	s12 =	simm.s32 $0x1C00  }
0x25: {  	[tilespmem:s12], [sflag:$0x1] =	stream.indirect_vreg.gather [hbm4b:s3+s2], $0x80, v3, vm0, $0xb8;
	[tilespmem:$0x1A400] =	vst v63  }
0x26: {  	v3 =	vld [tilespmem:$0x10];
	_ =	sdelay $0x4  }
0x27: {  	v26 =	vshll.u32 v3, $0x1  }
0x28: {  	v3 =	vand.u32 $0x7, v3;
	v4 =	vand.u32 $0xFFFFFFF0, v26  }
0x29: {  	v3 =	vor.u32 v3, v4  }
0x2a: {  	v4 =	vperm.xlane v3, v0;
	_ =	sdelay $0x1  }
0x2b: {  	v3 =	vperm.xlane v3, v2;
	v4 =	vadd.s32 v1, v4;
	_ =	sdelay $0x1  }
0x2c: {  	v3 =	vadd.s32 v1, v3;
	_ =	sdelay $0x1  }
0x2d: {  	s13 =	simm.s32 $0x2400  }
0x2e: {  	[tilespmem:s13], [sflag:$0x1] =	stream.indirect_vreg.gather [hbm4b:s3+s2], $0x80, v4, vm0, $0xb8;
	[tilespmem:$0x1A400] =	vst v63  }
0x2f: {  	s14 =	simm.s32 $0x2C00  }
0x30: {  	[tilespmem:s14], [sflag:$0x1] =	stream.indirect_vreg.gather [hbm4b:s3+s2], $0x80, v3, vm0, $0xb8;
	[tilespmem:$0x1A400] =	vst v63  }
0x31: {  	v3 =	vld [tilespmem:$0x20];
	_ =	sdelay $0x4  }
0x32: {  	v27 =	vshll.u32 v3, $0x1  }
0x33: {  	v3 =	vand.u32 $0x7, v3;
	v4 =	vand.u32 $0xFFFFFFF0, v27  }
0x34: {  	v3 =	vor.u32 v3, v4  }
0x35: {  	v4 =	vperm.xlane v3, v0;
	_ =	sdelay $0x1  }
0x36: {  	v3 =	vperm.xlane v3, v2;
	v4 =	vadd.s32 v1, v4;
	_ =	sdelay $0x1  }
0x37: {  	v3 =	vadd.s32 v1, v3;
	_ =	sdelay $0x1  }
0x38: {  	s15 =	simm.s32 $0x3400  }
0x39: {  	[tilespmem:s15], [sflag:$0x1] =	stream.indirect_vreg.gather [hbm4b:s3+s2], $0x80, v4, vm0, $0xb8;
	[tilespmem:$0x1A400] =	vst v63  }
0x3a: {  	s16 =	simm.s32 $0x3C00  }
0x3b: {  	[tilespmem:s16], [sflag:$0x1] =	stream.indirect_vreg.gather [hbm4b:s3+s2], $0x80, v3, vm0, $0xb8;
	[tilespmem:$0x1A400] =	vst v63  }
0x3c: {  	v3 =	vld [tilespmem:$0x30];
	_ =	sdelay $0x4  }
0x3d: {  	v28 =	vshll.u32 v3, $0x1  }
0x3e: {  	v3 =	vand.u32 $0x7, v3;
	v4 =	vand.u32 $0xFFFFFFF0, v28  }
0x3f: {  	v3 =	vor.u32 v3, v4  }
0x40: {  	v4 =	vperm.xlane v3, v0;
	_ =	sdelay $0x1  }
0x41: {  	v3 =	vperm.xlane v3, v2;
	v4 =	vadd.s32 v1, v4;
	_ =	sdelay $0x1  }
0x42: {  	v3 =	vadd.s32 v1, v3;
	_ =	sdelay $0x1  }
0x43: {  	s17 =	simm.s32 $0x4400  }
0x44: {  	[tilespmem:s17], [sflag:$0x1] =	stream.indirect_vreg.gather [hbm4b:s3+s2], $0x80, v4, vm0, $0xb8;
	[tilespmem:$0x1A400] =	vst v63  }
0x45: {  	s18 =	simm.s32 $0x4C00  }
0x46: {  	[tilespmem:s18], [sflag:$0x1] =	stream.indirect_vreg.gather [hbm4b:s3+s2], $0x80, v3, vm0, $0xb8;
	[tilespmem:$0x1A400] =	vst v63  }
0x47: {  	v3 =	vld [tilespmem:$0x40];
	_ =	sdelay $0x4  }
0x48: {  	v29 =	vshll.u32 v3, $0x1  }
0x49: {  	v3 =	vand.u32 $0x7, v3;
	v4 =	vand.u32 $0xFFFFFFF0, v29  }
0x4a: {  	v3 =	vor.u32 v3, v4  }
0x4b: {  	v4 =	vperm.xlane v3, v0;
	_ =	sdelay $0x1  }
0x4c: {  	v3 =	vperm.xlane v3, v2;
	v4 =	vadd.s32 v1, v4;
	_ =	sdelay $0x1  }
0x4d: {  	v3 =	vadd.s32 v1, v3;
	_ =	sdelay $0x1  }
0x4e: {  	s19 =	simm.s32 $0x5400  }
0x4f: {  	[tilespmem:s19], [sflag:$0x1] =	stream.indirect_vreg.gather [hbm4b:s3+s2], $0x80, v4, vm0, $0xb8;
	[tilespmem:$0x1A400] =	vst v63  }
0x50: {  	s20 =	simm.s32 $0x5C00  }
0x51: {  	[tilespmem:s20], [sflag:$0x1] =	stream.indirect_vreg.gather [hbm4b:s3+s2], $0x80, v3, vm0, $0xb8;
	[tilespmem:$0x1A400] =	vst v63  }
0x52: {  	v3 =	vld [tilespmem:$0x50];
	_ =	sdelay $0x4  }
0x53: {  	v30 =	vshll.u32 v3, $0x1  }
0x54: {  	v3 =	vand.u32 $0x7, v3;
	v4 =	vand.u32 $0xFFFFFFF0, v30  }
0x55: {  	v3 =	vor.u32 v3, v4  }
0x56: {  	v4 =	vperm.xlane v3, v0;
	_ =	sdelay $0x1  }
0x57: {  	v3 =	vperm.xlane v3, v2;
	v4 =	vadd.s32 v1, v4;
	_ =	sdelay $0x1  }
0x58: {  	v3 =	vadd.s32 v1, v3;
	_ =	sdelay $0x1  }
0x59: {  	s21 =	simm.s32 $0x6400  }
0x5a: {  	[tilespmem:s21], [sflag:$0x1] =	stream.indirect_vreg.gather [hbm4b:s3+s2], $0x80, v4, vm0, $0xb8;
	[tilespmem:$0x1A400] =	vst v63  }
0x5b: {  	s22 =	simm.s32 $0x6C00  }
0x5c: {  	[tilespmem:s22], [sflag:$0x1] =	stream.indirect_vreg.gather [hbm4b:s3+s2], $0x80, v3, vm0, $0xb8;
	[tilespmem:$0x1A400] =	vst v63  }
0x5d: {  	v3 =	vld [tilespmem:$0x60];
	_ =	sdelay $0x4  }
0x5e: {  	v31 =	vshll.u32 v3, $0x1  }
0x5f: {  	v3 =	vand.u32 $0x7, v3;
	v4 =	vand.u32 $0xFFFFFFF0, v31  }
0x60: {  	v3 =	vor.u32 v3, v4  }
0x61: {  	v4 =	vperm.xlane v3, v0;
	_ =	sdelay $0x1  }
0x62: {  	v3 =	vperm.xlane v3, v2;
	v4 =	vadd.s32 v1, v4;
	_ =	sdelay $0x1  }
0x63: {  	v3 =	vadd.s32 v1, v3;
	_ =	sdelay $0x1  }
0x64: {  	s11 =	simm.s32 $0x7400  }
0x65: {  	[tilespmem:s11], [sflag:$0x1] =	stream.indirect_vreg.gather [hbm4b:s3+s2], $0x80, v4, vm0, $0xb8;
	[tilespmem:$0x1A400] =	vst v63  }
0x66: {  	s11 =	simm.s32 $0x7C00  }
0x67: {  	[tilespmem:s11], [sflag:$0x1] =	stream.indirect_vreg.gather [hbm4b:s3+s2], $0x80, v3, vm0, $0xb8;
	[tilespmem:$0x1A400] =	vst v63  }
0x68: {  	v3 =	vld [tilespmem:$0x70];
	_ =	sdelay $0x4  }
0x69: {  	v32 =	vshll.u32 v3, $0x1  }
0x6a: {  	v3 =	vand.u32 $0x7, v3;
	v4 =	vand.u32 $0xFFFFFFF0, v32  }
0x6b: {  	v3 =	vor.u32 v3, v4  }
0x6c: {  	v4 =	vperm.xlane v3, v0;
	_ =	sdelay $0x1  }
0x6d: {  	v3 =	vperm.xlane v3, v2;
	v4 =	vadd.s32 v1, v4;
	_ =	sdelay $0x1  }
0x6e: {  	v3 =	vadd.s32 v1, v3;
	_ =	sdelay $0x1  }
0x6f: {  	s11 =	simm.s32 $0x8400  }
0x70: {  	[tilespmem:s11], [sflag:$0x1] =	stream.indirect_vreg.gather [hbm4b:s3+s2], $0x80, v4, vm0, $0xb8;
	[tilespmem:$0x1A400] =	vst v63  }
0x71: {  	s11 =	simm.s32 $0x8C00  }
0x72: {  	[tilespmem:s11], [sflag:$0x1] =	stream.indirect_vreg.gather [hbm4b:s3+s2], $0x80, v3, vm0, $0xb8;
	[tilespmem:$0x1A400] =	vst v63  }
0x73: {  	v3 =	vld [tilespmem:$0x80];
	_ =	sdelay $0x4  }
0x74: {  	v33 =	vshll.u32 v3, $0x1  }
0x75: {  	v3 =	vand.u32 $0x7, v3;
	v4 =	vand.u32 $0xFFFFFFF0, v33  }
0x76: {  	v3 =	vor.u32 v3, v4  }
0x77: {  	v4 =	vperm.xlane v3, v0;
	_ =	sdelay $0x1  }
0x78: {  	v3 =	vperm.xlane v3, v2;
	v4 =	vadd.s32 v1, v4;
	_ =	sdelay $0x1  }
0x79: {  	v3 =	vadd.s32 v1, v3;
	_ =	sdelay $0x1  }
0x7a: {  	s11 =	simm.s32 $0x9400  }
0x7b: {  	[tilespmem:s11], [sflag:$0x1] =	stream.indirect_vreg.gather [hbm4b:s3+s2], $0x80, v4, vm0, $0xb8;
	[tilespmem:$0x1A400] =	vst v63  }
0x7c: {  	s11 =	simm.s32 $0x9C00  }
0x7d: {  	[tilespmem:s11], [sflag:$0x1] =	stream.indirect_vreg.gather [hbm4b:s3+s2], $0x80, v3, vm0, $0xb8;
	[tilespmem:$0x1A400] =	vst v63  }
0x7e: {  	v3 =	vld [tilespmem:$0x90];
	_ =	sdelay $0x4  }
0x7f: {  	v34 =	vshll.u32 v3, $0x1  }
0x80: {  	v3 =	vand.u32 $0x7, v3;
	v4 =	vand.u32 $0xFFFFFFF0, v34  }
0x81: {  	v3 =	vor.u32 v3, v4  }
0x82: {  	v4 =	vperm.xlane v3, v0;
	_ =	sdelay $0x1  }
0x83: {  	v3 =	vperm.xlane v3, v2;
	v4 =	vadd.s32 v1, v4;
	_ =	sdelay $0x1  }
0x84: {  	v3 =	vadd.s32 v1, v3;
	_ =	sdelay $0x1  }
0x85: {  	s11 =	simm.s32 $0xA400  }
0x86: {  	[tilespmem:s11], [sflag:$0x1] =	stream.indirect_vreg.gather [hbm4b:s3+s2], $0x80, v4, vm0, $0xb8;
	[tilespmem:$0x1A400] =	vst v63  }
0x87: {  	s11 =	simm.s32 $0xAC00  }
0x88: {  	[tilespmem:s11], [sflag:$0x1] =	stream.indirect_vreg.gather [hbm4b:s3+s2], $0x80, v3, vm0, $0xb8;
	[tilespmem:$0x1A400] =	vst v63  }
0x89: {  	v3 =	vld [tilespmem:$0xA0];
	_ =	sdelay $0x4  }
0x8a: {  	v35 =	vshll.u32 v3, $0x1  }
0x8b: {  	v3 =	vand.u32 $0x7, v3;
	v4 =	vand.u32 $0xFFFFFFF0, v35  }
0x8c: {  	v3 =	vor.u32 v3, v4  }
0x8d: {  	v4 =	vperm.xlane v3, v0;
	_ =	sdelay $0x1  }
0x8e: {  	v3 =	vperm.xlane v3, v2;
	v4 =	vadd.s32 v1, v4;
	_ =	sdelay $0x1  }
0x8f: {  	v3 =	vadd.s32 v1, v3;
	_ =	sdelay $0x1  }
0x90: {  	s11 =	simm.s32 $0xB400  }
0x91: {  	[tilespmem:s11], [sflag:$0x1] =	stream.indirect_vreg.gather [hbm4b:s3+s2], $0x80, v4, vm0, $0xb8;
	[tilespmem:$0x1A400] =	vst v63  }
0x92: {  	s11 =	simm.s32 $0xBC00  }
0x93: {  	[tilespmem:s11], [sflag:$0x1] =	stream.indirect_vreg.gather [hbm4b:s3+s2], $0x80, v3, vm0, $0xb8;
	[tilespmem:$0x1A400] =	vst v63  }
0x94: {  	v3 =	vld [tilespmem:$0xB0];
	_ =	sdelay $0x4  }
0x95: {  	v36 =	vshll.u32 v3, $0x1  }
0x96: {  	v3 =	vand.u32 $0x7, v3;
	v4 =	vand.u32 $0xFFFFFFF0, v36  }
0x97: {  	v3 =	vor.u32 v3, v4  }
0x98: {  	v4 =	vperm.xlane v3, v0;
	_ =	sdelay $0x1  }
0x99: {  	v3 =	vperm.xlane v3, v2;
	v4 =	vadd.s32 v1, v4;
	_ =	sdelay $0x1  }
0x9a: {  	v3 =	vadd.s32 v1, v3;
	_ =	sdelay $0x1  }
0x9b: {  	s11 =	simm.s32 $0xC400  }
0x9c: {  	[tilespmem:s11], [sflag:$0x1] =	stream.indirect_vreg.gather [hbm4b:s3+s2], $0x80, v4, vm0, $0xb8;
	[tilespmem:$0x1A400] =	vst v63  }
0x9d: {  	s11 =	simm.s32 $0xCC00  }
0x9e: {  	[tilespmem:s11], [sflag:$0x1] =	stream.indirect_vreg.gather [hbm4b:s3+s2], $0x80, v3, vm0, $0xb8;
	[tilespmem:$0x1A400] =	vst v63  }
0x9f: {  	v3 =	vld.msk [tilespmem:$0xC0], $0xff;
	_ =	sdelay $0x4  }
0xa0: {  	v37 =	vshll.u32 v3, $0x1  }
0xa1: {  	v3 =	vand.u32 $0x7, v3;
	v4 =	vand.u32 $0xFFFFFFF0, v37  }
0xa2: {  	v3 =	vor.u32 v3, v4  }
0xa3: {  	v3 =	vperm.xlane v3, v0;
	_ =	sdelay $0x1  }
0xa4: {  	v3 =	vadd.s32 v1, v3;
	_ =	sdelay $0x3  }
0xa5: {  	s11 =	simm.s32 $0xD400  }
0xa6: {  	[tilespmem:s11], [sflag:$0x1] =	stream.indirect_vreg.gather [hbm4b:s3+s2], $0x80, v3, vm0, $0xb8;
	[tilespmem:$0x1A400] =	vst v63  }
0xa7: {  	_ =	swait.ge [sflag:s5], $0xC800  }
0xa8: {  	[sflag:s5] =	ssyncset.done $0x0  }
0xa9: {  	s11 =	rddreg [dreg:$0x3];
	[sflag:s5] =	ssyncadd.s32 $0xFFFF3800  }
0xaa: {  	[hbm4b:s11+s2] =	stream.linear.scatter [tilespmem:s9], [sflag:$0x3], $0xC800, $0x38;
	[tilespmem:$0x1A400] =	vst v63  }
0xab: {  	_ =	swait.ge [sflag:s8], $0xC800  }
0xac: {  	[sflag:s8] =	ssyncset.done $0x0  }
0xad: {  	[sflag:s8] =	ssyncadd.s32 $0xFFFF3800  }
0xae: {  	v3 =	vld [tilespmem:$0xC8];
	_ =	sdelay $0x4  }
0xaf: {  	v38 =	vshll.u32 v3, $0x1  }
0xb0: {  	v3 =	vand.u32 $0x7, v3;
	v4 =	vand.u32 $0xFFFFFFF0, v38  }
0xb1: {  	v3 =	vor.u32 v3, v4  }
0xb2: {  	v4 =	vperm.xlane v3, v0;
	_ =	sdelay $0x1  }
0xb3: {  	v3 =	vperm.xlane v3, v2;
	v4 =	vadd.s32 v1, v4;
	_ =	sdelay $0x1  }
0xb4: {  	v3 =	vadd.s32 v1, v3;
	_ =	sdelay $0x2  }
0xb5: {  	[tilespmem:s9], [sflag:$0x1] =	stream.indirect_vreg.gather [hbm4b:s3+s2], $0x80, v4, vm0, $0xb8;
	[tilespmem:$0x1A400] =	vst v63  }
0xb6: {  	_ = 	snop  }
0xb7: {  	[tilespmem:s12], [sflag:$0x1] =	stream.indirect_vreg.gather [hbm4b:s3+s2], $0x80, v3, vm0, $0xb8;
	[tilespmem:$0x1A400] =	vst v63  }
0xb8: {  	v3 =	vld [tilespmem:$0xD8];
	_ =	sdelay $0x4  }
0xb9: {  	v39 =	vshll.u32 v3, $0x1  }
0xba: {  	v3 =	vand.u32 $0x7, v3;
	v4 =	vand.u32 $0xFFFFFFF0, v39  }
0xbb: {  	v3 =	vor.u32 v3, v4  }
0xbc: {  	v4 =	vperm.xlane v3, v0;
	_ =	sdelay $0x1  }
0xbd: {  	v3 =	vperm.xlane v3, v2;
	v4 =	vadd.s32 v1, v4;
	_ =	sdelay $0x1  }
0xbe: {  	v3 =	vadd.s32 v1, v3;
	_ =	sdelay $0x2  }
0xbf: {  	[tilespmem:s13], [sflag:$0x1] =	stream.indirect_vreg.gather [hbm4b:s3+s2], $0x80, v4, vm0, $0xb8;
	[tilespmem:$0x1A400] =	vst v63  }
0xc0: {  	_ = 	snop  }
0xc1: {  	[tilespmem:s14], [sflag:$0x1] =	stream.indirect_vreg.gather [hbm4b:s3+s2], $0x80, v3, vm0, $0xb8;
	[tilespmem:$0x1A400] =	vst v63  }
0xc2: {  	v3 =	vld [tilespmem:$0xE8];
	_ =	sdelay $0x4  }
0xc3: {  	v40 =	vshll.u32 v3, $0x1  }
0xc4: {  	v3 =	vand.u32 $0x7, v3;
	v4 =	vand.u32 $0xFFFFFFF0, v40  }
0xc5: {  	v3 =	vor.u32 v3, v4  }
0xc6: {  	v4 =	vperm.xlane v3, v0;
	_ =	sdelay $0x1  }
0xc7: {  	v3 =	vperm.xlane v3, v2;
	v4 =	vadd.s32 v1, v4;
	_ =	sdelay $0x1  }
0xc8: {  	v3 =	vadd.s32 v1, v3;
	_ =	sdelay $0x2  }
0xc9: {  	[tilespmem:s15], [sflag:$0x1] =	stream.indirect_vreg.gather [hbm4b:s3+s2], $0x80, v4, vm0, $0xb8;
	[tilespmem:$0x1A400] =	vst v63  }
0xca: {  	_ = 	snop  }
0xcb: {  	[tilespmem:s16], [sflag:$0x1] =	stream.indirect_vreg.gather [hbm4b:s3+s2], $0x80, v3, vm0, $0xb8;
	[tilespmem:$0x1A400] =	vst v63  }
0xcc: {  	v3 =	vld [tilespmem:$0xF8];
	_ =	sdelay $0x4  }
0xcd: {  	v41 =	vshll.u32 v3, $0x1  }
0xce: {  	v3 =	vand.u32 $0x7, v3;
	v4 =	vand.u32 $0xFFFFFFF0, v41  }
0xcf: {  	v3 =	vor.u32 v3, v4  }
0xd0: {  	v4 =	vperm.xlane v3, v0;
	_ =	sdelay $0x1  }
0xd1: {  	v3 =	vperm.xlane v3, v2;
	v4 =	vadd.s32 v1, v4;
	_ =	sdelay $0x1  }
0xd2: {  	v3 =	vadd.s32 v1, v3;
	_ =	sdelay $0x2  }
0xd3: {  	[tilespmem:s17], [sflag:$0x1] =	stream.indirect_vreg.gather [hbm4b:s3+s2], $0x80, v4, vm0, $0xb8;
	[tilespmem:$0x1A400] =	vst v63  }
0xd4: {  	_ = 	snop  }
0xd5: {  	[tilespmem:s18], [sflag:$0x1] =	stream.indirect_vreg.gather [hbm4b:s3+s2], $0x80, v3, vm0, $0xb8;
	[tilespmem:$0x1A400] =	vst v63  }
0xd6: {  	v3 =	vld [tilespmem:$0x108];
	_ =	sdelay $0x4  }
0xd7: {  	v42 =	vshll.u32 v3, $0x1  }
0xd8: {  	v3 =	vand.u32 $0x7, v3;
	v4 =	vand.u32 $0xFFFFFFF0, v42  }
0xd9: {  	v3 =	vor.u32 v3, v4  }
0xda: {  	v4 =	vperm.xlane v3, v0;
	_ =	sdelay $0x1  }
0xdb: {  	v3 =	vperm.xlane v3, v2;
	v4 =	vadd.s32 v1, v4;
	_ =	sdelay $0x1  }
0xdc: {  	v3 =	vadd.s32 v1, v3;
	_ =	sdelay $0x2  }
0xdd: {  	[tilespmem:s19], [sflag:$0x1] =	stream.indirect_vreg.gather [hbm4b:s3+s2], $0x80, v4, vm0, $0xb8;
	[tilespmem:$0x1A400] =	vst v63  }
0xde: {  	_ = 	snop  }
0xdf: {  	[tilespmem:s20], [sflag:$0x1] =	stream.indirect_vreg.gather [hbm4b:s3+s2], $0x80, v3, vm0, $0xb8;
	[tilespmem:$0x1A400] =	vst v63  }
0xe0: {  	v3 =	vld [tilespmem:$0x118];
	_ =	sdelay $0x4  }
0xe1: {  	v43 =	vshll.u32 v3, $0x1  }
0xe2: {  	v3 =	vand.u32 $0x7, v3;
	v4 =	vand.u32 $0xFFFFFFF0, v43  }
0xe3: {  	v3 =	vor.u32 v3, v4  }
0xe4: {  	v4 =	vperm.xlane v3, v0;
	_ =	sdelay $0x1  }
0xe5: {  	v3 =	vperm.xlane v3, v2;
	v4 =	vadd.s32 v1, v4;
	_ =	sdelay $0x1  }
0xe6: {  	v3 =	vadd.s32 v1, v3;
	_ =	sdelay $0x2  }
0xe7: {  	[tilespmem:s21], [sflag:$0x1] =	stream.indirect_vreg.gather [hbm4b:s3+s2], $0x80, v4, vm0, $0xb8;
	[tilespmem:$0x1A400] =	vst v63  }
0xe8: {  	_ = 	snop  }
0xe9: {  	[tilespmem:s22], [sflag:$0x1] =	stream.indirect_vreg.gather [hbm4b:s3+s2], $0x80, v3, vm0, $0xb8;
	[tilespmem:$0x1A400] =	vst v63  }
0xea: {  	v3 =	vld [tilespmem:$0x128];
	_ =	sdelay $0x4  }
0xeb: {  	v44 =	vshll.u32 v3, $0x1  }
0xec: {  	v3 =	vand.u32 $0x7, v3;
	v4 =	vand.u32 $0xFFFFFFF0, v44  }
0xed: {  	v3 =	vor.u32 v3, v4  }
0xee: {  	v4 =	vperm.xlane v3, v0;
	_ =	sdelay $0x1  }
0xef: {  	v3 =	vperm.xlane v3, v2;
	v4 =	vadd.s32 v1, v4;
	_ =	sdelay $0x1  }
0xf0: {  	v3 =	vadd.s32 v1, v3;
	_ =	sdelay $0x1  }
0xf1: {  	s12 =	simm.s32 $0x7400  }
0xf2: {  	[tilespmem:s12], [sflag:$0x1] =	stream.indirect_vreg.gather [hbm4b:s3+s2], $0x80, v4, vm0, $0xb8;
	[tilespmem:$0x1A400] =	vst v63  }
0xf3: {  	s13 =	simm.s32 $0x7C00  }
0xf4: {  	[tilespmem:s13], [sflag:$0x1] =	stream.indirect_vreg.gather [hbm4b:s3+s2], $0x80, v3, vm0, $0xb8;
	[tilespmem:$0x1A400] =	vst v63  }
0xf5: {  	v3 =	vld [tilespmem:$0x138];
	_ =	sdelay $0x4  }
0xf6: {  	v45 =	vshll.u32 v3, $0x1  }
0xf7: {  	v3 =	vand.u32 $0x7, v3;
	v4 =	vand.u32 $0xFFFFFFF0, v45  }
0xf8: {  	v3 =	vor.u32 v3, v4  }
0xf9: {  	v4 =	vperm.xlane v3, v0;
	_ =	sdelay $0x1  }
0xfa: {  	v3 =	vperm.xlane v3, v2;
	v4 =	vadd.s32 v1, v4;
	_ =	sdelay $0x1  }
0xfb: {  	v3 =	vadd.s32 v1, v3;
	_ =	sdelay $0x1  }
0xfc: {  	s14 =	simm.s32 $0x8400  }
0xfd: {  	[tilespmem:s14], [sflag:$0x1] =	stream.indirect_vreg.gather [hbm4b:s3+s2], $0x80, v4, vm0, $0xb8;
	[tilespmem:$0x1A400] =	vst v63  }
0xfe: {  	s15 =	simm.s32 $0x8C00  }
0xff: {  	[tilespmem:s15], [sflag:$0x1] =	stream.indirect_vreg.gather [hbm4b:s3+s2], $0x80, v3, vm0, $0xb8;
	[tilespmem:$0x1A400] =	vst v63  }
0x100: {  	v3 =	vld [tilespmem:$0x148];
	_ =	sdelay $0x4  }
0x101: {  	v46 =	vshll.u32 v3, $0x1  }
0x102: {  	v3 =	vand.u32 $0x7, v3;
	v4 =	vand.u32 $0xFFFFFFF0, v46  }
0x103: {  	v3 =	vor.u32 v3, v4  }
0x104: {  	v4 =	vperm.xlane v3, v0;
	_ =	sdelay $0x1  }
0x105: {  	v3 =	vperm.xlane v3, v2;
	v4 =	vadd.s32 v1, v4;
	_ =	sdelay $0x1  }
0x106: {  	v3 =	vadd.s32 v1, v3;
	_ =	sdelay $0x1  }
0x107: {  	s16 =	simm.s32 $0x9400  }
0x108: {  	[tilespmem:s16], [sflag:$0x1] =	stream.indirect_vreg.gather [hbm4b:s3+s2], $0x80, v4, vm0, $0xb8;
	[tilespmem:$0x1A400] =	vst v63  }
0x109: {  	s17 =	simm.s32 $0x9C00  }
0x10a: {  	[tilespmem:s17], [sflag:$0x1] =	stream.indirect_vreg.gather [hbm4b:s3+s2], $0x80, v3, vm0, $0xb8;
	[tilespmem:$0x1A400] =	vst v63  }
0x10b: {  	v3 =	vld [tilespmem:$0x158];
	_ =	sdelay $0x4  }
0x10c: {  	v47 =	vshll.u32 v3, $0x1  }
0x10d: {  	v3 =	vand.u32 $0x7, v3;
	v4 =	vand.u32 $0xFFFFFFF0, v47  }
0x10e: {  	v3 =	vor.u32 v3, v4  }
0x10f: {  	v4 =	vperm.xlane v3, v0;
	_ =	sdelay $0x1  }
0x110: {  	v3 =	vperm.xlane v3, v2;
	v4 =	vadd.s32 v1, v4;
	_ =	sdelay $0x1  }
0x111: {  	v3 =	vadd.s32 v1, v3;
	_ =	sdelay $0x1  }
0x112: {  	s18 =	simm.s32 $0xA400  }
0x113: {  	[tilespmem:s18], [sflag:$0x1] =	stream.indirect_vreg.gather [hbm4b:s3+s2], $0x80, v4, vm0, $0xb8;
	[tilespmem:$0x1A400] =	vst v63  }
0x114: {  	s19 =	simm.s32 $0xAC00  }
0x115: {  	[tilespmem:s19], [sflag:$0x1] =	stream.indirect_vreg.gather [hbm4b:s3+s2], $0x80, v3, vm0, $0xb8;
	[tilespmem:$0x1A400] =	vst v63  }
0x116: {  	v3 =	vld [tilespmem:$0x168];
	_ =	sdelay $0x4  }
0x117: {  	v48 =	vshll.u32 v3, $0x1  }
0x118: {  	v3 =	vand.u32 $0x7, v3;
	v4 =	vand.u32 $0xFFFFFFF0, v48  }
0x119: {  	v3 =	vor.u32 v3, v4  }
0x11a: {  	v4 =	vperm.xlane v3, v0;
	_ =	sdelay $0x1  }
0x11b: {  	v3 =	vperm.xlane v3, v2;
	v4 =	vadd.s32 v1, v4;
	_ =	sdelay $0x1  }
0x11c: {  	v3 =	vadd.s32 v1, v3;
	_ =	sdelay $0x1  }
0x11d: {  	s20 =	simm.s32 $0xB400  }
0x11e: {  	[tilespmem:s20], [sflag:$0x1] =	stream.indirect_vreg.gather [hbm4b:s3+s2], $0x80, v4, vm0, $0xb8;
	[tilespmem:$0x1A400] =	vst v63  }
0x11f: {  	s21 =	simm.s32 $0xBC00  }
0x120: {  	[tilespmem:s21], [sflag:$0x1] =	stream.indirect_vreg.gather [hbm4b:s3+s2], $0x80, v3, vm0, $0xb8;
	[tilespmem:$0x1A400] =	vst v63  }
0x121: {  	v3 =	vld [tilespmem:$0x178];
	_ =	sdelay $0x4  }
0x122: {  	v49 =	vshll.u32 v3, $0x1  }
0x123: {  	v3 =	vand.u32 $0x7, v3;
	v4 =	vand.u32 $0xFFFFFFF0, v49  }
0x124: {  	v3 =	vor.u32 v3, v4  }
0x125: {  	v4 =	vperm.xlane v3, v0;
	_ =	sdelay $0x1  }
0x126: {  	v3 =	vperm.xlane v3, v2;
	v4 =	vadd.s32 v1, v4;
	_ =	sdelay $0x1  }
0x127: {  	v3 =	vadd.s32 v1, v3;
	_ =	sdelay $0x1  }
0x128: {  	s22 =	simm.s32 $0xC400  }
0x129: {  	[tilespmem:s22], [sflag:$0x1] =	stream.indirect_vreg.gather [hbm4b:s3+s2], $0x80, v4, vm0, $0xb8;
	[tilespmem:$0x1A400] =	vst v63  }
0x12a: {  	s12 =	simm.s32 $0xCC00  }
0x12b: {  	[tilespmem:s12], [sflag:$0x1] =	stream.indirect_vreg.gather [hbm4b:s3+s2], $0x80, v3, vm0, $0xb8;
	[tilespmem:$0x1A400] =	vst v63  }
0x12c: {  	v3 =	vld.msk [tilespmem:$0x188], $0xff;
	_ =	sdelay $0x4  }
0x12d: {  	v50 =	vshll.u32 v3, $0x1  }
0x12e: {  	v3 =	vand.u32 $0x7, v3;
	v4 =	vand.u32 $0xFFFFFFF0, v50  }
0x12f: {  	v3 =	vor.u32 v3, v4  }
0x130: {  	v3 =	vperm.xlane v3, v0;
	_ =	sdelay $0x1  }
0x131: {  	v3 =	vadd.s32 v1, v3;
	_ =	sdelay $0x3  }
0x132: {  	s13 =	simm.s32 $0xD400  }
0x133: {  	[tilespmem:s13], [sflag:$0x1] =	stream.indirect_vreg.gather [hbm4b:s3+s2], $0x80, v3, vm0, $0xb8;
	[tilespmem:$0x1A400] =	vst v63  }
0x134: {  	v3 =	vld [tilespmem:$0x190];
	_ =	sdelay $0x4  }
0x135: {  	v51 =	vshll.u32 v3, $0x1  }
0x136: {  	v3 =	vand.u32 $0x7, v3;
	v4 =	vand.u32 $0xFFFFFFF0, v51  }
0x137: {  	v3 =	vor.u32 v3, v4  }
0x138: {  	v4 =	vperm.xlane v3, v0;
	_ =	sdelay $0x1  }
0x139: {  	v3 =	vperm.xlane v3, v2;
	v4 =	vadd.s32 v1, v4;
	_ =	sdelay $0x1  }
0x13a: {  	v3 =	vadd.s32 v1, v3;
	_ =	sdelay $0x2  }
0x13b: {  	[tilespmem:s6], [sflag:$0x2] =	stream.indirect_vreg.gather [hbm4b:s3+s2], $0x80, v4, vm0, $0xb8;
	[tilespmem:$0x1A400] =	vst v63  }
0x13c: {  	s14 =	simm.s32 $0xE400  }
0x13d: {  	[tilespmem:s14], [sflag:$0x2] =	stream.indirect_vreg.gather [hbm4b:s3+s2], $0x80, v3, vm0, $0xb8;
	[tilespmem:$0x1A400] =	vst v63  }
0x13e: {  	v3 =	vld [tilespmem:$0x1A0];
	_ =	sdelay $0x4  }
0x13f: {  	v52 =	vshll.u32 v3, $0x1  }
0x140: {  	v3 =	vand.u32 $0x7, v3;
	v4 =	vand.u32 $0xFFFFFFF0, v52  }
0x141: {  	v3 =	vor.u32 v3, v4  }
0x142: {  	v4 =	vperm.xlane v3, v0;
	_ =	sdelay $0x1  }
0x143: {  	v3 =	vperm.xlane v3, v2;
	v4 =	vadd.s32 v1, v4;
	_ =	sdelay $0x1  }
0x144: {  	v3 =	vadd.s32 v1, v3;
	_ =	sdelay $0x1  }
0x145: {  	s12 =	simm.s32 $0xEC00  }
0x146: {  	[tilespmem:s12], [sflag:$0x2] =	stream.indirect_vreg.gather [hbm4b:s3+s2], $0x80, v4, vm0, $0xb8;
	[tilespmem:$0x1A400] =	vst v63  }
0x147: {  	s13 =	simm.s32 $0xF400  }
0x148: {  	[tilespmem:s13], [sflag:$0x2] =	stream.indirect_vreg.gather [hbm4b:s3+s2], $0x80, v3, vm0, $0xb8;
	[tilespmem:$0x1A400] =	vst v63  }
0x149: {  	v3 =	vld [tilespmem:$0x1B0];
	_ =	sdelay $0x4  }
0x14a: {  	v53 =	vshll.u32 v3, $0x1  }
0x14b: {  	v3 =	vand.u32 $0x7, v3;
	v4 =	vand.u32 $0xFFFFFFF0, v53  }
0x14c: {  	v3 =	vor.u32 v3, v4  }
0x14d: {  	v4 =	vperm.xlane v3, v0;
	_ =	sdelay $0x1  }
0x14e: {  	v3 =	vperm.xlane v3, v2;
	v4 =	vadd.s32 v1, v4;
	_ =	sdelay $0x1  }
0x14f: {  	v3 =	vadd.s32 v1, v3;
	_ =	sdelay $0x1  }
0x150: {  	s14 =	simm.s32 $0xFC00  }
0x151: {  	[tilespmem:s14], [sflag:$0x2] =	stream.indirect_vreg.gather [hbm4b:s3+s2], $0x80, v4, vm0, $0xb8;
	[tilespmem:$0x1A400] =	vst v63  }
0x152: {  	s12 =	simm.s32 $0x10400  }
0x153: {  	[tilespmem:s12], [sflag:$0x2] =	stream.indirect_vreg.gather [hbm4b:s3+s2], $0x80, v3, vm0, $0xb8;
	[tilespmem:$0x1A400] =	vst v63  }
0x154: {  	v3 =	vld [tilespmem:$0x1C0];
	_ =	sdelay $0x4  }
0x155: {  	v54 =	vshll.u32 v3, $0x1  }
0x156: {  	v3 =	vand.u32 $0x7, v3;
	v4 =	vand.u32 $0xFFFFFFF0, v54  }
0x157: {  	v3 =	vor.u32 v3, v4  }
0x158: {  	v4 =	vperm.xlane v3, v0;
	_ =	sdelay $0x1  }
0x159: {  	v3 =	vperm.xlane v3, v2;
	v4 =	vadd.s32 v1, v4;
	_ =	sdelay $0x1  }
0x15a: {  	v3 =	vadd.s32 v1, v3;
	_ =	sdelay $0x1  }
0x15b: {  	s13 =	simm.s32 $0x10C00  }
0x15c: {  	[tilespmem:s13], [sflag:$0x2] =	stream.indirect_vreg.gather [hbm4b:s3+s2], $0x80, v4, vm0, $0xb8;
	[tilespmem:$0x1A400] =	vst v63  }
0x15d: {  	s14 =	simm.s32 $0x11400  }
0x15e: {  	[tilespmem:s14], [sflag:$0x2] =	stream.indirect_vreg.gather [hbm4b:s3+s2], $0x80, v3, vm0, $0xb8;
	[tilespmem:$0x1A400] =	vst v63  }
0x15f: {  	v3 =	vld [tilespmem:$0x1D0];
	_ =	sdelay $0x4  }
0x160: {  	v55 =	vshll.u32 v3, $0x1  }
0x161: {  	v3 =	vand.u32 $0x7, v3;
	v4 =	vand.u32 $0xFFFFFFF0, v55  }
0x162: {  	v3 =	vor.u32 v3, v4  }
0x163: {  	v4 =	vperm.xlane v3, v0;
	_ =	sdelay $0x1  }
0x164: {  	v3 =	vperm.xlane v3, v2;
	v4 =	vadd.s32 v1, v4;
	_ =	sdelay $0x1  }
0x165: {  	v3 =	vadd.s32 v1, v3;
	_ =	sdelay $0x1  }
0x166: {  	s12 =	simm.s32 $0x11C00  }
0x167: {  	[tilespmem:s12], [sflag:$0x2] =	stream.indirect_vreg.gather [hbm4b:s3+s2], $0x80, v4, vm0, $0xb8;
	[tilespmem:$0x1A400] =	vst v63  }
0x168: {  	s13 =	simm.s32 $0x12400  }
0x169: {  	[tilespmem:s13], [sflag:$0x2] =	stream.indirect_vreg.gather [hbm4b:s3+s2], $0x80, v3, vm0, $0xb8;
	[tilespmem:$0x1A400] =	vst v63  }
0x16a: {  	v3 =	vld [tilespmem:$0x1E0];
	_ =	sdelay $0x4  }
0x16b: {  	v56 =	vshll.u32 v3, $0x1  }
0x16c: {  	v3 =	vand.u32 $0x7, v3;
	v4 =	vand.u32 $0xFFFFFFF0, v56  }
0x16d: {  	v3 =	vor.u32 v3, v4  }
0x16e: {  	v4 =	vperm.xlane v3, v0;
	_ =	sdelay $0x1  }
0x16f: {  	v3 =	vperm.xlane v3, v2;
	v4 =	vadd.s32 v1, v4;
	_ =	sdelay $0x1  }
0x170: {  	v3 =	vadd.s32 v1, v3;
	_ =	sdelay $0x1  }
0x171: {  	s14 =	simm.s32 $0x12C00  }
0x172: {  	[tilespmem:s14], [sflag:$0x2] =	stream.indirect_vreg.gather [hbm4b:s3+s2], $0x80, v4, vm0, $0xb8;
	[tilespmem:$0x1A400] =	vst v63  }
0x173: {  	s12 =	simm.s32 $0x13400  }
0x174: {  	[tilespmem:s12], [sflag:$0x2] =	stream.indirect_vreg.gather [hbm4b:s3+s2], $0x80, v3, vm0, $0xb8;
	[tilespmem:$0x1A400] =	vst v63  }
0x175: {  	v3 =	vld [tilespmem:$0x1F0];
	_ =	sdelay $0x4  }
0x176: {  	v57 =	vshll.u32 v3, $0x1  }
0x177: {  	v3 =	vand.u32 $0x7, v3;
	v4 =	vand.u32 $0xFFFFFFF0, v57  }
0x178: {  	v3 =	vor.u32 v3, v4  }
0x179: {  	v4 =	vperm.xlane v3, v0;
	_ =	sdelay $0x1  }
0x17a: {  	v3 =	vperm.xlane v3, v2;
	v4 =	vadd.s32 v1, v4;
	_ =	sdelay $0x1  }
0x17b: {  	v3 =	vadd.s32 v1, v3;
	_ =	sdelay $0x1  }
0x17c: {  	s13 =	simm.s32 $0x13C00  }
0x17d: {  	[tilespmem:s13], [sflag:$0x2] =	stream.indirect_vreg.gather [hbm4b:s3+s2], $0x80, v4, vm0, $0xb8;
	[tilespmem:$0x1A400] =	vst v63  }
0x17e: {  	s14 =	simm.s32 $0x14400  }
0x17f: {  	[tilespmem:s14], [sflag:$0x2] =	stream.indirect_vreg.gather [hbm4b:s3+s2], $0x80, v3, vm0, $0xb8;
	[tilespmem:$0x1A400] =	vst v63  }
0x180: {  	v3 =	vld [tilespmem:$0x200];
	_ =	sdelay $0x4  }
0x181: {  	v58 =	vshll.u32 v3, $0x1  }
0x182: {  	v3 =	vand.u32 $0x7, v3;
	v4 =	vand.u32 $0xFFFFFFF0, v58  }
0x183: {  	v3 =	vor.u32 v3, v4  }
0x184: {  	v4 =	vperm.xlane v3, v0;
	_ =	sdelay $0x1  }
0x185: {  	v3 =	vperm.xlane v3, v2;
	v4 =	vadd.s32 v1, v4;
	_ =	sdelay $0x1  }
0x186: {  	v3 =	vadd.s32 v1, v3;
	_ =	sdelay $0x2  }
0x187: {  	[tilespmem:s23], [sflag:$0x2] =	stream.indirect_vreg.gather [hbm4b:s3+s2], $0x80, v4, vm0, $0xb8;
	[tilespmem:$0x1A400] =	vst v63  }
0x188: {  	_ = 	snop  }
0x189: {  	[tilespmem:s24], [sflag:$0x2] =	stream.indirect_vreg.gather [hbm4b:s3+s2], $0x80, v3, vm0, $0xb8;
	[tilespmem:$0x1A400] =	vst v63  }
0x18a: {  	v3 =	vld [tilespmem:$0x210];
	_ =	sdelay $0x4  }
0x18b: {  	v59 =	vshll.u32 v3, $0x1  }
0x18c: {  	v3 =	vand.u32 $0x7, v3;
	v4 =	vand.u32 $0xFFFFFFF0, v59  }
0x18d: {  	v3 =	vor.u32 v3, v4  }
0x18e: {  	v4 =	vperm.xlane v3, v0;
	_ =	sdelay $0x1  }
0x18f: {  	v3 =	vperm.xlane v3, v2;
	v4 =	vadd.s32 v1, v4;
	_ =	sdelay $0x1  }
0x190: {  	v3 =	vadd.s32 v1, v3;
	_ =	sdelay $0x2  }
0x191: {  	[tilespmem:s25], [sflag:$0x2] =	stream.indirect_vreg.gather [hbm4b:s3+s2], $0x80, v4, vm0, $0xb8;
	[tilespmem:$0x1A400] =	vst v63  }
0x192: {  	_ = 	snop  }
0x193: {  	[tilespmem:s26], [sflag:$0x2] =	stream.indirect_vreg.gather [hbm4b:s3+s2], $0x80, v3, vm0, $0xb8;
	[tilespmem:$0x1A400] =	vst v63  }
0x194: {  	v3 =	vld [tilespmem:$0x220];
	_ =	sdelay $0x4  }
0x195: {  	v60 =	vshll.u32 v3, $0x1  }
0x196: {  	v3 =	vand.u32 $0x7, v3;
	v4 =	vand.u32 $0xFFFFFFF0, v60  }
0x197: {  	v3 =	vor.u32 v3, v4  }
0x198: {  	v4 =	vperm.xlane v3, v0;
	_ =	sdelay $0x1  }
0x199: {  	v3 =	vperm.xlane v3, v2;
	v4 =	vadd.s32 v1, v4;
	_ =	sdelay $0x1  }
0x19a: {  	v3 =	vadd.s32 v1, v3;
	_ =	sdelay $0x2  }
0x19b: {  	[tilespmem:s28], [sflag:$0x2] =	stream.indirect_vreg.gather [hbm4b:s3+s2], $0x80, v4, vm0, $0xb8;
	[tilespmem:$0x1A400] =	vst v63  }
0x19c: {  	_ = 	snop  }
0x19d: {  	[tilespmem:s29], [sflag:$0x2] =	stream.indirect_vreg.gather [hbm4b:s3+s2], $0x80, v3, vm0, $0xb8;
	[tilespmem:$0x1A400] =	vst v63  }
0x19e: {  	v3 =	vld [tilespmem:$0x230];
	_ =	sdelay $0x4  }
0x19f: {  	v61 =	vshll.u32 v3, $0x1  }
0x1a0: {  	v3 =	vand.u32 $0x7, v3;
	v4 =	vand.u32 $0xFFFFFFF0, v61  }
0x1a1: {  	v3 =	vor.u32 v3, v4  }
0x1a2: {  	v4 =	vperm.xlane v3, v0;
	_ =	sdelay $0x1  }
0x1a3: {  	v3 =	vperm.xlane v3, v2;
	v4 =	vadd.s32 v1, v4;
	_ =	sdelay $0x1  }
0x1a4: {  	v3 =	vadd.s32 v1, v3;
	_ =	sdelay $0x2  }
0x1a5: {  	[tilespmem:s30], [sflag:$0x2] =	stream.indirect_vreg.gather [hbm4b:s3+s2], $0x80, v4, vm0, $0xb8;
	[tilespmem:$0x1A400] =	vst v63  }
0x1a6: {  	_ = 	snop  }
0x1a7: {  	[tilespmem:s31], [sflag:$0x2] =	stream.indirect_vreg.gather [hbm4b:s3+s2], $0x80, v3, vm0, $0xb8;
	[tilespmem:$0x1A400] =	vst v63  }
0x1a8: {  	v3 =	vld [tilespmem:$0x240];
	_ =	sdelay $0x4  }
0x1a9: {  	v62 =	vshll.u32 v3, $0x1  }
0x1aa: {  	v3 =	vand.u32 $0x7, v3;
	v4 =	vand.u32 $0xFFFFFFF0, v62  }
0x1ab: {  	v3 =	vor.u32 v3, v4  }
0x1ac: {  	v4 =	vperm.xlane v3, v0;
	_ =	sdelay $0x1  }
0x1ad: {  	v3 =	vperm.xlane v3, v2;
	v4 =	vadd.s32 v1, v4;
	_ =	sdelay $0x1  }
0x1ae: {  	v3 =	vadd.s32 v1, v3;
	_ =	sdelay $0x2  }
0x1af: {  	[tilespmem:s1], [sflag:$0x2] =	stream.indirect_vreg.gather [hbm4b:s3+s2], $0x80, v4, vm0, $0xb8;
	[tilespmem:$0x1A400] =	vst v63  }
0x1b0: {  	_ = 	snop  }
0x1b1: {  	[tilespmem:s0], [sflag:$0x2] =	stream.indirect_vreg.gather [hbm4b:s3+s2], $0x80, v3, vm0, $0xb8;
	[tilespmem:$0x1A400] =	vst v63  }
0x1b2: {  	v3 =	vld.msk [tilespmem:$0x250], $0xff;
	_ =	sdelay $0x4  }
0x1b3: {  	v63 =	vshll.u32 v3, $0x1  }
0x1b4: {  	v3 =	vand.u32 $0x7, v3;
	v4 =	vand.u32 $0xFFFFFFF0, v63  }
0x1b5: {  	v3 =	vor.u32 v3, v4  }
0x1b6: {  	v3 =	vperm.xlane v3, v0;
	_ =	sdelay $0x1  }
0x1b7: {  	v3 =	vadd.s32 v1, v3  }
0x1b8: {  	s11 =	simm.s32 $0xFFFDDA00  }
0x1b9: {  	s15 =	simm.s32 $0xD400;
	s16 =	simm.s32 $0x9C00;
	s17 =	simm.s32 $0xA400  }
0x1ba: {  	s18 =	simm.s32 $0xAC00;
	s19 =	simm.s32 $0xB400;
	s20 =	simm.s32 $0xBC00  }
0x1bb: {  	s21 =	simm.s32 $0xC400;
	s22 =	simm.s32 $0xCC00;
	s12 =	simm.s32 $0x3E0  }
0x1bc: {  	[tilespmem:s4], [sflag:$0x2] =	stream.indirect_vreg.gather [hbm4b:s3+s2], $0x80, v3, vm0, $0xb8;
	[tilespmem:$0x1A400] =	vst v63  }
.LBB2_2:
0x1bd: {  	_ =	swait.ge [sflag:s5], $0xC800  }
0x1be: {  	s13 =	sadd.s32 s11, s7;
	p0 =	seq.s32 s11, $0x0;
	[sflag:s5] =	ssyncset.done $0x0  }
.Ltmp2:
0x1bf: {  	s14 =	sadd.s32 $0x23F00, s13;
	[sflag:s5] =	ssyncadd.s32 $0xFFFF3800;
	(pc) =	sbr.rel @p0 .LBB2_4-.Ltmp2, $4  }
0x1c0: {  	[hbm4b:s14+s2] =	stream.linear.scatter [tilespmem:s9], [sflag:$0x3], $0xC800, $0x38;
	[tilespmem:$0x1A400] =	vst v63  }
0x1c1: {  	_ =	swait.ge [sflag:s8], $0xC800  }
0x1c2: {  	[sflag:s8] =	ssyncset.done $0x0  }
0x1c3: {  	[sflag:s8] =	ssyncadd.s32 $0xFFFF3800  }
0x1c4: {  	v3 =	vld [tilespmem:s12+$0xFFFFFE78];
	_ =	sdelay $0x4  }
0x1c5: {  	v4 =	vshll.u32 v3, $0x1  }
0x1c6: {  	v3 =	vand.u32 $0x7, v3;
	v4 =	vand.u32 $0xFFFFFFF0, v4  }
0x1c7: {  	v3 =	vor.u32 v3, v4  }
0x1c8: {  	v4 =	vperm.xlane v3, v0;
	_ =	sdelay $0x1  }
0x1c9: {  	v3 =	vperm.xlane v3, v2;
	v4 =	vadd.s32 v1, v4;
	_ =	sdelay $0x1  }
0x1ca: {  	v3 =	vadd.s32 v1, v3;
	_ =	sdelay $0x2  }
0x1cb: {  	[tilespmem:s9], [sflag:$0x1] =	stream.indirect_vreg.gather [hbm4b:s3+s2], $0x80, v4, vm0, $0xb8;
	[tilespmem:$0x1A400] =	vst v63  }
0x1cc: {  	s14 =	simm.s32 $0x1C00  }
0x1cd: {  	[tilespmem:s14], [sflag:$0x1] =	stream.indirect_vreg.gather [hbm4b:s3+s2], $0x80, v3, vm0, $0xb8;
	[tilespmem:$0x1A400] =	vst v63  }
0x1ce: {  	v3 =	vld [tilespmem:s12+$0xFFFFFE88];
	_ =	sdelay $0x4  }
0x1cf: {  	v52 =	vshll.u32 v3, $0x1  }
0x1d0: {  	v3 =	vand.u32 $0x7, v3;
	v4 =	vand.u32 $0xFFFFFFF0, v52  }
0x1d1: {  	v3 =	vor.u32 v3, v4  }
0x1d2: {  	v4 =	vperm.xlane v3, v0;
	_ =	sdelay $0x1  }
0x1d3: {  	v3 =	vperm.xlane v3, v2;
	v4 =	vadd.s32 v1, v4;
	_ =	sdelay $0x1  }
0x1d4: {  	v3 =	vadd.s32 v1, v3;
	_ =	sdelay $0x1  }
0x1d5: {  	s14 =	simm.s32 $0x2400  }
0x1d6: {  	[tilespmem:s14], [sflag:$0x1] =	stream.indirect_vreg.gather [hbm4b:s3+s2], $0x80, v4, vm0, $0xb8;
	[tilespmem:$0x1A400] =	vst v63  }
0x1d7: {  	s14 =	simm.s32 $0x2C00  }
0x1d8: {  	[tilespmem:s14], [sflag:$0x1] =	stream.indirect_vreg.gather [hbm4b:s3+s2], $0x80, v3, vm0, $0xb8;
	[tilespmem:$0x1A400] =	vst v63  }
0x1d9: {  	v3 =	vld [tilespmem:s12+$0xFFFFFE98];
	_ =	sdelay $0x4  }
0x1da: {  	v53 =	vshll.u32 v3, $0x1  }
0x1db: {  	v3 =	vand.u32 $0x7, v3;
	v4 =	vand.u32 $0xFFFFFFF0, v53  }
0x1dc: {  	v3 =	vor.u32 v3, v4  }
0x1dd: {  	v4 =	vperm.xlane v3, v0;
	_ =	sdelay $0x1  }
0x1de: {  	v3 =	vperm.xlane v3, v2;
	v4 =	vadd.s32 v1, v4;
	_ =	sdelay $0x1  }
0x1df: {  	v3 =	vadd.s32 v1, v3;
	_ =	sdelay $0x1  }
0x1e0: {  	s14 =	simm.s32 $0x3400  }
0x1e1: {  	[tilespmem:s14], [sflag:$0x1] =	stream.indirect_vreg.gather [hbm4b:s3+s2], $0x80, v4, vm0, $0xb8;
	[tilespmem:$0x1A400] =	vst v63  }
0x1e2: {  	s14 =	simm.s32 $0x3C00  }
0x1e3: {  	[tilespmem:s14], [sflag:$0x1] =	stream.indirect_vreg.gather [hbm4b:s3+s2], $0x80, v3, vm0, $0xb8;
	[tilespmem:$0x1A400] =	vst v63  }
0x1e4: {  	v3 =	vld [tilespmem:s12+$0xFFFFFEA8];
	_ =	sdelay $0x4  }
0x1e5: {  	v54 =	vshll.u32 v3, $0x1  }
0x1e6: {  	v3 =	vand.u32 $0x7, v3;
	v4 =	vand.u32 $0xFFFFFFF0, v54  }
0x1e7: {  	v3 =	vor.u32 v3, v4  }
0x1e8: {  	v4 =	vperm.xlane v3, v0;
	_ =	sdelay $0x1  }
0x1e9: {  	v3 =	vperm.xlane v3, v2;
	v4 =	vadd.s32 v1, v4;
	_ =	sdelay $0x1  }
0x1ea: {  	v3 =	vadd.s32 v1, v3;
	_ =	sdelay $0x1  }
0x1eb: {  	s14 =	simm.s32 $0x4400  }
0x1ec: {  	[tilespmem:s14], [sflag:$0x1] =	stream.indirect_vreg.gather [hbm4b:s3+s2], $0x80, v4, vm0, $0xb8;
	[tilespmem:$0x1A400] =	vst v63  }
0x1ed: {  	s14 =	simm.s32 $0x4C00  }
0x1ee: {  	[tilespmem:s14], [sflag:$0x1] =	stream.indirect_vreg.gather [hbm4b:s3+s2], $0x80, v3, vm0, $0xb8;
	[tilespmem:$0x1A400] =	vst v63  }
0x1ef: {  	v3 =	vld [tilespmem:s12+$0xFFFFFEB8];
	_ =	sdelay $0x4  }
0x1f0: {  	v55 =	vshll.u32 v3, $0x1  }
0x1f1: {  	v3 =	vand.u32 $0x7, v3;
	v4 =	vand.u32 $0xFFFFFFF0, v55  }
0x1f2: {  	v3 =	vor.u32 v3, v4  }
0x1f3: {  	v4 =	vperm.xlane v3, v0;
	_ =	sdelay $0x1  }
0x1f4: {  	v3 =	vperm.xlane v3, v2;
	v4 =	vadd.s32 v1, v4;
	_ =	sdelay $0x1  }
0x1f5: {  	v3 =	vadd.s32 v1, v3;
	_ =	sdelay $0x1  }
0x1f6: {  	s14 =	simm.s32 $0x5400  }
0x1f7: {  	[tilespmem:s14], [sflag:$0x1] =	stream.indirect_vreg.gather [hbm4b:s3+s2], $0x80, v4, vm0, $0xb8;
	[tilespmem:$0x1A400] =	vst v63  }
0x1f8: {  	s14 =	simm.s32 $0x5C00  }
0x1f9: {  	[tilespmem:s14], [sflag:$0x1] =	stream.indirect_vreg.gather [hbm4b:s3+s2], $0x80, v3, vm0, $0xb8;
	[tilespmem:$0x1A400] =	vst v63  }
0x1fa: {  	v3 =	vld [tilespmem:s12+$0xFFFFFEC8];
	_ =	sdelay $0x4  }
0x1fb: {  	v56 =	vshll.u32 v3, $0x1  }
0x1fc: {  	v3 =	vand.u32 $0x7, v3;
	v4 =	vand.u32 $0xFFFFFFF0, v56  }
0x1fd: {  	v3 =	vor.u32 v3, v4  }
0x1fe: {  	v4 =	vperm.xlane v3, v0;
	_ =	sdelay $0x1  }
0x1ff: {  	v3 =	vperm.xlane v3, v2;
	v4 =	vadd.s32 v1, v4;
	_ =	sdelay $0x1  }
0x200: {  	v3 =	vadd.s32 v1, v3;
	_ =	sdelay $0x1  }
0x201: {  	s14 =	simm.s32 $0x6400  }
0x202: {  	[tilespmem:s14], [sflag:$0x1] =	stream.indirect_vreg.gather [hbm4b:s3+s2], $0x80, v4, vm0, $0xb8;
	[tilespmem:$0x1A400] =	vst v63  }
0x203: {  	s14 =	simm.s32 $0x6C00  }
0x204: {  	[tilespmem:s14], [sflag:$0x1] =	stream.indirect_vreg.gather [hbm4b:s3+s2], $0x80, v3, vm0, $0xb8;
	[tilespmem:$0x1A400] =	vst v63  }
0x205: {  	v3 =	vld [tilespmem:s12+$0xFFFFFED8];
	_ =	sdelay $0x4  }
0x206: {  	v57 =	vshll.u32 v3, $0x1  }
0x207: {  	v3 =	vand.u32 $0x7, v3;
	v4 =	vand.u32 $0xFFFFFFF0, v57  }
0x208: {  	v3 =	vor.u32 v3, v4  }
0x209: {  	v4 =	vperm.xlane v3, v0;
	_ =	sdelay $0x1  }
0x20a: {  	v3 =	vperm.xlane v3, v2;
	v4 =	vadd.s32 v1, v4;
	_ =	sdelay $0x1  }
0x20b: {  	v3 =	vadd.s32 v1, v3;
	_ =	sdelay $0x1  }
0x20c: {  	s14 =	simm.s32 $0x7400  }
0x20d: {  	[tilespmem:s14], [sflag:$0x1] =	stream.indirect_vreg.gather [hbm4b:s3+s2], $0x80, v4, vm0, $0xb8;
	[tilespmem:$0x1A400] =	vst v63  }
0x20e: {  	s14 =	simm.s32 $0x7C00  }
0x20f: {  	[tilespmem:s14], [sflag:$0x1] =	stream.indirect_vreg.gather [hbm4b:s3+s2], $0x80, v3, vm0, $0xb8;
	[tilespmem:$0x1A400] =	vst v63  }
0x210: {  	v3 =	vld [tilespmem:s12+$0xFFFFFEE8];
	_ =	sdelay $0x4  }
0x211: {  	v58 =	vshll.u32 v3, $0x1  }
0x212: {  	v3 =	vand.u32 $0x7, v3;
	v4 =	vand.u32 $0xFFFFFFF0, v58  }
0x213: {  	v3 =	vor.u32 v3, v4  }
0x214: {  	v4 =	vperm.xlane v3, v0;
	_ =	sdelay $0x1  }
0x215: {  	v3 =	vperm.xlane v3, v2;
	v4 =	vadd.s32 v1, v4;
	_ =	sdelay $0x1  }
0x216: {  	v3 =	vadd.s32 v1, v3;
	_ =	sdelay $0x1  }
0x217: {  	s14 =	simm.s32 $0x8400  }
0x218: {  	[tilespmem:s14], [sflag:$0x1] =	stream.indirect_vreg.gather [hbm4b:s3+s2], $0x80, v4, vm0, $0xb8;
	[tilespmem:$0x1A400] =	vst v63  }
0x219: {  	s14 =	simm.s32 $0x8C00  }
0x21a: {  	[tilespmem:s14], [sflag:$0x1] =	stream.indirect_vreg.gather [hbm4b:s3+s2], $0x80, v3, vm0, $0xb8;
	[tilespmem:$0x1A400] =	vst v63  }
0x21b: {  	v3 =	vld [tilespmem:s12+$0xFFFFFEF8];
	_ =	sdelay $0x4  }
0x21c: {  	v59 =	vshll.u32 v3, $0x1  }
0x21d: {  	v3 =	vand.u32 $0x7, v3;
	v4 =	vand.u32 $0xFFFFFFF0, v59  }
0x21e: {  	v3 =	vor.u32 v3, v4  }
0x21f: {  	v4 =	vperm.xlane v3, v0;
	_ =	sdelay $0x1  }
0x220: {  	v3 =	vperm.xlane v3, v2;
	v4 =	vadd.s32 v1, v4;
	_ =	sdelay $0x1  }
0x221: {  	v3 =	vadd.s32 v1, v3;
	_ =	sdelay $0x1  }
0x222: {  	s14 =	simm.s32 $0x9400  }
0x223: {  	[tilespmem:s14], [sflag:$0x1] =	stream.indirect_vreg.gather [hbm4b:s3+s2], $0x80, v4, vm0, $0xb8;
	[tilespmem:$0x1A400] =	vst v63  }
0x224: {  	_ = 	snop  }
0x225: {  	[tilespmem:s16], [sflag:$0x1] =	stream.indirect_vreg.gather [hbm4b:s3+s2], $0x80, v3, vm0, $0xb8;
	[tilespmem:$0x1A400] =	vst v63  }
0x226: {  	v3 =	vld [tilespmem:s12+$0xFFFFFF08];
	_ =	sdelay $0x4  }
0x227: {  	v60 =	vshll.u32 v3, $0x1  }
0x228: {  	v3 =	vand.u32 $0x7, v3;
	v4 =	vand.u32 $0xFFFFFFF0, v60  }
0x229: {  	v3 =	vor.u32 v3, v4  }
0x22a: {  	v4 =	vperm.xlane v3, v0;
	_ =	sdelay $0x1  }
0x22b: {  	v3 =	vperm.xlane v3, v2;
	v4 =	vadd.s32 v1, v4;
	_ =	sdelay $0x1  }
0x22c: {  	v3 =	vadd.s32 v1, v3;
	_ =	sdelay $0x2  }
0x22d: {  	[tilespmem:s17], [sflag:$0x1] =	stream.indirect_vreg.gather [hbm4b:s3+s2], $0x80, v4, vm0, $0xb8;
	[tilespmem:$0x1A400] =	vst v63  }
0x22e: {  	_ = 	snop  }
0x22f: {  	[tilespmem:s18], [sflag:$0x1] =	stream.indirect_vreg.gather [hbm4b:s3+s2], $0x80, v3, vm0, $0xb8;
	[tilespmem:$0x1A400] =	vst v63  }
0x230: {  	v3 =	vld [tilespmem:s12+$0xFFFFFF18];
	_ =	sdelay $0x4  }
0x231: {  	v61 =	vshll.u32 v3, $0x1  }
0x232: {  	v3 =	vand.u32 $0x7, v3;
	v4 =	vand.u32 $0xFFFFFFF0, v61  }
0x233: {  	v3 =	vor.u32 v3, v4  }
0x234: {  	v4 =	vperm.xlane v3, v0;
	_ =	sdelay $0x1  }
0x235: {  	v3 =	vperm.xlane v3, v2;
	v4 =	vadd.s32 v1, v4;
	_ =	sdelay $0x1  }
0x236: {  	v3 =	vadd.s32 v1, v3;
	_ =	sdelay $0x2  }
0x237: {  	[tilespmem:s19], [sflag:$0x1] =	stream.indirect_vreg.gather [hbm4b:s3+s2], $0x80, v4, vm0, $0xb8;
	[tilespmem:$0x1A400] =	vst v63  }
0x238: {  	_ = 	snop  }
0x239: {  	[tilespmem:s20], [sflag:$0x1] =	stream.indirect_vreg.gather [hbm4b:s3+s2], $0x80, v3, vm0, $0xb8;
	[tilespmem:$0x1A400] =	vst v63  }
0x23a: {  	v3 =	vld [tilespmem:s12+$0xFFFFFF28];
	_ =	sdelay $0x4  }
0x23b: {  	v62 =	vshll.u32 v3, $0x1  }
0x23c: {  	v3 =	vand.u32 $0x7, v3;
	v4 =	vand.u32 $0xFFFFFFF0, v62  }
0x23d: {  	v3 =	vor.u32 v3, v4  }
0x23e: {  	v4 =	vperm.xlane v3, v0;
	_ =	sdelay $0x1  }
0x23f: {  	v3 =	vperm.xlane v3, v2;
	v4 =	vadd.s32 v1, v4;
	_ =	sdelay $0x1  }
0x240: {  	v3 =	vadd.s32 v1, v3;
	_ =	sdelay $0x2  }
0x241: {  	[tilespmem:s21], [sflag:$0x1] =	stream.indirect_vreg.gather [hbm4b:s3+s2], $0x80, v4, vm0, $0xb8;
	[tilespmem:$0x1A400] =	vst v63  }
0x242: {  	_ = 	snop  }
0x243: {  	[tilespmem:s22], [sflag:$0x1] =	stream.indirect_vreg.gather [hbm4b:s3+s2], $0x80, v3, vm0, $0xb8;
	[tilespmem:$0x1A400] =	vst v63  }
0x244: {  	v3 =	vld.msk [tilespmem:s12+$0xFFFFFF38], $0xff;
	_ =	sdelay $0x4  }
0x245: {  	v63 =	vshll.u32 v3, $0x1  }
0x246: {  	v3 =	vand.u32 $0x7, v3;
	v4 =	vand.u32 $0xFFFFFFF0, v63  }
0x247: {  	v3 =	vor.u32 v3, v4  }
0x248: {  	v3 =	vperm.xlane v3, v0;
	_ =	sdelay $0x1  }
0x249: {  	v3 =	vadd.s32 v1, v3;
	_ =	sdelay $0x4  }
0x24a: {  	[tilespmem:s15], [sflag:$0x1] =	stream.indirect_vreg.gather [hbm4b:s3+s2], $0x80, v3, vm0, $0xb8;
	[tilespmem:$0x1A400] =	vst v63  }
.LBB2_4:
0x24b: {  	_ =	swait.ge [sflag:s10], $0xC800  }
0x24c: {  	[sflag:s10] =	ssyncset.done $0x0  }
.Ltmp3:
0x24d: {  	s13 =	sadd.s32 $0x25800, s13;
	[sflag:s10] =	ssyncadd.s32 $0xFFFF3800;
	(pc) =	sbr.rel @p0 .LBB2_6-.Ltmp3, $4  }
0x24e: {  	[hbm4b:s13+s2] =	stream.linear.scatter [tilespmem:s6], [sflag:$0x3], $0xC800, $0x38;
	[tilespmem:$0x1A400] =	vst v63  }
0x24f: {  	_ =	swait.ge [sflag:s8], $0xC800  }
0x250: {  	[sflag:s8] =	ssyncset.done $0x0  }
0x251: {  	[sflag:s8] =	ssyncadd.s32 $0xFFFF3800  }
0x252: {  	v3 =	vld [tilespmem:s12+$0xFFFFFF40];
	_ =	sdelay $0x4  }
0x253: {  	v4 =	vshll.u32 v3, $0x1  }
0x254: {  	v3 =	vand.u32 $0x7, v3;
	v4 =	vand.u32 $0xFFFFFFF0, v4  }
0x255: {  	v3 =	vor.u32 v3, v4  }
0x256: {  	v4 =	vperm.xlane v3, v0;
	_ =	sdelay $0x1  }
0x257: {  	v3 =	vperm.xlane v3, v2;
	v4 =	vadd.s32 v1, v4;
	_ =	sdelay $0x1  }
0x258: {  	v3 =	vadd.s32 v1, v3;
	_ =	sdelay $0x2  }
0x259: {  	[tilespmem:s6], [sflag:$0x2] =	stream.indirect_vreg.gather [hbm4b:s3+s2], $0x80, v4, vm0, $0xb8;
	[tilespmem:$0x1A400] =	vst v63  }
0x25a: {  	s13 =	simm.s32 $0xE400  }
0x25b: {  	[tilespmem:s13], [sflag:$0x2] =	stream.indirect_vreg.gather [hbm4b:s3+s2], $0x80, v3, vm0, $0xb8;
	[tilespmem:$0x1A400] =	vst v63  }
0x25c: {  	v3 =	vld [tilespmem:s12+$0xFFFFFF50];
	_ =	sdelay $0x4  }
0x25d: {  	v52 =	vshll.u32 v3, $0x1  }
0x25e: {  	v3 =	vand.u32 $0x7, v3;
	v4 =	vand.u32 $0xFFFFFFF0, v52  }
0x25f: {  	v3 =	vor.u32 v3, v4  }
0x260: {  	v4 =	vperm.xlane v3, v0;
	_ =	sdelay $0x1  }
0x261: {  	v3 =	vperm.xlane v3, v2;
	v4 =	vadd.s32 v1, v4;
	_ =	sdelay $0x1  }
0x262: {  	v3 =	vadd.s32 v1, v3;
	_ =	sdelay $0x1  }
0x263: {  	s14 =	simm.s32 $0xEC00  }
0x264: {  	[tilespmem:s14], [sflag:$0x2] =	stream.indirect_vreg.gather [hbm4b:s3+s2], $0x80, v4, vm0, $0xb8;
	[tilespmem:$0x1A400] =	vst v63  }
0x265: {  	s14 =	simm.s32 $0xF400  }
0x266: {  	[tilespmem:s14], [sflag:$0x2] =	stream.indirect_vreg.gather [hbm4b:s3+s2], $0x80, v3, vm0, $0xb8;
	[tilespmem:$0x1A400] =	vst v63  }
0x267: {  	v3 =	vld [tilespmem:s12+$0xFFFFFF60];
	_ =	sdelay $0x4  }
0x268: {  	v53 =	vshll.u32 v3, $0x1  }
0x269: {  	v3 =	vand.u32 $0x7, v3;
	v4 =	vand.u32 $0xFFFFFFF0, v53  }
0x26a: {  	v3 =	vor.u32 v3, v4  }
0x26b: {  	v4 =	vperm.xlane v3, v0;
	_ =	sdelay $0x1  }
0x26c: {  	v3 =	vperm.xlane v3, v2;
	v4 =	vadd.s32 v1, v4;
	_ =	sdelay $0x1  }
0x26d: {  	v3 =	vadd.s32 v1, v3;
	_ =	sdelay $0x1  }
0x26e: {  	s14 =	simm.s32 $0xFC00  }
0x26f: {  	[tilespmem:s14], [sflag:$0x2] =	stream.indirect_vreg.gather [hbm4b:s3+s2], $0x80, v4, vm0, $0xb8;
	[tilespmem:$0x1A400] =	vst v63  }
0x270: {  	s14 =	simm.s32 $0x10400  }
0x271: {  	[tilespmem:s14], [sflag:$0x2] =	stream.indirect_vreg.gather [hbm4b:s3+s2], $0x80, v3, vm0, $0xb8;
	[tilespmem:$0x1A400] =	vst v63  }
0x272: {  	v3 =	vld [tilespmem:s12+$0xFFFFFF70];
	_ =	sdelay $0x4  }
0x273: {  	v54 =	vshll.u32 v3, $0x1  }
0x274: {  	v3 =	vand.u32 $0x7, v3;
	v4 =	vand.u32 $0xFFFFFFF0, v54  }
0x275: {  	v3 =	vor.u32 v3, v4  }
0x276: {  	v4 =	vperm.xlane v3, v0;
	_ =	sdelay $0x1  }
0x277: {  	v3 =	vperm.xlane v3, v2;
	v4 =	vadd.s32 v1, v4;
	_ =	sdelay $0x1  }
0x278: {  	v3 =	vadd.s32 v1, v3;
	_ =	sdelay $0x1  }
0x279: {  	s14 =	simm.s32 $0x10C00  }
0x27a: {  	[tilespmem:s14], [sflag:$0x2] =	stream.indirect_vreg.gather [hbm4b:s3+s2], $0x80, v4, vm0, $0xb8;
	[tilespmem:$0x1A400] =	vst v63  }
0x27b: {  	s14 =	simm.s32 $0x11400  }
0x27c: {  	[tilespmem:s14], [sflag:$0x2] =	stream.indirect_vreg.gather [hbm4b:s3+s2], $0x80, v3, vm0, $0xb8;
	[tilespmem:$0x1A400] =	vst v63  }
0x27d: {  	v3 =	vld [tilespmem:s12+$0xFFFFFF80];
	_ =	sdelay $0x4  }
0x27e: {  	v55 =	vshll.u32 v3, $0x1  }
0x27f: {  	v3 =	vand.u32 $0x7, v3;
	v4 =	vand.u32 $0xFFFFFFF0, v55  }
0x280: {  	v3 =	vor.u32 v3, v4  }
0x281: {  	v4 =	vperm.xlane v3, v0;
	_ =	sdelay $0x1  }
0x282: {  	v3 =	vperm.xlane v3, v2;
	v4 =	vadd.s32 v1, v4;
	_ =	sdelay $0x1  }
0x283: {  	v3 =	vadd.s32 v1, v3;
	_ =	sdelay $0x1  }
0x284: {  	s14 =	simm.s32 $0x11C00  }
0x285: {  	[tilespmem:s14], [sflag:$0x2] =	stream.indirect_vreg.gather [hbm4b:s3+s2], $0x80, v4, vm0, $0xb8;
	[tilespmem:$0x1A400] =	vst v63  }
0x286: {  	s14 =	simm.s32 $0x12400  }
0x287: {  	[tilespmem:s14], [sflag:$0x2] =	stream.indirect_vreg.gather [hbm4b:s3+s2], $0x80, v3, vm0, $0xb8;
	[tilespmem:$0x1A400] =	vst v63  }
0x288: {  	v3 =	vld [tilespmem:s12+$0xFFFFFF90];
	_ =	sdelay $0x4  }
0x289: {  	v56 =	vshll.u32 v3, $0x1  }
0x28a: {  	v3 =	vand.u32 $0x7, v3;
	v4 =	vand.u32 $0xFFFFFFF0, v56  }
0x28b: {  	v3 =	vor.u32 v3, v4  }
0x28c: {  	v4 =	vperm.xlane v3, v0;
	_ =	sdelay $0x1  }
0x28d: {  	v3 =	vperm.xlane v3, v2;
	v4 =	vadd.s32 v1, v4;
	_ =	sdelay $0x1  }
0x28e: {  	v3 =	vadd.s32 v1, v3;
	_ =	sdelay $0x1  }
0x28f: {  	s14 =	simm.s32 $0x12C00  }
0x290: {  	[tilespmem:s14], [sflag:$0x2] =	stream.indirect_vreg.gather [hbm4b:s3+s2], $0x80, v4, vm0, $0xb8;
	[tilespmem:$0x1A400] =	vst v63  }
0x291: {  	s14 =	simm.s32 $0x13400  }
0x292: {  	[tilespmem:s14], [sflag:$0x2] =	stream.indirect_vreg.gather [hbm4b:s3+s2], $0x80, v3, vm0, $0xb8;
	[tilespmem:$0x1A400] =	vst v63  }
0x293: {  	v3 =	vld [tilespmem:s12+$0xFFFFFFA0];
	_ =	sdelay $0x4  }
0x294: {  	v57 =	vshll.u32 v3, $0x1  }
0x295: {  	v3 =	vand.u32 $0x7, v3;
	v4 =	vand.u32 $0xFFFFFFF0, v57  }
0x296: {  	v3 =	vor.u32 v3, v4  }
0x297: {  	v4 =	vperm.xlane v3, v0;
	_ =	sdelay $0x1  }
0x298: {  	v3 =	vperm.xlane v3, v2;
	v4 =	vadd.s32 v1, v4;
	_ =	sdelay $0x1  }
0x299: {  	v3 =	vadd.s32 v1, v3;
	_ =	sdelay $0x1  }
0x29a: {  	s14 =	simm.s32 $0x13C00  }
0x29b: {  	[tilespmem:s14], [sflag:$0x2] =	stream.indirect_vreg.gather [hbm4b:s3+s2], $0x80, v4, vm0, $0xb8;
	[tilespmem:$0x1A400] =	vst v63  }
0x29c: {  	s14 =	simm.s32 $0x14400  }
0x29d: {  	[tilespmem:s14], [sflag:$0x2] =	stream.indirect_vreg.gather [hbm4b:s3+s2], $0x80, v3, vm0, $0xb8;
	[tilespmem:$0x1A400] =	vst v63  }
0x29e: {  	v3 =	vld [tilespmem:s12+$0xFFFFFFB0];
	_ =	sdelay $0x4  }
0x29f: {  	v58 =	vshll.u32 v3, $0x1  }
0x2a0: {  	v3 =	vand.u32 $0x7, v3;
	v4 =	vand.u32 $0xFFFFFFF0, v58  }
0x2a1: {  	v3 =	vor.u32 v3, v4  }
0x2a2: {  	v4 =	vperm.xlane v3, v0;
	_ =	sdelay $0x1  }
0x2a3: {  	v3 =	vperm.xlane v3, v2;
	v4 =	vadd.s32 v1, v4;
	_ =	sdelay $0x1  }
0x2a4: {  	v3 =	vadd.s32 v1, v3;
	_ =	sdelay $0x2  }
0x2a5: {  	[tilespmem:s23], [sflag:$0x2] =	stream.indirect_vreg.gather [hbm4b:s3+s2], $0x80, v4, vm0, $0xb8;
	[tilespmem:$0x1A400] =	vst v63  }
0x2a6: {  	_ = 	snop  }
0x2a7: {  	[tilespmem:s24], [sflag:$0x2] =	stream.indirect_vreg.gather [hbm4b:s3+s2], $0x80, v3, vm0, $0xb8;
	[tilespmem:$0x1A400] =	vst v63  }
0x2a8: {  	v3 =	vld [tilespmem:s12+$0xFFFFFFC0];
	_ =	sdelay $0x4  }
0x2a9: {  	v59 =	vshll.u32 v3, $0x1  }
0x2aa: {  	v3 =	vand.u32 $0x7, v3;
	v4 =	vand.u32 $0xFFFFFFF0, v59  }
0x2ab: {  	v3 =	vor.u32 v3, v4  }
0x2ac: {  	v4 =	vperm.xlane v3, v0;
	_ =	sdelay $0x1  }
0x2ad: {  	v3 =	vperm.xlane v3, v2;
	v4 =	vadd.s32 v1, v4;
	_ =	sdelay $0x1  }
0x2ae: {  	v3 =	vadd.s32 v1, v3;
	_ =	sdelay $0x2  }
0x2af: {  	[tilespmem:s25], [sflag:$0x2] =	stream.indirect_vreg.gather [hbm4b:s3+s2], $0x80, v4, vm0, $0xb8;
	[tilespmem:$0x1A400] =	vst v63  }
0x2b0: {  	_ = 	snop  }
0x2b1: {  	[tilespmem:s26], [sflag:$0x2] =	stream.indirect_vreg.gather [hbm4b:s3+s2], $0x80, v3, vm0, $0xb8;
	[tilespmem:$0x1A400] =	vst v63  }
0x2b2: {  	v3 =	vld [tilespmem:s12+$0xFFFFFFD0];
	_ =	sdelay $0x4  }
0x2b3: {  	v60 =	vshll.u32 v3, $0x1  }
0x2b4: {  	v3 =	vand.u32 $0x7, v3;
	v4 =	vand.u32 $0xFFFFFFF0, v60  }
0x2b5: {  	v3 =	vor.u32 v3, v4  }
0x2b6: {  	v4 =	vperm.xlane v3, v0;
	_ =	sdelay $0x1  }
0x2b7: {  	v3 =	vperm.xlane v3, v2;
	v4 =	vadd.s32 v1, v4;
	_ =	sdelay $0x1  }
0x2b8: {  	v3 =	vadd.s32 v1, v3;
	_ =	sdelay $0x2  }
0x2b9: {  	[tilespmem:s28], [sflag:$0x2] =	stream.indirect_vreg.gather [hbm4b:s3+s2], $0x80, v4, vm0, $0xb8;
	[tilespmem:$0x1A400] =	vst v63  }
0x2ba: {  	_ = 	snop  }
0x2bb: {  	[tilespmem:s29], [sflag:$0x2] =	stream.indirect_vreg.gather [hbm4b:s3+s2], $0x80, v3, vm0, $0xb8;
	[tilespmem:$0x1A400] =	vst v63  }
0x2bc: {  	v3 =	vld [tilespmem:s12+$0xFFFFFFE0];
	_ =	sdelay $0x4  }
0x2bd: {  	v61 =	vshll.u32 v3, $0x1  }
0x2be: {  	v3 =	vand.u32 $0x7, v3;
	v4 =	vand.u32 $0xFFFFFFF0, v61  }
0x2bf: {  	v3 =	vor.u32 v3, v4  }
0x2c0: {  	v4 =	vperm.xlane v3, v0;
	_ =	sdelay $0x1  }
0x2c1: {  	v3 =	vperm.xlane v3, v2;
	v4 =	vadd.s32 v1, v4;
	_ =	sdelay $0x1  }
0x2c2: {  	v3 =	vadd.s32 v1, v3;
	_ =	sdelay $0x2  }
0x2c3: {  	[tilespmem:s30], [sflag:$0x2] =	stream.indirect_vreg.gather [hbm4b:s3+s2], $0x80, v4, vm0, $0xb8;
	[tilespmem:$0x1A400] =	vst v63  }
0x2c4: {  	_ = 	snop  }
0x2c5: {  	[tilespmem:s31], [sflag:$0x2] =	stream.indirect_vreg.gather [hbm4b:s3+s2], $0x80, v3, vm0, $0xb8;
	[tilespmem:$0x1A400] =	vst v63  }
0x2c6: {  	v3 =	vld [tilespmem:s12+$0xFFFFFFF0];
	_ =	sdelay $0x4  }
0x2c7: {  	v62 =	vshll.u32 v3, $0x1  }
0x2c8: {  	v3 =	vand.u32 $0x7, v3;
	v4 =	vand.u32 $0xFFFFFFF0, v62  }
0x2c9: {  	v3 =	vor.u32 v3, v4  }
0x2ca: {  	v4 =	vperm.xlane v3, v0;
	_ =	sdelay $0x1  }
0x2cb: {  	v3 =	vperm.xlane v3, v2;
	v4 =	vadd.s32 v1, v4;
	_ =	sdelay $0x1  }
0x2cc: {  	v3 =	vadd.s32 v1, v3;
	_ =	sdelay $0x2  }
0x2cd: {  	[tilespmem:s1], [sflag:$0x2] =	stream.indirect_vreg.gather [hbm4b:s3+s2], $0x80, v4, vm0, $0xb8;
	[tilespmem:$0x1A400] =	vst v63  }
0x2ce: {  	_ = 	snop  }
0x2cf: {  	[tilespmem:s0], [sflag:$0x2] =	stream.indirect_vreg.gather [hbm4b:s3+s2], $0x80, v3, vm0, $0xb8;
	[tilespmem:$0x1A400] =	vst v63  }
0x2d0: {  	v3 =	vld.msk [tilespmem:s12+$0x0], $0xff;
	_ =	sdelay $0x4  }
0x2d1: {  	v63 =	vshll.u32 v3, $0x1  }
0x2d2: {  	v3 =	vand.u32 $0x7, v3;
	v4 =	vand.u32 $0xFFFFFFF0, v63  }
0x2d3: {  	v3 =	vor.u32 v3, v4  }
0x2d4: {  	v3 =	vperm.xlane v3, v0;
	_ =	sdelay $0x1  }
0x2d5: {  	v3 =	vadd.s32 v1, v3  }
.Ltmp4:
0x2d6: {  	_ = 	snop;
	(pc) =	sbr.rel .LBB2_2-.Ltmp4, $3  }
0x2d7: {  	_ =	sdelay $0x1  }
0x2d8: {  	s11 =	sadd.s32 $0x3200, s11;
	s12 =	sadd.s32 $0x190, s12  }
0x2d9: {  	[tilespmem:s4], [sflag:$0x2] =	stream.indirect_vreg.gather [hbm4b:s3+s2], $0x80, v3, vm0, $0xb8;
	[tilespmem:$0x1A400] =	vst v63  }
.LBB2_7:
0x2da: {  	_ =	sfence.sel $0x180000  }
0x2db: {  	[bflag:$0x0] =	sbarrier.arrive $0xFFFF  }
0x2dc: {  	_ =	strace $0x90000047  }
0x2dd: {  	s0 =	stileid.u32;
	[bflag:$0x2] =	sbarrier.arrive $0xFFFF  }
0x2de: {  	p0 =	sne.s32 s0, $0x0;
	s0 =	rddreg [dreg:$0x1]  }
0x2df: {  	s0 =	sadd.s32 @!p0 $0x100000, s0  }
0x2e0: {  	[sflag:s0] =	ssyncadd.tile.s32 @!p0 $0x1;
	_ =	shalt  }
.Lfunc_end2:
_tile_overlayer_lowered:
.L_overlay_start_2:
0x2e1: {  	(tag) =	ssettag $0x2  }
0x2e2: {  	s0 =	rddreg [dreg:$0x0];
	s2 =	stileid.u32  }
0x2e3: {  	s1 =	rddreg [dreg:$0x1];
	p0 =	sne.s32 s2, $0x0  }
0x2e4: {  	s3 =	rddreg [dreg:$0x2];
	[bflag:$0x3] =	sbarrier.arrive $0xFFFF;
	s2 =	simm.s32 @!p0 $0x1C03  }
0x2e5: {  	[timem:s3], [sflag:s2] =	dma.local @!p0 [hbm:s0], s1  }
0x2e6: {  	s0 =	simm.s32 @!p0 $0x3  }
0x2e7: {  	_ =	swait.ge @!p0 [sflag:s0], s1  }
0x2e8: {  	s1 =	ssub.s32 @!p0 $0x0, s1;
	[sflag:s0] =	ssyncset.done @!p0 $0x0  }
0x2e9: {  	[sflag:s0] =	ssyncadd.s32 @!p0 s1  }
0x2ea: {  	[bflag:$0x3] =	sbarrier.arrive $0xFFFF  }
0x2eb: {  	_ =	shalt  }

// kernel: kernel.13.cloned.1.call-start
scs
__scs_entry_jumppad:
0x0: {  	(pc) =	sbr.rel $0x88, $3  }
0x1: {  	(tag) =	ssettag $0x0;
	lr =	simm.s32 $0x1  }
0x2: {  	[smem:$0x3F8B] =	sst lr;
	_ =	strace $0xD0000000  }
0x3: {  	_ = 	snop  }
0x4: {  	_ = 	snop  }
0x5: {  	_ = 	snop  }
0x6: {  	_ = 	snop  }
0x7: {  	_ = 	snop  }
__scs_overlays_trampoline_lowered:
0x8: {  	[smem:$0x3F9A] =	sst s0  }
0x9: {  	[smem:$0x3F9B] =	sst s1  }
0xa: {  	[smem:$0x3F9C] =	sst s2  }
0xb: {  	[smem:$0x3F9D] =	sst s3  }
0xc: {  	[smem:$0x3F9E] =	sst s4  }
0xd: {  	[smem:$0x3F9F] =	sst s5  }
0xe: {  	[smem:$0x3FA0] =	sst s6  }
0xf: {  	[smem:$0x3FA1] =	sst s7  }
0x10: {  	[smem:$0x3FA2] =	sst s8  }
0x11: {  	[smem:$0x3FA3] =	sst s9;
	s0 =	simm.s32 @!p0 $0x0  }
0x12: {  	s1 =	sld [smem:$0x3F89];
	s0 =	simm.s32 @p0 $0x1  }
0x13: {  	[smem:$0x3FA4] =	sst s0;
	s0 =	simm.s32 @!p1 $0x0  }
0x14: {  	s2 =	sld [smem:$0x3F88];
	s0 =	simm.s32 @p1 $0x1  }
0x15: {  	[smem:$0x3FA5] =	sst s0;
	s0 =	simm.s32 @!p2 $0x0  }
0x16: {  	s3 =	sld [smem:$0x3FDB];
	s0 =	simm.s32 @p2 $0x1  }
0x17: {  	s4 =	simm.s32 $0x1BF5;
	[smem:$0x3FA7] =	sst s0  }
0x18: {  	s0 =	sld [smem:$0x3F8A];
	_ =	swait.ge [sflag:s4], $0x0  }
0x19: {  	s7 =	sld [smem:$0x3F8B]  }
0x1a: {  	s8 =	sadd.s32 $0xFFFFE003, lr  }
0x1b: {  	s9 =	sadd.s32 $0xFFFFFEF7, lr;
	s5 =	simm.s32 $0xFFFFFFFF;
	p2 =	slt.u32 s8, $0xFFFFF086  }
0x1c: {  	p1 =	slt.u32 s9, $0xF7A;
	s5 =	simm.s32 @!p2 $0x0  }
0x1d: {  	s5 =	simm.s32 @p1 $0x1;
	p0 =	seq.s32 s7, s2  }
0x1e: {  	s7 =	smul.u32 @!p0 $0xF7A, s2;
	p2 =	seq.s32 @!p0 s5, $0x0  }
0x1f: {  	s9 =	smul.u32 $0xF7A, s1;
	s8 =	simm.s32 @!p0 $0x1BF5;
	p2 =	por !p2, p0  }
0x20: {  	[sflag:s8] =	ssyncset.s32 @!p0 $0xFFFFF086;
	s6 =	sadd.s32 @!p0 s3, s7;
	s7 =	simm.s32 @!p0 $0x108  }
0x21: {  	s3 =	sadd.s32 s3, s9;
	s6 =	sadd.s32 @!p0 $0x88, s6;
	s7 =	simm.s32 @p2 $0x1082  }
0x22: {  	[simem:s7], [sflag:s8] =	dma.local @!p0 [hbm:s6], $0xF7A  }
0x23: {  	s9 =	sor.u32 $0xD0000000, s2;
	s6 =	simm.s32 $0x108;
	_ =	swait.ge @!p0 [sflag:s8], $0x0  }
0x24: {  	s3 =	sadd.s32 $0x88, s3;
	s6 =	simm.s32 @!p1 $0x1082;
	[sflag:s4] =	ssyncset.s32 $0xFFFFF086  }
0x25: {  	[simem:s6], [sflag:s4] =	dma.local [hbm:s3], $0xF7A  }
0x26: {  	[smem:$0x3F8B] =	sst s1;
	(tag) =	ssettag s2;
	_ =	strace s9  }
0x27: {  	s1 =	sld [smem:$0x3F9B]  }
0x28: {  	s2 =	sld [smem:$0x3F9C]  }
0x29: {  	s4 =	sld [smem:$0x3F9E]  }
0x2a: {  	p0 =	seq.s32 s5, $0x0;
	s5 =	sld [smem:$0x3F9F]  }
0x2b: {  	s6 =	sld [smem:$0x3FA0]  }
0x2c: {  	s7 =	sld [smem:$0x3FA1]  }
0x2d: {  	s3 =	simm.s32 $0x108;
	s8 =	sld [smem:$0x3FA2]  }
0x2e: {  	s3 =	simm.s32 @!p0 $0x1082;
	s9 =	sld [smem:$0x3FA3]  }
0x2f: {  	lr =	sadd.s32 s0, s3;
	s0 =	sld [smem:$0x3F9A]  }
0x30: {  	s3 =	sld [smem:$0x3F9D]  }
0x31: {  	[smem:$0x3FA6] =	sst s10  }
0x32: {  	s10 =	sld [smem:$0x3FA4];
	_ =	sdelay $0x3  }
0x33: {  	p0 =	seq.s32 s10, $0x1;
	s10 =	sld [smem:$0x3FA6];
	_ =	sdelay $0x3  }
0x34: {  	[smem:$0x3FA6] =	sst s10  }
0x35: {  	s10 =	sld [smem:$0x3FA5];
	_ =	sdelay $0x3  }
0x36: {  	p1 =	seq.s32 s10, $0x1;
	s10 =	sld [smem:$0x3FA6];
	_ =	sdelay $0x3  }
0x37: {  	[smem:$0x3FA6] =	sst s10  }
0x38: {  	s10 =	sld [smem:$0x3FA7]  }
0x39: {  	_ = 	snop;
	(pc) =	sbr.ind lr, $3  }
0x3a: {  	_ = 	snop  }
0x3b: {  	_ = 	snop  }
0x3c: {  	p2 =	seq.s32 s10, $0x1;
	s10 =	sld [smem:$0x3FA6]  }
0x3d: {  	_ =	shalt  }
0x3e: {  	_ =	shalt  }
0x3f: {  	_ =	shalt  }
0x40: {  	_ =	shalt  }
0x41: {  	_ =	shalt  }
0x42: {  	_ =	shalt  }
0x43: {  	_ =	shalt  }
0x44: {  	_ =	shalt  }
0x45: {  	_ =	shalt  }
0x46: {  	_ =	shalt  }
0x47: {  	_ =	shalt  }
0x48: {  	_ =	shalt  }
0x49: {  	_ =	shalt  }
0x4a: {  	_ =	shalt  }
0x4b: {  	_ =	shalt  }
0x4c: {  	_ =	shalt  }
0x4d: {  	_ =	shalt  }
0x4e: {  	_ =	shalt  }
0x4f: {  	_ =	shalt  }
0x50: {  	_ =	shalt  }
0x51: {  	_ =	shalt  }
0x52: {  	_ =	shalt  }
0x53: {  	_ =	shalt  }
0x54: {  	_ =	shalt  }
0x55: {  	_ =	shalt  }
0x56: {  	_ =	shalt  }
0x57: {  	_ =	shalt  }
0x58: {  	_ =	shalt  }
0x59: {  	_ =	shalt  }
0x5a: {  	_ =	shalt  }
0x5b: {  	_ =	shalt  }
0x5c: {  	_ =	shalt  }
0x5d: {  	_ =	shalt  }
0x5e: {  	_ =	shalt  }
0x5f: {  	_ =	shalt  }
0x60: {  	_ =	shalt  }
0x61: {  	_ =	shalt  }
0x62: {  	_ =	shalt  }
0x63: {  	_ =	shalt  }
0x64: {  	_ =	shalt  }
0x65: {  	_ =	shalt  }
0x66: {  	_ =	shalt  }
0x67: {  	_ =	shalt  }
0x68: {  	_ =	shalt  }
0x69: {  	_ =	shalt  }
0x6a: {  	_ =	shalt  }
0x6b: {  	_ =	shalt  }
0x6c: {  	_ =	shalt  }
0x6d: {  	_ =	shalt  }
0x6e: {  	_ =	shalt  }
0x6f: {  	_ =	shalt  }
0x70: {  	_ =	shalt  }
0x71: {  	_ =	shalt  }
0x72: {  	_ =	shalt  }
0x73: {  	_ =	shalt  }
0x74: {  	_ =	shalt  }
0x75: {  	_ =	shalt  }
0x76: {  	_ =	shalt  }
0x77: {  	_ =	shalt  }
0x78: {  	_ =	shalt  }
0x79: {  	_ =	shalt  }
0x7a: {  	_ =	shalt  }
0x7b: {  	_ =	shalt  }
0x7c: {  	_ =	shalt  }
0x7d: {  	_ =	shalt  }
0x7e: {  	_ =	shalt  }
0x7f: {  	_ =	shalt  }
0x80: {  	_ =	shalt  }
0x81: {  	_ =	shalt  }
0x82: {  	_ =	shalt  }
0x83: {  	_ =	shalt  }
0x84: {  	_ =	shalt  }
0x85: {  	_ =	shalt  }
0x86: {  	_ =	shalt  }
0x87: {  	_ =	shalt  }
.Lfunc_end0:
.L_simem_size_0:
called_computation.1_lowered:
.L_overlay_start_0:
0x88: {  	s2 =	sld [smem:$0x3FD9]  }
0x89: {  	s3 =	sld [smem:$0x3FFE];
	_ =	sdelay $0x1  }
0x8a: {  	s1 =	srdreg.scid  }
0x8b: {  	s0 =	sand.u32 $0x1, s1  }
0x8c: {  	s16 =	sshll.u32 s0, $0xA;
	s2 =	sadd.s32 s3, s2  }
0x8d: {  	s2 =	sadd.s32 s2, s16  }
0x8e: {  	[smem:$0x3FB2] =	sst s2  }
0x8f: {  	_ = 	snop  }
0x90: {  	(tm) =	ssettm $0x1  }
0x91: {  	s17 =	sld [smem:$0x3FFB];
	_ =	sdelay $0x3  }
0x92: {  	_ =	strace s17  }
0x93: {  	s2 =	sld [smem:$0x3FFC];
	_ =	sdelay $0x3  }
0x94: {  	_ =	strace s2  }
0x95: {  	s2 =	sld [smem:$0x3FFD];
	_ =	sdelay $0x3  }
0x96: {  	_ =	strace s2  }
0x97: {  	_ =	strace $0x8FFFFFFF  }
0x98: {  	s18 =	sld [smem:$0x3FDB];
	_ =	sdelay $0x1  }
0x99: {  	s19 =	simm.s32 $_scs_section_size  }
0x9a: {  	s4 =	simm.s32 $_size__tile_overlayer_lowered;
	s5 =	simm.s32 $_tile_overlayer_lowered  }
0x9b: {  	s22 =	simm.s32 $0x1BFF;
	s21 =	sshll.u32 s5, $0x1;
	s2 =	sadd.s32 s19, s18  }
0x9c: {  	s6 =	simm.s32 $0x0;
	s20 =	sshll.u32 s4, $0x1;
	s4 =	sadd.s32 s21, s2  }
0x9d: {  	[timem:s6], [sflag:s22] =	dma.local [hbm:s4], s20  }
0x9e: {  	_ =	swait.ge [sflag:s22], s20  }
0x9f: {  	s3 =	ssub.s32 $0x0, s20;
	[sflag:s22] =	ssyncset.done $0x0  }
0xa0: {  	[sflag:s22] =	ssyncadd.s32 s3;
	_ =	sdelay $0x1  }
0xa1: {  	s23 =	simm.s32 $0x1B8B  }
0xa2: {  	_ =	swait.ge [sflag:s23], $0x1  }
0xa3: {  	[sflag:s23] =	ssyncset.done $0x0  }
0xa4: {  	s25 =	simm.s32 $0x1B8E;
	s24 =	sld [smem:$0x3FFE];
	[sflag:s23] =	ssyncadd.s32 $0xFFFFFFFF  }
0xa5: {  	s26 =	simm.s32 $execute0_lowered;
	[smem:$0x3FD2] =	sst s25  }
0xa6: {  	s4 =	sshll.u32 s26, $0x1;
	_ =	strace $0x80000049;
	[dreg:$0x1] =	wrdreg $0xFFFFFFFF  }
0xa7: {  	s28 =	simm.s32 $_size_execute0_lowered;
	s2 =	sadd.s32 s2, s4;
	[dreg:$0x0] =	wrdreg $0x0  }
0xa8: {  	s4 =	sshll.u32 s28, $0x1;
	[dreg:$0x2] =	wrdreg s2  }
0xa9: {  	[dreg:$0x3] =	wrdreg s4  }
0xaa: {  	[dreg:$0x4] =	wrdreg $0xC0  }
0xab: {  	_ =	task [dreg:s6], $0x5FFFF  }
0xac: {  	[dreg:$0x1] =	wrdreg $0xFFFFFFFF  }
0xad: {  	[dreg:$0x0] =	wrdreg $0x60  }
0xae: {  	[dreg:$0x2] =	wrdreg s24  }
0xaf: {  	[dreg:$0x3] =	wrdreg $0x9  }
0xb0: {  	_ =	task.clear_ibuf [dreg:s6], $0x4FFFF;
	_ =	strace $0x90000049  }
0xb1: {  	s29 =	simm.s32 $0x9;
	_ =	strace $0x8000004B  }
0xb2: {  	_ =	swait.ge [sflag:s29], $0x1  }
0xb3: {  	[sflag:s29] =	ssyncadd.s32 $0xFFFFFFFF  }
0xb4: {  	_ =	strace $0x9000004B  }
0xb5: {  	_ =	sfence  }
0xb6: {  	s30 =	sld [smem:$0x0];
	_ =	sdelay $0x2  }
0xb7: {  	s31 =	sshll.u32 s1, $0xD;
	s1 =	sshrl.u32 s1, $0x2  }
0xb8: {  	s3 =	sand.u32 $0x4000, s31;
	s1 =	sadd.s32 s1, s30  }
0xb9: {  	s0 =	sor.u32 s3, s0;
	s1 =	sshll.u32 s1, $0x11  }
0xba: {  	s0 =	sor.u32 s1, s0  }
0xbb: {  	s0 =	sadd.s32 $0x8F2B, s0  }
0xbc: {  	[sflag:s0] =	ssyncadd.remote.s32 $0x1  }
0xbd: {  	_ =	sfence.sel $0xFFFF  }
0xbe: {  	[dreg:$0x0] =	wrdreg $0xFFFFFFFF;
	(pc) =	sbr.abs _section_cstart, $3  }
0xbf: {  	[dreg:$0x1] =	wrdreg $0xFFFFFFFF  }
0xc0: {  	_ =	task.clear_ibuf [dreg:s6], $0x2FFFF;
	_ =	strace $0x9FFFFFFF  }
0xc1: {  	(tm) =	ssettm $0x7FFFFFFF  }
tec
execute0_lowered:
.L_overlay_start_1:
0x0: {  	(tag) =	ssettag $0x1  }
0x1: {  	s0 =	srdreg.scid  }
0x2: {  	s7 =	stileid.u32;
	s4 =	rddreg [dreg:$0x0];
	s2 =	simm.s32 $0x0  }
0x3: {  	s9 =	simm.s32 $0x1400;
	s23 =	simm.s32 $0x14C00;
	s24 =	simm.s32 $0x15400  }
0x4: {  	s28 =	simm.s32 $0x16C00;
	s29 =	simm.s32 $0x17400;
	s30 =	simm.s32 $0x17C00  }
0x5: {  	s31 =	simm.s32 $0x18400;
	s10 =	simm.s32 $0x2;
	s12 =	simm.s32 $0x0  }
0x6: {  	s0 =	sand.u32 $0x1, s0;
	s1 =	sshll.u32 s7, $0x1;
	s7 =	smul.u32 $0x4E200, s7  }
0x7: {  	s1 =	sor.u32 s0, s1;
	s6 =	ssub.s32 $0x2, s0;
	s0 =	smul.u32 $0x27100, s0  }
0x8: {  	[smem:$0x7FF] =	sst s2;
	s3 =	smul.u32 $0x1388, s1;
	s8 =	sshrl.u32 s6, $0x1  }
0x9: {  	_ =	strace $0x8000004A;
	s1 =	smul.u32 $0x27100, s1;
	s6 =	ssub.s32 s6, s8  }
0xa: {  	s8 =	simm.s32 $0x3;
	s3 =	sshrl.u32 s3, $0x3;
	s26 =	smax.u32 s6, $0x1  }
0xb: {  	s6 =	simm.s32 $0xDC00;
	s5 =	sadd.s32 s3, s4;
	s3 =	sadd.s32 $0xA200, s4  }
.Ltmp0:
0xc: {  	s4 =	sadd.s32 $0x7F600, s4;
	[dreg:$0x4] =	wrdreg s26;
	(pc) =	sbr.rel .LBB2_1-.Ltmp0, $4  }
0xd: {  	s26 =	simm.s32 $0x16400;
	s5 =	sadd.s32 $0x5200, s5;
	s25 =	sadd.s32 s7, s4  }
0xe: {  	v2 =	vlaneseq.u32;
	s1 =	sadd.s32 s4, s1;
	s4 =	simm.s32 $0x19C00;
	[dreg:$0x2] =	wrdreg s5  }
0xf: {  	vm0 =	vmmov $0xffff;
	v1 =	vshrl.u32 v2, $0x3;
	[dreg:$0x3] =	wrdreg s1;
	s7 =	sadd.s32 s0, s25;
	s5 =	simm.s32 $0x1  }
0x10: {  	v0 =	vand.u32 $0x7, v2;
	v2 =	vor.u32 $0x8, v2;
	v1 =	vmul.u32 $0x8, v1;
	s25 =	simm.s32 $0x15C00;
	s1 =	simm.s32 $0x18C00;
	s0 =	simm.s32 $0x19400  }
.LBB2_6:
0x11: {  	s12 =	rddreg [dreg:$0x5]  }
0x12: {  	s11 =	rddreg [dreg:$0x4];
	s12 =	sadd.s32 $0x1, s12  }
0x13: {  	p0 =	sne.s32 s12, s11  }
.Ltmp1:
0x14: {  	_ = 	snop;
	(pc) =	sbr.rel @!p0 .LBB2_7-.Ltmp1, $1  }
0x15: {  	_ =	sdelay $0x3  }
.LBB2_1:
0x16: {  	[dreg:$0x5] =	wrdreg s12  }
0x17: {  	s11 =	rddreg [dreg:$0x2]  }
0x18: {  	[tilespmem:s2], [sflag:$0x3] =	stream.linear.gather [hbm4b:s11+s2], $0x1388, $0x38;
	[tilespmem:$0x1A400] =	vst v63  }
0x19: {  	_ =	swait.ge [sflag:s8], $0x1388  }
0x1a: {  	[sflag:s8] =	ssyncset.done $0x0  }
0x1b: {  	[sflag:s8] =	ssyncadd.s32 $0xFFFFEC78  }
0x1c: {  	v3 =	vld [tilespmem:$0x0];
	_ =	sdelay $0x4  }
0x1d: {  	v4 =	vshll.u32 v3, $0x1  }
0x1e: {  	v3 =	vand.u32 $0x7, v3;
	v4 =	vand.u32 $0xFFFFFFF0, v4  }
0x1f: {  	v3 =	vor.u32 v3, v4  }
0x20: {  	v4 =	vperm.xlane v3, v0;
	_ =	sdelay $0x1  }
0x21: {  	v3 =	vperm.xlane v3, v2;
	v4 =	vadd.s32 v1, v4;
	_ =	sdelay $0x1  }
0x22: {  	v3 =	vadd.s32 v1, v3;
	_ =	sdelay $0x2  }
0x23: {  	[tilespmem:s9], [sflag:$0x1] =	stream.indirect_vreg.gather [hbm4b:s3+s2], $0x80, v4, vm0, $0xb8;
	[tilespmem:$0x1A400] =	vst v63  }
0x24: {  	s12 =	simm.s32 $0x1C00  }
0x25: {  	[tilespmem:s12], [sflag:$0x1] =	stream.indirect_vreg.gather [hbm4b:s3+s2], $0x80, v3, vm0, $0xb8;
	[tilespmem:$0x1A400] =	vst v63  }
0x26: {  	v3 =	vld [tilespmem:$0x10];
	_ =	sdelay $0x4  }
0x27: {  	v26 =	vshll.u32 v3, $0x1  }
0x28: {  	v3 =	vand.u32 $0x7, v3;
	v4 =	vand.u32 $0xFFFFFFF0, v26  }
0x29: {  	v3 =	vor.u32 v3, v4  }
0x2a: {  	v4 =	vperm.xlane v3, v0;
	_ =	sdelay $0x1  }
0x2b: {  	v3 =	vperm.xlane v3, v2;
	v4 =	vadd.s32 v1, v4;
	_ =	sdelay $0x1  }
0x2c: {  	v3 =	vadd.s32 v1, v3;
	_ =	sdelay $0x1  }
0x2d: {  	s13 =	simm.s32 $0x2400  }
0x2e: {  	[tilespmem:s13], [sflag:$0x1] =	stream.indirect_vreg.gather [hbm4b:s3+s2], $0x80, v4, vm0, $0xb8;
	[tilespmem:$0x1A400] =	vst v63  }
0x2f: {  	s14 =	simm.s32 $0x2C00  }
0x30: {  	[tilespmem:s14], [sflag:$0x1] =	stream.indirect_vreg.gather [hbm4b:s3+s2], $0x80, v3, vm0, $0xb8;
	[tilespmem:$0x1A400] =	vst v63  }
0x31: {  	v3 =	vld [tilespmem:$0x20];
	_ =	sdelay $0x4  }
0x32: {  	v27 =	vshll.u32 v3, $0x1  }
0x33: {  	v3 =	vand.u32 $0x7, v3;
	v4 =	vand.u32 $0xFFFFFFF0, v27  }
0x34: {  	v3 =	vor.u32 v3, v4  }
0x35: {  	v4 =	vperm.xlane v3, v0;
	_ =	sdelay $0x1  }
0x36: {  	v3 =	vperm.xlane v3, v2;
	v4 =	vadd.s32 v1, v4;
	_ =	sdelay $0x1  }
0x37: {  	v3 =	vadd.s32 v1, v3;
	_ =	sdelay $0x1  }
0x38: {  	s15 =	simm.s32 $0x3400  }
0x39: {  	[tilespmem:s15], [sflag:$0x1] =	stream.indirect_vreg.gather [hbm4b:s3+s2], $0x80, v4, vm0, $0xb8;
	[tilespmem:$0x1A400] =	vst v63  }
0x3a: {  	s16 =	simm.s32 $0x3C00  }
0x3b: {  	[tilespmem:s16], [sflag:$0x1] =	stream.indirect_vreg.gather [hbm4b:s3+s2], $0x80, v3, vm0, $0xb8;
	[tilespmem:$0x1A400] =	vst v63  }
0x3c: {  	v3 =	vld [tilespmem:$0x30];
	_ =	sdelay $0x4  }
0x3d: {  	v28 =	vshll.u32 v3, $0x1  }
0x3e: {  	v3 =	vand.u32 $0x7, v3;
	v4 =	vand.u32 $0xFFFFFFF0, v28  }
0x3f: {  	v3 =	vor.u32 v3, v4  }
0x40: {  	v4 =	vperm.xlane v3, v0;
	_ =	sdelay $0x1  }
0x41: {  	v3 =	vperm.xlane v3, v2;
	v4 =	vadd.s32 v1, v4;
	_ =	sdelay $0x1  }
0x42: {  	v3 =	vadd.s32 v1, v3;
	_ =	sdelay $0x1  }
0x43: {  	s17 =	simm.s32 $0x4400  }
0x44: {  	[tilespmem:s17], [sflag:$0x1] =	stream.indirect_vreg.gather [hbm4b:s3+s2], $0x80, v4, vm0, $0xb8;
	[tilespmem:$0x1A400] =	vst v63  }
0x45: {  	s18 =	simm.s32 $0x4C00  }
0x46: {  	[tilespmem:s18], [sflag:$0x1] =	stream.indirect_vreg.gather [hbm4b:s3+s2], $0x80, v3, vm0, $0xb8;
	[tilespmem:$0x1A400] =	vst v63  }
0x47: {  	v3 =	vld [tilespmem:$0x40];
	_ =	sdelay $0x4  }
0x48: {  	v29 =	vshll.u32 v3, $0x1  }
0x49: {  	v3 =	vand.u32 $0x7, v3;
	v4 =	vand.u32 $0xFFFFFFF0, v29  }
0x4a: {  	v3 =	vor.u32 v3, v4  }
0x4b: {  	v4 =	vperm.xlane v3, v0;
	_ =	sdelay $0x1  }
0x4c: {  	v3 =	vperm.xlane v3, v2;
	v4 =	vadd.s32 v1, v4;
	_ =	sdelay $0x1  }
0x4d: {  	v3 =	vadd.s32 v1, v3;
	_ =	sdelay $0x1  }
0x4e: {  	s19 =	simm.s32 $0x5400  }
0x4f: {  	[tilespmem:s19], [sflag:$0x1] =	stream.indirect_vreg.gather [hbm4b:s3+s2], $0x80, v4, vm0, $0xb8;
	[tilespmem:$0x1A400] =	vst v63  }
0x50: {  	s20 =	simm.s32 $0x5C00  }
0x51: {  	[tilespmem:s20], [sflag:$0x1] =	stream.indirect_vreg.gather [hbm4b:s3+s2], $0x80, v3, vm0, $0xb8;
	[tilespmem:$0x1A400] =	vst v63  }
0x52: {  	v3 =	vld [tilespmem:$0x50];
	_ =	sdelay $0x4  }
0x53: {  	v30 =	vshll.u32 v3, $0x1  }
0x54: {  	v3 =	vand.u32 $0x7, v3;
	v4 =	vand.u32 $0xFFFFFFF0, v30  }
0x55: {  	v3 =	vor.u32 v3, v4  }
0x56: {  	v4 =	vperm.xlane v3, v0;
	_ =	sdelay $0x1  }
0x57: {  	v3 =	vperm.xlane v3, v2;
	v4 =	vadd.s32 v1, v4;
	_ =	sdelay $0x1  }
0x58: {  	v3 =	vadd.s32 v1, v3;
	_ =	sdelay $0x1  }
0x59: {  	s21 =	simm.s32 $0x6400  }
0x5a: {  	[tilespmem:s21], [sflag:$0x1] =	stream.indirect_vreg.gather [hbm4b:s3+s2], $0x80, v4, vm0, $0xb8;
	[tilespmem:$0x1A400] =	vst v63  }
0x5b: {  	s22 =	simm.s32 $0x6C00  }
0x5c: {  	[tilespmem:s22], [sflag:$0x1] =	stream.indirect_vreg.gather [hbm4b:s3+s2], $0x80, v3, vm0, $0xb8;
	[tilespmem:$0x1A400] =	vst v63  }
0x5d: {  	v3 =	vld [tilespmem:$0x60];
	_ =	sdelay $0x4  }
0x5e: {  	v31 =	vshll.u32 v3, $0x1  }
0x5f: {  	v3 =	vand.u32 $0x7, v3;
	v4 =	vand.u32 $0xFFFFFFF0, v31  }
0x60: {  	v3 =	vor.u32 v3, v4  }
0x61: {  	v4 =	vperm.xlane v3, v0;
	_ =	sdelay $0x1  }
0x62: {  	v3 =	vperm.xlane v3, v2;
	v4 =	vadd.s32 v1, v4;
	_ =	sdelay $0x1  }
0x63: {  	v3 =	vadd.s32 v1, v3;
	_ =	sdelay $0x1  }
0x64: {  	s11 =	simm.s32 $0x7400  }
0x65: {  	[tilespmem:s11], [sflag:$0x1] =	stream.indirect_vreg.gather [hbm4b:s3+s2], $0x80, v4, vm0, $0xb8;
	[tilespmem:$0x1A400] =	vst v63  }
0x66: {  	s11 =	simm.s32 $0x7C00  }
0x67: {  	[tilespmem:s11], [sflag:$0x1] =	stream.indirect_vreg.gather [hbm4b:s3+s2], $0x80, v3, vm0, $0xb8;
	[tilespmem:$0x1A400] =	vst v63  }
0x68: {  	v3 =	vld [tilespmem:$0x70];
	_ =	sdelay $0x4  }
0x69: {  	v32 =	vshll.u32 v3, $0x1  }
0x6a: {  	v3 =	vand.u32 $0x7, v3;
	v4 =	vand.u32 $0xFFFFFFF0, v32  }
0x6b: {  	v3 =	vor.u32 v3, v4  }
0x6c: {  	v4 =	vperm.xlane v3, v0;
	_ =	sdelay $0x1  }
0x6d: {  	v3 =	vperm.xlane v3, v2;
	v4 =	vadd.s32 v1, v4;
	_ =	sdelay $0x1  }
0x6e: {  	v3 =	vadd.s32 v1, v3;
	_ =	sdelay $0x1  }
0x6f: {  	s11 =	simm.s32 $0x8400  }
0x70: {  	[tilespmem:s11], [sflag:$0x1] =	stream.indirect_vreg.gather [hbm4b:s3+s2], $0x80, v4, vm0, $0xb8;
	[tilespmem:$0x1A400] =	vst v63  }
0x71: {  	s11 =	simm.s32 $0x8C00  }
0x72: {  	[tilespmem:s11], [sflag:$0x1] =	stream.indirect_vreg.gather [hbm4b:s3+s2], $0x80, v3, vm0, $0xb8;
	[tilespmem:$0x1A400] =	vst v63  }
0x73: {  	v3 =	vld [tilespmem:$0x80];
	_ =	sdelay $0x4  }
0x74: {  	v33 =	vshll.u32 v3, $0x1  }
0x75: {  	v3 =	vand.u32 $0x7, v3;
	v4 =	vand.u32 $0xFFFFFFF0, v33  }
0x76: {  	v3 =	vor.u32 v3, v4  }
0x77: {  	v4 =	vperm.xlane v3, v0;
	_ =	sdelay $0x1  }
0x78: {  	v3 =	vperm.xlane v3, v2;
	v4 =	vadd.s32 v1, v4;
	_ =	sdelay $0x1  }
0x79: {  	v3 =	vadd.s32 v1, v3;
	_ =	sdelay $0x1  }
0x7a: {  	s11 =	simm.s32 $0x9400  }
0x7b: {  	[tilespmem:s11], [sflag:$0x1] =	stream.indirect_vreg.gather [hbm4b:s3+s2], $0x80, v4, vm0, $0xb8;
	[tilespmem:$0x1A400] =	vst v63  }
0x7c: {  	s11 =	simm.s32 $0x9C00  }
0x7d: {  	[tilespmem:s11], [sflag:$0x1] =	stream.indirect_vreg.gather [hbm4b:s3+s2], $0x80, v3, vm0, $0xb8;
	[tilespmem:$0x1A400] =	vst v63  }
0x7e: {  	v3 =	vld [tilespmem:$0x90];
	_ =	sdelay $0x4  }
0x7f: {  	v34 =	vshll.u32 v3, $0x1  }
0x80: {  	v3 =	vand.u32 $0x7, v3;
	v4 =	vand.u32 $0xFFFFFFF0, v34  }
0x81: {  	v3 =	vor.u32 v3, v4  }
0x82: {  	v4 =	vperm.xlane v3, v0;
	_ =	sdelay $0x1  }
0x83: {  	v3 =	vperm.xlane v3, v2;
	v4 =	vadd.s32 v1, v4;
	_ =	sdelay $0x1  }
0x84: {  	v3 =	vadd.s32 v1, v3;
	_ =	sdelay $0x1  }
0x85: {  	s11 =	simm.s32 $0xA400  }
0x86: {  	[tilespmem:s11], [sflag:$0x1] =	stream.indirect_vreg.gather [hbm4b:s3+s2], $0x80, v4, vm0, $0xb8;
	[tilespmem:$0x1A400] =	vst v63  }
0x87: {  	s11 =	simm.s32 $0xAC00  }
0x88: {  	[tilespmem:s11], [sflag:$0x1] =	stream.indirect_vreg.gather [hbm4b:s3+s2], $0x80, v3, vm0, $0xb8;
	[tilespmem:$0x1A400] =	vst v63  }
0x89: {  	v3 =	vld [tilespmem:$0xA0];
	_ =	sdelay $0x4  }
0x8a: {  	v35 =	vshll.u32 v3, $0x1  }
0x8b: {  	v3 =	vand.u32 $0x7, v3;
	v4 =	vand.u32 $0xFFFFFFF0, v35  }
0x8c: {  	v3 =	vor.u32 v3, v4  }
0x8d: {  	v4 =	vperm.xlane v3, v0;
	_ =	sdelay $0x1  }
0x8e: {  	v3 =	vperm.xlane v3, v2;
	v4 =	vadd.s32 v1, v4;
	_ =	sdelay $0x1  }
0x8f: {  	v3 =	vadd.s32 v1, v3;
	_ =	sdelay $0x1  }
0x90: {  	s11 =	simm.s32 $0xB400  }
0x91: {  	[tilespmem:s11], [sflag:$0x1] =	stream.indirect_vreg.gather [hbm4b:s3+s2], $0x80, v4, vm0, $0xb8;
	[tilespmem:$0x1A400] =	vst v63  }
0x92: {  	s11 =	simm.s32 $0xBC00  }
0x93: {  	[tilespmem:s11], [sflag:$0x1] =	stream.indirect_vreg.gather [hbm4b:s3+s2], $0x80, v3, vm0, $0xb8;
	[tilespmem:$0x1A400] =	vst v63  }
0x94: {  	v3 =	vld [tilespmem:$0xB0];
	_ =	sdelay $0x4  }
0x95: {  	v36 =	vshll.u32 v3, $0x1  }
0x96: {  	v3 =	vand.u32 $0x7, v3;
	v4 =	vand.u32 $0xFFFFFFF0, v36  }
0x97: {  	v3 =	vor.u32 v3, v4  }
0x98: {  	v4 =	vperm.xlane v3, v0;
	_ =	sdelay $0x1  }
0x99: {  	v3 =	vperm.xlane v3, v2;
	v4 =	vadd.s32 v1, v4;
	_ =	sdelay $0x1  }
0x9a: {  	v3 =	vadd.s32 v1, v3;
	_ =	sdelay $0x1  }
0x9b: {  	s11 =	simm.s32 $0xC400  }
0x9c: {  	[tilespmem:s11], [sflag:$0x1] =	stream.indirect_vreg.gather [hbm4b:s3+s2], $0x80, v4, vm0, $0xb8;
	[tilespmem:$0x1A400] =	vst v63  }
0x9d: {  	s11 =	simm.s32 $0xCC00  }
0x9e: {  	[tilespmem:s11], [sflag:$0x1] =	stream.indirect_vreg.gather [hbm4b:s3+s2], $0x80, v3, vm0, $0xb8;
	[tilespmem:$0x1A400] =	vst v63  }
0x9f: {  	v3 =	vld.msk [tilespmem:$0xC0], $0xff;
	_ =	sdelay $0x4  }
0xa0: {  	v37 =	vshll.u32 v3, $0x1  }
0xa1: {  	v3 =	vand.u32 $0x7, v3;
	v4 =	vand.u32 $0xFFFFFFF0, v37  }
0xa2: {  	v3 =	vor.u32 v3, v4  }
0xa3: {  	v3 =	vperm.xlane v3, v0;
	_ =	sdelay $0x1  }
0xa4: {  	v3 =	vadd.s32 v1, v3;
	_ =	sdelay $0x3  }
0xa5: {  	s11 =	simm.s32 $0xD400  }
0xa6: {  	[tilespmem:s11], [sflag:$0x1] =	stream.indirect_vreg.gather [hbm4b:s3+s2], $0x80, v3, vm0, $0xb8;
	[tilespmem:$0x1A400] =	vst v63  }
0xa7: {  	_ =	swait.ge [sflag:s5], $0xC800  }
0xa8: {  	[sflag:s5] =	ssyncset.done $0x0  }
0xa9: {  	s11 =	rddreg [dreg:$0x3];
	[sflag:s5] =	ssyncadd.s32 $0xFFFF3800  }
0xaa: {  	[hbm4b:s11+s2] =	stream.linear.scatter [tilespmem:s9], [sflag:$0x3], $0xC800, $0x38;
	[tilespmem:$0x1A400] =	vst v63  }
0xab: {  	_ =	swait.ge [sflag:s8], $0xC800  }
0xac: {  	[sflag:s8] =	ssyncset.done $0x0  }
0xad: {  	[sflag:s8] =	ssyncadd.s32 $0xFFFF3800  }
0xae: {  	v3 =	vld [tilespmem:$0xC8];
	_ =	sdelay $0x4  }
0xaf: {  	v38 =	vshll.u32 v3, $0x1  }
0xb0: {  	v3 =	vand.u32 $0x7, v3;
	v4 =	vand.u32 $0xFFFFFFF0, v38  }
0xb1: {  	v3 =	vor.u32 v3, v4  }
0xb2: {  	v4 =	vperm.xlane v3, v0;
	_ =	sdelay $0x1  }
0xb3: {  	v3 =	vperm.xlane v3, v2;
	v4 =	vadd.s32 v1, v4;
	_ =	sdelay $0x1  }
0xb4: {  	v3 =	vadd.s32 v1, v3;
	_ =	sdelay $0x2  }
0xb5: {  	[tilespmem:s9], [sflag:$0x1] =	stream.indirect_vreg.gather [hbm4b:s3+s2], $0x80, v4, vm0, $0xb8;
	[tilespmem:$0x1A400] =	vst v63  }
0xb6: {  	_ = 	snop  }
0xb7: {  	[tilespmem:s12], [sflag:$0x1] =	stream.indirect_vreg.gather [hbm4b:s3+s2], $0x80, v3, vm0, $0xb8;
	[tilespmem:$0x1A400] =	vst v63  }
0xb8: {  	v3 =	vld [tilespmem:$0xD8];
	_ =	sdelay $0x4  }
0xb9: {  	v39 =	vshll.u32 v3, $0x1  }
0xba: {  	v3 =	vand.u32 $0x7, v3;
	v4 =	vand.u32 $0xFFFFFFF0, v39  }
0xbb: {  	v3 =	vor.u32 v3, v4  }
0xbc: {  	v4 =	vperm.xlane v3, v0;
	_ =	sdelay $0x1  }
0xbd: {  	v3 =	vperm.xlane v3, v2;
	v4 =	vadd.s32 v1, v4;
	_ =	sdelay $0x1  }
0xbe: {  	v3 =	vadd.s32 v1, v3;
	_ =	sdelay $0x2  }
0xbf: {  	[tilespmem:s13], [sflag:$0x1] =	stream.indirect_vreg.gather [hbm4b:s3+s2], $0x80, v4, vm0, $0xb8;
	[tilespmem:$0x1A400] =	vst v63  }
0xc0: {  	_ = 	snop  }
0xc1: {  	[tilespmem:s14], [sflag:$0x1] =	stream.indirect_vreg.gather [hbm4b:s3+s2], $0x80, v3, vm0, $0xb8;
	[tilespmem:$0x1A400] =	vst v63  }
0xc2: {  	v3 =	vld [tilespmem:$0xE8];
	_ =	sdelay $0x4  }
0xc3: {  	v40 =	vshll.u32 v3, $0x1  }
0xc4: {  	v3 =	vand.u32 $0x7, v3;
	v4 =	vand.u32 $0xFFFFFFF0, v40  }
0xc5: {  	v3 =	vor.u32 v3, v4  }
0xc6: {  	v4 =	vperm.xlane v3, v0;
	_ =	sdelay $0x1  }
0xc7: {  	v3 =	vperm.xlane v3, v2;
	v4 =	vadd.s32 v1, v4;
	_ =	sdelay $0x1  }
0xc8: {  	v3 =	vadd.s32 v1, v3;
	_ =	sdelay $0x2  }
0xc9: {  	[tilespmem:s15], [sflag:$0x1] =	stream.indirect_vreg.gather [hbm4b:s3+s2], $0x80, v4, vm0, $0xb8;
	[tilespmem:$0x1A400] =	vst v63  }
0xca: {  	_ = 	snop  }
0xcb: {  	[tilespmem:s16], [sflag:$0x1] =	stream.indirect_vreg.gather [hbm4b:s3+s2], $0x80, v3, vm0, $0xb8;
	[tilespmem:$0x1A400] =	vst v63  }
0xcc: {  	v3 =	vld [tilespmem:$0xF8];
	_ =	sdelay $0x4  }
0xcd: {  	v41 =	vshll.u32 v3, $0x1  }
0xce: {  	v3 =	vand.u32 $0x7, v3;
	v4 =	vand.u32 $0xFFFFFFF0, v41  }
0xcf: {  	v3 =	vor.u32 v3, v4  }
0xd0: {  	v4 =	vperm.xlane v3, v0;
	_ =	sdelay $0x1  }
0xd1: {  	v3 =	vperm.xlane v3, v2;
	v4 =	vadd.s32 v1, v4;
	_ =	sdelay $0x1  }
0xd2: {  	v3 =	vadd.s32 v1, v3;
	_ =	sdelay $0x2  }
0xd3: {  	[tilespmem:s17], [sflag:$0x1] =	stream.indirect_vreg.gather [hbm4b:s3+s2], $0x80, v4, vm0, $0xb8;
	[tilespmem:$0x1A400] =	vst v63  }
0xd4: {  	_ = 	snop  }
0xd5: {  	[tilespmem:s18], [sflag:$0x1] =	stream.indirect_vreg.gather [hbm4b:s3+s2], $0x80, v3, vm0, $0xb8;
	[tilespmem:$0x1A400] =	vst v63  }
0xd6: {  	v3 =	vld [tilespmem:$0x108];
	_ =	sdelay $0x4  }
0xd7: {  	v42 =	vshll.u32 v3, $0x1  }
0xd8: {  	v3 =	vand.u32 $0x7, v3;
	v4 =	vand.u32 $0xFFFFFFF0, v42  }
0xd9: {  	v3 =	vor.u32 v3, v4  }
0xda: {  	v4 =	vperm.xlane v3, v0;
	_ =	sdelay $0x1  }
0xdb: {  	v3 =	vperm.xlane v3, v2;
	v4 =	vadd.s32 v1, v4;
	_ =	sdelay $0x1  }
0xdc: {  	v3 =	vadd.s32 v1, v3;
	_ =	sdelay $0x2  }
0xdd: {  	[tilespmem:s19], [sflag:$0x1] =	stream.indirect_vreg.gather [hbm4b:s3+s2], $0x80, v4, vm0, $0xb8;
	[tilespmem:$0x1A400] =	vst v63  }
0xde: {  	_ = 	snop  }
0xdf: {  	[tilespmem:s20], [sflag:$0x1] =	stream.indirect_vreg.gather [hbm4b:s3+s2], $0x80, v3, vm0, $0xb8;
	[tilespmem:$0x1A400] =	vst v63  }
0xe0: {  	v3 =	vld [tilespmem:$0x118];
	_ =	sdelay $0x4  }
0xe1: {  	v43 =	vshll.u32 v3, $0x1  }
0xe2: {  	v3 =	vand.u32 $0x7, v3;
	v4 =	vand.u32 $0xFFFFFFF0, v43  }
0xe3: {  	v3 =	vor.u32 v3, v4  }
0xe4: {  	v4 =	vperm.xlane v3, v0;
	_ =	sdelay $0x1  }
0xe5: {  	v3 =	vperm.xlane v3, v2;
	v4 =	vadd.s32 v1, v4;
	_ =	sdelay $0x1  }
0xe6: {  	v3 =	vadd.s32 v1, v3;
	_ =	sdelay $0x2  }
0xe7: {  	[tilespmem:s21], [sflag:$0x1] =	stream.indirect_vreg.gather [hbm4b:s3+s2], $0x80, v4, vm0, $0xb8;
	[tilespmem:$0x1A400] =	vst v63  }
0xe8: {  	_ = 	snop  }
0xe9: {  	[tilespmem:s22], [sflag:$0x1] =	stream.indirect_vreg.gather [hbm4b:s3+s2], $0x80, v3, vm0, $0xb8;
	[tilespmem:$0x1A400] =	vst v63  }
0xea: {  	v3 =	vld [tilespmem:$0x128];
	_ =	sdelay $0x4  }
0xeb: {  	v44 =	vshll.u32 v3, $0x1  }
0xec: {  	v3 =	vand.u32 $0x7, v3;
	v4 =	vand.u32 $0xFFFFFFF0, v44  }
0xed: {  	v3 =	vor.u32 v3, v4  }
0xee: {  	v4 =	vperm.xlane v3, v0;
	_ =	sdelay $0x1  }
0xef: {  	v3 =	vperm.xlane v3, v2;
	v4 =	vadd.s32 v1, v4;
	_ =	sdelay $0x1  }
0xf0: {  	v3 =	vadd.s32 v1, v3;
	_ =	sdelay $0x1  }
0xf1: {  	s12 =	simm.s32 $0x7400  }
0xf2: {  	[tilespmem:s12], [sflag:$0x1] =	stream.indirect_vreg.gather [hbm4b:s3+s2], $0x80, v4, vm0, $0xb8;
	[tilespmem:$0x1A400] =	vst v63  }
0xf3: {  	s13 =	simm.s32 $0x7C00  }
0xf4: {  	[tilespmem:s13], [sflag:$0x1] =	stream.indirect_vreg.gather [hbm4b:s3+s2], $0x80, v3, vm0, $0xb8;
	[tilespmem:$0x1A400] =	vst v63  }
0xf5: {  	v3 =	vld [tilespmem:$0x138];
	_ =	sdelay $0x4  }
0xf6: {  	v45 =	vshll.u32 v3, $0x1  }
0xf7: {  	v3 =	vand.u32 $0x7, v3;
	v4 =	vand.u32 $0xFFFFFFF0, v45  }
0xf8: {  	v3 =	vor.u32 v3, v4  }
0xf9: {  	v4 =	vperm.xlane v3, v0;
	_ =	sdelay $0x1  }
0xfa: {  	v3 =	vperm.xlane v3, v2;
	v4 =	vadd.s32 v1, v4;
	_ =	sdelay $0x1  }
0xfb: {  	v3 =	vadd.s32 v1, v3;
	_ =	sdelay $0x1  }
0xfc: {  	s14 =	simm.s32 $0x8400  }
0xfd: {  	[tilespmem:s14], [sflag:$0x1] =	stream.indirect_vreg.gather [hbm4b:s3+s2], $0x80, v4, vm0, $0xb8;
	[tilespmem:$0x1A400] =	vst v63  }
0xfe: {  	s15 =	simm.s32 $0x8C00  }
0xff: {  	[tilespmem:s15], [sflag:$0x1] =	stream.indirect_vreg.gather [hbm4b:s3+s2], $0x80, v3, vm0, $0xb8;
	[tilespmem:$0x1A400] =	vst v63  }
0x100: {  	v3 =	vld [tilespmem:$0x148];
	_ =	sdelay $0x4  }
0x101: {  	v46 =	vshll.u32 v3, $0x1  }
0x102: {  	v3 =	vand.u32 $0x7, v3;
	v4 =	vand.u32 $0xFFFFFFF0, v46  }
0x103: {  	v3 =	vor.u32 v3, v4  }
0x104: {  	v4 =	vperm.xlane v3, v0;
	_ =	sdelay $0x1  }
0x105: {  	v3 =	vperm.xlane v3, v2;
	v4 =	vadd.s32 v1, v4;
	_ =	sdelay $0x1  }
0x106: {  	v3 =	vadd.s32 v1, v3;
	_ =	sdelay $0x1  }
0x107: {  	s16 =	simm.s32 $0x9400  }
0x108: {  	[tilespmem:s16], [sflag:$0x1] =	stream.indirect_vreg.gather [hbm4b:s3+s2], $0x80, v4, vm0, $0xb8;
	[tilespmem:$0x1A400] =	vst v63  }
0x109: {  	s17 =	simm.s32 $0x9C00  }
0x10a: {  	[tilespmem:s17], [sflag:$0x1] =	stream.indirect_vreg.gather [hbm4b:s3+s2], $0x80, v3, vm0, $0xb8;
	[tilespmem:$0x1A400] =	vst v63  }
0x10b: {  	v3 =	vld [tilespmem:$0x158];
	_ =	sdelay $0x4  }
0x10c: {  	v47 =	vshll.u32 v3, $0x1  }
0x10d: {  	v3 =	vand.u32 $0x7, v3;
	v4 =	vand.u32 $0xFFFFFFF0, v47  }
0x10e: {  	v3 =	vor.u32 v3, v4  }
0x10f: {  	v4 =	vperm.xlane v3, v0;
	_ =	sdelay $0x1  }
0x110: {  	v3 =	vperm.xlane v3, v2;
	v4 =	vadd.s32 v1, v4;
	_ =	sdelay $0x1  }
0x111: {  	v3 =	vadd.s32 v1, v3;
	_ =	sdelay $0x1  }
0x112: {  	s18 =	simm.s32 $0xA400  }
0x113: {  	[tilespmem:s18], [sflag:$0x1] =	stream.indirect_vreg.gather [hbm4b:s3+s2], $0x80, v4, vm0, $0xb8;
	[tilespmem:$0x1A400] =	vst v63  }
0x114: {  	s19 =	simm.s32 $0xAC00  }
0x115: {  	[tilespmem:s19], [sflag:$0x1] =	stream.indirect_vreg.gather [hbm4b:s3+s2], $0x80, v3, vm0, $0xb8;
	[tilespmem:$0x1A400] =	vst v63  }
0x116: {  	v3 =	vld [tilespmem:$0x168];
	_ =	sdelay $0x4  }
0x117: {  	v48 =	vshll.u32 v3, $0x1  }
0x118: {  	v3 =	vand.u32 $0x7, v3;
	v4 =	vand.u32 $0xFFFFFFF0, v48  }
0x119: {  	v3 =	vor.u32 v3, v4  }
0x11a: {  	v4 =	vperm.xlane v3, v0;
	_ =	sdelay $0x1  }
0x11b: {  	v3 =	vperm.xlane v3, v2;
	v4 =	vadd.s32 v1, v4;
	_ =	sdelay $0x1  }
0x11c: {  	v3 =	vadd.s32 v1, v3;
	_ =	sdelay $0x1  }
0x11d: {  	s20 =	simm.s32 $0xB400  }
0x11e: {  	[tilespmem:s20], [sflag:$0x1] =	stream.indirect_vreg.gather [hbm4b:s3+s2], $0x80, v4, vm0, $0xb8;
	[tilespmem:$0x1A400] =	vst v63  }
0x11f: {  	s21 =	simm.s32 $0xBC00  }
0x120: {  	[tilespmem:s21], [sflag:$0x1] =	stream.indirect_vreg.gather [hbm4b:s3+s2], $0x80, v3, vm0, $0xb8;
	[tilespmem:$0x1A400] =	vst v63  }
0x121: {  	v3 =	vld [tilespmem:$0x178];
	_ =	sdelay $0x4  }
0x122: {  	v49 =	vshll.u32 v3, $0x1  }
0x123: {  	v3 =	vand.u32 $0x7, v3;
	v4 =	vand.u32 $0xFFFFFFF0, v49  }
0x124: {  	v3 =	vor.u32 v3, v4  }
0x125: {  	v4 =	vperm.xlane v3, v0;
	_ =	sdelay $0x1  }
0x126: {  	v3 =	vperm.xlane v3, v2;
	v4 =	vadd.s32 v1, v4;
	_ =	sdelay $0x1  }
0x127: {  	v3 =	vadd.s32 v1, v3;
	_ =	sdelay $0x1  }
0x128: {  	s22 =	simm.s32 $0xC400  }
0x129: {  	[tilespmem:s22], [sflag:$0x1] =	stream.indirect_vreg.gather [hbm4b:s3+s2], $0x80, v4, vm0, $0xb8;
	[tilespmem:$0x1A400] =	vst v63  }
0x12a: {  	s12 =	simm.s32 $0xCC00  }
0x12b: {  	[tilespmem:s12], [sflag:$0x1] =	stream.indirect_vreg.gather [hbm4b:s3+s2], $0x80, v3, vm0, $0xb8;
	[tilespmem:$0x1A400] =	vst v63  }
0x12c: {  	v3 =	vld.msk [tilespmem:$0x188], $0xff;
	_ =	sdelay $0x4  }
0x12d: {  	v50 =	vshll.u32 v3, $0x1  }
0x12e: {  	v3 =	vand.u32 $0x7, v3;
	v4 =	vand.u32 $0xFFFFFFF0, v50  }
0x12f: {  	v3 =	vor.u32 v3, v4  }
0x130: {  	v3 =	vperm.xlane v3, v0;
	_ =	sdelay $0x1  }
0x131: {  	v3 =	vadd.s32 v1, v3;
	_ =	sdelay $0x3  }
0x132: {  	s13 =	simm.s32 $0xD400  }
0x133: {  	[tilespmem:s13], [sflag:$0x1] =	stream.indirect_vreg.gather [hbm4b:s3+s2], $0x80, v3, vm0, $0xb8;
	[tilespmem:$0x1A400] =	vst v63  }
0x134: {  	v3 =	vld [tilespmem:$0x190];
	_ =	sdelay $0x4  }
0x135: {  	v51 =	vshll.u32 v3, $0x1  }
0x136: {  	v3 =	vand.u32 $0x7, v3;
	v4 =	vand.u32 $0xFFFFFFF0, v51  }
0x137: {  	v3 =	vor.u32 v3, v4  }
0x138: {  	v4 =	vperm.xlane v3, v0;
	_ =	sdelay $0x1  }
0x139: {  	v3 =	vperm.xlane v3, v2;
	v4 =	vadd.s32 v1, v4;
	_ =	sdelay $0x1  }
0x13a: {  	v3 =	vadd.s32 v1, v3;
	_ =	sdelay $0x2  }
0x13b: {  	[tilespmem:s6], [sflag:$0x2] =	stream.indirect_vreg.gather [hbm4b:s3+s2], $0x80, v4, vm0, $0xb8;
	[tilespmem:$0x1A400] =	vst v63  }
0x13c: {  	s14 =	simm.s32 $0xE400  }
0x13d: {  	[tilespmem:s14], [sflag:$0x2] =	stream.indirect_vreg.gather [hbm4b:s3+s2], $0x80, v3, vm0, $0xb8;
	[tilespmem:$0x1A400] =	vst v63  }
0x13e: {  	v3 =	vld [tilespmem:$0x1A0];
	_ =	sdelay $0x4  }
0x13f: {  	v52 =	vshll.u32 v3, $0x1  }
0x140: {  	v3 =	vand.u32 $0x7, v3;
	v4 =	vand.u32 $0xFFFFFFF0, v52  }
0x141: {  	v3 =	vor.u32 v3, v4  }
0x142: {  	v4 =	vperm.xlane v3, v0;
	_ =	sdelay $0x1  }
0x143: {  	v3 =	vperm.xlane v3, v2;
	v4 =	vadd.s32 v1, v4;
	_ =	sdelay $0x1  }
0x144: {  	v3 =	vadd.s32 v1, v3;
	_ =	sdelay $0x1  }
0x145: {  	s12 =	simm.s32 $0xEC00  }
0x146: {  	[tilespmem:s12], [sflag:$0x2] =	stream.indirect_vreg.gather [hbm4b:s3+s2], $0x80, v4, vm0, $0xb8;
	[tilespmem:$0x1A400] =	vst v63  }
0x147: {  	s13 =	simm.s32 $0xF400  }
0x148: {  	[tilespmem:s13], [sflag:$0x2] =	stream.indirect_vreg.gather [hbm4b:s3+s2], $0x80, v3, vm0, $0xb8;
	[tilespmem:$0x1A400] =	vst v63  }
0x149: {  	v3 =	vld [tilespmem:$0x1B0];
	_ =	sdelay $0x4  }
0x14a: {  	v53 =	vshll.u32 v3, $0x1  }
0x14b: {  	v3 =	vand.u32 $0x7, v3;
	v4 =	vand.u32 $0xFFFFFFF0, v53  }
0x14c: {  	v3 =	vor.u32 v3, v4  }
0x14d: {  	v4 =	vperm.xlane v3, v0;
	_ =	sdelay $0x1  }
0x14e: {  	v3 =	vperm.xlane v3, v2;
	v4 =	vadd.s32 v1, v4;
	_ =	sdelay $0x1  }
0x14f: {  	v3 =	vadd.s32 v1, v3;
	_ =	sdelay $0x1  }
0x150: {  	s14 =	simm.s32 $0xFC00  }
0x151: {  	[tilespmem:s14], [sflag:$0x2] =	stream.indirect_vreg.gather [hbm4b:s3+s2], $0x80, v4, vm0, $0xb8;
	[tilespmem:$0x1A400] =	vst v63  }
0x152: {  	s12 =	simm.s32 $0x10400  }
0x153: {  	[tilespmem:s12], [sflag:$0x2] =	stream.indirect_vreg.gather [hbm4b:s3+s2], $0x80, v3, vm0, $0xb8;
	[tilespmem:$0x1A400] =	vst v63  }
0x154: {  	v3 =	vld [tilespmem:$0x1C0];
	_ =	sdelay $0x4  }
0x155: {  	v54 =	vshll.u32 v3, $0x1  }
0x156: {  	v3 =	vand.u32 $0x7, v3;
	v4 =	vand.u32 $0xFFFFFFF0, v54  }
0x157: {  	v3 =	vor.u32 v3, v4  }
0x158: {  	v4 =	vperm.xlane v3, v0;
	_ =	sdelay $0x1  }
0x159: {  	v3 =	vperm.xlane v3, v2;
	v4 =	vadd.s32 v1, v4;
	_ =	sdelay $0x1  }
0x15a: {  	v3 =	vadd.s32 v1, v3;
	_ =	sdelay $0x1  }
0x15b: {  	s13 =	simm.s32 $0x10C00  }
0x15c: {  	[tilespmem:s13], [sflag:$0x2] =	stream.indirect_vreg.gather [hbm4b:s3+s2], $0x80, v4, vm0, $0xb8;
	[tilespmem:$0x1A400] =	vst v63  }
0x15d: {  	s14 =	simm.s32 $0x11400  }
0x15e: {  	[tilespmem:s14], [sflag:$0x2] =	stream.indirect_vreg.gather [hbm4b:s3+s2], $0x80, v3, vm0, $0xb8;
	[tilespmem:$0x1A400] =	vst v63  }
0x15f: {  	v3 =	vld [tilespmem:$0x1D0];
	_ =	sdelay $0x4  }
0x160: {  	v55 =	vshll.u32 v3, $0x1  }
0x161: {  	v3 =	vand.u32 $0x7, v3;
	v4 =	vand.u32 $0xFFFFFFF0, v55  }
0x162: {  	v3 =	vor.u32 v3, v4  }
0x163: {  	v4 =	vperm.xlane v3, v0;
	_ =	sdelay $0x1  }
0x164: {  	v3 =	vperm.xlane v3, v2;
	v4 =	vadd.s32 v1, v4;
	_ =	sdelay $0x1  }
0x165: {  	v3 =	vadd.s32 v1, v3;
	_ =	sdelay $0x1  }
0x166: {  	s12 =	simm.s32 $0x11C00  }
0x167: {  	[tilespmem:s12], [sflag:$0x2] =	stream.indirect_vreg.gather [hbm4b:s3+s2], $0x80, v4, vm0, $0xb8;
	[tilespmem:$0x1A400] =	vst v63  }
0x168: {  	s13 =	simm.s32 $0x12400  }
0x169: {  	[tilespmem:s13], [sflag:$0x2] =	stream.indirect_vreg.gather [hbm4b:s3+s2], $0x80, v3, vm0, $0xb8;
	[tilespmem:$0x1A400] =	vst v63  }
0x16a: {  	v3 =	vld [tilespmem:$0x1E0];
	_ =	sdelay $0x4  }
0x16b: {  	v56 =	vshll.u32 v3, $0x1  }
0x16c: {  	v3 =	vand.u32 $0x7, v3;
	v4 =	vand.u32 $0xFFFFFFF0, v56  }
0x16d: {  	v3 =	vor.u32 v3, v4  }
0x16e: {  	v4 =	vperm.xlane v3, v0;
	_ =	sdelay $0x1  }
0x16f: {  	v3 =	vperm.xlane v3, v2;
	v4 =	vadd.s32 v1, v4;
	_ =	sdelay $0x1  }
0x170: {  	v3 =	vadd.s32 v1, v3;
	_ =	sdelay $0x1  }
0x171: {  	s14 =	simm.s32 $0x12C00  }
0x172: {  	[tilespmem:s14], [sflag:$0x2] =	stream.indirect_vreg.gather [hbm4b:s3+s2], $0x80, v4, vm0, $0xb8;
	[tilespmem:$0x1A400] =	vst v63  }
0x173: {  	s12 =	simm.s32 $0x13400  }
0x174: {  	[tilespmem:s12], [sflag:$0x2] =	stream.indirect_vreg.gather [hbm4b:s3+s2], $0x80, v3, vm0, $0xb8;
	[tilespmem:$0x1A400] =	vst v63  }
0x175: {  	v3 =	vld [tilespmem:$0x1F0];
	_ =	sdelay $0x4  }
0x176: {  	v57 =	vshll.u32 v3, $0x1  }
0x177: {  	v3 =	vand.u32 $0x7, v3;
	v4 =	vand.u32 $0xFFFFFFF0, v57  }
0x178: {  	v3 =	vor.u32 v3, v4  }
0x179: {  	v4 =	vperm.xlane v3, v0;
	_ =	sdelay $0x1  }
0x17a: {  	v3 =	vperm.xlane v3, v2;
	v4 =	vadd.s32 v1, v4;
	_ =	sdelay $0x1  }
0x17b: {  	v3 =	vadd.s32 v1, v3;
	_ =	sdelay $0x1  }
0x17c: {  	s13 =	simm.s32 $0x13C00  }
0x17d: {  	[tilespmem:s13], [sflag:$0x2] =	stream.indirect_vreg.gather [hbm4b:s3+s2], $0x80, v4, vm0, $0xb8;
	[tilespmem:$0x1A400] =	vst v63  }
0x17e: {  	s14 =	simm.s32 $0x14400  }
0x17f: {  	[tilespmem:s14], [sflag:$0x2] =	stream.indirect_vreg.gather [hbm4b:s3+s2], $0x80, v3, vm0, $0xb8;
	[tilespmem:$0x1A400] =	vst v63  }
0x180: {  	v3 =	vld [tilespmem:$0x200];
	_ =	sdelay $0x4  }
0x181: {  	v58 =	vshll.u32 v3, $0x1  }
0x182: {  	v3 =	vand.u32 $0x7, v3;
	v4 =	vand.u32 $0xFFFFFFF0, v58  }
0x183: {  	v3 =	vor.u32 v3, v4  }
0x184: {  	v4 =	vperm.xlane v3, v0;
	_ =	sdelay $0x1  }
0x185: {  	v3 =	vperm.xlane v3, v2;
	v4 =	vadd.s32 v1, v4;
	_ =	sdelay $0x1  }
0x186: {  	v3 =	vadd.s32 v1, v3;
	_ =	sdelay $0x2  }
0x187: {  	[tilespmem:s23], [sflag:$0x2] =	stream.indirect_vreg.gather [hbm4b:s3+s2], $0x80, v4, vm0, $0xb8;
	[tilespmem:$0x1A400] =	vst v63  }
0x188: {  	_ = 	snop  }
0x189: {  	[tilespmem:s24], [sflag:$0x2] =	stream.indirect_vreg.gather [hbm4b:s3+s2], $0x80, v3, vm0, $0xb8;
	[tilespmem:$0x1A400] =	vst v63  }
0x18a: {  	v3 =	vld [tilespmem:$0x210];
	_ =	sdelay $0x4  }
0x18b: {  	v59 =	vshll.u32 v3, $0x1  }
0x18c: {  	v3 =	vand.u32 $0x7, v3;
	v4 =	vand.u32 $0xFFFFFFF0, v59  }
0x18d: {  	v3 =	vor.u32 v3, v4  }
0x18e: {  	v4 =	vperm.xlane v3, v0;
	_ =	sdelay $0x1  }
0x18f: {  	v3 =	vperm.xlane v3, v2;
	v4 =	vadd.s32 v1, v4;
	_ =	sdelay $0x1  }
0x190: {  	v3 =	vadd.s32 v1, v3;
	_ =	sdelay $0x2  }
0x191: {  	[tilespmem:s25], [sflag:$0x2] =	stream.indirect_vreg.gather [hbm4b:s3+s2], $0x80, v4, vm0, $0xb8;
	[tilespmem:$0x1A400] =	vst v63  }
0x192: {  	_ = 	snop  }
0x193: {  	[tilespmem:s26], [sflag:$0x2] =	stream.indirect_vreg.gather [hbm4b:s3+s2], $0x80, v3, vm0, $0xb8;
	[tilespmem:$0x1A400] =	vst v63  }
0x194: {  	v3 =	vld [tilespmem:$0x220];
	_ =	sdelay $0x4  }
0x195: {  	v60 =	vshll.u32 v3, $0x1  }
0x196: {  	v3 =	vand.u32 $0x7, v3;
	v4 =	vand.u32 $0xFFFFFFF0, v60  }
0x197: {  	v3 =	vor.u32 v3, v4  }
0x198: {  	v4 =	vperm.xlane v3, v0;
	_ =	sdelay $0x1  }
0x199: {  	v3 =	vperm.xlane v3, v2;
	v4 =	vadd.s32 v1, v4;
	_ =	sdelay $0x1  }
0x19a: {  	v3 =	vadd.s32 v1, v3;
	_ =	sdelay $0x2  }
0x19b: {  	[tilespmem:s28], [sflag:$0x2] =	stream.indirect_vreg.gather [hbm4b:s3+s2], $0x80, v4, vm0, $0xb8;
	[tilespmem:$0x1A400] =	vst v63  }
0x19c: {  	_ = 	snop  }
0x19d: {  	[tilespmem:s29], [sflag:$0x2] =	stream.indirect_vreg.gather [hbm4b:s3+s2], $0x80, v3, vm0, $0xb8;
	[tilespmem:$0x1A400] =	vst v63  }
0x19e: {  	v3 =	vld [tilespmem:$0x230];
	_ =	sdelay $0x4  }
0x19f: {  	v61 =	vshll.u32 v3, $0x1  }
0x1a0: {  	v3 =	vand.u32 $0x7, v3;
	v4 =	vand.u32 $0xFFFFFFF0, v61  }
0x1a1: {  	v3 =	vor.u32 v3, v4  }
0x1a2: {  	v4 =	vperm.xlane v3, v0;
	_ =	sdelay $0x1  }
0x1a3: {  	v3 =	vperm.xlane v3, v2;
	v4 =	vadd.s32 v1, v4;
	_ =	sdelay $0x1  }
0x1a4: {  	v3 =	vadd.s32 v1, v3;
	_ =	sdelay $0x2  }
0x1a5: {  	[tilespmem:s30], [sflag:$0x2] =	stream.indirect_vreg.gather [hbm4b:s3+s2], $0x80, v4, vm0, $0xb8;
	[tilespmem:$0x1A400] =	vst v63  }
0x1a6: {  	_ = 	snop  }
0x1a7: {  	[tilespmem:s31], [sflag:$0x2] =	stream.indirect_vreg.gather [hbm4b:s3+s2], $0x80, v3, vm0, $0xb8;
	[tilespmem:$0x1A400] =	vst v63  }
0x1a8: {  	v3 =	vld [tilespmem:$0x240];
	_ =	sdelay $0x4  }
0x1a9: {  	v62 =	vshll.u32 v3, $0x1  }
0x1aa: {  	v3 =	vand.u32 $0x7, v3;
	v4 =	vand.u32 $0xFFFFFFF0, v62  }
0x1ab: {  	v3 =	vor.u32 v3, v4  }
0x1ac: {  	v4 =	vperm.xlane v3, v0;
	_ =	sdelay $0x1  }
0x1ad: {  	v3 =	vperm.xlane v3, v2;
	v4 =	vadd.s32 v1, v4;
	_ =	sdelay $0x1  }
0x1ae: {  	v3 =	vadd.s32 v1, v3;
	_ =	sdelay $0x2  }
0x1af: {  	[tilespmem:s1], [sflag:$0x2] =	stream.indirect_vreg.gather [hbm4b:s3+s2], $0x80, v4, vm0, $0xb8;
	[tilespmem:$0x1A400] =	vst v63  }
0x1b0: {  	_ = 	snop  }
0x1b1: {  	[tilespmem:s0], [sflag:$0x2] =	stream.indirect_vreg.gather [hbm4b:s3+s2], $0x80, v3, vm0, $0xb8;
	[tilespmem:$0x1A400] =	vst v63  }
0x1b2: {  	v3 =	vld.msk [tilespmem:$0x250], $0xff;
	_ =	sdelay $0x4  }
0x1b3: {  	v63 =	vshll.u32 v3, $0x1  }
0x1b4: {  	v3 =	vand.u32 $0x7, v3;
	v4 =	vand.u32 $0xFFFFFFF0, v63  }
0x1b5: {  	v3 =	vor.u32 v3, v4  }
0x1b6: {  	v3 =	vperm.xlane v3, v0;
	_ =	sdelay $0x1  }
0x1b7: {  	v3 =	vadd.s32 v1, v3  }
0x1b8: {  	s11 =	simm.s32 $0xFFFDDA00  }
0x1b9: {  	s15 =	simm.s32 $0xD400;
	s16 =	simm.s32 $0x9C00;
	s17 =	simm.s32 $0xA400  }
0x1ba: {  	s18 =	simm.s32 $0xAC00;
	s19 =	simm.s32 $0xB400;
	s20 =	simm.s32 $0xBC00  }
0x1bb: {  	s21 =	simm.s32 $0xC400;
	s22 =	simm.s32 $0xCC00;
	s12 =	simm.s32 $0x3E0  }
0x1bc: {  	[tilespmem:s4], [sflag:$0x2] =	stream.indirect_vreg.gather [hbm4b:s3+s2], $0x80, v3, vm0, $0xb8;
	[tilespmem:$0x1A400] =	vst v63  }
.LBB2_2:
0x1bd: {  	_ =	swait.ge [sflag:s5], $0xC800  }
0x1be: {  	s13 =	sadd.s32 s11, s7;
	p0 =	seq.s32 s11, $0x0;
	[sflag:s5] =	ssyncset.done $0x0  }
.Ltmp2:
0x1bf: {  	s14 =	sadd.s32 $0x23F00, s13;
	[sflag:s5] =	ssyncadd.s32 $0xFFFF3800;
	(pc) =	sbr.rel @p0 .LBB2_4-.Ltmp2, $4  }
0x1c0: {  	[hbm4b:s14+s2] =	stream.linear.scatter [tilespmem:s9], [sflag:$0x3], $0xC800, $0x38;
	[tilespmem:$0x1A400] =	vst v63  }
0x1c1: {  	_ =	swait.ge [sflag:s8], $0xC800  }
0x1c2: {  	[sflag:s8] =	ssyncset.done $0x0  }
0x1c3: {  	[sflag:s8] =	ssyncadd.s32 $0xFFFF3800  }
0x1c4: {  	v3 =	vld [tilespmem:s12+$0xFFFFFE78];
	_ =	sdelay $0x4  }
0x1c5: {  	v4 =	vshll.u32 v3, $0x1  }
0x1c6: {  	v3 =	vand.u32 $0x7, v3;
	v4 =	vand.u32 $0xFFFFFFF0, v4  }
0x1c7: {  	v3 =	vor.u32 v3, v4  }
0x1c8: {  	v4 =	vperm.xlane v3, v0;
	_ =	sdelay $0x1  }
0x1c9: {  	v3 =	vperm.xlane v3, v2;
	v4 =	vadd.s32 v1, v4;
	_ =	sdelay $0x1  }
0x1ca: {  	v3 =	vadd.s32 v1, v3;
	_ =	sdelay $0x2  }
0x1cb: {  	[tilespmem:s9], [sflag:$0x1] =	stream.indirect_vreg.gather [hbm4b:s3+s2], $0x80, v4, vm0, $0xb8;
	[tilespmem:$0x1A400] =	vst v63  }
0x1cc: {  	s14 =	simm.s32 $0x1C00  }
0x1cd: {  	[tilespmem:s14], [sflag:$0x1] =	stream.indirect_vreg.gather [hbm4b:s3+s2], $0x80, v3, vm0, $0xb8;
	[tilespmem:$0x1A400] =	vst v63  }
0x1ce: {  	v3 =	vld [tilespmem:s12+$0xFFFFFE88];
	_ =	sdelay $0x4  }
0x1cf: {  	v52 =	vshll.u32 v3, $0x1  }
0x1d0: {  	v3 =	vand.u32 $0x7, v3;
	v4 =	vand.u32 $0xFFFFFFF0, v52  }
0x1d1: {  	v3 =	vor.u32 v3, v4  }
0x1d2: {  	v4 =	vperm.xlane v3, v0;
	_ =	sdelay $0x1  }
0x1d3: {  	v3 =	vperm.xlane v3, v2;
	v4 =	vadd.s32 v1, v4;
	_ =	sdelay $0x1  }
0x1d4: {  	v3 =	vadd.s32 v1, v3;
	_ =	sdelay $0x1  }
0x1d5: {  	s14 =	simm.s32 $0x2400  }
0x1d6: {  	[tilespmem:s14], [sflag:$0x1] =	stream.indirect_vreg.gather [hbm4b:s3+s2], $0x80, v4, vm0, $0xb8;
	[tilespmem:$0x1A400] =	vst v63  }
0x1d7: {  	s14 =	simm.s32 $0x2C00  }
0x1d8: {  	[tilespmem:s14], [sflag:$0x1] =	stream.indirect_vreg.gather [hbm4b:s3+s2], $0x80, v3, vm0, $0xb8;
	[tilespmem:$0x1A400] =	vst v63  }
0x1d9: {  	v3 =	vld [tilespmem:s12+$0xFFFFFE98];
	_ =	sdelay $0x4  }
0x1da: {  	v53 =	vshll.u32 v3, $0x1  }
0x1db: {  	v3 =	vand.u32 $0x7, v3;
	v4 =	vand.u32 $0xFFFFFFF0, v53  }
0x1dc: {  	v3 =	vor.u32 v3, v4  }
0x1dd: {  	v4 =	vperm.xlane v3, v0;
	_ =	sdelay $0x1  }
0x1de: {  	v3 =	vperm.xlane v3, v2;
	v4 =	vadd.s32 v1, v4;
	_ =	sdelay $0x1  }
0x1df: {  	v3 =	vadd.s32 v1, v3;
	_ =	sdelay $0x1  }
0x1e0: {  	s14 =	simm.s32 $0x3400  }
0x1e1: {  	[tilespmem:s14], [sflag:$0x1] =	stream.indirect_vreg.gather [hbm4b:s3+s2], $0x80, v4, vm0, $0xb8;
	[tilespmem:$0x1A400] =	vst v63  }
0x1e2: {  	s14 =	simm.s32 $0x3C00  }
0x1e3: {  	[tilespmem:s14], [sflag:$0x1] =	stream.indirect_vreg.gather [hbm4b:s3+s2], $0x80, v3, vm0, $0xb8;
	[tilespmem:$0x1A400] =	vst v63  }
0x1e4: {  	v3 =	vld [tilespmem:s12+$0xFFFFFEA8];
	_ =	sdelay $0x4  }
0x1e5: {  	v54 =	vshll.u32 v3, $0x1  }
0x1e6: {  	v3 =	vand.u32 $0x7, v3;
	v4 =	vand.u32 $0xFFFFFFF0, v54  }
0x1e7: {  	v3 =	vor.u32 v3, v4  }
0x1e8: {  	v4 =	vperm.xlane v3, v0;
	_ =	sdelay $0x1  }
0x1e9: {  	v3 =	vperm.xlane v3, v2;
	v4 =	vadd.s32 v1, v4;
	_ =	sdelay $0x1  }
0x1ea: {  	v3 =	vadd.s32 v1, v3;
	_ =	sdelay $0x1  }
0x1eb: {  	s14 =	simm.s32 $0x4400  }
0x1ec: {  	[tilespmem:s14], [sflag:$0x1] =	stream.indirect_vreg.gather [hbm4b:s3+s2], $0x80, v4, vm0, $0xb8;
	[tilespmem:$0x1A400] =	vst v63  }
0x1ed: {  	s14 =	simm.s32 $0x4C00  }
0x1ee: {  	[tilespmem:s14], [sflag:$0x1] =	stream.indirect_vreg.gather [hbm4b:s3+s2], $0x80, v3, vm0, $0xb8;
	[tilespmem:$0x1A400] =	vst v63  }
0x1ef: {  	v3 =	vld [tilespmem:s12+$0xFFFFFEB8];
	_ =	sdelay $0x4  }
0x1f0: {  	v55 =	vshll.u32 v3, $0x1  }
0x1f1: {  	v3 =	vand.u32 $0x7, v3;
	v4 =	vand.u32 $0xFFFFFFF0, v55  }
0x1f2: {  	v3 =	vor.u32 v3, v4  }
0x1f3: {  	v4 =	vperm.xlane v3, v0;
	_ =	sdelay $0x1  }
0x1f4: {  	v3 =	vperm.xlane v3, v2;
	v4 =	vadd.s32 v1, v4;
	_ =	sdelay $0x1  }
0x1f5: {  	v3 =	vadd.s32 v1, v3;
	_ =	sdelay $0x1  }
0x1f6: {  	s14 =	simm.s32 $0x5400  }
0x1f7: {  	[tilespmem:s14], [sflag:$0x1] =	stream.indirect_vreg.gather [hbm4b:s3+s2], $0x80, v4, vm0, $0xb8;
	[tilespmem:$0x1A400] =	vst v63  }
0x1f8: {  	s14 =	simm.s32 $0x5C00  }
0x1f9: {  	[tilespmem:s14], [sflag:$0x1] =	stream.indirect_vreg.gather [hbm4b:s3+s2], $0x80, v3, vm0, $0xb8;
	[tilespmem:$0x1A400] =	vst v63  }
0x1fa: {  	v3 =	vld [tilespmem:s12+$0xFFFFFEC8];
	_ =	sdelay $0x4  }
0x1fb: {  	v56 =	vshll.u32 v3, $0x1  }
0x1fc: {  	v3 =	vand.u32 $0x7, v3;
	v4 =	vand.u32 $0xFFFFFFF0, v56  }
0x1fd: {  	v3 =	vor.u32 v3, v4  }
0x1fe: {  	v4 =	vperm.xlane v3, v0;
	_ =	sdelay $0x1  }
0x1ff: {  	v3 =	vperm.xlane v3, v2;
	v4 =	vadd.s32 v1, v4;
	_ =	sdelay $0x1  }
0x200: {  	v3 =	vadd.s32 v1, v3;
	_ =	sdelay $0x1  }
0x201: {  	s14 =	simm.s32 $0x6400  }
0x202: {  	[tilespmem:s14], [sflag:$0x1] =	stream.indirect_vreg.gather [hbm4b:s3+s2], $0x80, v4, vm0, $0xb8;
	[tilespmem:$0x1A400] =	vst v63  }
0x203: {  	s14 =	simm.s32 $0x6C00  }
0x204: {  	[tilespmem:s14], [sflag:$0x1] =	stream.indirect_vreg.gather [hbm4b:s3+s2], $0x80, v3, vm0, $0xb8;
	[tilespmem:$0x1A400] =	vst v63  }
0x205: {  	v3 =	vld [tilespmem:s12+$0xFFFFFED8];
	_ =	sdelay $0x4  }
0x206: {  	v57 =	vshll.u32 v3, $0x1  }
0x207: {  	v3 =	vand.u32 $0x7, v3;
	v4 =	vand.u32 $0xFFFFFFF0, v57  }
0x208: {  	v3 =	vor.u32 v3, v4  }
0x209: {  	v4 =	vperm.xlane v3, v0;
	_ =	sdelay $0x1  }
0x20a: {  	v3 =	vperm.xlane v3, v2;
	v4 =	vadd.s32 v1, v4;
	_ =	sdelay $0x1  }
0x20b: {  	v3 =	vadd.s32 v1, v3;
	_ =	sdelay $0x1  }
0x20c: {  	s14 =	simm.s32 $0x7400  }
0x20d: {  	[tilespmem:s14], [sflag:$0x1] =	stream.indirect_vreg.gather [hbm4b:s3+s2], $0x80, v4, vm0, $0xb8;
	[tilespmem:$0x1A400] =	vst v63  }
0x20e: {  	s14 =	simm.s32 $0x7C00  }
0x20f: {  	[tilespmem:s14], [sflag:$0x1] =	stream.indirect_vreg.gather [hbm4b:s3+s2], $0x80, v3, vm0, $0xb8;
	[tilespmem:$0x1A400] =	vst v63  }
0x210: {  	v3 =	vld [tilespmem:s12+$0xFFFFFEE8];
	_ =	sdelay $0x4  }
0x211: {  	v58 =	vshll.u32 v3, $0x1  }
0x212: {  	v3 =	vand.u32 $0x7, v3;
	v4 =	vand.u32 $0xFFFFFFF0, v58  }
0x213: {  	v3 =	vor.u32 v3, v4  }
0x214: {  	v4 =	vperm.xlane v3, v0;
	_ =	sdelay $0x1  }
0x215: {  	v3 =	vperm.xlane v3, v2;
	v4 =	vadd.s32 v1, v4;
	_ =	sdelay $0x1  }
0x216: {  	v3 =	vadd.s32 v1, v3;
	_ =	sdelay $0x1  }
0x217: {  	s14 =	simm.s32 $0x8400  }
0x218: {  	[tilespmem:s14], [sflag:$0x1] =	stream.indirect_vreg.gather [hbm4b:s3+s2], $0x80, v4, vm0, $0xb8;
	[tilespmem:$0x1A400] =	vst v63  }
0x219: {  	s14 =	simm.s32 $0x8C00  }
0x21a: {  	[tilespmem:s14], [sflag:$0x1] =	stream.indirect_vreg.gather [hbm4b:s3+s2], $0x80, v3, vm0, $0xb8;
	[tilespmem:$0x1A400] =	vst v63  }
0x21b: {  	v3 =	vld [tilespmem:s12+$0xFFFFFEF8];
	_ =	sdelay $0x4  }
0x21c: {  	v59 =	vshll.u32 v3, $0x1  }
0x21d: {  	v3 =	vand.u32 $0x7, v3;
	v4 =	vand.u32 $0xFFFFFFF0, v59  }
0x21e: {  	v3 =	vor.u32 v3, v4  }
0x21f: {  	v4 =	vperm.xlane v3, v0;
	_ =	sdelay $0x1  }
0x220: {  	v3 =	vperm.xlane v3, v2;
	v4 =	vadd.s32 v1, v4;
	_ =	sdelay $0x1  }
0x221: {  	v3 =	vadd.s32 v1, v3;
	_ =	sdelay $0x1  }
0x222: {  	s14 =	simm.s32 $0x9400  }
0x223: {  	[tilespmem:s14], [sflag:$0x1] =	stream.indirect_vreg.gather [hbm4b:s3+s2], $0x80, v4, vm0, $0xb8;
	[tilespmem:$0x1A400] =	vst v63  }
0x224: {  	_ = 	snop  }
0x225: {  	[tilespmem:s16], [sflag:$0x1] =	stream.indirect_vreg.gather [hbm4b:s3+s2], $0x80, v3, vm0, $0xb8;
	[tilespmem:$0x1A400] =	vst v63  }
0x226: {  	v3 =	vld [tilespmem:s12+$0xFFFFFF08];
	_ =	sdelay $0x4  }
0x227: {  	v60 =	vshll.u32 v3, $0x1  }
0x228: {  	v3 =	vand.u32 $0x7, v3;
	v4 =	vand.u32 $0xFFFFFFF0, v60  }
0x229: {  	v3 =	vor.u32 v3, v4  }
0x22a: {  	v4 =	vperm.xlane v3, v0;
	_ =	sdelay $0x1  }
0x22b: {  	v3 =	vperm.xlane v3, v2;
	v4 =	vadd.s32 v1, v4;
	_ =	sdelay $0x1  }
0x22c: {  	v3 =	vadd.s32 v1, v3;
	_ =	sdelay $0x2  }
0x22d: {  	[tilespmem:s17], [sflag:$0x1] =	stream.indirect_vreg.gather [hbm4b:s3+s2], $0x80, v4, vm0, $0xb8;
	[tilespmem:$0x1A400] =	vst v63  }
0x22e: {  	_ = 	snop  }
0x22f: {  	[tilespmem:s18], [sflag:$0x1] =	stream.indirect_vreg.gather [hbm4b:s3+s2], $0x80, v3, vm0, $0xb8;
	[tilespmem:$0x1A400] =	vst v63  }
0x230: {  	v3 =	vld [tilespmem:s12+$0xFFFFFF18];
	_ =	sdelay $0x4  }
0x231: {  	v61 =	vshll.u32 v3, $0x1  }
0x232: {  	v3 =	vand.u32 $0x7, v3;
	v4 =	vand.u32 $0xFFFFFFF0, v61  }
0x233: {  	v3 =	vor.u32 v3, v4  }
0x234: {  	v4 =	vperm.xlane v3, v0;
	_ =	sdelay $0x1  }
0x235: {  	v3 =	vperm.xlane v3, v2;
	v4 =	vadd.s32 v1, v4;
	_ =	sdelay $0x1  }
0x236: {  	v3 =	vadd.s32 v1, v3;
	_ =	sdelay $0x2  }
0x237: {  	[tilespmem:s19], [sflag:$0x1] =	stream.indirect_vreg.gather [hbm4b:s3+s2], $0x80, v4, vm0, $0xb8;
	[tilespmem:$0x1A400] =	vst v63  }
0x238: {  	_ = 	snop  }
0x239: {  	[tilespmem:s20], [sflag:$0x1] =	stream.indirect_vreg.gather [hbm4b:s3+s2], $0x80, v3, vm0, $0xb8;
	[tilespmem:$0x1A400] =	vst v63  }
0x23a: {  	v3 =	vld [tilespmem:s12+$0xFFFFFF28];
	_ =	sdelay $0x4  }
0x23b: {  	v62 =	vshll.u32 v3, $0x1  }
0x23c: {  	v3 =	vand.u32 $0x7, v3;
	v4 =	vand.u32 $0xFFFFFFF0, v62  }
0x23d: {  	v3 =	vor.u32 v3, v4  }
0x23e: {  	v4 =	vperm.xlane v3, v0;
	_ =	sdelay $0x1  }
0x23f: {  	v3 =	vperm.xlane v3, v2;
	v4 =	vadd.s32 v1, v4;
	_ =	sdelay $0x1  }
0x240: {  	v3 =	vadd.s32 v1, v3;
	_ =	sdelay $0x2  }
0x241: {  	[tilespmem:s21], [sflag:$0x1] =	stream.indirect_vreg.gather [hbm4b:s3+s2], $0x80, v4, vm0, $0xb8;
	[tilespmem:$0x1A400] =	vst v63  }
0x242: {  	_ = 	snop  }
0x243: {  	[tilespmem:s22], [sflag:$0x1] =	stream.indirect_vreg.gather [hbm4b:s3+s2], $0x80, v3, vm0, $0xb8;
	[tilespmem:$0x1A400] =	vst v63  }
0x244: {  	v3 =	vld.msk [tilespmem:s12+$0xFFFFFF38], $0xff;
	_ =	sdelay $0x4  }
0x245: {  	v63 =	vshll.u32 v3, $0x1  }
0x246: {  	v3 =	vand.u32 $0x7, v3;
	v4 =	vand.u32 $0xFFFFFFF0, v63  }
0x247: {  	v3 =	vor.u32 v3, v4  }
0x248: {  	v3 =	vperm.xlane v3, v0;
	_ =	sdelay $0x1  }
0x249: {  	v3 =	vadd.s32 v1, v3;
	_ =	sdelay $0x4  }
0x24a: {  	[tilespmem:s15], [sflag:$0x1] =	stream.indirect_vreg.gather [hbm4b:s3+s2], $0x80, v3, vm0, $0xb8;
	[tilespmem:$0x1A400] =	vst v63  }
.LBB2_4:
0x24b: {  	_ =	swait.ge [sflag:s10], $0xC800  }
0x24c: {  	[sflag:s10] =	ssyncset.done $0x0  }
.Ltmp3:
0x24d: {  	s13 =	sadd.s32 $0x25800, s13;
	[sflag:s10] =	ssyncadd.s32 $0xFFFF3800;
	(pc) =	sbr.rel @p0 .LBB2_6-.Ltmp3, $4  }
0x24e: {  	[hbm4b:s13+s2] =	stream.linear.scatter [tilespmem:s6], [sflag:$0x3], $0xC800, $0x38;
	[tilespmem:$0x1A400] =	vst v63  }
0x24f: {  	_ =	swait.ge [sflag:s8], $0xC800  }
0x250: {  	[sflag:s8] =	ssyncset.done $0x0  }
0x251: {  	[sflag:s8] =	ssyncadd.s32 $0xFFFF3800  }
0x252: {  	v3 =	vld [tilespmem:s12+$0xFFFFFF40];
	_ =	sdelay $0x4  }
0x253: {  	v4 =	vshll.u32 v3, $0x1  }
0x254: {  	v3 =	vand.u32 $0x7, v3;
	v4 =	vand.u32 $0xFFFFFFF0, v4  }
0x255: {  	v3 =	vor.u32 v3, v4  }
0x256: {  	v4 =	vperm.xlane v3, v0;
	_ =	sdelay $0x1  }
0x257: {  	v3 =	vperm.xlane v3, v2;
	v4 =	vadd.s32 v1, v4;
	_ =	sdelay $0x1  }
0x258: {  	v3 =	vadd.s32 v1, v3;
	_ =	sdelay $0x2  }
0x259: {  	[tilespmem:s6], [sflag:$0x2] =	stream.indirect_vreg.gather [hbm4b:s3+s2], $0x80, v4, vm0, $0xb8;
	[tilespmem:$0x1A400] =	vst v63  }
0x25a: {  	s13 =	simm.s32 $0xE400  }
0x25b: {  	[tilespmem:s13], [sflag:$0x2] =	stream.indirect_vreg.gather [hbm4b:s3+s2], $0x80, v3, vm0, $0xb8;
	[tilespmem:$0x1A400] =	vst v63  }
0x25c: {  	v3 =	vld [tilespmem:s12+$0xFFFFFF50];
	_ =	sdelay $0x4  }
0x25d: {  	v52 =	vshll.u32 v3, $0x1  }
0x25e: {  	v3 =	vand.u32 $0x7, v3;
	v4 =	vand.u32 $0xFFFFFFF0, v52  }
0x25f: {  	v3 =	vor.u32 v3, v4  }
0x260: {  	v4 =	vperm.xlane v3, v0;
	_ =	sdelay $0x1  }
0x261: {  	v3 =	vperm.xlane v3, v2;
	v4 =	vadd.s32 v1, v4;
	_ =	sdelay $0x1  }
0x262: {  	v3 =	vadd.s32 v1, v3;
	_ =	sdelay $0x1  }
0x263: {  	s14 =	simm.s32 $0xEC00  }
0x264: {  	[tilespmem:s14], [sflag:$0x2] =	stream.indirect_vreg.gather [hbm4b:s3+s2], $0x80, v4, vm0, $0xb8;
	[tilespmem:$0x1A400] =	vst v63  }
0x265: {  	s14 =	simm.s32 $0xF400  }
0x266: {  	[tilespmem:s14], [sflag:$0x2] =	stream.indirect_vreg.gather [hbm4b:s3+s2], $0x80, v3, vm0, $0xb8;
	[tilespmem:$0x1A400] =	vst v63  }
0x267: {  	v3 =	vld [tilespmem:s12+$0xFFFFFF60];
	_ =	sdelay $0x4  }
0x268: {  	v53 =	vshll.u32 v3, $0x1  }
0x269: {  	v3 =	vand.u32 $0x7, v3;
	v4 =	vand.u32 $0xFFFFFFF0, v53  }
0x26a: {  	v3 =	vor.u32 v3, v4  }
0x26b: {  	v4 =	vperm.xlane v3, v0;
	_ =	sdelay $0x1  }
0x26c: {  	v3 =	vperm.xlane v3, v2;
	v4 =	vadd.s32 v1, v4;
	_ =	sdelay $0x1  }
0x26d: {  	v3 =	vadd.s32 v1, v3;
	_ =	sdelay $0x1  }
0x26e: {  	s14 =	simm.s32 $0xFC00  }
0x26f: {  	[tilespmem:s14], [sflag:$0x2] =	stream.indirect_vreg.gather [hbm4b:s3+s2], $0x80, v4, vm0, $0xb8;
	[tilespmem:$0x1A400] =	vst v63  }
0x270: {  	s14 =	simm.s32 $0x10400  }
0x271: {  	[tilespmem:s14], [sflag:$0x2] =	stream.indirect_vreg.gather [hbm4b:s3+s2], $0x80, v3, vm0, $0xb8;
	[tilespmem:$0x1A400] =	vst v63  }
0x272: {  	v3 =	vld [tilespmem:s12+$0xFFFFFF70];
	_ =	sdelay $0x4  }
0x273: {  	v54 =	vshll.u32 v3, $0x1  }
0x274: {  	v3 =	vand.u32 $0x7, v3;
	v4 =	vand.u32 $0xFFFFFFF0, v54  }
0x275: {  	v3 =	vor.u32 v3, v4  }
0x276: {  	v4 =	vperm.xlane v3, v0;
	_ =	sdelay $0x1  }
0x277: {  	v3 =	vperm.xlane v3, v2;
	v4 =	vadd.s32 v1, v4;
	_ =	sdelay $0x1  }
0x278: {  	v3 =	vadd.s32 v1, v3;
	_ =	sdelay $0x1  }
0x279: {  	s14 =	simm.s32 $0x10C00  }
0x27a: {  	[tilespmem:s14], [sflag:$0x2] =	stream.indirect_vreg.gather [hbm4b:s3+s2], $0x80, v4, vm0, $0xb8;
	[tilespmem:$0x1A400] =	vst v63  }
0x27b: {  	s14 =	simm.s32 $0x11400  }
0x27c: {  	[tilespmem:s14], [sflag:$0x2] =	stream.indirect_vreg.gather [hbm4b:s3+s2], $0x80, v3, vm0, $0xb8;
	[tilespmem:$0x1A400] =	vst v63  }
0x27d: {  	v3 =	vld [tilespmem:s12+$0xFFFFFF80];
	_ =	sdelay $0x4  }
0x27e: {  	v55 =	vshll.u32 v3, $0x1  }
0x27f: {  	v3 =	vand.u32 $0x7, v3;
	v4 =	vand.u32 $0xFFFFFFF0, v55  }
0x280: {  	v3 =	vor.u32 v3, v4  }
0x281: {  	v4 =	vperm.xlane v3, v0;
	_ =	sdelay $0x1  }
0x282: {  	v3 =	vperm.xlane v3, v2;
	v4 =	vadd.s32 v1, v4;
	_ =	sdelay $0x1  }
0x283: {  	v3 =	vadd.s32 v1, v3;
	_ =	sdelay $0x1  }
0x284: {  	s14 =	simm.s32 $0x11C00  }
0x285: {  	[tilespmem:s14], [sflag:$0x2] =	stream.indirect_vreg.gather [hbm4b:s3+s2], $0x80, v4, vm0, $0xb8;
	[tilespmem:$0x1A400] =	vst v63  }
0x286: {  	s14 =	simm.s32 $0x12400  }
0x287: {  	[tilespmem:s14], [sflag:$0x2] =	stream.indirect_vreg.gather [hbm4b:s3+s2], $0x80, v3, vm0, $0xb8;
	[tilespmem:$0x1A400] =	vst v63  }
0x288: {  	v3 =	vld [tilespmem:s12+$0xFFFFFF90];
	_ =	sdelay $0x4  }
0x289: {  	v56 =	vshll.u32 v3, $0x1  }
0x28a: {  	v3 =	vand.u32 $0x7, v3;
	v4 =	vand.u32 $0xFFFFFFF0, v56  }
0x28b: {  	v3 =	vor.u32 v3, v4  }
0x28c: {  	v4 =	vperm.xlane v3, v0;
	_ =	sdelay $0x1  }
0x28d: {  	v3 =	vperm.xlane v3, v2;
	v4 =	vadd.s32 v1, v4;
	_ =	sdelay $0x1  }
0x28e: {  	v3 =	vadd.s32 v1, v3;
	_ =	sdelay $0x1  }
0x28f: {  	s14 =	simm.s32 $0x12C00  }
0x290: {  	[tilespmem:s14], [sflag:$0x2] =	stream.indirect_vreg.gather [hbm4b:s3+s2], $0x80, v4, vm0, $0xb8;
	[tilespmem:$0x1A400] =	vst v63  }
0x291: {  	s14 =	simm.s32 $0x13400  }
0x292: {  	[tilespmem:s14], [sflag:$0x2] =	stream.indirect_vreg.gather [hbm4b:s3+s2], $0x80, v3, vm0, $0xb8;
	[tilespmem:$0x1A400] =	vst v63  }
0x293: {  	v3 =	vld [tilespmem:s12+$0xFFFFFFA0];
	_ =	sdelay $0x4  }
0x294: {  	v57 =	vshll.u32 v3, $0x1  }
0x295: {  	v3 =	vand.u32 $0x7, v3;
	v4 =	vand.u32 $0xFFFFFFF0, v57  }
0x296: {  	v3 =	vor.u32 v3, v4  }
0x297: {  	v4 =	vperm.xlane v3, v0;
	_ =	sdelay $0x1  }
0x298: {  	v3 =	vperm.xlane v3, v2;
	v4 =	vadd.s32 v1, v4;
	_ =	sdelay $0x1  }
0x299: {  	v3 =	vadd.s32 v1, v3;
	_ =	sdelay $0x1  }
0x29a: {  	s14 =	simm.s32 $0x13C00  }
0x29b: {  	[tilespmem:s14], [sflag:$0x2] =	stream.indirect_vreg.gather [hbm4b:s3+s2], $0x80, v4, vm0, $0xb8;
	[tilespmem:$0x1A400] =	vst v63  }
0x29c: {  	s14 =	simm.s32 $0x14400  }
0x29d: {  	[tilespmem:s14], [sflag:$0x2] =	stream.indirect_vreg.gather [hbm4b:s3+s2], $0x80, v3, vm0, $0xb8;
	[tilespmem:$0x1A400] =	vst v63  }
0x29e: {  	v3 =	vld [tilespmem:s12+$0xFFFFFFB0];
	_ =	sdelay $0x4  }
0x29f: {  	v58 =	vshll.u32 v3, $0x1  }
0x2a0: {  	v3 =	vand.u32 $0x7, v3;
	v4 =	vand.u32 $0xFFFFFFF0, v58  }
0x2a1: {  	v3 =	vor.u32 v3, v4  }
0x2a2: {  	v4 =	vperm.xlane v3, v0;
	_ =	sdelay $0x1  }
0x2a3: {  	v3 =	vperm.xlane v3, v2;
	v4 =	vadd.s32 v1, v4;
	_ =	sdelay $0x1  }
0x2a4: {  	v3 =	vadd.s32 v1, v3;
	_ =	sdelay $0x2  }
0x2a5: {  	[tilespmem:s23], [sflag:$0x2] =	stream.indirect_vreg.gather [hbm4b:s3+s2], $0x80, v4, vm0, $0xb8;
	[tilespmem:$0x1A400] =	vst v63  }
0x2a6: {  	_ = 	snop  }
0x2a7: {  	[tilespmem:s24], [sflag:$0x2] =	stream.indirect_vreg.gather [hbm4b:s3+s2], $0x80, v3, vm0, $0xb8;
	[tilespmem:$0x1A400] =	vst v63  }
0x2a8: {  	v3 =	vld [tilespmem:s12+$0xFFFFFFC0];
	_ =	sdelay $0x4  }
0x2a9: {  	v59 =	vshll.u32 v3, $0x1  }
0x2aa: {  	v3 =	vand.u32 $0x7, v3;
	v4 =	vand.u32 $0xFFFFFFF0, v59  }
0x2ab: {  	v3 =	vor.u32 v3, v4  }
0x2ac: {  	v4 =	vperm.xlane v3, v0;
	_ =	sdelay $0x1  }
0x2ad: {  	v3 =	vperm.xlane v3, v2;
	v4 =	vadd.s32 v1, v4;
	_ =	sdelay $0x1  }
0x2ae: {  	v3 =	vadd.s32 v1, v3;
	_ =	sdelay $0x2  }
0x2af: {  	[tilespmem:s25], [sflag:$0x2] =	stream.indirect_vreg.gather [hbm4b:s3+s2], $0x80, v4, vm0, $0xb8;
	[tilespmem:$0x1A400] =	vst v63  }
0x2b0: {  	_ = 	snop  }
0x2b1: {  	[tilespmem:s26], [sflag:$0x2] =	stream.indirect_vreg.gather [hbm4b:s3+s2], $0x80, v3, vm0, $0xb8;
	[tilespmem:$0x1A400] =	vst v63  }
0x2b2: {  	v3 =	vld [tilespmem:s12+$0xFFFFFFD0];
	_ =	sdelay $0x4  }
0x2b3: {  	v60 =	vshll.u32 v3, $0x1  }
0x2b4: {  	v3 =	vand.u32 $0x7, v3;
	v4 =	vand.u32 $0xFFFFFFF0, v60  }
0x2b5: {  	v3 =	vor.u32 v3, v4  }
0x2b6: {  	v4 =	vperm.xlane v3, v0;
	_ =	sdelay $0x1  }
0x2b7: {  	v3 =	vperm.xlane v3, v2;
	v4 =	vadd.s32 v1, v4;
	_ =	sdelay $0x1  }
0x2b8: {  	v3 =	vadd.s32 v1, v3;
	_ =	sdelay $0x2  }
0x2b9: {  	[tilespmem:s28], [sflag:$0x2] =	stream.indirect_vreg.gather [hbm4b:s3+s2], $0x80, v4, vm0, $0xb8;
	[tilespmem:$0x1A400] =	vst v63  }
0x2ba: {  	_ = 	snop  }
0x2bb: {  	[tilespmem:s29], [sflag:$0x2] =	stream.indirect_vreg.gather [hbm4b:s3+s2], $0x80, v3, vm0, $0xb8;
	[tilespmem:$0x1A400] =	vst v63  }
0x2bc: {  	v3 =	vld [tilespmem:s12+$0xFFFFFFE0];
	_ =	sdelay $0x4  }
0x2bd: {  	v61 =	vshll.u32 v3, $0x1  }
0x2be: {  	v3 =	vand.u32 $0x7, v3;
	v4 =	vand.u32 $0xFFFFFFF0, v61  }
0x2bf: {  	v3 =	vor.u32 v3, v4  }
0x2c0: {  	v4 =	vperm.xlane v3, v0;
	_ =	sdelay $0x1  }
0x2c1: {  	v3 =	vperm.xlane v3, v2;
	v4 =	vadd.s32 v1, v4;
	_ =	sdelay $0x1  }
0x2c2: {  	v3 =	vadd.s32 v1, v3;
	_ =	sdelay $0x2  }
0x2c3: {  	[tilespmem:s30], [sflag:$0x2] =	stream.indirect_vreg.gather [hbm4b:s3+s2], $0x80, v4, vm0, $0xb8;
	[tilespmem:$0x1A400] =	vst v63  }
0x2c4: {  	_ = 	snop  }
0x2c5: {  	[tilespmem:s31], [sflag:$0x2] =	stream.indirect_vreg.gather [hbm4b:s3+s2], $0x80, v3, vm0, $0xb8;
	[tilespmem:$0x1A400] =	vst v63  }
0x2c6: {  	v3 =	vld [tilespmem:s12+$0xFFFFFFF0];
	_ =	sdelay $0x4  }
0x2c7: {  	v62 =	vshll.u32 v3, $0x1  }
0x2c8: {  	v3 =	vand.u32 $0x7, v3;
	v4 =	vand.u32 $0xFFFFFFF0, v62  }
0x2c9: {  	v3 =	vor.u32 v3, v4  }
0x2ca: {  	v4 =	vperm.xlane v3, v0;
	_ =	sdelay $0x1  }
0x2cb: {  	v3 =	vperm.xlane v3, v2;
	v4 =	vadd.s32 v1, v4;
	_ =	sdelay $0x1  }
0x2cc: {  	v3 =	vadd.s32 v1, v3;
	_ =	sdelay $0x2  }
0x2cd: {  	[tilespmem:s1], [sflag:$0x2] =	stream.indirect_vreg.gather [hbm4b:s3+s2], $0x80, v4, vm0, $0xb8;
	[tilespmem:$0x1A400] =	vst v63  }
0x2ce: {  	_ = 	snop  }
0x2cf: {  	[tilespmem:s0], [sflag:$0x2] =	stream.indirect_vreg.gather [hbm4b:s3+s2], $0x80, v3, vm0, $0xb8;
	[tilespmem:$0x1A400] =	vst v63  }
0x2d0: {  	v3 =	vld.msk [tilespmem:s12+$0x0], $0xff;
	_ =	sdelay $0x4  }
0x2d1: {  	v63 =	vshll.u32 v3, $0x1  }
0x2d2: {  	v3 =	vand.u32 $0x7, v3;
	v4 =	vand.u32 $0xFFFFFFF0, v63  }
0x2d3: {  	v3 =	vor.u32 v3, v4  }
0x2d4: {  	v3 =	vperm.xlane v3, v0;
	_ =	sdelay $0x1  }
0x2d5: {  	v3 =	vadd.s32 v1, v3  }
.Ltmp4:
0x2d6: {  	_ = 	snop;
	(pc) =	sbr.rel .LBB2_2-.Ltmp4, $3  }
0x2d7: {  	_ =	sdelay $0x1  }
0x2d8: {  	s11 =	sadd.s32 $0x3200, s11;
	s12 =	sadd.s32 $0x190, s12  }
0x2d9: {  	[tilespmem:s4], [sflag:$0x2] =	stream.indirect_vreg.gather [hbm4b:s3+s2], $0x80, v3, vm0, $0xb8;
	[tilespmem:$0x1A400] =	vst v63  }
.LBB2_7:
0x2da: {  	_ =	sfence.sel $0x180000  }
0x2db: {  	[bflag:$0x0] =	sbarrier.arrive $0xFFFF  }
0x2dc: {  	_ =	strace $0x9000004A  }
0x2dd: {  	s0 =	stileid.u32;
	[bflag:$0x2] =	sbarrier.arrive $0xFFFF  }
0x2de: {  	p0 =	sne.s32 s0, $0x0;
	s0 =	rddreg [dreg:$0x1]  }
0x2df: {  	s0 =	sadd.s32 @!p0 $0x100000, s0  }
0x2e0: {  	[sflag:s0] =	ssyncadd.tile.s32 @!p0 $0x1;
	_ =	shalt  }
.Lfunc_end2:
_tile_overlayer_lowered:
.L_overlay_start_2:
0x2e1: {  	(tag) =	ssettag $0x2  }
0x2e2: {  	s0 =	rddreg [dreg:$0x0];
	s2 =	stileid.u32  }
0x2e3: {  	s1 =	rddreg [dreg:$0x1];
	p0 =	sne.s32 s2, $0x0  }
0x2e4: {  	s3 =	rddreg [dreg:$0x2];
	[bflag:$0x3] =	sbarrier.arrive $0xFFFF;
	s2 =	simm.s32 @!p0 $0x1C03  }
0x2e5: {  	[timem:s3], [sflag:s2] =	dma.local @!p0 [hbm:s0], s1  }
0x2e6: {  	s0 =	simm.s32 @!p0 $0x3  }
0x2e7: {  	_ =	swait.ge @!p0 [sflag:s0], s1  }
0x2e8: {  	s1 =	ssub.s32 @!p0 $0x0, s1;
	[sflag:s0] =	ssyncset.done @!p0 $0x0  }
0x2e9: {  	[sflag:s0] =	ssyncadd.s32 @!p0 s1  }
0x2ea: {  	[bflag:$0x3] =	sbarrier.arrive $0xFFFF  }
0x2eb: {  	_ =	shalt  }

</sc_bundles>
